<compile_context>
chip_gen: v7x
topology: tpu7x:2x2x1
jax: 0.10.2.dev20260603
libtpu: 0.0.44.dev20260713+nightly
codegen_flags: <defaults>
</compile_context>

<pallas_src>
import jax
import jax.numpy as jnp
from jax import lax
from jax.experimental import pallas as pl
from jax.experimental.pallas import tpu as pltpu
from jax.experimental.pallas import tpu_sc as plsc

_N = 10000
_E = 320000
_D = 64
_DW = 128
_NF = 128
_NH = 128
_K = 10
_ALPHA = 0.1

_NCORES = 2
_NSUB = 16
_NW = _NCORES * _NSUB
_CH = 128
_CPW = 79
_EW = _CH * _CPW
_EPAD = _EW * _NW
_NPAD = 10112
_RS = _NPAD // _NSUB

_mesh = plsc.VectorSubcoreMesh(core_axis_name="c", subcore_axis_name="s")


def _scatter_body(u_hbm, srcp_hbm, dstp_hbm, zeros_hbm, out_hbm,
                  acc, sidx, didx, rows, sem):
    c = lax.axis_index("c")
    s = lax.axis_index("s")
    w = s * _NCORES + c
    pltpu.sync_copy(zeros_hbm.at[pl.ds(s * _RS, _RS)],
                    acc.at[pl.ds(s * _RS, _RS)])
    plsc.subcore_barrier()

    def chunk(j, carry):
        base = w * _EW + j * _CH
        pltpu.sync_copy(srcp_hbm.at[pl.ds(base, _CH)], sidx)
        pltpu.sync_copy(dstp_hbm.at[pl.ds(base, _CH)], didx)
        pltpu.async_copy(u_hbm.at[sidx], rows, sem).wait()
        pltpu.sync_copy(rows, acc.at[didx], add=True)
        return carry

    lax.fori_loop(0, _CPW, chunk, 0)
    plsc.subcore_barrier()
    pltpu.sync_copy(acc.at[pl.ds(s * _RS, _RS)],
                    out_hbm.at[c, pl.ds(s * _RS, _RS)])


_scatter = pl.kernel(
    _scatter_body,
    out_type=jax.ShapeDtypeStruct((_NCORES, _NPAD, _DW), jnp.float32),
    mesh=_mesh,
    scratch_types=[
        pltpu.VMEM_SHARED((_NPAD, _DW), jnp.float32),
        pltpu.VMEM((_CH,), jnp.int32),
        pltpu.VMEM((_CH,), jnp.int32),
        pltpu.VMEM((_CH, _DW), jnp.float32),
        pltpu.SemaphoreType.DMA,
    ],
)


def _deg_body(ones_hbm, dstp_hbm, zeros_hbm, out_hbm, acc, didx, rows, sem):
    c = lax.axis_index("c")
    s = lax.axis_index("s")
    w = s * _NCORES + c
    pltpu.sync_copy(zeros_hbm.at[pl.ds(s * _RS, _RS)],
                    acc.at[pl.ds(s * _RS, _RS)])
    pltpu.async_copy(ones_hbm, rows, sem).wait()
    plsc.subcore_barrier()

    def chunk(j, carry):
        base = w * _EW + j * _CH
        pltpu.sync_copy(dstp_hbm.at[pl.ds(base, _CH)], didx)
        pltpu.sync_copy(rows, acc.at[didx], add=True)
        return carry

    lax.fori_loop(0, _CPW, chunk, 0)
    plsc.subcore_barrier()
    pltpu.sync_copy(acc.at[pl.ds(s * _RS, _RS)],
                    out_hbm.at[c, pl.ds(s * _RS, _RS)])


_deg = pl.kernel(
    _deg_body,
    out_type=jax.ShapeDtypeStruct((_NCORES, _NPAD, _DW), jnp.float32),
    mesh=_mesh,
    scratch_types=[
        pltpu.VMEM_SHARED((_NPAD, _DW), jnp.float32),
        pltpu.VMEM((_CH,), jnp.int32),
        pltpu.VMEM((_CH, _DW), jnp.float32),
        pltpu.SemaphoreType.DMA,
    ],
)


_BM = 1264


def _mlp_body(x_ref, w1_ref, b1_ref, w2_ref, b2_ref, dp0_ref, dp1_ref,
              u0_ref, dinv_ref, dinv2_ref):
    h = jnp.dot(x_ref[...], w1_ref[...], preferred_element_type=jnp.float32)
    h = jnp.maximum(h + b1_ref[...], 0.0)
    h = jnp.dot(h, w2_ref[...], preferred_element_type=jnp.float32) + b2_ref[...]
    deg = dp0_ref[0][:, 0:1] + dp1_ref[0][:, 0:1] + 1.0
    dinv = lax.rsqrt(deg)
    u0_ref[...] = jnp.concatenate(
        [h * dinv, jnp.zeros((_BM, _DW - _D), jnp.float32)], axis=1)
    dinv_ref[...] = dinv
    dinv2_ref[...] = dinv * dinv


def _mlp(xp, w1, b1, w2, b2, dpart):
    grid = _NPAD // _BM
    return pl.pallas_call(
        _mlp_body,
        grid=(grid,),
        in_specs=[
            pl.BlockSpec((_BM, _NF), lambda i: (i, 0)),
            pl.BlockSpec((_NF, _NH), lambda i: (0, 0)),
            pl.BlockSpec((1, _NH), lambda i: (0, 0)),
            pl.BlockSpec((_NH, _D), lambda i: (0, 0)),
            pl.BlockSpec((1, _D), lambda i: (0, 0)),
            pl.BlockSpec((1, _BM, _DW), lambda i: (0, i, 0)),
            pl.BlockSpec((1, _BM, _DW), lambda i: (1, i, 0)),
        ],
        out_specs=[
            pl.BlockSpec((_BM, _DW), lambda i: (i, 0)),
            pl.BlockSpec((_BM, 1), lambda i: (i, 0)),
            pl.BlockSpec((_BM, 1), lambda i: (i, 0)),
        ],
        out_shape=[
            jax.ShapeDtypeStruct((_NPAD, _DW), jnp.float32),
            jax.ShapeDtypeStruct((_NPAD, 1), jnp.float32),
            jax.ShapeDtypeStruct((_NPAD, 1), jnp.float32),
        ],
    )(xp, w1, b1.reshape(1, _NH), w2, b2.reshape(1, _D), dpart, dpart)


def _upd_body(t0_ref, t1_ref, u_ref, u0_ref, dinv2_ref, out_ref):
    t = t0_ref[0] + t1_ref[0] + u_ref[...]
    out_ref[...] = ((1.0 - _ALPHA) * dinv2_ref[...] * t
                    + _ALPHA * u0_ref[...])


def _update(tpart, u, u0, dinv2):
    grid = _NPAD // _BM
    return pl.pallas_call(
        _upd_body,
        grid=(grid,),
        in_specs=[
            pl.BlockSpec((1, _BM, _DW), lambda i: (0, i, 0)),
            pl.BlockSpec((1, _BM, _DW), lambda i: (1, i, 0)),
            pl.BlockSpec((_BM, _DW), lambda i: (i, 0)),
            pl.BlockSpec((_BM, _DW), lambda i: (i, 0)),
            pl.BlockSpec((_BM, 1), lambda i: (i, 0)),
        ],
        out_specs=pl.BlockSpec((_BM, _DW), lambda i: (i, 0)),
        out_shape=jax.ShapeDtypeStruct((_NPAD, _DW), jnp.float32),
    )(tpart, tpart, u, u0, dinv2)


_BF = 2000


def _final_body(u_ref, dinv_ref, out_ref):
    h = u_ref[:, 0:_D] / dinv_ref[...]
    m = jnp.max(h, axis=1, keepdims=True)
    ls = m + jnp.log(jnp.sum(jnp.exp(h - m), axis=1, keepdims=True))
    out_ref[...] = h - ls


def _final(u, dinv):
    return pl.pallas_call(
        _final_body,
        grid=(_N // _BF,),
        in_specs=[
            pl.BlockSpec((_BF, _DW), lambda i: (i, 0)),
            pl.BlockSpec((_BF, 1), lambda i: (i, 0)),
        ],
        out_specs=pl.BlockSpec((_BF, _D), lambda i: (i, 0)),
        out_shape=jax.ShapeDtypeStruct((_N, _D), jnp.float32),
    )(u, dinv)


def kernel(x, edge_index, W1, b1, W2, b2):
    src = edge_index[0]
    dst = edge_index[1]
    pad = _EPAD - _E
    srcp = jnp.concatenate([src, jnp.zeros((pad,), jnp.int32)])
    dstp = jnp.concatenate([dst, jnp.full((pad,), _N, jnp.int32)])
    zeros = jnp.zeros((_NPAD, _DW), jnp.float32)
    ones = jnp.ones((_CH, _DW), jnp.float32)
    xp = jnp.concatenate([x, jnp.zeros((_NPAD - _N, _NF), jnp.float32)])

    dpart = _deg(ones, dstp, zeros)
    u0, dinv, dinv2 = _mlp(xp, W1, b1, W2, b2, dpart)

    u = u0
    for _ in range(_K):
        tpart = _scatter(u, srcp, dstp, zeros)
        u = _update(tpart, u, u0, dinv2)

    return _final(u, dinv)

# --- scband reference (transcript-rebuilt; emitter-appended) ---
"""Pipeline reference for scband-appnp-15762529976887 (READ-ONLY COPY).

The authoritative reference and input builder live on the scoring server;
editing this copy changes nothing except your own understanding.
"""

import jax, jax.numpy as jnp
import numpy as np

N = 10000
E = 320000
NF = 128
NH = 128
NC = 64
K = 10
ALPHA = 0.1


def setup_inputs(seed: int = 0) -> dict:
    key = jax.random.key(seed)
    k1, k2, k3, k4, k5, k6 = jax.random.split(key, 6)
    x = jax.random.normal(k1, (N, NF), dtype=jnp.float32)
    edge_index = jax.random.randint(k2, (2, E), 0, N, dtype=jnp.int32)
    # Linear layer params (Kaiming-uniform-ish scale)
    lim1 = 1.0 / np.sqrt(NF)
    W1 = jax.random.uniform(k3, (NF, NH), minval=-lim1, maxval=lim1, dtype=jnp.float32)
    b1 = jax.random.uniform(k4, (NH,), minval=-lim1, maxval=lim1, dtype=jnp.float32)
    lim2 = 1.0 / np.sqrt(NH)
    W2 = jax.random.uniform(k5, (NH, NC), minval=-lim2, maxval=lim2, dtype=jnp.float32)
    b2 = jax.random.uniform(k6, (NC,), minval=-lim2, maxval=lim2, dtype=jnp.float32)
    return {"x": x, "edge_index": edge_index, "W1": W1, "b1": b1, "W2": W2, "b2": b2}


def reference(x, edge_index, W1, b1, W2, b2):
    # eval mode: dropout is identity
    h = jnp.maximum(x @ W1 + b1, 0.0)
    h = h @ W2 + b2
    # APPNP propagation with GCN symmetric normalization + self-loops
    src = edge_index[0]
    dst = edge_index[1]
    loop = jnp.arange(N, dtype=edge_index.dtype)
    src_f = jnp.concatenate([src, loop])
    dst_f = jnp.concatenate([dst, loop])
    w = jnp.ones(src_f.shape[0], dtype=jnp.float32)
    deg = jax.ops.segment_sum(w, dst_f, num_segments=N)
    dinv = jnp.where(deg > 0, 1.0 / jnp.sqrt(deg), 0.0)
    norm = dinv[src_f] * w * dinv[dst_f]
    h0 = h
    for _ in range(K):
        msg = h[src_f] * norm[:, None]
        agg = jax.ops.segment_sum(msg, dst_f, num_segments=N)
        h = (1.0 - ALPHA) * agg + ALPHA * h0
    return jax.nn.log_softmax(h, axis=1)

if __name__ == "__main__":
    import jax
    _d = setup_inputs()
    print(jax.jit(kernel)(*tuple(_d.values())))

</pallas_src>

<mosaic_0001>
#map = affine_map<(d0, d1) -> (0, 0)>
#map1 = affine_map<(d0, d1) -> (0)>
#map2 = affine_map<(d0, d1) -> (0, 0, 0)>
module attributes {stable_mosaic.version = 14 : i64} {
  func.func @_deg_body(%arg0: i32, %arg1: i32, %arg2: memref<128x128xf32, #tpu.memory_space<hbm>>, %arg3: memref<323584xi32, #tpu.memory_space<hbm>>, %arg4: memref<10112x128xf32, #tpu.memory_space<hbm>>, %arg5: memref<2x10112x128xf32, #tpu.memory_space<hbm>>, %arg6: memref<10112x128xf32, #tpu.memory_space<vmem_shared>>, %arg7: memref<128xi32, #tpu.memory_space<vmem>>, %arg8: memref<128x128xf32, #tpu.memory_space<vmem>>, %arg9: memref<!tpu.dma_semaphore, #tpu.memory_space<semaphore_mem>>) attributes {dimension_semantics = [#tpu.dimension_semantics<core_parallel>, #tpu.dimension_semantics<subcore_parallel>], iteration_bounds = array<i64: 2, 16>, scalar_prefetch = 0 : i64, scratch_operands = 4 : i64, tpu.core_type = #tpu.core_type<sc_vector_subcore>, window_params = [{transform_indices = #map}, {transform_indices = #map1}, {transform_indices = #map}, {transform_indices = #map2}]} {
    %mul3A = arith.constant 2 : i32
    %mul3A_0 = arith.muli %arg1, %mul3A : i32
    %add3A = arith.addi %mul3A_0, %arg0 : i32
    %mul3A_1 = arith.constant 632 : i32
    %mul3A_2 = arith.muli %arg1, %mul3A_1 : i32
    %mul3A_3 = arith.constant 632 : i32
    %mul3A_4 = arith.muli %arg1, %mul3A_3 : i32
    "tpu.region"() ({
      %run_scoped3A = tpu.sem_alloc : memref<!tpu.dma_semaphore, #tpu.memory_space<semaphore_mem>>
      %dma_start3A = arith.constant 0 : i32
      %dma_start3A_15 = tpu.memref_slice %arg6[%mul3A_4, %dma_start3A] : memref<10112x128xf32, #tpu.memory_space<vmem_shared>> -> memref<632x128xf32, #tpu.memory_space<vmem_shared>>
      %dma_start3A_16 = arith.constant 0 : i32
      %dma_start3A_17 = tpu.memref_slice %arg4[%mul3A_2, %dma_start3A_16] : memref<10112x128xf32, #tpu.memory_space<hbm>> -> memref<632x128xf32, #tpu.memory_space<hbm>>
      tpu.enqueue_dma source(%dma_start3A_17 : memref<632x128xf32, #tpu.memory_space<hbm>>) target(%dma_start3A_15 : memref<632x128xf32, #tpu.memory_space<vmem_shared>>) target_semaphore(%run_scoped3A : memref<!tpu.dma_semaphore, #tpu.memory_space<semaphore_mem>>)
      %dma_wait3A = arith.constant 0 : i32
      %dma_wait3A_18 = tpu.memref_slice %arg6[%mul3A_4, %dma_wait3A] : memref<10112x128xf32, #tpu.memory_space<vmem_shared>> -> memref<632x128xf32, #tpu.memory_space<vmem_shared>>
      %dma_wait3A_19 = arith.constant 0 : i32
      %dma_wait3A_20 = tpu.memref_slice %arg4[%mul3A_2, %dma_wait3A_19] : memref<10112x128xf32, #tpu.memory_space<hbm>> -> memref<632x128xf32, #tpu.memory_space<hbm>>
      tpu.wait_dma2 semaphore(%run_scoped3A : memref<!tpu.dma_semaphore, #tpu.memory_space<semaphore_mem>>) src(%dma_wait3A_20 : memref<632x128xf32, #tpu.memory_space<hbm>>) dst(%dma_wait3A_18 : memref<632x128xf32, #tpu.memory_space<vmem_shared>>)
      tpu.yield
    }) : () -> ()
    tpu.enqueue_dma source(%arg2 : memref<128x128xf32, #tpu.memory_space<hbm>>) target(%arg8 : memref<128x128xf32, #tpu.memory_space<vmem>>) target_semaphore(%arg9 : memref<!tpu.dma_semaphore, #tpu.memory_space<semaphore_mem>>)
    tpu.wait_dma2 semaphore(%arg9 : memref<!tpu.dma_semaphore, #tpu.memory_space<semaphore_mem>>) src(%arg2 : memref<128x128xf32, #tpu.memory_space<hbm>>) dst(%arg8 : memref<128x128xf32, #tpu.memory_space<vmem>>)
    %barrier3A = arith.constant 0 : index
    tpu.barrier barrier_id(%barrier3A)
    %scan3A = arith.constant 0 : i32
    %scan3A_5 = arith.constant 0 : i32
    %scan3A_6 = arith.constant 79 : i32
    %scan3A_7 = arith.addi %scan3A_5, %scan3A_6 : i32
    %scan3A_8 = arith.constant 1 : i32
    scf.for %scan3A_15 = %scan3A_5 to %scan3A_7 step %scan3A_8  : i32 {
      %mul3A_16 = arith.constant 10112 : i32
      %mul3A_17 = arith.muli %add3A, %mul3A_16 : i32
      %mul3A_18 = arith.constant 128 : i32
      %mul3A_19 = arith.muli %scan3A_15, %mul3A_18 : i32
      %add3A_20 = arith.addi %mul3A_17, %mul3A_19 : i32
      "tpu.region"() ({
        %run_scoped3A = tpu.sem_alloc : memref<!tpu.dma_semaphore, #tpu.memory_space<semaphore_mem>>
        %dma_start3A = tpu.memref_slice %arg3[%add3A_20] : memref<323584xi32, #tpu.memory_space<hbm>> -> memref<128xi32, #tpu.memory_space<hbm>>
        %dma_start3A_21 = tpu.memref_slice %arg3[%add3A_20] : memref<323584xi32, #tpu.memory_space<hbm>> -> memref<128xi32, #tpu.memory_space<hbm>>
        tpu.enqueue_dma source(%dma_start3A_21 : memref<128xi32, #tpu.memory_space<hbm>>) target(%arg7 : memref<128xi32, #tpu.memory_space<vmem>>) target_semaphore(%run_scoped3A : memref<!tpu.dma_semaphore, #tpu.memory_space<semaphore_mem>>)
        %dma_wait3A = tpu.memref_slice %arg3[%add3A_20] : memref<323584xi32, #tpu.memory_space<hbm>> -> memref<128xi32, #tpu.memory_space<hbm>>
        %dma_wait3A_22 = tpu.memref_slice %arg3[%add3A_20] : memref<323584xi32, #tpu.memory_space<hbm>> -> memref<128xi32, #tpu.memory_space<hbm>>
        tpu.wait_dma2 semaphore(%run_scoped3A : memref<!tpu.dma_semaphore, #tpu.memory_space<semaphore_mem>>) src(%dma_wait3A_22 : memref<128xi32, #tpu.memory_space<hbm>>) dst(%arg7 : memref<128xi32, #tpu.memory_space<vmem>>)
        tpu.yield
      }) : () -> ()
      "tpu.region"() ({
        %run_scoped3A = tpu.sem_alloc : memref<!tpu.dma_semaphore, #tpu.memory_space<semaphore_mem>>
        %dma_start3A = arith.constant 0 : i32
        %dma_start3A_21 = arith.constant 0 : i32
        %dma_start3A_22 = tpu.memref_slice %arg6[%dma_start3A, %dma_start3A_21] : memref<10112x128xf32, #tpu.memory_space<vmem_shared>> -> memref<10112x128xf32, #tpu.memory_space<vmem_shared>>
        tpu.enqueue_indirect_dma source(%arg8 : memref<128x128xf32, #tpu.memory_space<vmem>>) target(%dma_start3A_22 : memref<10112x128xf32, #tpu.memory_space<vmem_shared>>) offsets(%arg7 : memref<128xi32, #tpu.memory_space<vmem>>) semaphore(%run_scoped3A : memref<!tpu.dma_semaphore, #tpu.memory_space<semaphore_mem>>) {add = true}
        %dma_wait3A = arith.constant 0 : i32
        %dma_wait3A_23 = arith.constant 0 : i32
        %dma_wait3A_24 = tpu.memref_slice %arg6[%dma_wait3A, %dma_wait3A_23] : memref<10112x128xf32, #tpu.memory_space<vmem_shared>> -> memref<10112x128xf32, #tpu.memory_space<vmem_shared>>
        tpu.wait_indirect_dma semaphore(%run_scoped3A : memref<!tpu.dma_semaphore, #tpu.memory_space<semaphore_mem>>) src(%arg8 : memref<128x128xf32, #tpu.memory_space<vmem>>) dst(%dma_wait3A_24 : memref<10112x128xf32, #tpu.memory_space<vmem_shared>>)
        tpu.yield
      }) : () -> ()
    }
    %scan3A_9 = arith.constant 79 : i32
    %barrier3A_10 = arith.constant 0 : index
    tpu.barrier barrier_id(%barrier3A_10)
    %mul3A_11 = arith.constant 632 : i32
    %mul3A_12 = arith.muli %arg1, %mul3A_11 : i32
    %mul3A_13 = arith.constant 632 : i32
    %mul3A_14 = arith.muli %arg1, %mul3A_13 : i32
    "tpu.region"() ({
      %run_scoped3A = tpu.sem_alloc : memref<!tpu.dma_semaphore, #tpu.memory_space<semaphore_mem>>
      %dma_start3A = arith.constant 0 : i32
      %dma_start3A_15 = tpu.memref_slice %arg5[%arg0, %mul3A_14, %dma_start3A] : memref<2x10112x128xf32, #tpu.memory_space<hbm>> -> memref<1x632x128xf32, #tpu.memory_space<hbm>>
      %dma_start3A_16 = tpu.memref_squeeze %dma_start3A_15 : memref<1x632x128xf32, #tpu.memory_space<hbm>> -> memref<632x128xf32, #tpu.memory_space<hbm>>
      %dma_start3A_17 = arith.constant 0 : i32
      %dma_start3A_18 = tpu.memref_slice %arg6[%mul3A_12, %dma_start3A_17] : memref<10112x128xf32, #tpu.memory_space<vmem_shared>> -> memref<632x128xf32, #tpu.memory_space<vmem_shared>>
      tpu.enqueue_dma source(%dma_start3A_18 : memref<632x128xf32, #tpu.memory_space<vmem_shared>>) target(%dma_start3A_16 : memref<632x128xf32, #tpu.memory_space<hbm>>) target_semaphore(%run_scoped3A : memref<!tpu.dma_semaphore, #tpu.memory_space<semaphore_mem>>)
      %dma_wait3A = arith.constant 0 : i32
      %dma_wait3A_19 = tpu.memref_slice %arg5[%arg0, %mul3A_14, %dma_wait3A] : memref<2x10112x128xf32, #tpu.memory_space<hbm>> -> memref<1x632x128xf32, #tpu.memory_space<hbm>>
      %dma_wait3A_20 = tpu.memref_squeeze %dma_wait3A_19 : memref<1x632x128xf32, #tpu.memory_space<hbm>> -> memref<632x128xf32, #tpu.memory_space<hbm>>
      %dma_wait3A_21 = arith.constant 0 : i32
      %dma_wait3A_22 = tpu.memref_slice %arg6[%mul3A_12, %dma_wait3A_21] : memref<10112x128xf32, #tpu.memory_space<vmem_shared>> -> memref<632x128xf32, #tpu.memory_space<vmem_shared>>
      tpu.wait_dma2 semaphore(%run_scoped3A : memref<!tpu.dma_semaphore, #tpu.memory_space<semaphore_mem>>) src(%dma_wait3A_22 : memref<632x128xf32, #tpu.memory_space<vmem_shared>>) dst(%dma_wait3A_20 : memref<632x128xf32, #tpu.memory_space<hbm>>)
      tpu.yield
    }) : () -> ()
    return
  }
}

#map = affine_map<(d0, d1) -> (0, 0)>
#map1 = affine_map<(d0, d1) -> (0)>
#map2 = affine_map<(d0, d1) -> (0, 0, 0)>
module attributes {stable_mosaic.version = 14 : i64} {
  func.func @_scatter_body(%arg0: i32, %arg1: i32, %arg2: memref<10112x128xf32, #tpu.memory_space<hbm>>, %arg3: memref<323584xi32, #tpu.memory_space<hbm>>, %arg4: memref<323584xi32, #tpu.memory_space<hbm>>, %arg5: memref<10112x128xf32, #tpu.memory_space<hbm>>, %arg6: memref<2x10112x128xf32, #tpu.memory_space<hbm>>, %arg7: memref<10112x128xf32, #tpu.memory_space<vmem_shared>>, %arg8: memref<128xi32, #tpu.memory_space<vmem>>, %arg9: memref<128xi32, #tpu.memory_space<vmem>>, %arg10: memref<128x128xf32, #tpu.memory_space<vmem>>, %arg11: memref<!tpu.dma_semaphore, #tpu.memory_space<semaphore_mem>>) attributes {dimension_semantics = [#tpu.dimension_semantics<core_parallel>, #tpu.dimension_semantics<subcore_parallel>], iteration_bounds = array<i64: 2, 16>, scalar_prefetch = 0 : i64, scratch_operands = 5 : i64, tpu.core_type = #tpu.core_type<sc_vector_subcore>, window_params = [{transform_indices = #map}, {transform_indices = #map1}, {transform_indices = #map1}, {transform_indices = #map}, {transform_indices = #map2}]} {
    %mul3A = arith.constant 2 : i32
    %mul3A_0 = arith.muli %arg1, %mul3A : i32
    %add3A = arith.addi %mul3A_0, %arg0 : i32
    %mul3A_1 = arith.constant 632 : i32
    %mul3A_2 = arith.muli %arg1, %mul3A_1 : i32
    %mul3A_3 = arith.constant 632 : i32
    %mul3A_4 = arith.muli %arg1, %mul3A_3 : i32
    "tpu.region"() ({
      %run_scoped3A = tpu.sem_alloc : memref<!tpu.dma_semaphore, #tpu.memory_space<semaphore_mem>>
      %dma_start3A = arith.constant 0 : i32
      %dma_start3A_15 = tpu.memref_slice %arg7[%mul3A_4, %dma_start3A] : memref<10112x128xf32, #tpu.memory_space<vmem_shared>> -> memref<632x128xf32, #tpu.memory_space<vmem_shared>>
      %dma_start3A_16 = arith.constant 0 : i32
      %dma_start3A_17 = tpu.memref_slice %arg5[%mul3A_2, %dma_start3A_16] : memref<10112x128xf32, #tpu.memory_space<hbm>> -> memref<632x128xf32, #tpu.memory_space<hbm>>
      tpu.enqueue_dma source(%dma_start3A_17 : memref<632x128xf32, #tpu.memory_space<hbm>>) target(%dma_start3A_15 : memref<632x128xf32, #tpu.memory_space<vmem_shared>>) target_semaphore(%run_scoped3A : memref<!tpu.dma_semaphore, #tpu.memory_space<semaphore_mem>>)
      %dma_wait3A = arith.constant 0 : i32
      %dma_wait3A_18 = tpu.memref_slice %arg7[%mul3A_4, %dma_wait3A] : memref<10112x128xf32, #tpu.memory_space<vmem_shared>> -> memref<632x128xf32, #tpu.memory_space<vmem_shared>>
      %dma_wait3A_19 = arith.constant 0 : i32
      %dma_wait3A_20 = tpu.memref_slice %arg5[%mul3A_2, %dma_wait3A_19] : memref<10112x128xf32, #tpu.memory_space<hbm>> -> memref<632x128xf32, #tpu.memory_space<hbm>>
      tpu.wait_dma2 semaphore(%run_scoped3A : memref<!tpu.dma_semaphore, #tpu.memory_space<semaphore_mem>>) src(%dma_wait3A_20 : memref<632x128xf32, #tpu.memory_space<hbm>>) dst(%dma_wait3A_18 : memref<632x128xf32, #tpu.memory_space<vmem_shared>>)
      tpu.yield
    }) : () -> ()
    %barrier3A = arith.constant 0 : index
    tpu.barrier barrier_id(%barrier3A)
    %scan3A = arith.constant 0 : i32
    %scan3A_5 = arith.constant 0 : i32
    %scan3A_6 = arith.constant 79 : i32
    %scan3A_7 = arith.addi %scan3A_5, %scan3A_6 : i32
    %scan3A_8 = arith.constant 1 : i32
    scf.for %scan3A_15 = %scan3A_5 to %scan3A_7 step %scan3A_8  : i32 {
      %mul3A_16 = arith.constant 10112 : i32
      %mul3A_17 = arith.muli %add3A, %mul3A_16 : i32
      %mul3A_18 = arith.constant 128 : i32
      %mul3A_19 = arith.muli %scan3A_15, %mul3A_18 : i32
      %add3A_20 = arith.addi %mul3A_17, %mul3A_19 : i32
      "tpu.region"() ({
        %run_scoped3A = tpu.sem_alloc : memref<!tpu.dma_semaphore, #tpu.memory_space<semaphore_mem>>
        %dma_start3A_25 = tpu.memref_slice %arg3[%add3A_20] : memref<323584xi32, #tpu.memory_space<hbm>> -> memref<128xi32, #tpu.memory_space<hbm>>
        %dma_start3A_26 = tpu.memref_slice %arg3[%add3A_20] : memref<323584xi32, #tpu.memory_space<hbm>> -> memref<128xi32, #tpu.memory_space<hbm>>
        tpu.enqueue_dma source(%dma_start3A_26 : memref<128xi32, #tpu.memory_space<hbm>>) target(%arg8 : memref<128xi32, #tpu.memory_space<vmem>>) target_semaphore(%run_scoped3A : memref<!tpu.dma_semaphore, #tpu.memory_space<semaphore_mem>>)
        %dma_wait3A_27 = tpu.memref_slice %arg3[%add3A_20] : memref<323584xi32, #tpu.memory_space<hbm>> -> memref<128xi32, #tpu.memory_space<hbm>>
        %dma_wait3A_28 = tpu.memref_slice %arg3[%add3A_20] : memref<323584xi32, #tpu.memory_space<hbm>> -> memref<128xi32, #tpu.memory_space<hbm>>
        tpu.wait_dma2 semaphore(%run_scoped3A : memref<!tpu.dma_semaphore, #tpu.memory_space<semaphore_mem>>) src(%dma_wait3A_28 : memref<128xi32, #tpu.memory_space<hbm>>) dst(%arg8 : memref<128xi32, #tpu.memory_space<vmem>>)
        tpu.yield
      }) : () -> ()
      "tpu.region"() ({
        %run_scoped3A = tpu.sem_alloc : memref<!tpu.dma_semaphore, #tpu.memory_space<semaphore_mem>>
        %dma_start3A_25 = tpu.memref_slice %arg4[%add3A_20] : memref<323584xi32, #tpu.memory_space<hbm>> -> memref<128xi32, #tpu.memory_space<hbm>>
        %dma_start3A_26 = tpu.memref_slice %arg4[%add3A_20] : memref<323584xi32, #tpu.memory_space<hbm>> -> memref<128xi32, #tpu.memory_space<hbm>>
        tpu.enqueue_dma source(%dma_start3A_26 : memref<128xi32, #tpu.memory_space<hbm>>) target(%arg9 : memref<128xi32, #tpu.memory_space<vmem>>) target_semaphore(%run_scoped3A : memref<!tpu.dma_semaphore, #tpu.memory_space<semaphore_mem>>)
        %dma_wait3A_27 = tpu.memref_slice %arg4[%add3A_20] : memref<323584xi32, #tpu.memory_space<hbm>> -> memref<128xi32, #tpu.memory_space<hbm>>
        %dma_wait3A_28 = tpu.memref_slice %arg4[%add3A_20] : memref<323584xi32, #tpu.memory_space<hbm>> -> memref<128xi32, #tpu.memory_space<hbm>>
        tpu.wait_dma2 semaphore(%run_scoped3A : memref<!tpu.dma_semaphore, #tpu.memory_space<semaphore_mem>>) src(%dma_wait3A_28 : memref<128xi32, #tpu.memory_space<hbm>>) dst(%arg9 : memref<128xi32, #tpu.memory_space<vmem>>)
        tpu.yield
      }) : () -> ()
      %dma_start3A = arith.constant 0 : i32
      %dma_start3A_21 = arith.constant 0 : i32
      %dma_start3A_22 = tpu.memref_slice %arg2[%dma_start3A, %dma_start3A_21] : memref<10112x128xf32, #tpu.memory_space<hbm>> -> memref<10112x128xf32, #tpu.memory_space<hbm>>
      tpu.enqueue_indirect_dma source(%dma_start3A_22 : memref<10112x128xf32, #tpu.memory_space<hbm>>) target(%arg10 : memref<128x128xf32, #tpu.memory_space<vmem>>) offsets(%arg8 : memref<128xi32, #tpu.memory_space<vmem>>) semaphore(%arg11 : memref<!tpu.dma_semaphore, #tpu.memory_space<semaphore_mem>>)
      %dma_wait3A = arith.constant 0 : i32
      %dma_wait3A_23 = arith.constant 0 : i32
      %dma_wait3A_24 = tpu.memref_slice %arg2[%dma_wait3A, %dma_wait3A_23] : memref<10112x128xf32, #tpu.memory_space<hbm>> -> memref<10112x128xf32, #tpu.memory_space<hbm>>
      tpu.wait_indirect_dma semaphore(%arg11 : memref<!tpu.dma_semaphore, #tpu.memory_space<semaphore_mem>>) src(%dma_wait3A_24 : memref<10112x128xf32, #tpu.memory_space<hbm>>) dst(%arg10 : memref<128x128xf32, #tpu.memory_space<vmem>>)
      "tpu.region"() ({
        %run_scoped3A = tpu.sem_alloc : memref<!tpu.dma_semaphore, #tpu.memory_space<semaphore_mem>>
        %dma_start3A_25 = arith.constant 0 : i32
        %dma_start3A_26 = arith.constant 0 : i32
        %dma_start3A_27 = tpu.memref_slice %arg7[%dma_start3A_25, %dma_start3A_26] : memref<10112x128xf32, #tpu.memory_space<vmem_shared>> -> memref<10112x128xf32, #tpu.memory_space<vmem_shared>>
        tpu.enqueue_indirect_dma source(%arg10 : memref<128x128xf32, #tpu.memory_space<vmem>>) target(%dma_start3A_27 : memref<10112x128xf32, #tpu.memory_space<vmem_shared>>) offsets(%arg9 : memref<128xi32, #tpu.memory_space<vmem>>) semaphore(%run_scoped3A : memref<!tpu.dma_semaphore, #tpu.memory_space<semaphore_mem>>) {add = true}
        %dma_wait3A_28 = arith.constant 0 : i32
        %dma_wait3A_29 = arith.constant 0 : i32
        %dma_wait3A_30 = tpu.memref_slice %arg7[%dma_wait3A_28, %dma_wait3A_29] : memref<10112x128xf32, #tpu.memory_space<vmem_shared>> -> memref<10112x128xf32, #tpu.memory_space<vmem_shared>>
        tpu.wait_indirect_dma semaphore(%run_scoped3A : memref<!tpu.dma_semaphore, #tpu.memory_space<semaphore_mem>>) src(%arg10 : memref<128x128xf32, #tpu.memory_space<vmem>>) dst(%dma_wait3A_30 : memref<10112x128xf32, #tpu.memory_space<vmem_shared>>)
        tpu.yield
      }) : () -> ()
    }
    %scan3A_9 = arith.constant 79 : i32
    %barrier3A_10 = arith.constant 0 : index
    tpu.barrier barrier_id(%barrier3A_10)
    %mul3A_11 = arith.constant 632 : i32
    %mul3A_12 = arith.muli %arg1, %mul3A_11 : i32
    %mul3A_13 = arith.constant 632 : i32
    %mul3A_14 = arith.muli %arg1, %mul3A_13 : i32
    "tpu.region"() ({
      %run_scoped3A = tpu.sem_alloc : memref<!tpu.dma_semaphore, #tpu.memory_space<semaphore_mem>>
      %dma_start3A = arith.constant 0 : i32
      %dma_start3A_15 = tpu.memref_slice %arg6[%arg0, %mul3A_14, %dma_start3A] : memref<2x10112x128xf32, #tpu.memory_space<hbm>> -> memref<1x632x128xf32, #tpu.memory_space<hbm>>
      %dma_start3A_16 = tpu.memref_squeeze %dma_start3A_15 : memref<1x632x128xf32, #tpu.memory_space<hbm>> -> memref<632x128xf32, #tpu.memory_space<hbm>>
      %dma_start3A_17 = arith.constant 0 : i32
      %dma_start3A_18 = tpu.memref_slice %arg7[%mul3A_12, %dma_start3A_17] : memref<10112x128xf32, #tpu.memory_space<vmem_shared>> -> memref<632x128xf32, #tpu.memory_space<vmem_shared>>
      tpu.enqueue_dma source(%dma_start3A_18 : memref<632x128xf32, #tpu.memory_space<vmem_shared>>) target(%dma_start3A_16 : memref<632x128xf32, #tpu.memory_space<hbm>>) target_semaphore(%run_scoped3A : memref<!tpu.dma_semaphore, #tpu.memory_space<semaphore_mem>>)
      %dma_wait3A = arith.constant 0 : i32
      %dma_wait3A_19 = tpu.memref_slice %arg6[%arg0, %mul3A_14, %dma_wait3A] : memref<2x10112x128xf32, #tpu.memory_space<hbm>> -> memref<1x632x128xf32, #tpu.memory_space<hbm>>
      %dma_wait3A_20 = tpu.memref_squeeze %dma_wait3A_19 : memref<1x632x128xf32, #tpu.memory_space<hbm>> -> memref<632x128xf32, #tpu.memory_space<hbm>>
      %dma_wait3A_21 = arith.constant 0 : i32
      %dma_wait3A_22 = tpu.memref_slice %arg7[%mul3A_12, %dma_wait3A_21] : memref<10112x128xf32, #tpu.memory_space<vmem_shared>> -> memref<632x128xf32, #tpu.memory_space<vmem_shared>>
      tpu.wait_dma2 semaphore(%run_scoped3A : memref<!tpu.dma_semaphore, #tpu.memory_space<semaphore_mem>>) src(%dma_wait3A_22 : memref<632x128xf32, #tpu.memory_space<vmem_shared>>) dst(%dma_wait3A_20 : memref<632x128xf32, #tpu.memory_space<hbm>>)
      tpu.yield
    }) : () -> ()
    return
  }
}

#map = affine_map<(d0, d1) -> (0, 0)>
#map1 = affine_map<(d0, d1) -> (0)>
#map2 = affine_map<(d0, d1) -> (0, 0, 0)>
module attributes {stable_mosaic.version = 14 : i64} {
  func.func @_scatter_body(%arg0: i32, %arg1: i32, %arg2: memref<10112x128xf32, #tpu.memory_space<hbm>>, %arg3: memref<323584xi32, #tpu.memory_space<hbm>>, %arg4: memref<323584xi32, #tpu.memory_space<hbm>>, %arg5: memref<10112x128xf32, #tpu.memory_space<hbm>>, %arg6: memref<2x10112x128xf32, #tpu.memory_space<hbm>>, %arg7: memref<10112x128xf32, #tpu.memory_space<vmem_shared>>, %arg8: memref<128xi32, #tpu.memory_space<vmem>>, %arg9: memref<128xi32, #tpu.memory_space<vmem>>, %arg10: memref<128x128xf32, #tpu.memory_space<vmem>>, %arg11: memref<!tpu.dma_semaphore, #tpu.memory_space<semaphore_mem>>) attributes {dimension_semantics = [#tpu.dimension_semantics<core_parallel>, #tpu.dimension_semantics<subcore_parallel>], iteration_bounds = array<i64: 2, 16>, scalar_prefetch = 0 : i64, scratch_operands = 5 : i64, tpu.core_type = #tpu.core_type<sc_vector_subcore>, window_params = [{transform_indices = #map}, {transform_indices = #map1}, {transform_indices = #map1}, {transform_indices = #map}, {transform_indices = #map2}]} {
    %mul3A = arith.constant 2 : i32
    %mul3A_0 = arith.muli %arg1, %mul3A : i32
    %add3A = arith.addi %mul3A_0, %arg0 : i32
    %mul3A_1 = arith.constant 632 : i32
    %mul3A_2 = arith.muli %arg1, %mul3A_1 : i32
    %mul3A_3 = arith.constant 632 : i32
    %mul3A_4 = arith.muli %arg1, %mul3A_3 : i32
    "tpu.region"() ({
      %run_scoped3A = tpu.sem_alloc : memref<!tpu.dma_semaphore, #tpu.memory_space<semaphore_mem>>
      %dma_start3A = arith.constant 0 : i32
      %dma_start3A_15 = tpu.memref_slice %arg7[%mul3A_4, %dma_start3A] : memref<10112x128xf32, #tpu.memory_space<vmem_shared>> -> memref<632x128xf32, #tpu.memory_space<vmem_shared>>
      %dma_start3A_16 = arith.constant 0 : i32
      %dma_start3A_17 = tpu.memref_slice %arg5[%mul3A_2, %dma_start3A_16] : memref<10112x128xf32, #tpu.memory_space<hbm>> -> memref<632x128xf32, #tpu.memory_space<hbm>>
      tpu.enqueue_dma source(%dma_start3A_17 : memref<632x128xf32, #tpu.memory_space<hbm>>) target(%dma_start3A_15 : memref<632x128xf32, #tpu.memory_space<vmem_shared>>) target_semaphore(%run_scoped3A : memref<!tpu.dma_semaphore, #tpu.memory_space<semaphore_mem>>)
      %dma_wait3A = arith.constant 0 : i32
      %dma_wait3A_18 = tpu.memref_slice %arg7[%mul3A_4, %dma_wait3A] : memref<10112x128xf32, #tpu.memory_space<vmem_shared>> -> memref<632x128xf32, #tpu.memory_space<vmem_shared>>
      %dma_wait3A_19 = arith.constant 0 : i32
      %dma_wait3A_20 = tpu.memref_slice %arg5[%mul3A_2, %dma_wait3A_19] : memref<10112x128xf32, #tpu.memory_space<hbm>> -> memref<632x128xf32, #tpu.memory_space<hbm>>
      tpu.wait_dma2 semaphore(%run_scoped3A : memref<!tpu.dma_semaphore, #tpu.memory_space<semaphore_mem>>) src(%dma_wait3A_20 : memref<632x128xf32, #tpu.memory_space<hbm>>) dst(%dma_wait3A_18 : memref<632x128xf32, #tpu.memory_space<vmem_shared>>)
      tpu.yield
    }) : () -> ()
    %barrier3A = arith.constant 0 : index
    tpu.barrier barrier_id(%barrier3A)
    %scan3A = arith.constant 0 : i32
    %scan3A_5 = arith.constant 0 : i32
    %scan3A_6 = arith.constant 79 : i32
    %scan3A_7 = arith.addi %scan3A_5, %scan3A_6 : i32
    %scan3A_8 = arith.constant 1 : i32
    scf.for %scan3A_15 = %scan3A_5 to %scan3A_7 step %scan3A_8  : i32 {
      %mul3A_16 = arith.constant 10112 : i32
      %mul3A_17 = arith.muli %add3A, %mul3A_16 : i32
      %mul3A_18 = arith.constant 128 : i32
      %mul3A_19 = arith.muli %scan3A_15, %mul3A_18 : i32
      %add3A_20 = arith.addi %mul3A_17, %mul3A_19 : i32
      "tpu.region"() ({
        %run_scoped3A = tpu.sem_alloc : memref<!tpu.dma_semaphore, #tpu.memory_space<semaphore_mem>>
        %dma_start3A_25 = tpu.memref_slice %arg3[%add3A_20] : memref<323584xi32, #tpu.memory_space<hbm>> -> memref<128xi32, #tpu.memory_space<hbm>>
        %dma_start3A_26 = tpu.memref_slice %arg3[%add3A_20] : memref<323584xi32, #tpu.memory_space<hbm>> -> memref<128xi32, #tpu.memory_space<hbm>>
        tpu.enqueue_dma source(%dma_start3A_26 : memref<128xi32, #tpu.memory_space<hbm>>) target(%arg8 : memref<128xi32, #tpu.memory_space<vmem>>) target_semaphore(%run_scoped3A : memref<!tpu.dma_semaphore, #tpu.memory_space<semaphore_mem>>)
        %dma_wait3A_27 = tpu.memref_slice %arg3[%add3A_20] : memref<323584xi32, #tpu.memory_space<hbm>> -> memref<128xi32, #tpu.memory_space<hbm>>
        %dma_wait3A_28 = tpu.memref_slice %arg3[%add3A_20] : memref<323584xi32, #tpu.memory_space<hbm>> -> memref<128xi32, #tpu.memory_space<hbm>>
        tpu.wait_dma2 semaphore(%run_scoped3A : memref<!tpu.dma_semaphore, #tpu.memory_space<semaphore_mem>>) src(%dma_wait3A_28 : memref<128xi32, #tpu.memory_space<hbm>>) dst(%arg8 : memref<128xi32, #tpu.memory_space<vmem>>)
        tpu.yield
      }) : () -> ()
      "tpu.region"() ({
        %run_scoped3A = tpu.sem_alloc : memref<!tpu.dma_semaphore, #tpu.memory_space<semaphore_mem>>
        %dma_start3A_25 = tpu.memref_slice %arg4[%add3A_20] : memref<323584xi32, #tpu.memory_space<hbm>> -> memref<128xi32, #tpu.memory_space<hbm>>
        %dma_start3A_26 = tpu.memref_slice %arg4[%add3A_20] : memref<323584xi32, #tpu.memory_space<hbm>> -> memref<128xi32, #tpu.memory_space<hbm>>
        tpu.enqueue_dma source(%dma_start3A_26 : memref<128xi32, #tpu.memory_space<hbm>>) target(%arg9 : memref<128xi32, #tpu.memory_space<vmem>>) target_semaphore(%run_scoped3A : memref<!tpu.dma_semaphore, #tpu.memory_space<semaphore_mem>>)
        %dma_wait3A_27 = tpu.memref_slice %arg4[%add3A_20] : memref<323584xi32, #tpu.memory_space<hbm>> -> memref<128xi32, #tpu.memory_space<hbm>>
        %dma_wait3A_28 = tpu.memref_slice %arg4[%add3A_20] : memref<323584xi32, #tpu.memory_space<hbm>> -> memref<128xi32, #tpu.memory_space<hbm>>
        tpu.wait_dma2 semaphore(%run_scoped3A : memref<!tpu.dma_semaphore, #tpu.memory_space<semaphore_mem>>) src(%dma_wait3A_28 : memref<128xi32, #tpu.memory_space<hbm>>) dst(%arg9 : memref<128xi32, #tpu.memory_space<vmem>>)
        tpu.yield
      }) : () -> ()
      %dma_start3A = arith.constant 0 : i32
      %dma_start3A_21 = arith.constant 0 : i32
      %dma_start3A_22 = tpu.memref_slice %arg2[%dma_start3A, %dma_start3A_21] : memref<10112x128xf32, #tpu.memory_space<hbm>> -> memref<10112x128xf32, #tpu.memory_space<hbm>>
      tpu.enqueue_indirect_dma source(%dma_start3A_22 : memref<10112x128xf32, #tpu.memory_space<hbm>>) target(%arg10 : memref<128x128xf32, #tpu.memory_space<vmem>>) offsets(%arg8 : memref<128xi32, #tpu.memory_space<vmem>>) semaphore(%arg11 : memref<!tpu.dma_semaphore, #tpu.memory_space<semaphore_mem>>)
      %dma_wait3A = arith.constant 0 : i32
      %dma_wait3A_23 = arith.constant 0 : i32
      %dma_wait3A_24 = tpu.memref_slice %arg2[%dma_wait3A, %dma_wait3A_23] : memref<10112x128xf32, #tpu.memory_space<hbm>> -> memref<10112x128xf32, #tpu.memory_space<hbm>>
      tpu.wait_indirect_dma semaphore(%arg11 : memref<!tpu.dma_semaphore, #tpu.memory_space<semaphore_mem>>) src(%dma_wait3A_24 : memref<10112x128xf32, #tpu.memory_space<hbm>>) dst(%arg10 : memref<128x128xf32, #tpu.memory_space<vmem>>)
      "tpu.region"() ({
        %run_scoped3A = tpu.sem_alloc : memref<!tpu.dma_semaphore, #tpu.memory_space<semaphore_mem>>
        %dma_start3A_25 = arith.constant 0 : i32
        %dma_start3A_26 = arith.constant 0 : i32
        %dma_start3A_27 = tpu.memref_slice %arg7[%dma_start3A_25, %dma_start3A_26] : memref<10112x128xf32, #tpu.memory_space<vmem_shared>> -> memref<10112x128xf32, #tpu.memory_space<vmem_shared>>
        tpu.enqueue_indirect_dma source(%arg10 : memref<128x128xf32, #tpu.memory_space<vmem>>) target(%dma_start3A_27 : memref<10112x128xf32, #tpu.memory_space<vmem_shared>>) offsets(%arg9 : memref<128xi32, #tpu.memory_space<vmem>>) semaphore(%run_scoped3A : memref<!tpu.dma_semaphore, #tpu.memory_space<semaphore_mem>>) {add = true}
        %dma_wait3A_28 = arith.constant 0 : i32
        %dma_wait3A_29 = arith.constant 0 : i32
        %dma_wait3A_30 = tpu.memref_slice %arg7[%dma_wait3A_28, %dma_wait3A_29] : memref<10112x128xf32, #tpu.memory_space<vmem_shared>> -> memref<10112x128xf32, #tpu.memory_space<vmem_shared>>
        tpu.wait_indirect_dma semaphore(%run_scoped3A : memref<!tpu.dma_semaphore, #tpu.memory_space<semaphore_mem>>) src(%arg10 : memref<128x128xf32, #tpu.memory_space<vmem>>) dst(%dma_wait3A_30 : memref<10112x128xf32, #tpu.memory_space<vmem_shared>>)
        tpu.yield
      }) : () -> ()
    }
    %scan3A_9 = arith.constant 79 : i32
    %barrier3A_10 = arith.constant 0 : index
    tpu.barrier barrier_id(%barrier3A_10)
    %mul3A_11 = arith.constant 632 : i32
    %mul3A_12 = arith.muli %arg1, %mul3A_11 : i32
    %mul3A_13 = arith.constant 632 : i32
    %mul3A_14 = arith.muli %arg1, %mul3A_13 : i32
    "tpu.region"() ({
      %run_scoped3A = tpu.sem_alloc : memref<!tpu.dma_semaphore, #tpu.memory_space<semaphore_mem>>
      %dma_start3A = arith.constant 0 : i32
      %dma_start3A_15 = tpu.memref_slice %arg6[%arg0, %mul3A_14, %dma_start3A] : memref<2x10112x128xf32, #tpu.memory_space<hbm>> -> memref<1x632x128xf32, #tpu.memory_space<hbm>>
      %dma_start3A_16 = tpu.memref_squeeze %dma_start3A_15 : memref<1x632x128xf32, #tpu.memory_space<hbm>> -> memref<632x128xf32, #tpu.memory_space<hbm>>
      %dma_start3A_17 = arith.constant 0 : i32
      %dma_start3A_18 = tpu.memref_slice %arg7[%mul3A_12, %dma_start3A_17] : memref<10112x128xf32, #tpu.memory_space<vmem_shared>> -> memref<632x128xf32, #tpu.memory_space<vmem_shared>>
      tpu.enqueue_dma source(%dma_start3A_18 : memref<632x128xf32, #tpu.memory_space<vmem_shared>>) target(%dma_start3A_16 : memref<632x128xf32, #tpu.memory_space<hbm>>) target_semaphore(%run_scoped3A : memref<!tpu.dma_semaphore, #tpu.memory_space<semaphore_mem>>)
      %dma_wait3A = arith.constant 0 : i32
      %dma_wait3A_19 = tpu.memref_slice %arg6[%arg0, %mul3A_14, %dma_wait3A] : memref<2x10112x128xf32, #tpu.memory_space<hbm>> -> memref<1x632x128xf32, #tpu.memory_space<hbm>>
      %dma_wait3A_20 = tpu.memref_squeeze %dma_wait3A_19 : memref<1x632x128xf32, #tpu.memory_space<hbm>> -> memref<632x128xf32, #tpu.memory_space<hbm>>
      %dma_wait3A_21 = arith.constant 0 : i32
      %dma_wait3A_22 = tpu.memref_slice %arg7[%mul3A_12, %dma_wait3A_21] : memref<10112x128xf32, #tpu.memory_space<vmem_shared>> -> memref<632x128xf32, #tpu.memory_space<vmem_shared>>
      tpu.wait_dma2 semaphore(%run_scoped3A : memref<!tpu.dma_semaphore, #tpu.memory_space<semaphore_mem>>) src(%dma_wait3A_22 : memref<632x128xf32, #tpu.memory_space<vmem_shared>>) dst(%dma_wait3A_20 : memref<632x128xf32, #tpu.memory_space<hbm>>)
      tpu.yield
    }) : () -> ()
    return
  }
}

#map = affine_map<(d0, d1) -> (0, 0)>
#map1 = affine_map<(d0, d1) -> (0)>
#map2 = affine_map<(d0, d1) -> (0, 0, 0)>
module attributes {stable_mosaic.version = 14 : i64} {
  func.func @_scatter_body(%arg0: i32, %arg1: i32, %arg2: memref<10112x128xf32, #tpu.memory_space<hbm>>, %arg3: memref<323584xi32, #tpu.memory_space<hbm>>, %arg4: memref<323584xi32, #tpu.memory_space<hbm>>, %arg5: memref<10112x128xf32, #tpu.memory_space<hbm>>, %arg6: memref<2x10112x128xf32, #tpu.memory_space<hbm>>, %arg7: memref<10112x128xf32, #tpu.memory_space<vmem_shared>>, %arg8: memref<128xi32, #tpu.memory_space<vmem>>, %arg9: memref<128xi32, #tpu.memory_space<vmem>>, %arg10: memref<128x128xf32, #tpu.memory_space<vmem>>, %arg11: memref<!tpu.dma_semaphore, #tpu.memory_space<semaphore_mem>>) attributes {dimension_semantics = [#tpu.dimension_semantics<core_parallel>, #tpu.dimension_semantics<subcore_parallel>], iteration_bounds = array<i64: 2, 16>, scalar_prefetch = 0 : i64, scratch_operands = 5 : i64, tpu.core_type = #tpu.core_type<sc_vector_subcore>, window_params = [{transform_indices = #map}, {transform_indices = #map1}, {transform_indices = #map1}, {transform_indices = #map}, {transform_indices = #map2}]} {
    %mul3A = arith.constant 2 : i32
    %mul3A_0 = arith.muli %arg1, %mul3A : i32
    %add3A = arith.addi %mul3A_0, %arg0 : i32
    %mul3A_1 = arith.constant 632 : i32
    %mul3A_2 = arith.muli %arg1, %mul3A_1 : i32
    %mul3A_3 = arith.constant 632 : i32
    %mul3A_4 = arith.muli %arg1, %mul3A_3 : i32
    "tpu.region"() ({
      %run_scoped3A = tpu.sem_alloc : memref<!tpu.dma_semaphore, #tpu.memory_space<semaphore_mem>>
      %dma_start3A = arith.constant 0 : i32
      %dma_start3A_15 = tpu.memref_slice %arg7[%mul3A_4, %dma_start3A] : memref<10112x128xf32, #tpu.memory_space<vmem_shared>> -> memref<632x128xf32, #tpu.memory_space<vmem_shared>>
      %dma_start3A_16 = arith.constant 0 : i32
      %dma_start3A_17 = tpu.memref_slice %arg5[%mul3A_2, %dma_start3A_16] : memref<10112x128xf32, #tpu.memory_space<hbm>> -> memref<632x128xf32, #tpu.memory_space<hbm>>
      tpu.enqueue_dma source(%dma_start3A_17 : memref<632x128xf32, #tpu.memory_space<hbm>>) target(%dma_start3A_15 : memref<632x128xf32, #tpu.memory_space<vmem_shared>>) target_semaphore(%run_scoped3A : memref<!tpu.dma_semaphore, #tpu.memory_space<semaphore_mem>>)
      %dma_wait3A = arith.constant 0 : i32
      %dma_wait3A_18 = tpu.memref_slice %arg7[%mul3A_4, %dma_wait3A] : memref<10112x128xf32, #tpu.memory_space<vmem_shared>> -> memref<632x128xf32, #tpu.memory_space<vmem_shared>>
      %dma_wait3A_19 = arith.constant 0 : i32
      %dma_wait3A_20 = tpu.memref_slice %arg5[%mul3A_2, %dma_wait3A_19] : memref<10112x128xf32, #tpu.memory_space<hbm>> -> memref<632x128xf32, #tpu.memory_space<hbm>>
      tpu.wait_dma2 semaphore(%run_scoped3A : memref<!tpu.dma_semaphore, #tpu.memory_space<semaphore_mem>>) src(%dma_wait3A_20 : memref<632x128xf32, #tpu.memory_space<hbm>>) dst(%dma_wait3A_18 : memref<632x128xf32, #tpu.memory_space<vmem_shared>>)
      tpu.yield
    }) : () -> ()
    %barrier3A = arith.constant 0 : index
    tpu.barrier barrier_id(%barrier3A)
    %scan3A = arith.constant 0 : i32
    %scan3A_5 = arith.constant 0 : i32
    %scan3A_6 = arith.constant 79 : i32
    %scan3A_7 = arith.addi %scan3A_5, %scan3A_6 : i32
    %scan3A_8 = arith.constant 1 : i32
    scf.for %scan3A_15 = %scan3A_5 to %scan3A_7 step %scan3A_8  : i32 {
      %mul3A_16 = arith.constant 10112 : i32
      %mul3A_17 = arith.muli %add3A, %mul3A_16 : i32
      %mul3A_18 = arith.constant 128 : i32
      %mul3A_19 = arith.muli %scan3A_15, %mul3A_18 : i32
      %add3A_20 = arith.addi %mul3A_17, %mul3A_19 : i32
      "tpu.region"() ({
        %run_scoped3A = tpu.sem_alloc : memref<!tpu.dma_semaphore, #tpu.memory_space<semaphore_mem>>
        %dma_start3A_25 = tpu.memref_slice %arg3[%add3A_20] : memref<323584xi32, #tpu.memory_space<hbm>> -> memref<128xi32, #tpu.memory_space<hbm>>
        %dma_start3A_26 = tpu.memref_slice %arg3[%add3A_20] : memref<323584xi32, #tpu.memory_space<hbm>> -> memref<128xi32, #tpu.memory_space<hbm>>
        tpu.enqueue_dma source(%dma_start3A_26 : memref<128xi32, #tpu.memory_space<hbm>>) target(%arg8 : memref<128xi32, #tpu.memory_space<vmem>>) target_semaphore(%run_scoped3A : memref<!tpu.dma_semaphore, #tpu.memory_space<semaphore_mem>>)
        %dma_wait3A_27 = tpu.memref_slice %arg3[%add3A_20] : memref<323584xi32, #tpu.memory_space<hbm>> -> memref<128xi32, #tpu.memory_space<hbm>>
        %dma_wait3A_28 = tpu.memref_slice %arg3[%add3A_20] : memref<323584xi32, #tpu.memory_space<hbm>> -> memref<128xi32, #tpu.memory_space<hbm>>
        tpu.wait_dma2 semaphore(%run_scoped3A : memref<!tpu.dma_semaphore, #tpu.memory_space<semaphore_mem>>) src(%dma_wait3A_28 : memref<128xi32, #tpu.memory_space<hbm>>) dst(%arg8 : memref<128xi32, #tpu.memory_space<vmem>>)
        tpu.yield
      }) : () -> ()
      "tpu.region"() ({
        %run_scoped3A = tpu.sem_alloc : memref<!tpu.dma_semaphore, #tpu.memory_space<semaphore_mem>>
        %dma_start3A_25 = tpu.memref_slice %arg4[%add3A_20] : memref<323584xi32, #tpu.memory_space<hbm>> -> memref<128xi32, #tpu.memory_space<hbm>>
        %dma_start3A_26 = tpu.memref_slice %arg4[%add3A_20] : memref<323584xi32, #tpu.memory_space<hbm>> -> memref<128xi32, #tpu.memory_space<hbm>>
        tpu.enqueue_dma source(%dma_start3A_26 : memref<128xi32, #tpu.memory_space<hbm>>) target(%arg9 : memref<128xi32, #tpu.memory_space<vmem>>) target_semaphore(%run_scoped3A : memref<!tpu.dma_semaphore, #tpu.memory_space<semaphore_mem>>)
        %dma_wait3A_27 = tpu.memref_slice %arg4[%add3A_20] : memref<323584xi32, #tpu.memory_space<hbm>> -> memref<128xi32, #tpu.memory_space<hbm>>
        %dma_wait3A_28 = tpu.memref_slice %arg4[%add3A_20] : memref<323584xi32, #tpu.memory_space<hbm>> -> memref<128xi32, #tpu.memory_space<hbm>>
        tpu.wait_dma2 semaphore(%run_scoped3A : memref<!tpu.dma_semaphore, #tpu.memory_space<semaphore_mem>>) src(%dma_wait3A_28 : memref<128xi32, #tpu.memory_space<hbm>>) dst(%arg9 : memref<128xi32, #tpu.memory_space<vmem>>)
        tpu.yield
      }) : () -> ()
      %dma_start3A = arith.constant 0 : i32
      %dma_start3A_21 = arith.constant 0 : i32
      %dma_start3A_22 = tpu.memref_slice %arg2[%dma_start3A, %dma_start3A_21] : memref<10112x128xf32, #tpu.memory_space<hbm>> -> memref<10112x128xf32, #tpu.memory_space<hbm>>
      tpu.enqueue_indirect_dma source(%dma_start3A_22 : memref<10112x128xf32, #tpu.memory_space<hbm>>) target(%arg10 : memref<128x128xf32, #tpu.memory_space<vmem>>) offsets(%arg8 : memref<128xi32, #tpu.memory_space<vmem>>) semaphore(%arg11 : memref<!tpu.dma_semaphore, #tpu.memory_space<semaphore_mem>>)
      %dma_wait3A = arith.constant 0 : i32
      %dma_wait3A_23 = arith.constant 0 : i32
      %dma_wait3A_24 = tpu.memref_slice %arg2[%dma_wait3A, %dma_wait3A_23] : memref<10112x128xf32, #tpu.memory_space<hbm>> -> memref<10112x128xf32, #tpu.memory_space<hbm>>
      tpu.wait_indirect_dma semaphore(%arg11 : memref<!tpu.dma_semaphore, #tpu.memory_space<semaphore_mem>>) src(%dma_wait3A_24 : memref<10112x128xf32, #tpu.memory_space<hbm>>) dst(%arg10 : memref<128x128xf32, #tpu.memory_space<vmem>>)
      "tpu.region"() ({
        %run_scoped3A = tpu.sem_alloc : memref<!tpu.dma_semaphore, #tpu.memory_space<semaphore_mem>>
        %dma_start3A_25 = arith.constant 0 : i32
        %dma_start3A_26 = arith.constant 0 : i32
        %dma_start3A_27 = tpu.memref_slice %arg7[%dma_start3A_25, %dma_start3A_26] : memref<10112x128xf32, #tpu.memory_space<vmem_shared>> -> memref<10112x128xf32, #tpu.memory_space<vmem_shared>>
        tpu.enqueue_indirect_dma source(%arg10 : memref<128x128xf32, #tpu.memory_space<vmem>>) target(%dma_start3A_27 : memref<10112x128xf32, #tpu.memory_space<vmem_shared>>) offsets(%arg9 : memref<128xi32, #tpu.memory_space<vmem>>) semaphore(%run_scoped3A : memref<!tpu.dma_semaphore, #tpu.memory_space<semaphore_mem>>) {add = true}
        %dma_wait3A_28 = arith.constant 0 : i32
        %dma_wait3A_29 = arith.constant 0 : i32
        %dma_wait3A_30 = tpu.memref_slice %arg7[%dma_wait3A_28, %dma_wait3A_29] : memref<10112x128xf32, #tpu.memory_space<vmem_shared>> -> memref<10112x128xf32, #tpu.memory_space<vmem_shared>>
        tpu.wait_indirect_dma semaphore(%run_scoped3A : memref<!tpu.dma_semaphore, #tpu.memory_space<semaphore_mem>>) src(%arg10 : memref<128x128xf32, #tpu.memory_space<vmem>>) dst(%dma_wait3A_30 : memref<10112x128xf32, #tpu.memory_space<vmem_shared>>)
        tpu.yield
      }) : () -> ()
    }
    %scan3A_9 = arith.constant 79 : i32
    %barrier3A_10 = arith.constant 0 : index
    tpu.barrier barrier_id(%barrier3A_10)
    %mul3A_11 = arith.constant 632 : i32
    %mul3A_12 = arith.muli %arg1, %mul3A_11 : i32
    %mul3A_13 = arith.constant 632 : i32
    %mul3A_14 = arith.muli %arg1, %mul3A_13 : i32
    "tpu.region"() ({
      %run_scoped3A = tpu.sem_alloc : memref<!tpu.dma_semaphore, #tpu.memory_space<semaphore_mem>>
      %dma_start3A = arith.constant 0 : i32
      %dma_start3A_15 = tpu.memref_slice %arg6[%arg0, %mul3A_14, %dma_start3A] : memref<2x10112x128xf32, #tpu.memory_space<hbm>> -> memref<1x632x128xf32, #tpu.memory_space<hbm>>
      %dma_start3A_16 = tpu.memref_squeeze %dma_start3A_15 : memref<1x632x128xf32, #tpu.memory_space<hbm>> -> memref<632x128xf32, #tpu.memory_space<hbm>>
      %dma_start3A_17 = arith.constant 0 : i32
      %dma_start3A_18 = tpu.memref_slice %arg7[%mul3A_12, %dma_start3A_17] : memref<10112x128xf32, #tpu.memory_space<vmem_shared>> -> memref<632x128xf32, #tpu.memory_space<vmem_shared>>
      tpu.enqueue_dma source(%dma_start3A_18 : memref<632x128xf32, #tpu.memory_space<vmem_shared>>) target(%dma_start3A_16 : memref<632x128xf32, #tpu.memory_space<hbm>>) target_semaphore(%run_scoped3A : memref<!tpu.dma_semaphore, #tpu.memory_space<semaphore_mem>>)
      %dma_wait3A = arith.constant 0 : i32
      %dma_wait3A_19 = tpu.memref_slice %arg6[%arg0, %mul3A_14, %dma_wait3A] : memref<2x10112x128xf32, #tpu.memory_space<hbm>> -> memref<1x632x128xf32, #tpu.memory_space<hbm>>
      %dma_wait3A_20 = tpu.memref_squeeze %dma_wait3A_19 : memref<1x632x128xf32, #tpu.memory_space<hbm>> -> memref<632x128xf32, #tpu.memory_space<hbm>>
      %dma_wait3A_21 = arith.constant 0 : i32
      %dma_wait3A_22 = tpu.memref_slice %arg7[%mul3A_12, %dma_wait3A_21] : memref<10112x128xf32, #tpu.memory_space<vmem_shared>> -> memref<632x128xf32, #tpu.memory_space<vmem_shared>>
      tpu.wait_dma2 semaphore(%run_scoped3A : memref<!tpu.dma_semaphore, #tpu.memory_space<semaphore_mem>>) src(%dma_wait3A_22 : memref<632x128xf32, #tpu.memory_space<vmem_shared>>) dst(%dma_wait3A_20 : memref<632x128xf32, #tpu.memory_space<hbm>>)
      tpu.yield
    }) : () -> ()
    return
  }
}

#map = affine_map<(d0, d1) -> (0, 0)>
#map1 = affine_map<(d0, d1) -> (0)>
#map2 = affine_map<(d0, d1) -> (0, 0, 0)>
module attributes {stable_mosaic.version = 14 : i64} {
  func.func @_scatter_body(%arg0: i32, %arg1: i32, %arg2: memref<10112x128xf32, #tpu.memory_space<hbm>>, %arg3: memref<323584xi32, #tpu.memory_space<hbm>>, %arg4: memref<323584xi32, #tpu.memory_space<hbm>>, %arg5: memref<10112x128xf32, #tpu.memory_space<hbm>>, %arg6: memref<2x10112x128xf32, #tpu.memory_space<hbm>>, %arg7: memref<10112x128xf32, #tpu.memory_space<vmem_shared>>, %arg8: memref<128xi32, #tpu.memory_space<vmem>>, %arg9: memref<128xi32, #tpu.memory_space<vmem>>, %arg10: memref<128x128xf32, #tpu.memory_space<vmem>>, %arg11: memref<!tpu.dma_semaphore, #tpu.memory_space<semaphore_mem>>) attributes {dimension_semantics = [#tpu.dimension_semantics<core_parallel>, #tpu.dimension_semantics<subcore_parallel>], iteration_bounds = array<i64: 2, 16>, scalar_prefetch = 0 : i64, scratch_operands = 5 : i64, tpu.core_type = #tpu.core_type<sc_vector_subcore>, window_params = [{transform_indices = #map}, {transform_indices = #map1}, {transform_indices = #map1}, {transform_indices = #map}, {transform_indices = #map2}]} {
    %mul3A = arith.constant 2 : i32
    %mul3A_0 = arith.muli %arg1, %mul3A : i32
    %add3A = arith.addi %mul3A_0, %arg0 : i32
    %mul3A_1 = arith.constant 632 : i32
    %mul3A_2 = arith.muli %arg1, %mul3A_1 : i32
    %mul3A_3 = arith.constant 632 : i32
    %mul3A_4 = arith.muli %arg1, %mul3A_3 : i32
    "tpu.region"() ({
      %run_scoped3A = tpu.sem_alloc : memref<!tpu.dma_semaphore, #tpu.memory_space<semaphore_mem>>
      %dma_start3A = arith.constant 0 : i32
      %dma_start3A_15 = tpu.memref_slice %arg7[%mul3A_4, %dma_start3A] : memref<10112x128xf32, #tpu.memory_space<vmem_shared>> -> memref<632x128xf32, #tpu.memory_space<vmem_shared>>
      %dma_start3A_16 = arith.constant 0 : i32
      %dma_start3A_17 = tpu.memref_slice %arg5[%mul3A_2, %dma_start3A_16] : memref<10112x128xf32, #tpu.memory_space<hbm>> -> memref<632x128xf32, #tpu.memory_space<hbm>>
      tpu.enqueue_dma source(%dma_start3A_17 : memref<632x128xf32, #tpu.memory_space<hbm>>) target(%dma_start3A_15 : memref<632x128xf32, #tpu.memory_space<vmem_shared>>) target_semaphore(%run_scoped3A : memref<!tpu.dma_semaphore, #tpu.memory_space<semaphore_mem>>)
      %dma_wait3A = arith.constant 0 : i32
      %dma_wait3A_18 = tpu.memref_slice %arg7[%mul3A_4, %dma_wait3A] : memref<10112x128xf32, #tpu.memory_space<vmem_shared>> -> memref<632x128xf32, #tpu.memory_space<vmem_shared>>
      %dma_wait3A_19 = arith.constant 0 : i32
      %dma_wait3A_20 = tpu.memref_slice %arg5[%mul3A_2, %dma_wait3A_19] : memref<10112x128xf32, #tpu.memory_space<hbm>> -> memref<632x128xf32, #tpu.memory_space<hbm>>
      tpu.wait_dma2 semaphore(%run_scoped3A : memref<!tpu.dma_semaphore, #tpu.memory_space<semaphore_mem>>) src(%dma_wait3A_20 : memref<632x128xf32, #tpu.memory_space<hbm>>) dst(%dma_wait3A_18 : memref<632x128xf32, #tpu.memory_space<vmem_shared>>)
      tpu.yield
    }) : () -> ()
    %barrier3A = arith.constant 0 : index
    tpu.barrier barrier_id(%barrier3A)
    %scan3A = arith.constant 0 : i32
    %scan3A_5 = arith.constant 0 : i32
    %scan3A_6 = arith.constant 79 : i32
    %scan3A_7 = arith.addi %scan3A_5, %scan3A_6 : i32
    %scan3A_8 = arith.constant 1 : i32
    scf.for %scan3A_15 = %scan3A_5 to %scan3A_7 step %scan3A_8  : i32 {
      %mul3A_16 = arith.constant 10112 : i32
      %mul3A_17 = arith.muli %add3A, %mul3A_16 : i32
      %mul3A_18 = arith.constant 128 : i32
      %mul3A_19 = arith.muli %scan3A_15, %mul3A_18 : i32
      %add3A_20 = arith.addi %mul3A_17, %mul3A_19 : i32
      "tpu.region"() ({
        %run_scoped3A = tpu.sem_alloc : memref<!tpu.dma_semaphore, #tpu.memory_space<semaphore_mem>>
        %dma_start3A_25 = tpu.memref_slice %arg3[%add3A_20] : memref<323584xi32, #tpu.memory_space<hbm>> -> memref<128xi32, #tpu.memory_space<hbm>>
        %dma_start3A_26 = tpu.memref_slice %arg3[%add3A_20] : memref<323584xi32, #tpu.memory_space<hbm>> -> memref<128xi32, #tpu.memory_space<hbm>>
        tpu.enqueue_dma source(%dma_start3A_26 : memref<128xi32, #tpu.memory_space<hbm>>) target(%arg8 : memref<128xi32, #tpu.memory_space<vmem>>) target_semaphore(%run_scoped3A : memref<!tpu.dma_semaphore, #tpu.memory_space<semaphore_mem>>)
        %dma_wait3A_27 = tpu.memref_slice %arg3[%add3A_20] : memref<323584xi32, #tpu.memory_space<hbm>> -> memref<128xi32, #tpu.memory_space<hbm>>
        %dma_wait3A_28 = tpu.memref_slice %arg3[%add3A_20] : memref<323584xi32, #tpu.memory_space<hbm>> -> memref<128xi32, #tpu.memory_space<hbm>>
        tpu.wait_dma2 semaphore(%run_scoped3A : memref<!tpu.dma_semaphore, #tpu.memory_space<semaphore_mem>>) src(%dma_wait3A_28 : memref<128xi32, #tpu.memory_space<hbm>>) dst(%arg8 : memref<128xi32, #tpu.memory_space<vmem>>)
        tpu.yield
      }) : () -> ()
      "tpu.region"() ({
        %run_scoped3A = tpu.sem_alloc : memref<!tpu.dma_semaphore, #tpu.memory_space<semaphore_mem>>
        %dma_start3A_25 = tpu.memref_slice %arg4[%add3A_20] : memref<323584xi32, #tpu.memory_space<hbm>> -> memref<128xi32, #tpu.memory_space<hbm>>
        %dma_start3A_26 = tpu.memref_slice %arg4[%add3A_20] : memref<323584xi32, #tpu.memory_space<hbm>> -> memref<128xi32, #tpu.memory_space<hbm>>
        tpu.enqueue_dma source(%dma_start3A_26 : memref<128xi32, #tpu.memory_space<hbm>>) target(%arg9 : memref<128xi32, #tpu.memory_space<vmem>>) target_semaphore(%run_scoped3A : memref<!tpu.dma_semaphore, #tpu.memory_space<semaphore_mem>>)
        %dma_wait3A_27 = tpu.memref_slice %arg4[%add3A_20] : memref<323584xi32, #tpu.memory_space<hbm>> -> memref<128xi32, #tpu.memory_space<hbm>>
        %dma_wait3A_28 = tpu.memref_slice %arg4[%add3A_20] : memref<323584xi32, #tpu.memory_space<hbm>> -> memref<128xi32, #tpu.memory_space<hbm>>
        tpu.wait_dma2 semaphore(%run_scoped3A : memref<!tpu.dma_semaphore, #tpu.memory_space<semaphore_mem>>) src(%dma_wait3A_28 : memref<128xi32, #tpu.memory_space<hbm>>) dst(%arg9 : memref<128xi32, #tpu.memory_space<vmem>>)
        tpu.yield
      }) : () -> ()
      %dma_start3A = arith.constant 0 : i32
      %dma_start3A_21 = arith.constant 0 : i32
      %dma_start3A_22 = tpu.memref_slice %arg2[%dma_start3A, %dma_start3A_21] : memref<10112x128xf32, #tpu.memory_space<hbm>> -> memref<10112x128xf32, #tpu.memory_space<hbm>>
      tpu.enqueue_indirect_dma source(%dma_start3A_22 : memref<10112x128xf32, #tpu.memory_space<hbm>>) target(%arg10 : memref<128x128xf32, #tpu.memory_space<vmem>>) offsets(%arg8 : memref<128xi32, #tpu.memory_space<vmem>>) semaphore(%arg11 : memref<!tpu.dma_semaphore, #tpu.memory_space<semaphore_mem>>)
      %dma_wait3A = arith.constant 0 : i32
      %dma_wait3A_23 = arith.constant 0 : i32
      %dma_wait3A_24 = tpu.memref_slice %arg2[%dma_wait3A, %dma_wait3A_23] : memref<10112x128xf32, #tpu.memory_space<hbm>> -> memref<10112x128xf32, #tpu.memory_space<hbm>>
      tpu.wait_indirect_dma semaphore(%arg11 : memref<!tpu.dma_semaphore, #tpu.memory_space<semaphore_mem>>) src(%dma_wait3A_24 : memref<10112x128xf32, #tpu.memory_space<hbm>>) dst(%arg10 : memref<128x128xf32, #tpu.memory_space<vmem>>)
      "tpu.region"() ({
        %run_scoped3A = tpu.sem_alloc : memref<!tpu.dma_semaphore, #tpu.memory_space<semaphore_mem>>
        %dma_start3A_25 = arith.constant 0 : i32
        %dma_start3A_26 = arith.constant 0 : i32
        %dma_start3A_27 = tpu.memref_slice %arg7[%dma_start3A_25, %dma_start3A_26] : memref<10112x128xf32, #tpu.memory_space<vmem_shared>> -> memref<10112x128xf32, #tpu.memory_space<vmem_shared>>
        tpu.enqueue_indirect_dma source(%arg10 : memref<128x128xf32, #tpu.memory_space<vmem>>) target(%dma_start3A_27 : memref<10112x128xf32, #tpu.memory_space<vmem_shared>>) offsets(%arg9 : memref<128xi32, #tpu.memory_space<vmem>>) semaphore(%run_scoped3A : memref<!tpu.dma_semaphore, #tpu.memory_space<semaphore_mem>>) {add = true}
        %dma_wait3A_28 = arith.constant 0 : i32
        %dma_wait3A_29 = arith.constant 0 : i32
        %dma_wait3A_30 = tpu.memref_slice %arg7[%dma_wait3A_28, %dma_wait3A_29] : memref<10112x128xf32, #tpu.memory_space<vmem_shared>> -> memref<10112x128xf32, #tpu.memory_space<vmem_shared>>
        tpu.wait_indirect_dma semaphore(%run_scoped3A : memref<!tpu.dma_semaphore, #tpu.memory_space<semaphore_mem>>) src(%arg10 : memref<128x128xf32, #tpu.memory_space<vmem>>) dst(%dma_wait3A_30 : memref<10112x128xf32, #tpu.memory_space<vmem_shared>>)
        tpu.yield
      }) : () -> ()
    }
    %scan3A_9 = arith.constant 79 : i32
    %barrier3A_10 = arith.constant 0 : index
    tpu.barrier barrier_id(%barrier3A_10)
    %mul3A_11 = arith.constant 632 : i32
    %mul3A_12 = arith.muli %arg1, %mul3A_11 : i32
    %mul3A_13 = arith.constant 632 : i32
    %mul3A_14 = arith.muli %arg1, %mul3A_13 : i32
    "tpu.region"() ({
      %run_scoped3A = tpu.sem_alloc : memref<!tpu.dma_semaphore, #tpu.memory_space<semaphore_mem>>
      %dma_start3A = arith.constant 0 : i32
      %dma_start3A_15 = tpu.memref_slice %arg6[%arg0, %mul3A_14, %dma_start3A] : memref<2x10112x128xf32, #tpu.memory_space<hbm>> -> memref<1x632x128xf32, #tpu.memory_space<hbm>>
      %dma_start3A_16 = tpu.memref_squeeze %dma_start3A_15 : memref<1x632x128xf32, #tpu.memory_space<hbm>> -> memref<632x128xf32, #tpu.memory_space<hbm>>
      %dma_start3A_17 = arith.constant 0 : i32
      %dma_start3A_18 = tpu.memref_slice %arg7[%mul3A_12, %dma_start3A_17] : memref<10112x128xf32, #tpu.memory_space<vmem_shared>> -> memref<632x128xf32, #tpu.memory_space<vmem_shared>>
      tpu.enqueue_dma source(%dma_start3A_18 : memref<632x128xf32, #tpu.memory_space<vmem_shared>>) target(%dma_start3A_16 : memref<632x128xf32, #tpu.memory_space<hbm>>) target_semaphore(%run_scoped3A : memref<!tpu.dma_semaphore, #tpu.memory_space<semaphore_mem>>)
      %dma_wait3A = arith.constant 0 : i32
      %dma_wait3A_19 = tpu.memref_slice %arg6[%arg0, %mul3A_14, %dma_wait3A] : memref<2x10112x128xf32, #tpu.memory_space<hbm>> -> memref<1x632x128xf32, #tpu.memory_space<hbm>>
      %dma_wait3A_20 = tpu.memref_squeeze %dma_wait3A_19 : memref<1x632x128xf32, #tpu.memory_space<hbm>> -> memref<632x128xf32, #tpu.memory_space<hbm>>
      %dma_wait3A_21 = arith.constant 0 : i32
      %dma_wait3A_22 = tpu.memref_slice %arg7[%mul3A_12, %dma_wait3A_21] : memref<10112x128xf32, #tpu.memory_space<vmem_shared>> -> memref<632x128xf32, #tpu.memory_space<vmem_shared>>
      tpu.wait_dma2 semaphore(%run_scoped3A : memref<!tpu.dma_semaphore, #tpu.memory_space<semaphore_mem>>) src(%dma_wait3A_22 : memref<632x128xf32, #tpu.memory_space<vmem_shared>>) dst(%dma_wait3A_20 : memref<632x128xf32, #tpu.memory_space<hbm>>)
      tpu.yield
    }) : () -> ()
    return
  }
}

#map = affine_map<(d0, d1) -> (0, 0)>
#map1 = affine_map<(d0, d1) -> (0)>
#map2 = affine_map<(d0, d1) -> (0, 0, 0)>
module attributes {stable_mosaic.version = 14 : i64} {
  func.func @_scatter_body(%arg0: i32, %arg1: i32, %arg2: memref<10112x128xf32, #tpu.memory_space<hbm>>, %arg3: memref<323584xi32, #tpu.memory_space<hbm>>, %arg4: memref<323584xi32, #tpu.memory_space<hbm>>, %arg5: memref<10112x128xf32, #tpu.memory_space<hbm>>, %arg6: memref<2x10112x128xf32, #tpu.memory_space<hbm>>, %arg7: memref<10112x128xf32, #tpu.memory_space<vmem_shared>>, %arg8: memref<128xi32, #tpu.memory_space<vmem>>, %arg9: memref<128xi32, #tpu.memory_space<vmem>>, %arg10: memref<128x128xf32, #tpu.memory_space<vmem>>, %arg11: memref<!tpu.dma_semaphore, #tpu.memory_space<semaphore_mem>>) attributes {dimension_semantics = [#tpu.dimension_semantics<core_parallel>, #tpu.dimension_semantics<subcore_parallel>], iteration_bounds = array<i64: 2, 16>, scalar_prefetch = 0 : i64, scratch_operands = 5 : i64, tpu.core_type = #tpu.core_type<sc_vector_subcore>, window_params = [{transform_indices = #map}, {transform_indices = #map1}, {transform_indices = #map1}, {transform_indices = #map}, {transform_indices = #map2}]} {
    %mul3A = arith.constant 2 : i32
    %mul3A_0 = arith.muli %arg1, %mul3A : i32
    %add3A = arith.addi %mul3A_0, %arg0 : i32
    %mul3A_1 = arith.constant 632 : i32
    %mul3A_2 = arith.muli %arg1, %mul3A_1 : i32
    %mul3A_3 = arith.constant 632 : i32
    %mul3A_4 = arith.muli %arg1, %mul3A_3 : i32
    "tpu.region"() ({
      %run_scoped3A = tpu.sem_alloc : memref<!tpu.dma_semaphore, #tpu.memory_space<semaphore_mem>>
      %dma_start3A = arith.constant 0 : i32
      %dma_start3A_15 = tpu.memref_slice %arg7[%mul3A_4, %dma_start3A] : memref<10112x128xf32, #tpu.memory_space<vmem_shared>> -> memref<632x128xf32, #tpu.memory_space<vmem_shared>>
      %dma_start3A_16 = arith.constant 0 : i32
      %dma_start3A_17 = tpu.memref_slice %arg5[%mul3A_2, %dma_start3A_16] : memref<10112x128xf32, #tpu.memory_space<hbm>> -> memref<632x128xf32, #tpu.memory_space<hbm>>
      tpu.enqueue_dma source(%dma_start3A_17 : memref<632x128xf32, #tpu.memory_space<hbm>>) target(%dma_start3A_15 : memref<632x128xf32, #tpu.memory_space<vmem_shared>>) target_semaphore(%run_scoped3A : memref<!tpu.dma_semaphore, #tpu.memory_space<semaphore_mem>>)
      %dma_wait3A = arith.constant 0 : i32
      %dma_wait3A_18 = tpu.memref_slice %arg7[%mul3A_4, %dma_wait3A] : memref<10112x128xf32, #tpu.memory_space<vmem_shared>> -> memref<632x128xf32, #tpu.memory_space<vmem_shared>>
      %dma_wait3A_19 = arith.constant 0 : i32
      %dma_wait3A_20 = tpu.memref_slice %arg5[%mul3A_2, %dma_wait3A_19] : memref<10112x128xf32, #tpu.memory_space<hbm>> -> memref<632x128xf32, #tpu.memory_space<hbm>>
      tpu.wait_dma2 semaphore(%run_scoped3A : memref<!tpu.dma_semaphore, #tpu.memory_space<semaphore_mem>>) src(%dma_wait3A_20 : memref<632x128xf32, #tpu.memory_space<hbm>>) dst(%dma_wait3A_18 : memref<632x128xf32, #tpu.memory_space<vmem_shared>>)
      tpu.yield
    }) : () -> ()
    %barrier3A = arith.constant 0 : index
    tpu.barrier barrier_id(%barrier3A)
    %scan3A = arith.constant 0 : i32
    %scan3A_5 = arith.constant 0 : i32
    %scan3A_6 = arith.constant 79 : i32
    %scan3A_7 = arith.addi %scan3A_5, %scan3A_6 : i32
    %scan3A_8 = arith.constant 1 : i32
    scf.for %scan3A_15 = %scan3A_5 to %scan3A_7 step %scan3A_8  : i32 {
      %mul3A_16 = arith.constant 10112 : i32
      %mul3A_17 = arith.muli %add3A, %mul3A_16 : i32
      %mul3A_18 = arith.constant 128 : i32
      %mul3A_19 = arith.muli %scan3A_15, %mul3A_18 : i32
      %add3A_20 = arith.addi %mul3A_17, %mul3A_19 : i32
      "tpu.region"() ({
        %run_scoped3A = tpu.sem_alloc : memref<!tpu.dma_semaphore, #tpu.memory_space<semaphore_mem>>
        %dma_start3A_25 = tpu.memref_slice %arg3[%add3A_20] : memref<323584xi32, #tpu.memory_space<hbm>> -> memref<128xi32, #tpu.memory_space<hbm>>
        %dma_start3A_26 = tpu.memref_slice %arg3[%add3A_20] : memref<323584xi32, #tpu.memory_space<hbm>> -> memref<128xi32, #tpu.memory_space<hbm>>
        tpu.enqueue_dma source(%dma_start3A_26 : memref<128xi32, #tpu.memory_space<hbm>>) target(%arg8 : memref<128xi32, #tpu.memory_space<vmem>>) target_semaphore(%run_scoped3A : memref<!tpu.dma_semaphore, #tpu.memory_space<semaphore_mem>>)
        %dma_wait3A_27 = tpu.memref_slice %arg3[%add3A_20] : memref<323584xi32, #tpu.memory_space<hbm>> -> memref<128xi32, #tpu.memory_space<hbm>>
        %dma_wait3A_28 = tpu.memref_slice %arg3[%add3A_20] : memref<323584xi32, #tpu.memory_space<hbm>> -> memref<128xi32, #tpu.memory_space<hbm>>
        tpu.wait_dma2 semaphore(%run_scoped3A : memref<!tpu.dma_semaphore, #tpu.memory_space<semaphore_mem>>) src(%dma_wait3A_28 : memref<128xi32, #tpu.memory_space<hbm>>) dst(%arg8 : memref<128xi32, #tpu.memory_space<vmem>>)
        tpu.yield
      }) : () -> ()
      "tpu.region"() ({
        %run_scoped3A = tpu.sem_alloc : memref<!tpu.dma_semaphore, #tpu.memory_space<semaphore_mem>>
        %dma_start3A_25 = tpu.memref_slice %arg4[%add3A_20] : memref<323584xi32, #tpu.memory_space<hbm>> -> memref<128xi32, #tpu.memory_space<hbm>>
        %dma_start3A_26 = tpu.memref_slice %arg4[%add3A_20] : memref<323584xi32, #tpu.memory_space<hbm>> -> memref<128xi32, #tpu.memory_space<hbm>>
        tpu.enqueue_dma source(%dma_start3A_26 : memref<128xi32, #tpu.memory_space<hbm>>) target(%arg9 : memref<128xi32, #tpu.memory_space<vmem>>) target_semaphore(%run_scoped3A : memref<!tpu.dma_semaphore, #tpu.memory_space<semaphore_mem>>)
        %dma_wait3A_27 = tpu.memref_slice %arg4[%add3A_20] : memref<323584xi32, #tpu.memory_space<hbm>> -> memref<128xi32, #tpu.memory_space<hbm>>
        %dma_wait3A_28 = tpu.memref_slice %arg4[%add3A_20] : memref<323584xi32, #tpu.memory_space<hbm>> -> memref<128xi32, #tpu.memory_space<hbm>>
        tpu.wait_dma2 semaphore(%run_scoped3A : memref<!tpu.dma_semaphore, #tpu.memory_space<semaphore_mem>>) src(%dma_wait3A_28 : memref<128xi32, #tpu.memory_space<hbm>>) dst(%arg9 : memref<128xi32, #tpu.memory_space<vmem>>)
        tpu.yield
      }) : () -> ()
      %dma_start3A = arith.constant 0 : i32
      %dma_start3A_21 = arith.constant 0 : i32
      %dma_start3A_22 = tpu.memref_slice %arg2[%dma_start3A, %dma_start3A_21] : memref<10112x128xf32, #tpu.memory_space<hbm>> -> memref<10112x128xf32, #tpu.memory_space<hbm>>
      tpu.enqueue_indirect_dma source(%dma_start3A_22 : memref<10112x128xf32, #tpu.memory_space<hbm>>) target(%arg10 : memref<128x128xf32, #tpu.memory_space<vmem>>) offsets(%arg8 : memref<128xi32, #tpu.memory_space<vmem>>) semaphore(%arg11 : memref<!tpu.dma_semaphore, #tpu.memory_space<semaphore_mem>>)
      %dma_wait3A = arith.constant 0 : i32
      %dma_wait3A_23 = arith.constant 0 : i32
      %dma_wait3A_24 = tpu.memref_slice %arg2[%dma_wait3A, %dma_wait3A_23] : memref<10112x128xf32, #tpu.memory_space<hbm>> -> memref<10112x128xf32, #tpu.memory_space<hbm>>
      tpu.wait_indirect_dma semaphore(%arg11 : memref<!tpu.dma_semaphore, #tpu.memory_space<semaphore_mem>>) src(%dma_wait3A_24 : memref<10112x128xf32, #tpu.memory_space<hbm>>) dst(%arg10 : memref<128x128xf32, #tpu.memory_space<vmem>>)
      "tpu.region"() ({
        %run_scoped3A = tpu.sem_alloc : memref<!tpu.dma_semaphore, #tpu.memory_space<semaphore_mem>>
        %dma_start3A_25 = arith.constant 0 : i32
        %dma_start3A_26 = arith.constant 0 : i32
        %dma_start3A_27 = tpu.memref_slice %arg7[%dma_start3A_25, %dma_start3A_26] : memref<10112x128xf32, #tpu.memory_space<vmem_shared>> -> memref<10112x128xf32, #tpu.memory_space<vmem_shared>>
        tpu.enqueue_indirect_dma source(%arg10 : memref<128x128xf32, #tpu.memory_space<vmem>>) target(%dma_start3A_27 : memref<10112x128xf32, #tpu.memory_space<vmem_shared>>) offsets(%arg9 : memref<128xi32, #tpu.memory_space<vmem>>) semaphore(%run_scoped3A : memref<!tpu.dma_semaphore, #tpu.memory_space<semaphore_mem>>) {add = true}
        %dma_wait3A_28 = arith.constant 0 : i32
        %dma_wait3A_29 = arith.constant 0 : i32
        %dma_wait3A_30 = tpu.memref_slice %arg7[%dma_wait3A_28, %dma_wait3A_29] : memref<10112x128xf32, #tpu.memory_space<vmem_shared>> -> memref<10112x128xf32, #tpu.memory_space<vmem_shared>>
        tpu.wait_indirect_dma semaphore(%run_scoped3A : memref<!tpu.dma_semaphore, #tpu.memory_space<semaphore_mem>>) src(%arg10 : memref<128x128xf32, #tpu.memory_space<vmem>>) dst(%dma_wait3A_30 : memref<10112x128xf32, #tpu.memory_space<vmem_shared>>)
        tpu.yield
      }) : () -> ()
    }
    %scan3A_9 = arith.constant 79 : i32
    %barrier3A_10 = arith.constant 0 : index
    tpu.barrier barrier_id(%barrier3A_10)
    %mul3A_11 = arith.constant 632 : i32
    %mul3A_12 = arith.muli %arg1, %mul3A_11 : i32
    %mul3A_13 = arith.constant 632 : i32
    %mul3A_14 = arith.muli %arg1, %mul3A_13 : i32
    "tpu.region"() ({
      %run_scoped3A = tpu.sem_alloc : memref<!tpu.dma_semaphore, #tpu.memory_space<semaphore_mem>>
      %dma_start3A = arith.constant 0 : i32
      %dma_start3A_15 = tpu.memref_slice %arg6[%arg0, %mul3A_14, %dma_start3A] : memref<2x10112x128xf32, #tpu.memory_space<hbm>> -> memref<1x632x128xf32, #tpu.memory_space<hbm>>
      %dma_start3A_16 = tpu.memref_squeeze %dma_start3A_15 : memref<1x632x128xf32, #tpu.memory_space<hbm>> -> memref<632x128xf32, #tpu.memory_space<hbm>>
      %dma_start3A_17 = arith.constant 0 : i32
      %dma_start3A_18 = tpu.memref_slice %arg7[%mul3A_12, %dma_start3A_17] : memref<10112x128xf32, #tpu.memory_space<vmem_shared>> -> memref<632x128xf32, #tpu.memory_space<vmem_shared>>
      tpu.enqueue_dma source(%dma_start3A_18 : memref<632x128xf32, #tpu.memory_space<vmem_shared>>) target(%dma_start3A_16 : memref<632x128xf32, #tpu.memory_space<hbm>>) target_semaphore(%run_scoped3A : memref<!tpu.dma_semaphore, #tpu.memory_space<semaphore_mem>>)
      %dma_wait3A = arith.constant 0 : i32
      %dma_wait3A_19 = tpu.memref_slice %arg6[%arg0, %mul3A_14, %dma_wait3A] : memref<2x10112x128xf32, #tpu.memory_space<hbm>> -> memref<1x632x128xf32, #tpu.memory_space<hbm>>
      %dma_wait3A_20 = tpu.memref_squeeze %dma_wait3A_19 : memref<1x632x128xf32, #tpu.memory_space<hbm>> -> memref<632x128xf32, #tpu.memory_space<hbm>>
      %dma_wait3A_21 = arith.constant 0 : i32
      %dma_wait3A_22 = tpu.memref_slice %arg7[%mul3A_12, %dma_wait3A_21] : memref<10112x128xf32, #tpu.memory_space<vmem_shared>> -> memref<632x128xf32, #tpu.memory_space<vmem_shared>>
      tpu.wait_dma2 semaphore(%run_scoped3A : memref<!tpu.dma_semaphore, #tpu.memory_space<semaphore_mem>>) src(%dma_wait3A_22 : memref<632x128xf32, #tpu.memory_space<vmem_shared>>) dst(%dma_wait3A_20 : memref<632x128xf32, #tpu.memory_space<hbm>>)
      tpu.yield
    }) : () -> ()
    return
  }
}

#map = affine_map<(d0, d1) -> (0, 0)>
#map1 = affine_map<(d0, d1) -> (0)>
#map2 = affine_map<(d0, d1) -> (0, 0, 0)>
module attributes {stable_mosaic.version = 14 : i64} {
  func.func @_scatter_body(%arg0: i32, %arg1: i32, %arg2: memref<10112x128xf32, #tpu.memory_space<hbm>>, %arg3: memref<323584xi32, #tpu.memory_space<hbm>>, %arg4: memref<323584xi32, #tpu.memory_space<hbm>>, %arg5: memref<10112x128xf32, #tpu.memory_space<hbm>>, %arg6: memref<2x10112x128xf32, #tpu.memory_space<hbm>>, %arg7: memref<10112x128xf32, #tpu.memory_space<vmem_shared>>, %arg8: memref<128xi32, #tpu.memory_space<vmem>>, %arg9: memref<128xi32, #tpu.memory_space<vmem>>, %arg10: memref<128x128xf32, #tpu.memory_space<vmem>>, %arg11: memref<!tpu.dma_semaphore, #tpu.memory_space<semaphore_mem>>) attributes {dimension_semantics = [#tpu.dimension_semantics<core_parallel>, #tpu.dimension_semantics<subcore_parallel>], iteration_bounds = array<i64: 2, 16>, scalar_prefetch = 0 : i64, scratch_operands = 5 : i64, tpu.core_type = #tpu.core_type<sc_vector_subcore>, window_params = [{transform_indices = #map}, {transform_indices = #map1}, {transform_indices = #map1}, {transform_indices = #map}, {transform_indices = #map2}]} {
    %mul3A = arith.constant 2 : i32
    %mul3A_0 = arith.muli %arg1, %mul3A : i32
    %add3A = arith.addi %mul3A_0, %arg0 : i32
    %mul3A_1 = arith.constant 632 : i32
    %mul3A_2 = arith.muli %arg1, %mul3A_1 : i32
    %mul3A_3 = arith.constant 632 : i32
    %mul3A_4 = arith.muli %arg1, %mul3A_3 : i32
    "tpu.region"() ({
      %run_scoped3A = tpu.sem_alloc : memref<!tpu.dma_semaphore, #tpu.memory_space<semaphore_mem>>
      %dma_start3A = arith.constant 0 : i32
      %dma_start3A_15 = tpu.memref_slice %arg7[%mul3A_4, %dma_start3A] : memref<10112x128xf32, #tpu.memory_space<vmem_shared>> -> memref<632x128xf32, #tpu.memory_space<vmem_shared>>
      %dma_start3A_16 = arith.constant 0 : i32
      %dma_start3A_17 = tpu.memref_slice %arg5[%mul3A_2, %dma_start3A_16] : memref<10112x128xf32, #tpu.memory_space<hbm>> -> memref<632x128xf32, #tpu.memory_space<hbm>>
      tpu.enqueue_dma source(%dma_start3A_17 : memref<632x128xf32, #tpu.memory_space<hbm>>) target(%dma_start3A_15 : memref<632x128xf32, #tpu.memory_space<vmem_shared>>) target_semaphore(%run_scoped3A : memref<!tpu.dma_semaphore, #tpu.memory_space<semaphore_mem>>)
      %dma_wait3A = arith.constant 0 : i32
      %dma_wait3A_18 = tpu.memref_slice %arg7[%mul3A_4, %dma_wait3A] : memref<10112x128xf32, #tpu.memory_space<vmem_shared>> -> memref<632x128xf32, #tpu.memory_space<vmem_shared>>
      %dma_wait3A_19 = arith.constant 0 : i32
      %dma_wait3A_20 = tpu.memref_slice %arg5[%mul3A_2, %dma_wait3A_19] : memref<10112x128xf32, #tpu.memory_space<hbm>> -> memref<632x128xf32, #tpu.memory_space<hbm>>
      tpu.wait_dma2 semaphore(%run_scoped3A : memref<!tpu.dma_semaphore, #tpu.memory_space<semaphore_mem>>) src(%dma_wait3A_20 : memref<632x128xf32, #tpu.memory_space<hbm>>) dst(%dma_wait3A_18 : memref<632x128xf32, #tpu.memory_space<vmem_shared>>)
      tpu.yield
    }) : () -> ()
    %barrier3A = arith.constant 0 : index
    tpu.barrier barrier_id(%barrier3A)
    %scan3A = arith.constant 0 : i32
    %scan3A_5 = arith.constant 0 : i32
    %scan3A_6 = arith.constant 79 : i32
    %scan3A_7 = arith.addi %scan3A_5, %scan3A_6 : i32
    %scan3A_8 = arith.constant 1 : i32
    scf.for %scan3A_15 = %scan3A_5 to %scan3A_7 step %scan3A_8  : i32 {
      %mul3A_16 = arith.constant 10112 : i32
      %mul3A_17 = arith.muli %add3A, %mul3A_16 : i32
      %mul3A_18 = arith.constant 128 : i32
      %mul3A_19 = arith.muli %scan3A_15, %mul3A_18 : i32
      %add3A_20 = arith.addi %mul3A_17, %mul3A_19 : i32
      "tpu.region"() ({
        %run_scoped3A = tpu.sem_alloc : memref<!tpu.dma_semaphore, #tpu.memory_space<semaphore_mem>>
        %dma_start3A_25 = tpu.memref_slice %arg3[%add3A_20] : memref<323584xi32, #tpu.memory_space<hbm>> -> memref<128xi32, #tpu.memory_space<hbm>>
        %dma_start3A_26 = tpu.memref_slice %arg3[%add3A_20] : memref<323584xi32, #tpu.memory_space<hbm>> -> memref<128xi32, #tpu.memory_space<hbm>>
        tpu.enqueue_dma source(%dma_start3A_26 : memref<128xi32, #tpu.memory_space<hbm>>) target(%arg8 : memref<128xi32, #tpu.memory_space<vmem>>) target_semaphore(%run_scoped3A : memref<!tpu.dma_semaphore, #tpu.memory_space<semaphore_mem>>)
        %dma_wait3A_27 = tpu.memref_slice %arg3[%add3A_20] : memref<323584xi32, #tpu.memory_space<hbm>> -> memref<128xi32, #tpu.memory_space<hbm>>
        %dma_wait3A_28 = tpu.memref_slice %arg3[%add3A_20] : memref<323584xi32, #tpu.memory_space<hbm>> -> memref<128xi32, #tpu.memory_space<hbm>>
        tpu.wait_dma2 semaphore(%run_scoped3A : memref<!tpu.dma_semaphore, #tpu.memory_space<semaphore_mem>>) src(%dma_wait3A_28 : memref<128xi32, #tpu.memory_space<hbm>>) dst(%arg8 : memref<128xi32, #tpu.memory_space<vmem>>)
        tpu.yield
      }) : () -> ()
      "tpu.region"() ({
        %run_scoped3A = tpu.sem_alloc : memref<!tpu.dma_semaphore, #tpu.memory_space<semaphore_mem>>
        %dma_start3A_25 = tpu.memref_slice %arg4[%add3A_20] : memref<323584xi32, #tpu.memory_space<hbm>> -> memref<128xi32, #tpu.memory_space<hbm>>
        %dma_start3A_26 = tpu.memref_slice %arg4[%add3A_20] : memref<323584xi32, #tpu.memory_space<hbm>> -> memref<128xi32, #tpu.memory_space<hbm>>
        tpu.enqueue_dma source(%dma_start3A_26 : memref<128xi32, #tpu.memory_space<hbm>>) target(%arg9 : memref<128xi32, #tpu.memory_space<vmem>>) target_semaphore(%run_scoped3A : memref<!tpu.dma_semaphore, #tpu.memory_space<semaphore_mem>>)
        %dma_wait3A_27 = tpu.memref_slice %arg4[%add3A_20] : memref<323584xi32, #tpu.memory_space<hbm>> -> memref<128xi32, #tpu.memory_space<hbm>>
        %dma_wait3A_28 = tpu.memref_slice %arg4[%add3A_20] : memref<323584xi32, #tpu.memory_space<hbm>> -> memref<128xi32, #tpu.memory_space<hbm>>
        tpu.wait_dma2 semaphore(%run_scoped3A : memref<!tpu.dma_semaphore, #tpu.memory_space<semaphore_mem>>) src(%dma_wait3A_28 : memref<128xi32, #tpu.memory_space<hbm>>) dst(%arg9 : memref<128xi32, #tpu.memory_space<vmem>>)
        tpu.yield
      }) : () -> ()
      %dma_start3A = arith.constant 0 : i32
      %dma_start3A_21 = arith.constant 0 : i32
      %dma_start3A_22 = tpu.memref_slice %arg2[%dma_start3A, %dma_start3A_21] : memref<10112x128xf32, #tpu.memory_space<hbm>> -> memref<10112x128xf32, #tpu.memory_space<hbm>>
      tpu.enqueue_indirect_dma source(%dma_start3A_22 : memref<10112x128xf32, #tpu.memory_space<hbm>>) target(%arg10 : memref<128x128xf32, #tpu.memory_space<vmem>>) offsets(%arg8 : memref<128xi32, #tpu.memory_space<vmem>>) semaphore(%arg11 : memref<!tpu.dma_semaphore, #tpu.memory_space<semaphore_mem>>)
      %dma_wait3A = arith.constant 0 : i32
      %dma_wait3A_23 = arith.constant 0 : i32
      %dma_wait3A_24 = tpu.memref_slice %arg2[%dma_wait3A, %dma_wait3A_23] : memref<10112x128xf32, #tpu.memory_space<hbm>> -> memref<10112x128xf32, #tpu.memory_space<hbm>>
      tpu.wait_indirect_dma semaphore(%arg11 : memref<!tpu.dma_semaphore, #tpu.memory_space<semaphore_mem>>) src(%dma_wait3A_24 : memref<10112x128xf32, #tpu.memory_space<hbm>>) dst(%arg10 : memref<128x128xf32, #tpu.memory_space<vmem>>)
      "tpu.region"() ({
        %run_scoped3A = tpu.sem_alloc : memref<!tpu.dma_semaphore, #tpu.memory_space<semaphore_mem>>
        %dma_start3A_25 = arith.constant 0 : i32
        %dma_start3A_26 = arith.constant 0 : i32
        %dma_start3A_27 = tpu.memref_slice %arg7[%dma_start3A_25, %dma_start3A_26] : memref<10112x128xf32, #tpu.memory_space<vmem_shared>> -> memref<10112x128xf32, #tpu.memory_space<vmem_shared>>
        tpu.enqueue_indirect_dma source(%arg10 : memref<128x128xf32, #tpu.memory_space<vmem>>) target(%dma_start3A_27 : memref<10112x128xf32, #tpu.memory_space<vmem_shared>>) offsets(%arg9 : memref<128xi32, #tpu.memory_space<vmem>>) semaphore(%run_scoped3A : memref<!tpu.dma_semaphore, #tpu.memory_space<semaphore_mem>>) {add = true}
        %dma_wait3A_28 = arith.constant 0 : i32
        %dma_wait3A_29 = arith.constant 0 : i32
        %dma_wait3A_30 = tpu.memref_slice %arg7[%dma_wait3A_28, %dma_wait3A_29] : memref<10112x128xf32, #tpu.memory_space<vmem_shared>> -> memref<10112x128xf32, #tpu.memory_space<vmem_shared>>
        tpu.wait_indirect_dma semaphore(%run_scoped3A : memref<!tpu.dma_semaphore, #tpu.memory_space<semaphore_mem>>) src(%arg10 : memref<128x128xf32, #tpu.memory_space<vmem>>) dst(%dma_wait3A_30 : memref<10112x128xf32, #tpu.memory_space<vmem_shared>>)
        tpu.yield
      }) : () -> ()
    }
    %scan3A_9 = arith.constant 79 : i32
    %barrier3A_10 = arith.constant 0 : index
    tpu.barrier barrier_id(%barrier3A_10)
    %mul3A_11 = arith.constant 632 : i32
    %mul3A_12 = arith.muli %arg1, %mul3A_11 : i32
    %mul3A_13 = arith.constant 632 : i32
    %mul3A_14 = arith.muli %arg1, %mul3A_13 : i32
    "tpu.region"() ({
      %run_scoped3A = tpu.sem_alloc : memref<!tpu.dma_semaphore, #tpu.memory_space<semaphore_mem>>
      %dma_start3A = arith.constant 0 : i32
      %dma_start3A_15 = tpu.memref_slice %arg6[%arg0, %mul3A_14, %dma_start3A] : memref<2x10112x128xf32, #tpu.memory_space<hbm>> -> memref<1x632x128xf32, #tpu.memory_space<hbm>>
      %dma_start3A_16 = tpu.memref_squeeze %dma_start3A_15 : memref<1x632x128xf32, #tpu.memory_space<hbm>> -> memref<632x128xf32, #tpu.memory_space<hbm>>
      %dma_start3A_17 = arith.constant 0 : i32
      %dma_start3A_18 = tpu.memref_slice %arg7[%mul3A_12, %dma_start3A_17] : memref<10112x128xf32, #tpu.memory_space<vmem_shared>> -> memref<632x128xf32, #tpu.memory_space<vmem_shared>>
      tpu.enqueue_dma source(%dma_start3A_18 : memref<632x128xf32, #tpu.memory_space<vmem_shared>>) target(%dma_start3A_16 : memref<632x128xf32, #tpu.memory_space<hbm>>) target_semaphore(%run_scoped3A : memref<!tpu.dma_semaphore, #tpu.memory_space<semaphore_mem>>)
      %dma_wait3A = arith.constant 0 : i32
      %dma_wait3A_19 = tpu.memref_slice %arg6[%arg0, %mul3A_14, %dma_wait3A] : memref<2x10112x128xf32, #tpu.memory_space<hbm>> -> memref<1x632x128xf32, #tpu.memory_space<hbm>>
      %dma_wait3A_20 = tpu.memref_squeeze %dma_wait3A_19 : memref<1x632x128xf32, #tpu.memory_space<hbm>> -> memref<632x128xf32, #tpu.memory_space<hbm>>
      %dma_wait3A_21 = arith.constant 0 : i32
      %dma_wait3A_22 = tpu.memref_slice %arg7[%mul3A_12, %dma_wait3A_21] : memref<10112x128xf32, #tpu.memory_space<vmem_shared>> -> memref<632x128xf32, #tpu.memory_space<vmem_shared>>
      tpu.wait_dma2 semaphore(%run_scoped3A : memref<!tpu.dma_semaphore, #tpu.memory_space<semaphore_mem>>) src(%dma_wait3A_22 : memref<632x128xf32, #tpu.memory_space<vmem_shared>>) dst(%dma_wait3A_20 : memref<632x128xf32, #tpu.memory_space<hbm>>)
      tpu.yield
    }) : () -> ()
    return
  }
}

#map = affine_map<(d0, d1) -> (0, 0)>
#map1 = affine_map<(d0, d1) -> (0)>
#map2 = affine_map<(d0, d1) -> (0, 0, 0)>
module attributes {stable_mosaic.version = 14 : i64} {
  func.func @_scatter_body(%arg0: i32, %arg1: i32, %arg2: memref<10112x128xf32, #tpu.memory_space<hbm>>, %arg3: memref<323584xi32, #tpu.memory_space<hbm>>, %arg4: memref<323584xi32, #tpu.memory_space<hbm>>, %arg5: memref<10112x128xf32, #tpu.memory_space<hbm>>, %arg6: memref<2x10112x128xf32, #tpu.memory_space<hbm>>, %arg7: memref<10112x128xf32, #tpu.memory_space<vmem_shared>>, %arg8: memref<128xi32, #tpu.memory_space<vmem>>, %arg9: memref<128xi32, #tpu.memory_space<vmem>>, %arg10: memref<128x128xf32, #tpu.memory_space<vmem>>, %arg11: memref<!tpu.dma_semaphore, #tpu.memory_space<semaphore_mem>>) attributes {dimension_semantics = [#tpu.dimension_semantics<core_parallel>, #tpu.dimension_semantics<subcore_parallel>], iteration_bounds = array<i64: 2, 16>, scalar_prefetch = 0 : i64, scratch_operands = 5 : i64, tpu.core_type = #tpu.core_type<sc_vector_subcore>, window_params = [{transform_indices = #map}, {transform_indices = #map1}, {transform_indices = #map1}, {transform_indices = #map}, {transform_indices = #map2}]} {
    %mul3A = arith.constant 2 : i32
    %mul3A_0 = arith.muli %arg1, %mul3A : i32
    %add3A = arith.addi %mul3A_0, %arg0 : i32
    %mul3A_1 = arith.constant 632 : i32
    %mul3A_2 = arith.muli %arg1, %mul3A_1 : i32
    %mul3A_3 = arith.constant 632 : i32
    %mul3A_4 = arith.muli %arg1, %mul3A_3 : i32
    "tpu.region"() ({
      %run_scoped3A = tpu.sem_alloc : memref<!tpu.dma_semaphore, #tpu.memory_space<semaphore_mem>>
      %dma_start3A = arith.constant 0 : i32
      %dma_start3A_15 = tpu.memref_slice %arg7[%mul3A_4, %dma_start3A] : memref<10112x128xf32, #tpu.memory_space<vmem_shared>> -> memref<632x128xf32, #tpu.memory_space<vmem_shared>>
      %dma_start3A_16 = arith.constant 0 : i32
      %dma_start3A_17 = tpu.memref_slice %arg5[%mul3A_2, %dma_start3A_16] : memref<10112x128xf32, #tpu.memory_space<hbm>> -> memref<632x128xf32, #tpu.memory_space<hbm>>
      tpu.enqueue_dma source(%dma_start3A_17 : memref<632x128xf32, #tpu.memory_space<hbm>>) target(%dma_start3A_15 : memref<632x128xf32, #tpu.memory_space<vmem_shared>>) target_semaphore(%run_scoped3A : memref<!tpu.dma_semaphore, #tpu.memory_space<semaphore_mem>>)
      %dma_wait3A = arith.constant 0 : i32
      %dma_wait3A_18 = tpu.memref_slice %arg7[%mul3A_4, %dma_wait3A] : memref<10112x128xf32, #tpu.memory_space<vmem_shared>> -> memref<632x128xf32, #tpu.memory_space<vmem_shared>>
      %dma_wait3A_19 = arith.constant 0 : i32
      %dma_wait3A_20 = tpu.memref_slice %arg5[%mul3A_2, %dma_wait3A_19] : memref<10112x128xf32, #tpu.memory_space<hbm>> -> memref<632x128xf32, #tpu.memory_space<hbm>>
      tpu.wait_dma2 semaphore(%run_scoped3A : memref<!tpu.dma_semaphore, #tpu.memory_space<semaphore_mem>>) src(%dma_wait3A_20 : memref<632x128xf32, #tpu.memory_space<hbm>>) dst(%dma_wait3A_18 : memref<632x128xf32, #tpu.memory_space<vmem_shared>>)
      tpu.yield
    }) : () -> ()
    %barrier3A = arith.constant 0 : index
    tpu.barrier barrier_id(%barrier3A)
    %scan3A = arith.constant 0 : i32
    %scan3A_5 = arith.constant 0 : i32
    %scan3A_6 = arith.constant 79 : i32
    %scan3A_7 = arith.addi %scan3A_5, %scan3A_6 : i32
    %scan3A_8 = arith.constant 1 : i32
    scf.for %scan3A_15 = %scan3A_5 to %scan3A_7 step %scan3A_8  : i32 {
      %mul3A_16 = arith.constant 10112 : i32
      %mul3A_17 = arith.muli %add3A, %mul3A_16 : i32
      %mul3A_18 = arith.constant 128 : i32
      %mul3A_19 = arith.muli %scan3A_15, %mul3A_18 : i32
      %add3A_20 = arith.addi %mul3A_17, %mul3A_19 : i32
      "tpu.region"() ({
        %run_scoped3A = tpu.sem_alloc : memref<!tpu.dma_semaphore, #tpu.memory_space<semaphore_mem>>
        %dma_start3A_25 = tpu.memref_slice %arg3[%add3A_20] : memref<323584xi32, #tpu.memory_space<hbm>> -> memref<128xi32, #tpu.memory_space<hbm>>
        %dma_start3A_26 = tpu.memref_slice %arg3[%add3A_20] : memref<323584xi32, #tpu.memory_space<hbm>> -> memref<128xi32, #tpu.memory_space<hbm>>
        tpu.enqueue_dma source(%dma_start3A_26 : memref<128xi32, #tpu.memory_space<hbm>>) target(%arg8 : memref<128xi32, #tpu.memory_space<vmem>>) target_semaphore(%run_scoped3A : memref<!tpu.dma_semaphore, #tpu.memory_space<semaphore_mem>>)
        %dma_wait3A_27 = tpu.memref_slice %arg3[%add3A_20] : memref<323584xi32, #tpu.memory_space<hbm>> -> memref<128xi32, #tpu.memory_space<hbm>>
        %dma_wait3A_28 = tpu.memref_slice %arg3[%add3A_20] : memref<323584xi32, #tpu.memory_space<hbm>> -> memref<128xi32, #tpu.memory_space<hbm>>
        tpu.wait_dma2 semaphore(%run_scoped3A : memref<!tpu.dma_semaphore, #tpu.memory_space<semaphore_mem>>) src(%dma_wait3A_28 : memref<128xi32, #tpu.memory_space<hbm>>) dst(%arg8 : memref<128xi32, #tpu.memory_space<vmem>>)
        tpu.yield
      }) : () -> ()
      "tpu.region"() ({
        %run_scoped3A = tpu.sem_alloc : memref<!tpu.dma_semaphore, #tpu.memory_space<semaphore_mem>>
        %dma_start3A_25 = tpu.memref_slice %arg4[%add3A_20] : memref<323584xi32, #tpu.memory_space<hbm>> -> memref<128xi32, #tpu.memory_space<hbm>>
        %dma_start3A_26 = tpu.memref_slice %arg4[%add3A_20] : memref<323584xi32, #tpu.memory_space<hbm>> -> memref<128xi32, #tpu.memory_space<hbm>>
        tpu.enqueue_dma source(%dma_start3A_26 : memref<128xi32, #tpu.memory_space<hbm>>) target(%arg9 : memref<128xi32, #tpu.memory_space<vmem>>) target_semaphore(%run_scoped3A : memref<!tpu.dma_semaphore, #tpu.memory_space<semaphore_mem>>)
        %dma_wait3A_27 = tpu.memref_slice %arg4[%add3A_20] : memref<323584xi32, #tpu.memory_space<hbm>> -> memref<128xi32, #tpu.memory_space<hbm>>
        %dma_wait3A_28 = tpu.memref_slice %arg4[%add3A_20] : memref<323584xi32, #tpu.memory_space<hbm>> -> memref<128xi32, #tpu.memory_space<hbm>>
        tpu.wait_dma2 semaphore(%run_scoped3A : memref<!tpu.dma_semaphore, #tpu.memory_space<semaphore_mem>>) src(%dma_wait3A_28 : memref<128xi32, #tpu.memory_space<hbm>>) dst(%arg9 : memref<128xi32, #tpu.memory_space<vmem>>)
        tpu.yield
      }) : () -> ()
      %dma_start3A = arith.constant 0 : i32
      %dma_start3A_21 = arith.constant 0 : i32
      %dma_start3A_22 = tpu.memref_slice %arg2[%dma_start3A, %dma_start3A_21] : memref<10112x128xf32, #tpu.memory_space<hbm>> -> memref<10112x128xf32, #tpu.memory_space<hbm>>
      tpu.enqueue_indirect_dma source(%dma_start3A_22 : memref<10112x128xf32, #tpu.memory_space<hbm>>) target(%arg10 : memref<128x128xf32, #tpu.memory_space<vmem>>) offsets(%arg8 : memref<128xi32, #tpu.memory_space<vmem>>) semaphore(%arg11 : memref<!tpu.dma_semaphore, #tpu.memory_space<semaphore_mem>>)
      %dma_wait3A = arith.constant 0 : i32
      %dma_wait3A_23 = arith.constant 0 : i32
      %dma_wait3A_24 = tpu.memref_slice %arg2[%dma_wait3A, %dma_wait3A_23] : memref<10112x128xf32, #tpu.memory_space<hbm>> -> memref<10112x128xf32, #tpu.memory_space<hbm>>
      tpu.wait_indirect_dma semaphore(%arg11 : memref<!tpu.dma_semaphore, #tpu.memory_space<semaphore_mem>>) src(%dma_wait3A_24 : memref<10112x128xf32, #tpu.memory_space<hbm>>) dst(%arg10 : memref<128x128xf32, #tpu.memory_space<vmem>>)
      "tpu.region"() ({
        %run_scoped3A = tpu.sem_alloc : memref<!tpu.dma_semaphore, #tpu.memory_space<semaphore_mem>>
        %dma_start3A_25 = arith.constant 0 : i32
        %dma_start3A_26 = arith.constant 0 : i32
        %dma_start3A_27 = tpu.memref_slice %arg7[%dma_start3A_25, %dma_start3A_26] : memref<10112x128xf32, #tpu.memory_space<vmem_shared>> -> memref<10112x128xf32, #tpu.memory_space<vmem_shared>>
        tpu.enqueue_indirect_dma source(%arg10 : memref<128x128xf32, #tpu.memory_space<vmem>>) target(%dma_start3A_27 : memref<10112x128xf32, #tpu.memory_space<vmem_shared>>) offsets(%arg9 : memref<128xi32, #tpu.memory_space<vmem>>) semaphore(%run_scoped3A : memref<!tpu.dma_semaphore, #tpu.memory_space<semaphore_mem>>) {add = true}
        %dma_wait3A_28 = arith.constant 0 : i32
        %dma_wait3A_29 = arith.constant 0 : i32
        %dma_wait3A_30 = tpu.memref_slice %arg7[%dma_wait3A_28, %dma_wait3A_29] : memref<10112x128xf32, #tpu.memory_space<vmem_shared>> -> memref<10112x128xf32, #tpu.memory_space<vmem_shared>>
        tpu.wait_indirect_dma semaphore(%run_scoped3A : memref<!tpu.dma_semaphore, #tpu.memory_space<semaphore_mem>>) src(%arg10 : memref<128x128xf32, #tpu.memory_space<vmem>>) dst(%dma_wait3A_30 : memref<10112x128xf32, #tpu.memory_space<vmem_shared>>)
        tpu.yield
      }) : () -> ()
    }
    %scan3A_9 = arith.constant 79 : i32
    %barrier3A_10 = arith.constant 0 : index
    tpu.barrier barrier_id(%barrier3A_10)
    %mul3A_11 = arith.constant 632 : i32
    %mul3A_12 = arith.muli %arg1, %mul3A_11 : i32
    %mul3A_13 = arith.constant 632 : i32
    %mul3A_14 = arith.muli %arg1, %mul3A_13 : i32
    "tpu.region"() ({
      %run_scoped3A = tpu.sem_alloc : memref<!tpu.dma_semaphore, #tpu.memory_space<semaphore_mem>>
      %dma_start3A = arith.constant 0 : i32
      %dma_start3A_15 = tpu.memref_slice %arg6[%arg0, %mul3A_14, %dma_start3A] : memref<2x10112x128xf32, #tpu.memory_space<hbm>> -> memref<1x632x128xf32, #tpu.memory_space<hbm>>
      %dma_start3A_16 = tpu.memref_squeeze %dma_start3A_15 : memref<1x632x128xf32, #tpu.memory_space<hbm>> -> memref<632x128xf32, #tpu.memory_space<hbm>>
      %dma_start3A_17 = arith.constant 0 : i32
      %dma_start3A_18 = tpu.memref_slice %arg7[%mul3A_12, %dma_start3A_17] : memref<10112x128xf32, #tpu.memory_space<vmem_shared>> -> memref<632x128xf32, #tpu.memory_space<vmem_shared>>
      tpu.enqueue_dma source(%dma_start3A_18 : memref<632x128xf32, #tpu.memory_space<vmem_shared>>) target(%dma_start3A_16 : memref<632x128xf32, #tpu.memory_space<hbm>>) target_semaphore(%run_scoped3A : memref<!tpu.dma_semaphore, #tpu.memory_space<semaphore_mem>>)
      %dma_wait3A = arith.constant 0 : i32
      %dma_wait3A_19 = tpu.memref_slice %arg6[%arg0, %mul3A_14, %dma_wait3A] : memref<2x10112x128xf32, #tpu.memory_space<hbm>> -> memref<1x632x128xf32, #tpu.memory_space<hbm>>
      %dma_wait3A_20 = tpu.memref_squeeze %dma_wait3A_19 : memref<1x632x128xf32, #tpu.memory_space<hbm>> -> memref<632x128xf32, #tpu.memory_space<hbm>>
      %dma_wait3A_21 = arith.constant 0 : i32
      %dma_wait3A_22 = tpu.memref_slice %arg7[%mul3A_12, %dma_wait3A_21] : memref<10112x128xf32, #tpu.memory_space<vmem_shared>> -> memref<632x128xf32, #tpu.memory_space<vmem_shared>>
      tpu.wait_dma2 semaphore(%run_scoped3A : memref<!tpu.dma_semaphore, #tpu.memory_space<semaphore_mem>>) src(%dma_wait3A_22 : memref<632x128xf32, #tpu.memory_space<vmem_shared>>) dst(%dma_wait3A_20 : memref<632x128xf32, #tpu.memory_space<hbm>>)
      tpu.yield
    }) : () -> ()
    return
  }
}

#map = affine_map<(d0, d1) -> (0, 0)>
#map1 = affine_map<(d0, d1) -> (0)>
#map2 = affine_map<(d0, d1) -> (0, 0, 0)>
module attributes {stable_mosaic.version = 14 : i64} {
  func.func @_scatter_body(%arg0: i32, %arg1: i32, %arg2: memref<10112x128xf32, #tpu.memory_space<hbm>>, %arg3: memref<323584xi32, #tpu.memory_space<hbm>>, %arg4: memref<323584xi32, #tpu.memory_space<hbm>>, %arg5: memref<10112x128xf32, #tpu.memory_space<hbm>>, %arg6: memref<2x10112x128xf32, #tpu.memory_space<hbm>>, %arg7: memref<10112x128xf32, #tpu.memory_space<vmem_shared>>, %arg8: memref<128xi32, #tpu.memory_space<vmem>>, %arg9: memref<128xi32, #tpu.memory_space<vmem>>, %arg10: memref<128x128xf32, #tpu.memory_space<vmem>>, %arg11: memref<!tpu.dma_semaphore, #tpu.memory_space<semaphore_mem>>) attributes {dimension_semantics = [#tpu.dimension_semantics<core_parallel>, #tpu.dimension_semantics<subcore_parallel>], iteration_bounds = array<i64: 2, 16>, scalar_prefetch = 0 : i64, scratch_operands = 5 : i64, tpu.core_type = #tpu.core_type<sc_vector_subcore>, window_params = [{transform_indices = #map}, {transform_indices = #map1}, {transform_indices = #map1}, {transform_indices = #map}, {transform_indices = #map2}]} {
    %mul3A = arith.constant 2 : i32
    %mul3A_0 = arith.muli %arg1, %mul3A : i32
    %add3A = arith.addi %mul3A_0, %arg0 : i32
    %mul3A_1 = arith.constant 632 : i32
    %mul3A_2 = arith.muli %arg1, %mul3A_1 : i32
    %mul3A_3 = arith.constant 632 : i32
    %mul3A_4 = arith.muli %arg1, %mul3A_3 : i32
    "tpu.region"() ({
      %run_scoped3A = tpu.sem_alloc : memref<!tpu.dma_semaphore, #tpu.memory_space<semaphore_mem>>
      %dma_start3A = arith.constant 0 : i32
      %dma_start3A_15 = tpu.memref_slice %arg7[%mul3A_4, %dma_start3A] : memref<10112x128xf32, #tpu.memory_space<vmem_shared>> -> memref<632x128xf32, #tpu.memory_space<vmem_shared>>
      %dma_start3A_16 = arith.constant 0 : i32
      %dma_start3A_17 = tpu.memref_slice %arg5[%mul3A_2, %dma_start3A_16] : memref<10112x128xf32, #tpu.memory_space<hbm>> -> memref<632x128xf32, #tpu.memory_space<hbm>>
      tpu.enqueue_dma source(%dma_start3A_17 : memref<632x128xf32, #tpu.memory_space<hbm>>) target(%dma_start3A_15 : memref<632x128xf32, #tpu.memory_space<vmem_shared>>) target_semaphore(%run_scoped3A : memref<!tpu.dma_semaphore, #tpu.memory_space<semaphore_mem>>)
      %dma_wait3A = arith.constant 0 : i32
      %dma_wait3A_18 = tpu.memref_slice %arg7[%mul3A_4, %dma_wait3A] : memref<10112x128xf32, #tpu.memory_space<vmem_shared>> -> memref<632x128xf32, #tpu.memory_space<vmem_shared>>
      %dma_wait3A_19 = arith.constant 0 : i32
      %dma_wait3A_20 = tpu.memref_slice %arg5[%mul3A_2, %dma_wait3A_19] : memref<10112x128xf32, #tpu.memory_space<hbm>> -> memref<632x128xf32, #tpu.memory_space<hbm>>
      tpu.wait_dma2 semaphore(%run_scoped3A : memref<!tpu.dma_semaphore, #tpu.memory_space<semaphore_mem>>) src(%dma_wait3A_20 : memref<632x128xf32, #tpu.memory_space<hbm>>) dst(%dma_wait3A_18 : memref<632x128xf32, #tpu.memory_space<vmem_shared>>)
      tpu.yield
    }) : () -> ()
    %barrier3A = arith.constant 0 : index
    tpu.barrier barrier_id(%barrier3A)
    %scan3A = arith.constant 0 : i32
    %scan3A_5 = arith.constant 0 : i32
    %scan3A_6 = arith.constant 79 : i32
    %scan3A_7 = arith.addi %scan3A_5, %scan3A_6 : i32
    %scan3A_8 = arith.constant 1 : i32
    scf.for %scan3A_15 = %scan3A_5 to %scan3A_7 step %scan3A_8  : i32 {
      %mul3A_16 = arith.constant 10112 : i32
      %mul3A_17 = arith.muli %add3A, %mul3A_16 : i32
      %mul3A_18 = arith.constant 128 : i32
      %mul3A_19 = arith.muli %scan3A_15, %mul3A_18 : i32
      %add3A_20 = arith.addi %mul3A_17, %mul3A_19 : i32
      "tpu.region"() ({
        %run_scoped3A = tpu.sem_alloc : memref<!tpu.dma_semaphore, #tpu.memory_space<semaphore_mem>>
        %dma_start3A_25 = tpu.memref_slice %arg3[%add3A_20] : memref<323584xi32, #tpu.memory_space<hbm>> -> memref<128xi32, #tpu.memory_space<hbm>>
        %dma_start3A_26 = tpu.memref_slice %arg3[%add3A_20] : memref<323584xi32, #tpu.memory_space<hbm>> -> memref<128xi32, #tpu.memory_space<hbm>>
        tpu.enqueue_dma source(%dma_start3A_26 : memref<128xi32, #tpu.memory_space<hbm>>) target(%arg8 : memref<128xi32, #tpu.memory_space<vmem>>) target_semaphore(%run_scoped3A : memref<!tpu.dma_semaphore, #tpu.memory_space<semaphore_mem>>)
        %dma_wait3A_27 = tpu.memref_slice %arg3[%add3A_20] : memref<323584xi32, #tpu.memory_space<hbm>> -> memref<128xi32, #tpu.memory_space<hbm>>
        %dma_wait3A_28 = tpu.memref_slice %arg3[%add3A_20] : memref<323584xi32, #tpu.memory_space<hbm>> -> memref<128xi32, #tpu.memory_space<hbm>>
        tpu.wait_dma2 semaphore(%run_scoped3A : memref<!tpu.dma_semaphore, #tpu.memory_space<semaphore_mem>>) src(%dma_wait3A_28 : memref<128xi32, #tpu.memory_space<hbm>>) dst(%arg8 : memref<128xi32, #tpu.memory_space<vmem>>)
        tpu.yield
      }) : () -> ()
      "tpu.region"() ({
        %run_scoped3A = tpu.sem_alloc : memref<!tpu.dma_semaphore, #tpu.memory_space<semaphore_mem>>
        %dma_start3A_25 = tpu.memref_slice %arg4[%add3A_20] : memref<323584xi32, #tpu.memory_space<hbm>> -> memref<128xi32, #tpu.memory_space<hbm>>
        %dma_start3A_26 = tpu.memref_slice %arg4[%add3A_20] : memref<323584xi32, #tpu.memory_space<hbm>> -> memref<128xi32, #tpu.memory_space<hbm>>
        tpu.enqueue_dma source(%dma_start3A_26 : memref<128xi32, #tpu.memory_space<hbm>>) target(%arg9 : memref<128xi32, #tpu.memory_space<vmem>>) target_semaphore(%run_scoped3A : memref<!tpu.dma_semaphore, #tpu.memory_space<semaphore_mem>>)
        %dma_wait3A_27 = tpu.memref_slice %arg4[%add3A_20] : memref<323584xi32, #tpu.memory_space<hbm>> -> memref<128xi32, #tpu.memory_space<hbm>>
        %dma_wait3A_28 = tpu.memref_slice %arg4[%add3A_20] : memref<323584xi32, #tpu.memory_space<hbm>> -> memref<128xi32, #tpu.memory_space<hbm>>
        tpu.wait_dma2 semaphore(%run_scoped3A : memref<!tpu.dma_semaphore, #tpu.memory_space<semaphore_mem>>) src(%dma_wait3A_28 : memref<128xi32, #tpu.memory_space<hbm>>) dst(%arg9 : memref<128xi32, #tpu.memory_space<vmem>>)
        tpu.yield
      }) : () -> ()
      %dma_start3A = arith.constant 0 : i32
      %dma_start3A_21 = arith.constant 0 : i32
      %dma_start3A_22 = tpu.memref_slice %arg2[%dma_start3A, %dma_start3A_21] : memref<10112x128xf32, #tpu.memory_space<hbm>> -> memref<10112x128xf32, #tpu.memory_space<hbm>>
      tpu.enqueue_indirect_dma source(%dma_start3A_22 : memref<10112x128xf32, #tpu.memory_space<hbm>>) target(%arg10 : memref<128x128xf32, #tpu.memory_space<vmem>>) offsets(%arg8 : memref<128xi32, #tpu.memory_space<vmem>>) semaphore(%arg11 : memref<!tpu.dma_semaphore, #tpu.memory_space<semaphore_mem>>)
      %dma_wait3A = arith.constant 0 : i32
      %dma_wait3A_23 = arith.constant 0 : i32
      %dma_wait3A_24 = tpu.memref_slice %arg2[%dma_wait3A, %dma_wait3A_23] : memref<10112x128xf32, #tpu.memory_space<hbm>> -> memref<10112x128xf32, #tpu.memory_space<hbm>>
      tpu.wait_indirect_dma semaphore(%arg11 : memref<!tpu.dma_semaphore, #tpu.memory_space<semaphore_mem>>) src(%dma_wait3A_24 : memref<10112x128xf32, #tpu.memory_space<hbm>>) dst(%arg10 : memref<128x128xf32, #tpu.memory_space<vmem>>)
      "tpu.region"() ({
        %run_scoped3A = tpu.sem_alloc : memref<!tpu.dma_semaphore, #tpu.memory_space<semaphore_mem>>
        %dma_start3A_25 = arith.constant 0 : i32
        %dma_start3A_26 = arith.constant 0 : i32
        %dma_start3A_27 = tpu.memref_slice %arg7[%dma_start3A_25, %dma_start3A_26] : memref<10112x128xf32, #tpu.memory_space<vmem_shared>> -> memref<10112x128xf32, #tpu.memory_space<vmem_shared>>
        tpu.enqueue_indirect_dma source(%arg10 : memref<128x128xf32, #tpu.memory_space<vmem>>) target(%dma_start3A_27 : memref<10112x128xf32, #tpu.memory_space<vmem_shared>>) offsets(%arg9 : memref<128xi32, #tpu.memory_space<vmem>>) semaphore(%run_scoped3A : memref<!tpu.dma_semaphore, #tpu.memory_space<semaphore_mem>>) {add = true}
        %dma_wait3A_28 = arith.constant 0 : i32
        %dma_wait3A_29 = arith.constant 0 : i32
        %dma_wait3A_30 = tpu.memref_slice %arg7[%dma_wait3A_28, %dma_wait3A_29] : memref<10112x128xf32, #tpu.memory_space<vmem_shared>> -> memref<10112x128xf32, #tpu.memory_space<vmem_shared>>
        tpu.wait_indirect_dma semaphore(%run_scoped3A : memref<!tpu.dma_semaphore, #tpu.memory_space<semaphore_mem>>) src(%arg10 : memref<128x128xf32, #tpu.memory_space<vmem>>) dst(%dma_wait3A_30 : memref<10112x128xf32, #tpu.memory_space<vmem_shared>>)
        tpu.yield
      }) : () -> ()
    }
    %scan3A_9 = arith.constant 79 : i32
    %barrier3A_10 = arith.constant 0 : index
    tpu.barrier barrier_id(%barrier3A_10)
    %mul3A_11 = arith.constant 632 : i32
    %mul3A_12 = arith.muli %arg1, %mul3A_11 : i32
    %mul3A_13 = arith.constant 632 : i32
    %mul3A_14 = arith.muli %arg1, %mul3A_13 : i32
    "tpu.region"() ({
      %run_scoped3A = tpu.sem_alloc : memref<!tpu.dma_semaphore, #tpu.memory_space<semaphore_mem>>
      %dma_start3A = arith.constant 0 : i32
      %dma_start3A_15 = tpu.memref_slice %arg6[%arg0, %mul3A_14, %dma_start3A] : memref<2x10112x128xf32, #tpu.memory_space<hbm>> -> memref<1x632x128xf32, #tpu.memory_space<hbm>>
      %dma_start3A_16 = tpu.memref_squeeze %dma_start3A_15 : memref<1x632x128xf32, #tpu.memory_space<hbm>> -> memref<632x128xf32, #tpu.memory_space<hbm>>
      %dma_start3A_17 = arith.constant 0 : i32
      %dma_start3A_18 = tpu.memref_slice %arg7[%mul3A_12, %dma_start3A_17] : memref<10112x128xf32, #tpu.memory_space<vmem_shared>> -> memref<632x128xf32, #tpu.memory_space<vmem_shared>>
      tpu.enqueue_dma source(%dma_start3A_18 : memref<632x128xf32, #tpu.memory_space<vmem_shared>>) target(%dma_start3A_16 : memref<632x128xf32, #tpu.memory_space<hbm>>) target_semaphore(%run_scoped3A : memref<!tpu.dma_semaphore, #tpu.memory_space<semaphore_mem>>)
      %dma_wait3A = arith.constant 0 : i32
      %dma_wait3A_19 = tpu.memref_slice %arg6[%arg0, %mul3A_14, %dma_wait3A] : memref<2x10112x128xf32, #tpu.memory_space<hbm>> -> memref<1x632x128xf32, #tpu.memory_space<hbm>>
      %dma_wait3A_20 = tpu.memref_squeeze %dma_wait3A_19 : memref<1x632x128xf32, #tpu.memory_space<hbm>> -> memref<632x128xf32, #tpu.memory_space<hbm>>
      %dma_wait3A_21 = arith.constant 0 : i32
      %dma_wait3A_22 = tpu.memref_slice %arg7[%mul3A_12, %dma_wait3A_21] : memref<10112x128xf32, #tpu.memory_space<vmem_shared>> -> memref<632x128xf32, #tpu.memory_space<vmem_shared>>
      tpu.wait_dma2 semaphore(%run_scoped3A : memref<!tpu.dma_semaphore, #tpu.memory_space<semaphore_mem>>) src(%dma_wait3A_22 : memref<632x128xf32, #tpu.memory_space<vmem_shared>>) dst(%dma_wait3A_20 : memref<632x128xf32, #tpu.memory_space<hbm>>)
      tpu.yield
    }) : () -> ()
    return
  }
}

#map = affine_map<(d0, d1) -> (0, 0)>
#map1 = affine_map<(d0, d1) -> (0)>
#map2 = affine_map<(d0, d1) -> (0, 0, 0)>
module attributes {stable_mosaic.version = 14 : i64} {
  func.func @_scatter_body(%arg0: i32, %arg1: i32, %arg2: memref<10112x128xf32, #tpu.memory_space<hbm>>, %arg3: memref<323584xi32, #tpu.memory_space<hbm>>, %arg4: memref<323584xi32, #tpu.memory_space<hbm>>, %arg5: memref<10112x128xf32, #tpu.memory_space<hbm>>, %arg6: memref<2x10112x128xf32, #tpu.memory_space<hbm>>, %arg7: memref<10112x128xf32, #tpu.memory_space<vmem_shared>>, %arg8: memref<128xi32, #tpu.memory_space<vmem>>, %arg9: memref<128xi32, #tpu.memory_space<vmem>>, %arg10: memref<128x128xf32, #tpu.memory_space<vmem>>, %arg11: memref<!tpu.dma_semaphore, #tpu.memory_space<semaphore_mem>>) attributes {dimension_semantics = [#tpu.dimension_semantics<core_parallel>, #tpu.dimension_semantics<subcore_parallel>], iteration_bounds = array<i64: 2, 16>, scalar_prefetch = 0 : i64, scratch_operands = 5 : i64, tpu.core_type = #tpu.core_type<sc_vector_subcore>, window_params = [{transform_indices = #map}, {transform_indices = #map1}, {transform_indices = #map1}, {transform_indices = #map}, {transform_indices = #map2}]} {
    %mul3A = arith.constant 2 : i32
    %mul3A_0 = arith.muli %arg1, %mul3A : i32
    %add3A = arith.addi %mul3A_0, %arg0 : i32
    %mul3A_1 = arith.constant 632 : i32
    %mul3A_2 = arith.muli %arg1, %mul3A_1 : i32
    %mul3A_3 = arith.constant 632 : i32
    %mul3A_4 = arith.muli %arg1, %mul3A_3 : i32
    "tpu.region"() ({
      %run_scoped3A = tpu.sem_alloc : memref<!tpu.dma_semaphore, #tpu.memory_space<semaphore_mem>>
      %dma_start3A = arith.constant 0 : i32
      %dma_start3A_15 = tpu.memref_slice %arg7[%mul3A_4, %dma_start3A] : memref<10112x128xf32, #tpu.memory_space<vmem_shared>> -> memref<632x128xf32, #tpu.memory_space<vmem_shared>>
      %dma_start3A_16 = arith.constant 0 : i32
      %dma_start3A_17 = tpu.memref_slice %arg5[%mul3A_2, %dma_start3A_16] : memref<10112x128xf32, #tpu.memory_space<hbm>> -> memref<632x128xf32, #tpu.memory_space<hbm>>
      tpu.enqueue_dma source(%dma_start3A_17 : memref<632x128xf32, #tpu.memory_space<hbm>>) target(%dma_start3A_15 : memref<632x128xf32, #tpu.memory_space<vmem_shared>>) target_semaphore(%run_scoped3A : memref<!tpu.dma_semaphore, #tpu.memory_space<semaphore_mem>>)
      %dma_wait3A = arith.constant 0 : i32
      %dma_wait3A_18 = tpu.memref_slice %arg7[%mul3A_4, %dma_wait3A] : memref<10112x128xf32, #tpu.memory_space<vmem_shared>> -> memref<632x128xf32, #tpu.memory_space<vmem_shared>>
      %dma_wait3A_19 = arith.constant 0 : i32
      %dma_wait3A_20 = tpu.memref_slice %arg5[%mul3A_2, %dma_wait3A_19] : memref<10112x128xf32, #tpu.memory_space<hbm>> -> memref<632x128xf32, #tpu.memory_space<hbm>>
      tpu.wait_dma2 semaphore(%run_scoped3A : memref<!tpu.dma_semaphore, #tpu.memory_space<semaphore_mem>>) src(%dma_wait3A_20 : memref<632x128xf32, #tpu.memory_space<hbm>>) dst(%dma_wait3A_18 : memref<632x128xf32, #tpu.memory_space<vmem_shared>>)
      tpu.yield
    }) : () -> ()
    %barrier3A = arith.constant 0 : index
    tpu.barrier barrier_id(%barrier3A)
    %scan3A = arith.constant 0 : i32
    %scan3A_5 = arith.constant 0 : i32
    %scan3A_6 = arith.constant 79 : i32
    %scan3A_7 = arith.addi %scan3A_5, %scan3A_6 : i32
    %scan3A_8 = arith.constant 1 : i32
    scf.for %scan3A_15 = %scan3A_5 to %scan3A_7 step %scan3A_8  : i32 {
      %mul3A_16 = arith.constant 10112 : i32
      %mul3A_17 = arith.muli %add3A, %mul3A_16 : i32
      %mul3A_18 = arith.constant 128 : i32
      %mul3A_19 = arith.muli %scan3A_15, %mul3A_18 : i32
      %add3A_20 = arith.addi %mul3A_17, %mul3A_19 : i32
      "tpu.region"() ({
        %run_scoped3A = tpu.sem_alloc : memref<!tpu.dma_semaphore, #tpu.memory_space<semaphore_mem>>
        %dma_start3A_25 = tpu.memref_slice %arg3[%add3A_20] : memref<323584xi32, #tpu.memory_space<hbm>> -> memref<128xi32, #tpu.memory_space<hbm>>
        %dma_start3A_26 = tpu.memref_slice %arg3[%add3A_20] : memref<323584xi32, #tpu.memory_space<hbm>> -> memref<128xi32, #tpu.memory_space<hbm>>
        tpu.enqueue_dma source(%dma_start3A_26 : memref<128xi32, #tpu.memory_space<hbm>>) target(%arg8 : memref<128xi32, #tpu.memory_space<vmem>>) target_semaphore(%run_scoped3A : memref<!tpu.dma_semaphore, #tpu.memory_space<semaphore_mem>>)
        %dma_wait3A_27 = tpu.memref_slice %arg3[%add3A_20] : memref<323584xi32, #tpu.memory_space<hbm>> -> memref<128xi32, #tpu.memory_space<hbm>>
        %dma_wait3A_28 = tpu.memref_slice %arg3[%add3A_20] : memref<323584xi32, #tpu.memory_space<hbm>> -> memref<128xi32, #tpu.memory_space<hbm>>
        tpu.wait_dma2 semaphore(%run_scoped3A : memref<!tpu.dma_semaphore, #tpu.memory_space<semaphore_mem>>) src(%dma_wait3A_28 : memref<128xi32, #tpu.memory_space<hbm>>) dst(%arg8 : memref<128xi32, #tpu.memory_space<vmem>>)
        tpu.yield
      }) : () -> ()
      "tpu.region"() ({
        %run_scoped3A = tpu.sem_alloc : memref<!tpu.dma_semaphore, #tpu.memory_space<semaphore_mem>>
        %dma_start3A_25 = tpu.memref_slice %arg4[%add3A_20] : memref<323584xi32, #tpu.memory_space<hbm>> -> memref<128xi32, #tpu.memory_space<hbm>>
        %dma_start3A_26 = tpu.memref_slice %arg4[%add3A_20] : memref<323584xi32, #tpu.memory_space<hbm>> -> memref<128xi32, #tpu.memory_space<hbm>>
        tpu.enqueue_dma source(%dma_start3A_26 : memref<128xi32, #tpu.memory_space<hbm>>) target(%arg9 : memref<128xi32, #tpu.memory_space<vmem>>) target_semaphore(%run_scoped3A : memref<!tpu.dma_semaphore, #tpu.memory_space<semaphore_mem>>)
        %dma_wait3A_27 = tpu.memref_slice %arg4[%add3A_20] : memref<323584xi32, #tpu.memory_space<hbm>> -> memref<128xi32, #tpu.memory_space<hbm>>
        %dma_wait3A_28 = tpu.memref_slice %arg4[%add3A_20] : memref<323584xi32, #tpu.memory_space<hbm>> -> memref<128xi32, #tpu.memory_space<hbm>>
        tpu.wait_dma2 semaphore(%run_scoped3A : memref<!tpu.dma_semaphore, #tpu.memory_space<semaphore_mem>>) src(%dma_wait3A_28 : memref<128xi32, #tpu.memory_space<hbm>>) dst(%arg9 : memref<128xi32, #tpu.memory_space<vmem>>)
        tpu.yield
      }) : () -> ()
      %dma_start3A = arith.constant 0 : i32
      %dma_start3A_21 = arith.constant 0 : i32
      %dma_start3A_22 = tpu.memref_slice %arg2[%dma_start3A, %dma_start3A_21] : memref<10112x128xf32, #tpu.memory_space<hbm>> -> memref<10112x128xf32, #tpu.memory_space<hbm>>
      tpu.enqueue_indirect_dma source(%dma_start3A_22 : memref<10112x128xf32, #tpu.memory_space<hbm>>) target(%arg10 : memref<128x128xf32, #tpu.memory_space<vmem>>) offsets(%arg8 : memref<128xi32, #tpu.memory_space<vmem>>) semaphore(%arg11 : memref<!tpu.dma_semaphore, #tpu.memory_space<semaphore_mem>>)
      %dma_wait3A = arith.constant 0 : i32
      %dma_wait3A_23 = arith.constant 0 : i32
      %dma_wait3A_24 = tpu.memref_slice %arg2[%dma_wait3A, %dma_wait3A_23] : memref<10112x128xf32, #tpu.memory_space<hbm>> -> memref<10112x128xf32, #tpu.memory_space<hbm>>
      tpu.wait_indirect_dma semaphore(%arg11 : memref<!tpu.dma_semaphore, #tpu.memory_space<semaphore_mem>>) src(%dma_wait3A_24 : memref<10112x128xf32, #tpu.memory_space<hbm>>) dst(%arg10 : memref<128x128xf32, #tpu.memory_space<vmem>>)
      "tpu.region"() ({
        %run_scoped3A = tpu.sem_alloc : memref<!tpu.dma_semaphore, #tpu.memory_space<semaphore_mem>>
        %dma_start3A_25 = arith.constant 0 : i32
        %dma_start3A_26 = arith.constant 0 : i32
        %dma_start3A_27 = tpu.memref_slice %arg7[%dma_start3A_25, %dma_start3A_26] : memref<10112x128xf32, #tpu.memory_space<vmem_shared>> -> memref<10112x128xf32, #tpu.memory_space<vmem_shared>>
        tpu.enqueue_indirect_dma source(%arg10 : memref<128x128xf32, #tpu.memory_space<vmem>>) target(%dma_start3A_27 : memref<10112x128xf32, #tpu.memory_space<vmem_shared>>) offsets(%arg9 : memref<128xi32, #tpu.memory_space<vmem>>) semaphore(%run_scoped3A : memref<!tpu.dma_semaphore, #tpu.memory_space<semaphore_mem>>) {add = true}
        %dma_wait3A_28 = arith.constant 0 : i32
        %dma_wait3A_29 = arith.constant 0 : i32
        %dma_wait3A_30 = tpu.memref_slice %arg7[%dma_wait3A_28, %dma_wait3A_29] : memref<10112x128xf32, #tpu.memory_space<vmem_shared>> -> memref<10112x128xf32, #tpu.memory_space<vmem_shared>>
        tpu.wait_indirect_dma semaphore(%run_scoped3A : memref<!tpu.dma_semaphore, #tpu.memory_space<semaphore_mem>>) src(%arg10 : memref<128x128xf32, #tpu.memory_space<vmem>>) dst(%dma_wait3A_30 : memref<10112x128xf32, #tpu.memory_space<vmem_shared>>)
        tpu.yield
      }) : () -> ()
    }
    %scan3A_9 = arith.constant 79 : i32
    %barrier3A_10 = arith.constant 0 : index
    tpu.barrier barrier_id(%barrier3A_10)
    %mul3A_11 = arith.constant 632 : i32
    %mul3A_12 = arith.muli %arg1, %mul3A_11 : i32
    %mul3A_13 = arith.constant 632 : i32
    %mul3A_14 = arith.muli %arg1, %mul3A_13 : i32
    "tpu.region"() ({
      %run_scoped3A = tpu.sem_alloc : memref<!tpu.dma_semaphore, #tpu.memory_space<semaphore_mem>>
      %dma_start3A = arith.constant 0 : i32
      %dma_start3A_15 = tpu.memref_slice %arg6[%arg0, %mul3A_14, %dma_start3A] : memref<2x10112x128xf32, #tpu.memory_space<hbm>> -> memref<1x632x128xf32, #tpu.memory_space<hbm>>
      %dma_start3A_16 = tpu.memref_squeeze %dma_start3A_15 : memref<1x632x128xf32, #tpu.memory_space<hbm>> -> memref<632x128xf32, #tpu.memory_space<hbm>>
      %dma_start3A_17 = arith.constant 0 : i32
      %dma_start3A_18 = tpu.memref_slice %arg7[%mul3A_12, %dma_start3A_17] : memref<10112x128xf32, #tpu.memory_space<vmem_shared>> -> memref<632x128xf32, #tpu.memory_space<vmem_shared>>
      tpu.enqueue_dma source(%dma_start3A_18 : memref<632x128xf32, #tpu.memory_space<vmem_shared>>) target(%dma_start3A_16 : memref<632x128xf32, #tpu.memory_space<hbm>>) target_semaphore(%run_scoped3A : memref<!tpu.dma_semaphore, #tpu.memory_space<semaphore_mem>>)
      %dma_wait3A = arith.constant 0 : i32
      %dma_wait3A_19 = tpu.memref_slice %arg6[%arg0, %mul3A_14, %dma_wait3A] : memref<2x10112x128xf32, #tpu.memory_space<hbm>> -> memref<1x632x128xf32, #tpu.memory_space<hbm>>
      %dma_wait3A_20 = tpu.memref_squeeze %dma_wait3A_19 : memref<1x632x128xf32, #tpu.memory_space<hbm>> -> memref<632x128xf32, #tpu.memory_space<hbm>>
      %dma_wait3A_21 = arith.constant 0 : i32
      %dma_wait3A_22 = tpu.memref_slice %arg7[%mul3A_12, %dma_wait3A_21] : memref<10112x128xf32, #tpu.memory_space<vmem_shared>> -> memref<632x128xf32, #tpu.memory_space<vmem_shared>>
      tpu.wait_dma2 semaphore(%run_scoped3A : memref<!tpu.dma_semaphore, #tpu.memory_space<semaphore_mem>>) src(%dma_wait3A_22 : memref<632x128xf32, #tpu.memory_space<vmem_shared>>) dst(%dma_wait3A_20 : memref<632x128xf32, #tpu.memory_space<hbm>>)
      tpu.yield
    }) : () -> ()
    return
  }
}

#map = affine_map<(d0, d1) -> (0, 0)>
#map1 = affine_map<(d0, d1) -> (0)>
#map2 = affine_map<(d0, d1) -> (0, 0, 0)>
module attributes {stable_mosaic.version = 14 : i64} {
  func.func @_scatter_body(%arg0: i32, %arg1: i32, %arg2: memref<10112x128xf32, #tpu.memory_space<hbm>>, %arg3: memref<323584xi32, #tpu.memory_space<hbm>>, %arg4: memref<323584xi32, #tpu.memory_space<hbm>>, %arg5: memref<10112x128xf32, #tpu.memory_space<hbm>>, %arg6: memref<2x10112x128xf32, #tpu.memory_space<hbm>>, %arg7: memref<10112x128xf32, #tpu.memory_space<vmem_shared>>, %arg8: memref<128xi32, #tpu.memory_space<vmem>>, %arg9: memref<128xi32, #tpu.memory_space<vmem>>, %arg10: memref<128x128xf32, #tpu.memory_space<vmem>>, %arg11: memref<!tpu.dma_semaphore, #tpu.memory_space<semaphore_mem>>) attributes {dimension_semantics = [#tpu.dimension_semantics<core_parallel>, #tpu.dimension_semantics<subcore_parallel>], iteration_bounds = array<i64: 2, 16>, scalar_prefetch = 0 : i64, scratch_operands = 5 : i64, tpu.core_type = #tpu.core_type<sc_vector_subcore>, window_params = [{transform_indices = #map}, {transform_indices = #map1}, {transform_indices = #map1}, {transform_indices = #map}, {transform_indices = #map2}]} {
    %mul3A = arith.constant 2 : i32
    %mul3A_0 = arith.muli %arg1, %mul3A : i32
    %add3A = arith.addi %mul3A_0, %arg0 : i32
    %mul3A_1 = arith.constant 632 : i32
    %mul3A_2 = arith.muli %arg1, %mul3A_1 : i32
    %mul3A_3 = arith.constant 632 : i32
    %mul3A_4 = arith.muli %arg1, %mul3A_3 : i32
    "tpu.region"() ({
      %run_scoped3A = tpu.sem_alloc : memref<!tpu.dma_semaphore, #tpu.memory_space<semaphore_mem>>
      %dma_start3A = arith.constant 0 : i32
      %dma_start3A_15 = tpu.memref_slice %arg7[%mul3A_4, %dma_start3A] : memref<10112x128xf32, #tpu.memory_space<vmem_shared>> -> memref<632x128xf32, #tpu.memory_space<vmem_shared>>
      %dma_start3A_16 = arith.constant 0 : i32
      %dma_start3A_17 = tpu.memref_slice %arg5[%mul3A_2, %dma_start3A_16] : memref<10112x128xf32, #tpu.memory_space<hbm>> -> memref<632x128xf32, #tpu.memory_space<hbm>>
      tpu.enqueue_dma source(%dma_start3A_17 : memref<632x128xf32, #tpu.memory_space<hbm>>) target(%dma_start3A_15 : memref<632x128xf32, #tpu.memory_space<vmem_shared>>) target_semaphore(%run_scoped3A : memref<!tpu.dma_semaphore, #tpu.memory_space<semaphore_mem>>)
      %dma_wait3A = arith.constant 0 : i32
      %dma_wait3A_18 = tpu.memref_slice %arg7[%mul3A_4, %dma_wait3A] : memref<10112x128xf32, #tpu.memory_space<vmem_shared>> -> memref<632x128xf32, #tpu.memory_space<vmem_shared>>
      %dma_wait3A_19 = arith.constant 0 : i32
      %dma_wait3A_20 = tpu.memref_slice %arg5[%mul3A_2, %dma_wait3A_19] : memref<10112x128xf32, #tpu.memory_space<hbm>> -> memref<632x128xf32, #tpu.memory_space<hbm>>
      tpu.wait_dma2 semaphore(%run_scoped3A : memref<!tpu.dma_semaphore, #tpu.memory_space<semaphore_mem>>) src(%dma_wait3A_20 : memref<632x128xf32, #tpu.memory_space<hbm>>) dst(%dma_wait3A_18 : memref<632x128xf32, #tpu.memory_space<vmem_shared>>)
      tpu.yield
    }) : () -> ()
    %barrier3A = arith.constant 0 : index
    tpu.barrier barrier_id(%barrier3A)
    %scan3A = arith.constant 0 : i32
    %scan3A_5 = arith.constant 0 : i32
    %scan3A_6 = arith.constant 79 : i32
    %scan3A_7 = arith.addi %scan3A_5, %scan3A_6 : i32
    %scan3A_8 = arith.constant 1 : i32
    scf.for %scan3A_15 = %scan3A_5 to %scan3A_7 step %scan3A_8  : i32 {
      %mul3A_16 = arith.constant 10112 : i32
      %mul3A_17 = arith.muli %add3A, %mul3A_16 : i32
      %mul3A_18 = arith.constant 128 : i32
      %mul3A_19 = arith.muli %scan3A_15, %mul3A_18 : i32
      %add3A_20 = arith.addi %mul3A_17, %mul3A_19 : i32
      "tpu.region"() ({
        %run_scoped3A = tpu.sem_alloc : memref<!tpu.dma_semaphore, #tpu.memory_space<semaphore_mem>>
        %dma_start3A_25 = tpu.memref_slice %arg3[%add3A_20] : memref<323584xi32, #tpu.memory_space<hbm>> -> memref<128xi32, #tpu.memory_space<hbm>>
        %dma_start3A_26 = tpu.memref_slice %arg3[%add3A_20] : memref<323584xi32, #tpu.memory_space<hbm>> -> memref<128xi32, #tpu.memory_space<hbm>>
        tpu.enqueue_dma source(%dma_start3A_26 : memref<128xi32, #tpu.memory_space<hbm>>) target(%arg8 : memref<128xi32, #tpu.memory_space<vmem>>) target_semaphore(%run_scoped3A : memref<!tpu.dma_semaphore, #tpu.memory_space<semaphore_mem>>)
        %dma_wait3A_27 = tpu.memref_slice %arg3[%add3A_20] : memref<323584xi32, #tpu.memory_space<hbm>> -> memref<128xi32, #tpu.memory_space<hbm>>
        %dma_wait3A_28 = tpu.memref_slice %arg3[%add3A_20] : memref<323584xi32, #tpu.memory_space<hbm>> -> memref<128xi32, #tpu.memory_space<hbm>>
        tpu.wait_dma2 semaphore(%run_scoped3A : memref<!tpu.dma_semaphore, #tpu.memory_space<semaphore_mem>>) src(%dma_wait3A_28 : memref<128xi32, #tpu.memory_space<hbm>>) dst(%arg8 : memref<128xi32, #tpu.memory_space<vmem>>)
        tpu.yield
      }) : () -> ()
      "tpu.region"() ({
        %run_scoped3A = tpu.sem_alloc : memref<!tpu.dma_semaphore, #tpu.memory_space<semaphore_mem>>
        %dma_start3A_25 = tpu.memref_slice %arg4[%add3A_20] : memref<323584xi32, #tpu.memory_space<hbm>> -> memref<128xi32, #tpu.memory_space<hbm>>
        %dma_start3A_26 = tpu.memref_slice %arg4[%add3A_20] : memref<323584xi32, #tpu.memory_space<hbm>> -> memref<128xi32, #tpu.memory_space<hbm>>
        tpu.enqueue_dma source(%dma_start3A_26 : memref<128xi32, #tpu.memory_space<hbm>>) target(%arg9 : memref<128xi32, #tpu.memory_space<vmem>>) target_semaphore(%run_scoped3A : memref<!tpu.dma_semaphore, #tpu.memory_space<semaphore_mem>>)
        %dma_wait3A_27 = tpu.memref_slice %arg4[%add3A_20] : memref<323584xi32, #tpu.memory_space<hbm>> -> memref<128xi32, #tpu.memory_space<hbm>>
        %dma_wait3A_28 = tpu.memref_slice %arg4[%add3A_20] : memref<323584xi32, #tpu.memory_space<hbm>> -> memref<128xi32, #tpu.memory_space<hbm>>
        tpu.wait_dma2 semaphore(%run_scoped3A : memref<!tpu.dma_semaphore, #tpu.memory_space<semaphore_mem>>) src(%dma_wait3A_28 : memref<128xi32, #tpu.memory_space<hbm>>) dst(%arg9 : memref<128xi32, #tpu.memory_space<vmem>>)
        tpu.yield
      }) : () -> ()
      %dma_start3A = arith.constant 0 : i32
      %dma_start3A_21 = arith.constant 0 : i32
      %dma_start3A_22 = tpu.memref_slice %arg2[%dma_start3A, %dma_start3A_21] : memref<10112x128xf32, #tpu.memory_space<hbm>> -> memref<10112x128xf32, #tpu.memory_space<hbm>>
      tpu.enqueue_indirect_dma source(%dma_start3A_22 : memref<10112x128xf32, #tpu.memory_space<hbm>>) target(%arg10 : memref<128x128xf32, #tpu.memory_space<vmem>>) offsets(%arg8 : memref<128xi32, #tpu.memory_space<vmem>>) semaphore(%arg11 : memref<!tpu.dma_semaphore, #tpu.memory_space<semaphore_mem>>)
      %dma_wait3A = arith.constant 0 : i32
      %dma_wait3A_23 = arith.constant 0 : i32
      %dma_wait3A_24 = tpu.memref_slice %arg2[%dma_wait3A, %dma_wait3A_23] : memref<10112x128xf32, #tpu.memory_space<hbm>> -> memref<10112x128xf32, #tpu.memory_space<hbm>>
      tpu.wait_indirect_dma semaphore(%arg11 : memref<!tpu.dma_semaphore, #tpu.memory_space<semaphore_mem>>) src(%dma_wait3A_24 : memref<10112x128xf32, #tpu.memory_space<hbm>>) dst(%arg10 : memref<128x128xf32, #tpu.memory_space<vmem>>)
      "tpu.region"() ({
        %run_scoped3A = tpu.sem_alloc : memref<!tpu.dma_semaphore, #tpu.memory_space<semaphore_mem>>
        %dma_start3A_25 = arith.constant 0 : i32
        %dma_start3A_26 = arith.constant 0 : i32
        %dma_start3A_27 = tpu.memref_slice %arg7[%dma_start3A_25, %dma_start3A_26] : memref<10112x128xf32, #tpu.memory_space<vmem_shared>> -> memref<10112x128xf32, #tpu.memory_space<vmem_shared>>
        tpu.enqueue_indirect_dma source(%arg10 : memref<128x128xf32, #tpu.memory_space<vmem>>) target(%dma_start3A_27 : memref<10112x128xf32, #tpu.memory_space<vmem_shared>>) offsets(%arg9 : memref<128xi32, #tpu.memory_space<vmem>>) semaphore(%run_scoped3A : memref<!tpu.dma_semaphore, #tpu.memory_space<semaphore_mem>>) {add = true}
        %dma_wait3A_28 = arith.constant 0 : i32
        %dma_wait3A_29 = arith.constant 0 : i32
        %dma_wait3A_30 = tpu.memref_slice %arg7[%dma_wait3A_28, %dma_wait3A_29] : memref<10112x128xf32, #tpu.memory_space<vmem_shared>> -> memref<10112x128xf32, #tpu.memory_space<vmem_shared>>
        tpu.wait_indirect_dma semaphore(%run_scoped3A : memref<!tpu.dma_semaphore, #tpu.memory_space<semaphore_mem>>) src(%arg10 : memref<128x128xf32, #tpu.memory_space<vmem>>) dst(%dma_wait3A_30 : memref<10112x128xf32, #tpu.memory_space<vmem_shared>>)
        tpu.yield
      }) : () -> ()
    }
    %scan3A_9 = arith.constant 79 : i32
    %barrier3A_10 = arith.constant 0 : index
    tpu.barrier barrier_id(%barrier3A_10)
    %mul3A_11 = arith.constant 632 : i32
    %mul3A_12 = arith.muli %arg1, %mul3A_11 : i32
    %mul3A_13 = arith.constant 632 : i32
    %mul3A_14 = arith.muli %arg1, %mul3A_13 : i32
    "tpu.region"() ({
      %run_scoped3A = tpu.sem_alloc : memref<!tpu.dma_semaphore, #tpu.memory_space<semaphore_mem>>
      %dma_start3A = arith.constant 0 : i32
      %dma_start3A_15 = tpu.memref_slice %arg6[%arg0, %mul3A_14, %dma_start3A] : memref<2x10112x128xf32, #tpu.memory_space<hbm>> -> memref<1x632x128xf32, #tpu.memory_space<hbm>>
      %dma_start3A_16 = tpu.memref_squeeze %dma_start3A_15 : memref<1x632x128xf32, #tpu.memory_space<hbm>> -> memref<632x128xf32, #tpu.memory_space<hbm>>
      %dma_start3A_17 = arith.constant 0 : i32
      %dma_start3A_18 = tpu.memref_slice %arg7[%mul3A_12, %dma_start3A_17] : memref<10112x128xf32, #tpu.memory_space<vmem_shared>> -> memref<632x128xf32, #tpu.memory_space<vmem_shared>>
      tpu.enqueue_dma source(%dma_start3A_18 : memref<632x128xf32, #tpu.memory_space<vmem_shared>>) target(%dma_start3A_16 : memref<632x128xf32, #tpu.memory_space<hbm>>) target_semaphore(%run_scoped3A : memref<!tpu.dma_semaphore, #tpu.memory_space<semaphore_mem>>)
      %dma_wait3A = arith.constant 0 : i32
      %dma_wait3A_19 = tpu.memref_slice %arg6[%arg0, %mul3A_14, %dma_wait3A] : memref<2x10112x128xf32, #tpu.memory_space<hbm>> -> memref<1x632x128xf32, #tpu.memory_space<hbm>>
      %dma_wait3A_20 = tpu.memref_squeeze %dma_wait3A_19 : memref<1x632x128xf32, #tpu.memory_space<hbm>> -> memref<632x128xf32, #tpu.memory_space<hbm>>
      %dma_wait3A_21 = arith.constant 0 : i32
      %dma_wait3A_22 = tpu.memref_slice %arg7[%mul3A_12, %dma_wait3A_21] : memref<10112x128xf32, #tpu.memory_space<vmem_shared>> -> memref<632x128xf32, #tpu.memory_space<vmem_shared>>
      tpu.wait_dma2 semaphore(%run_scoped3A : memref<!tpu.dma_semaphore, #tpu.memory_space<semaphore_mem>>) src(%dma_wait3A_22 : memref<632x128xf32, #tpu.memory_space<vmem_shared>>) dst(%dma_wait3A_20 : memref<632x128xf32, #tpu.memory_space<hbm>>)
      tpu.yield
    }) : () -> ()
    return
  }
}

module attributes {stable_mosaic.version = 14 : i64} {
  func.func @_mlp_body(%arg0: i32, %arg1: memref<1264x128xf32, #tpu.memory_space<vmem>>, %arg2: memref<128x128xf32, #tpu.memory_space<vmem>>, %arg3: memref<1x128xf32, #tpu.memory_space<vmem>>, %arg4: memref<128x64xf32, #tpu.memory_space<vmem>>, %arg5: memref<1x64xf32, #tpu.memory_space<vmem>>, %arg6: memref<1x1264x128xf32, #tpu.memory_space<vmem>>, %arg7: memref<1x1264x128xf32, #tpu.memory_space<vmem>>, %arg8: memref<1264x128xf32, #tpu.memory_space<vmem>>, %arg9: memref<1264x1xf32, #tpu.memory_space<vmem>>, %arg10: memref<1264x1xf32, #tpu.memory_space<vmem>>) attributes {dimension_semantics = [#tpu.dimension_semantics<arbitrary>], iteration_bounds = array<i64: 8>, scalar_prefetch = 0 : i64, scratch_operands = 0 : i64, tpu.core_type = #tpu.core_type<tc>, window_params = [{transform_indices = @transform_0, window_bounds = array<i64: 1264, 128>}, {pipeline_mode = #tpu.pipeline_mode<synchronous>, transform_indices = @transform_1, window_bounds = array<i64: 128, 128>}, {pipeline_mode = #tpu.pipeline_mode<synchronous>, transform_indices = @transform_2, window_bounds = array<i64: 1, 128>}, {pipeline_mode = #tpu.pipeline_mode<synchronous>, transform_indices = @transform_3, window_bounds = array<i64: 128, 64>}, {pipeline_mode = #tpu.pipeline_mode<synchronous>, transform_indices = @transform_4, window_bounds = array<i64: 1, 64>}, {transform_indices = @transform_5, window_bounds = array<i64: 1, 1264, 128>}, {transform_indices = @transform_6, window_bounds = array<i64: 1, 1264, 128>}, {transform_indices = @transform_7, window_bounds = array<i64: 1264, 128>}, {transform_indices = @transform_8, window_bounds = array<i64: 1264, 1>}, {transform_indices = @transform_9, window_bounds = array<i64: 1264, 1>}]} {
    %get3A = arith.constant 0 : index
    %get3A_0 = arith.constant 0 : index
    %get3A_1 = vector.load %arg1[%get3A, %get3A_0] : memref<1264x128xf32, #tpu.memory_space<vmem>>, vector<1264x128xf32>
    %get3A_2 = arith.constant 0 : index
    %get3A_3 = arith.constant 0 : index
    %get3A_4 = vector.load %arg2[%get3A_2, %get3A_3] : memref<128x128xf32, #tpu.memory_space<vmem>>, vector<128x128xf32>
    %dot_general3A = arith.constant dense<0.000000e+00> : vector<1264x128xf32>
    %dot_general3A_5 = tpu.matmul %get3A_1, %get3A_4, %dot_general3A {dimension_numbers = #tpu.dot_dimension_numbers<[1], [0], [0], [1], [0, 0, 1, 1], [], []>, transpose_lhs_hint = false} : vector<1264x128xf32>, vector<128x128xf32>, vector<1264x128xf32> -> vector<1264x128xf32>
    %get3A_6 = arith.constant 0 : index
    %get3A_7 = arith.constant 0 : index
    %get3A_8 = vector.load %arg3[%get3A_6, %get3A_7] : memref<1x128xf32, #tpu.memory_space<vmem>>, vector<1x128xf32>
    %add3A = vector.broadcast %get3A_8 : vector<1x128xf32> to vector<1264x128xf32>
    %add3A_9 = arith.addf %dot_general3A_5, %add3A : vector<1264x128xf32>
    %max3A = arith.constant 0.000000e+00 : f32
    %max3A_10 = vector.broadcast %max3A : f32 to vector<1264x128xf32>
    %max3A_11 = arith.maximumf %add3A_9, %max3A_10 : vector<1264x128xf32>
    %get3A_12 = arith.constant 0 : index
    %get3A_13 = arith.constant 0 : index
    %get3A_14 = vector.load %arg4[%get3A_12, %get3A_13] : memref<128x64xf32, #tpu.memory_space<vmem>>, vector<128x64xf32>
    %dot_general3A_15 = arith.constant dense<0.000000e+00> : vector<1264x64xf32>
    %dot_general3A_16 = tpu.matmul %max3A_11, %get3A_14, %dot_general3A_15 {dimension_numbers = #tpu.dot_dimension_numbers<[1], [0], [0], [1], [0, 0, 1, 1], [], []>, transpose_lhs_hint = false} : vector<1264x128xf32>, vector<128x64xf32>, vector<1264x64xf32> -> vector<1264x64xf32>
    %get3A_17 = arith.constant 0 : index
    %get3A_18 = arith.constant 0 : index
    %get3A_19 = vector.load %arg5[%get3A_17, %get3A_18] : memref<1x64xf32, #tpu.memory_space<vmem>>, vector<1x64xf32>
    %add3A_20 = vector.broadcast %get3A_19 : vector<1x64xf32> to vector<1264x64xf32>
    %add3A_21 = arith.addf %dot_general3A_16, %add3A_20 : vector<1264x64xf32>
    %get3A_22 = arith.constant 0 : index
    %get3A_23 = arith.constant 0 : index
    %get3A_24 = arith.constant 0 : index
    %get3A_25 = vector.load %arg6[%get3A_22, %get3A_23, %get3A_24] : memref<1x1264x128xf32, #tpu.memory_space<vmem>>, vector<1x1264x128xf32>
    %get3A_26 = vector.shape_cast %get3A_25 : vector<1x1264x128xf32> to vector<1264x128xf32>
    %slice3A = vector.extract_strided_slice %get3A_26 {offsets = [0, 0], sizes = [1264, 1], strides = [1, 1]} : vector<1264x128xf32> to vector<1264x1xf32>
    %get3A_27 = arith.constant 0 : index
    %get3A_28 = arith.constant 0 : index
    %get3A_29 = arith.constant 0 : index
    %get3A_30 = vector.load %arg7[%get3A_27, %get3A_28, %get3A_29] : memref<1x1264x128xf32, #tpu.memory_space<vmem>>, vector<1x1264x128xf32>
    %get3A_31 = vector.shape_cast %get3A_30 : vector<1x1264x128xf32> to vector<1264x128xf32>
    %slice3A_32 = vector.extract_strided_slice %get3A_31 {offsets = [0, 0], sizes = [1264, 1], strides = [1, 1]} : vector<1264x128xf32> to vector<1264x1xf32>
    %add3A_33 = arith.addf %slice3A, %slice3A_32 : vector<1264x1xf32>
    %add3A_34 = arith.constant 1.000000e+00 : f32
    %add3A_35 = vector.broadcast %add3A_34 : f32 to vector<1264x1xf32>
    %add3A_36 = arith.addf %add3A_33, %add3A_35 : vector<1264x1xf32>
    %rsqrt3A = math.rsqrt %add3A_36 : vector<1264x1xf32>
    %mul3A = vector.broadcast %rsqrt3A : vector<1264x1xf32> to vector<1264x64xf32>
    %mul3A_37 = arith.mulf %add3A_21, %mul3A : vector<1264x64xf32>
    %broadcast_in_dim3A = arith.constant 0.000000e+00 : f32
    %broadcast_in_dim3A_38 = vector.broadcast %broadcast_in_dim3A : f32 to vector<1264x64xf32>
    %concatenate3A = tpu.concatenate %mul3A_37, %broadcast_in_dim3A_38 in 1 : vector<1264x64xf32>, vector<1264x64xf32> -> vector<1264x128xf32>
    %swap3A = arith.constant 0 : index
    %swap3A_39 = arith.constant 0 : index
    %swap3A_40 = vector.load %arg8[%swap3A, %swap3A_39] : memref<1264x128xf32, #tpu.memory_space<vmem>>, vector<1264x128xf32>
    tpu.vector_store %arg8[%swap3A, %swap3A_39], %concatenate3A {strides = array<i32>} : memref<1264x128xf32, #tpu.memory_space<vmem>>, vector<1264x128xf32>,
    %swap3A_41 = arith.constant 0 : index
    %swap3A_42 = arith.constant 0 : index
    %swap3A_43 = vector.load %arg9[%swap3A_41, %swap3A_42] : memref<1264x1xf32, #tpu.memory_space<vmem>>, vector<1264x1xf32>
    tpu.vector_store %arg9[%swap3A_41, %swap3A_42], %rsqrt3A {strides = array<i32>} : memref<1264x1xf32, #tpu.memory_space<vmem>>, vector<1264x1xf32>,
    %mul3A_44 = arith.mulf %rsqrt3A, %rsqrt3A : vector<1264x1xf32>
    %swap3A_45 = arith.constant 0 : index
    %swap3A_46 = arith.constant 0 : index
    %swap3A_47 = vector.load %arg10[%swap3A_45, %swap3A_46] : memref<1264x1xf32, #tpu.memory_space<vmem>>, vector<1264x1xf32>
    tpu.vector_store %arg10[%swap3A_45, %swap3A_46], %mul3A_44 {strides = array<i32>} : memref<1264x1xf32, #tpu.memory_space<vmem>>, vector<1264x1xf32>,
    return
  }
  func.func @transform_0(%arg0: i32) -> (i32, i32) {
    %c0_i32 = arith.constant 0 : i32
    %c0_i32_0 = arith.constant 0 : i32
    return %arg0, %c0_i32 : i32, i32
  }
  func.func @transform_1(%arg0: i32) -> (i32, i32) {
    %c0_i32 = arith.constant 0 : i32
    %c0_i32_0 = arith.constant 0 : i32
    %c0_i32_1 = arith.constant 0 : i32
    return %c0_i32, %c0_i32_0 : i32, i32
  }
  func.func @transform_2(%arg0: i32) -> (i32, i32) {
    %c0_i32 = arith.constant 0 : i32
    %c0_i32_0 = arith.constant 0 : i32
    %c0_i32_1 = arith.constant 0 : i32
    return %c0_i32, %c0_i32_0 : i32, i32
  }
  func.func @transform_3(%arg0: i32) -> (i32, i32) {
    %c0_i32 = arith.constant 0 : i32
    %c0_i32_0 = arith.constant 0 : i32
    %c0_i32_1 = arith.constant 0 : i32
    return %c0_i32, %c0_i32_0 : i32, i32
  }
  func.func @transform_4(%arg0: i32) -> (i32, i32) {
    %c0_i32 = arith.constant 0 : i32
    %c0_i32_0 = arith.constant 0 : i32
    %c0_i32_1 = arith.constant 0 : i32
    return %c0_i32, %c0_i32_0 : i32, i32
  }
  func.func @transform_5(%arg0: i32) -> (i32, i32, i32) {
    %c0_i32 = arith.constant 0 : i32
    %c0_i32_0 = arith.constant 0 : i32
    %c0_i32_1 = arith.constant 0 : i32
    return %c0_i32, %arg0, %c0_i32_0 : i32, i32, i32
  }
  func.func @transform_6(%arg0: i32) -> (i32, i32, i32) {
    %c1_i32 = arith.constant 1 : i32
    %c0_i32 = arith.constant 0 : i32
    %c0_i32_0 = arith.constant 0 : i32
    return %c1_i32, %arg0, %c0_i32 : i32, i32, i32
  }
  func.func @transform_7(%arg0: i32) -> (i32, i32) {
    %c0_i32 = arith.constant 0 : i32
    %c0_i32_0 = arith.constant 0 : i32
    return %arg0, %c0_i32 : i32, i32
  }
  func.func @transform_8(%arg0: i32) -> (i32, i32) {
    %c0_i32 = arith.constant 0 : i32
    %c0_i32_0 = arith.constant 0 : i32
    return %arg0, %c0_i32 : i32, i32
  }
  func.func @transform_9(%arg0: i32) -> (i32, i32) {
    %c0_i32 = arith.constant 0 : i32
    %c0_i32_0 = arith.constant 0 : i32
    return %arg0, %c0_i32 : i32, i32
  }
}

module attributes {stable_mosaic.version = 14 : i64} {
  func.func @_final_body(%arg0: i32, %arg1: memref<2000x128xf32, #tpu.memory_space<vmem>>, %arg2: memref<2000x1xf32, #tpu.memory_space<vmem>>, %arg3: memref<2000x64xf32, #tpu.memory_space<vmem>>) attributes {dimension_semantics = [#tpu.dimension_semantics<arbitrary>], iteration_bounds = array<i64: 5>, scalar_prefetch = 0 : i64, scratch_operands = 0 : i64, tpu.core_type = #tpu.core_type<tc>, window_params = [{transform_indices = @transform_0, window_bounds = array<i64: 2000, 128>}, {transform_indices = @transform_1, window_bounds = array<i64: 2000, 1>}, {transform_indices = @transform_2, window_bounds = array<i64: 2000, 64>}]} {
    %get3A = arith.constant 0 : index
    %get3A_0 = arith.constant 0 : index
    %get3A_1 = vector.load %arg1[%get3A, %get3A_0] : memref<2000x128xf32, #tpu.memory_space<vmem>>, vector<2000x64xf32>
    %get3A_2 = arith.constant 0 : index
    %get3A_3 = arith.constant 0 : index
    %get3A_4 = vector.load %arg2[%get3A_2, %get3A_3] : memref<2000x1xf32, #tpu.memory_space<vmem>>, vector<2000x1xf32>
    %div3A = vector.broadcast %get3A_4 : vector<2000x1xf32> to vector<2000x64xf32>
    %div3A_5 = arith.divf %get3A_1, %div3A : vector<2000x64xf32>
    %reduce_max3A = arith.constant dense<0xFF800000> : vector<2000xf32>
    %reduce_max3A_6 = vector.multi_reduction <maximumf>, %div3A_5, %reduce_max3A [1] : vector<2000x64xf32> to vector<2000xf32>
    %broadcast_in_dim3A = vector.shape_cast %reduce_max3A_6 : vector<2000xf32> to vector<2000x1xf32>
    %sub3A = vector.broadcast %broadcast_in_dim3A : vector<2000x1xf32> to vector<2000x64xf32>
    %sub3A_7 = arith.subf %div3A_5, %sub3A : vector<2000x64xf32>
    %exp3A = math.exp %sub3A_7 : vector<2000x64xf32>
    %reduce_sum3A = arith.constant dense<0.000000e+00> : vector<2000xf32>
    %reduce_sum3A_8 = vector.multi_reduction <add>, %exp3A, %reduce_sum3A [1] : vector<2000x64xf32> to vector<2000xf32>
    %broadcast_in_dim3A_9 = vector.shape_cast %reduce_sum3A_8 : vector<2000xf32> to vector<2000x1xf32>
    %log3A = math.log %broadcast_in_dim3A_9 : vector<2000x1xf32>
    %add3A = arith.addf %broadcast_in_dim3A, %log3A : vector<2000x1xf32>
    %sub3A_10 = vector.broadcast %add3A : vector<2000x1xf32> to vector<2000x64xf32>
    %sub3A_11 = arith.subf %div3A_5, %sub3A_10 : vector<2000x64xf32>
    %swap3A = arith.constant 0 : index
    %swap3A_12 = arith.constant 0 : index
    %swap3A_13 = vector.load %arg3[%swap3A, %swap3A_12] : memref<2000x64xf32, #tpu.memory_space<vmem>>, vector<2000x64xf32>
    tpu.vector_store %arg3[%swap3A, %swap3A_12], %sub3A_11 {strides = array<i32>} : memref<2000x64xf32, #tpu.memory_space<vmem>>, vector<2000x64xf32>,
    return
  }
  func.func @transform_0(%arg0: i32) -> (i32, i32) {
    %c0_i32 = arith.constant 0 : i32
    %c0_i32_0 = arith.constant 0 : i32
    return %arg0, %c0_i32 : i32, i32
  }
  func.func @transform_1(%arg0: i32) -> (i32, i32) {
    %c0_i32 = arith.constant 0 : i32
    %c0_i32_0 = arith.constant 0 : i32
    return %arg0, %c0_i32 : i32, i32
  }
  func.func @transform_2(%arg0: i32) -> (i32, i32) {
    %c0_i32 = arith.constant 0 : i32
    %c0_i32_0 = arith.constant 0 : i32
    return %arg0, %c0_i32 : i32, i32
  }
}

module attributes {stable_mosaic.version = 14 : i64} {
  func.func @_upd_body(%arg0: i32, %arg1: memref<1x1264x128xf32, #tpu.memory_space<vmem>>, %arg2: memref<1x1264x128xf32, #tpu.memory_space<vmem>>, %arg3: memref<1264x128xf32, #tpu.memory_space<vmem>>, %arg4: memref<1264x128xf32, #tpu.memory_space<vmem>>, %arg5: memref<1264x1xf32, #tpu.memory_space<vmem>>, %arg6: memref<1264x128xf32, #tpu.memory_space<vmem>>) attributes {dimension_semantics = [#tpu.dimension_semantics<arbitrary>], iteration_bounds = array<i64: 8>, scalar_prefetch = 0 : i64, scratch_operands = 0 : i64, tpu.core_type = #tpu.core_type<tc>, window_params = [{transform_indices = @transform_0, window_bounds = array<i64: 1, 1264, 128>}, {transform_indices = @transform_1, window_bounds = array<i64: 1, 1264, 128>}, {transform_indices = @transform_2, window_bounds = array<i64: 1264, 128>}, {transform_indices = @transform_3, window_bounds = array<i64: 1264, 128>}, {transform_indices = @transform_4, window_bounds = array<i64: 1264, 1>}, {transform_indices = @transform_5, window_bounds = array<i64: 1264, 128>}]} {
    %get3A = arith.constant 0 : index
    %get3A_0 = arith.constant 0 : index
    %get3A_1 = arith.constant 0 : index
    %get3A_2 = vector.load %arg1[%get3A, %get3A_0, %get3A_1] : memref<1x1264x128xf32, #tpu.memory_space<vmem>>, vector<1x1264x128xf32>
    %get3A_3 = vector.shape_cast %get3A_2 : vector<1x1264x128xf32> to vector<1264x128xf32>
    %get3A_4 = arith.constant 0 : index
    %get3A_5 = arith.constant 0 : index
    %get3A_6 = arith.constant 0 : index
    %get3A_7 = vector.load %arg2[%get3A_4, %get3A_5, %get3A_6] : memref<1x1264x128xf32, #tpu.memory_space<vmem>>, vector<1x1264x128xf32>
    %get3A_8 = vector.shape_cast %get3A_7 : vector<1x1264x128xf32> to vector<1264x128xf32>
    %add3A = arith.addf %get3A_3, %get3A_8 : vector<1264x128xf32>
    %get3A_9 = arith.constant 0 : index
    %get3A_10 = arith.constant 0 : index
    %get3A_11 = vector.load %arg3[%get3A_9, %get3A_10] : memref<1264x128xf32, #tpu.memory_space<vmem>>, vector<1264x128xf32>
    %add3A_12 = arith.addf %add3A, %get3A_11 : vector<1264x128xf32>
    %get3A_13 = arith.constant 0 : index
    %get3A_14 = arith.constant 0 : index
    %get3A_15 = vector.load %arg5[%get3A_13, %get3A_14] : memref<1264x1xf32, #tpu.memory_space<vmem>>, vector<1264x1xf32>
    %mul3A = arith.constant 0.899999976 : f32
    %mul3A_16 = vector.broadcast %mul3A : f32 to vector<1264x1xf32>
    %mul3A_17 = arith.mulf %mul3A_16, %get3A_15 : vector<1264x1xf32>
    %mul3A_18 = vector.broadcast %mul3A_17 : vector<1264x1xf32> to vector<1264x128xf32>
    %mul3A_19 = arith.mulf %mul3A_18, %add3A_12 : vector<1264x128xf32>
    %get3A_20 = arith.constant 0 : index
    %get3A_21 = arith.constant 0 : index
    %get3A_22 = vector.load %arg4[%get3A_20, %get3A_21] : memref<1264x128xf32, #tpu.memory_space<vmem>>, vector<1264x128xf32>
    %mul3A_23 = arith.constant 1.000000e-01 : f32
    %mul3A_24 = vector.broadcast %mul3A_23 : f32 to vector<1264x128xf32>
    %mul3A_25 = arith.mulf %mul3A_24, %get3A_22 : vector<1264x128xf32>
    %add3A_26 = arith.addf %mul3A_19, %mul3A_25 : vector<1264x128xf32>
    %swap3A = arith.constant 0 : index
    %swap3A_27 = arith.constant 0 : index
    %swap3A_28 = vector.load %arg6[%swap3A, %swap3A_27] : memref<1264x128xf32, #tpu.memory_space<vmem>>, vector<1264x128xf32>
    tpu.vector_store %arg6[%swap3A, %swap3A_27], %add3A_26 {strides = array<i32>} : memref<1264x128xf32, #tpu.memory_space<vmem>>, vector<1264x128xf32>,
    return
  }
  func.func @transform_0(%arg0: i32) -> (i32, i32, i32) {
    %c0_i32 = arith.constant 0 : i32
    %c0_i32_0 = arith.constant 0 : i32
    %c0_i32_1 = arith.constant 0 : i32
    return %c0_i32, %arg0, %c0_i32_0 : i32, i32, i32
  }
  func.func @transform_1(%arg0: i32) -> (i32, i32, i32) {
    %c1_i32 = arith.constant 1 : i32
    %c0_i32 = arith.constant 0 : i32
    %c0_i32_0 = arith.constant 0 : i32
    return %c1_i32, %arg0, %c0_i32 : i32, i32, i32
  }
  func.func @transform_2(%arg0: i32) -> (i32, i32) {
    %c0_i32 = arith.constant 0 : i32
    %c0_i32_0 = arith.constant 0 : i32
    return %arg0, %c0_i32 : i32, i32
  }
  func.func @transform_3(%arg0: i32) -> (i32, i32) {
    %c0_i32 = arith.constant 0 : i32
    %c0_i32_0 = arith.constant 0 : i32
    return %arg0, %c0_i32 : i32, i32
  }
  func.func @transform_4(%arg0: i32) -> (i32, i32) {
    %c0_i32 = arith.constant 0 : i32
    %c0_i32_0 = arith.constant 0 : i32
    return %arg0, %c0_i32 : i32, i32
  }
  func.func @transform_5(%arg0: i32) -> (i32, i32) {
    %c0_i32 = arith.constant 0 : i32
    %c0_i32_0 = arith.constant 0 : i32
    return %arg0, %c0_i32 : i32, i32
  }
}

</mosaic_0001>

<sc_bundles>
// kernel: kernel.25.cloned.1.call-start
scs
__scs_entry_jumppad:
0x0: {  	(pc) =	sbr.rel $0x88, $3  }
0x1: {  	(tag) =	ssettag $0x0;
	lr =	simm.s32 $0x1  }
0x2: {  	[smem:$0x3F9B] =	sst lr;
	_ =	strace $0xD0000000  }
0x3: {  	_ = 	snop  }
0x4: {  	_ = 	snop  }
0x5: {  	_ = 	snop  }
0x6: {  	_ = 	snop  }
0x7: {  	_ = 	snop  }
__scs_overlays_trampoline_lowered:
0x8: {  	[smem:$0x3FAA] =	sst s0  }
0x9: {  	[smem:$0x3FAB] =	sst s1  }
0xa: {  	[smem:$0x3FAC] =	sst s2  }
0xb: {  	[smem:$0x3FAD] =	sst s3  }
0xc: {  	[smem:$0x3FAE] =	sst s4  }
0xd: {  	[smem:$0x3FAF] =	sst s5  }
0xe: {  	[smem:$0x3FB0] =	sst s6  }
0xf: {  	[smem:$0x3FB1] =	sst s7  }
0x10: {  	[smem:$0x3FB2] =	sst s8  }
0x11: {  	[smem:$0x3FB3] =	sst s9;
	s0 =	simm.s32 @!p0 $0x0  }
0x12: {  	s1 =	sld [smem:$0x3F99];
	s0 =	simm.s32 @p0 $0x1  }
0x13: {  	[smem:$0x3FB4] =	sst s0;
	s0 =	simm.s32 @!p1 $0x0  }
0x14: {  	s2 =	sld [smem:$0x3F98];
	s0 =	simm.s32 @p1 $0x1  }
0x15: {  	[smem:$0x3FB5] =	sst s0;
	s0 =	simm.s32 @!p2 $0x0  }
0x16: {  	s3 =	sld [smem:$0x3FDB];
	s0 =	simm.s32 @p2 $0x1  }
0x17: {  	s4 =	simm.s32 $0x1BF5;
	[smem:$0x3FB7] =	sst s0  }
0x18: {  	s0 =	sld [smem:$0x3F9A];
	_ =	swait.ge [sflag:s4], $0x0  }
0x19: {  	s7 =	sld [smem:$0x3F9B]  }
0x1a: {  	s8 =	sadd.s32 $0xFFFFE003, lr  }
0x1b: {  	s9 =	sadd.s32 $0xFFFFFEF7, lr;
	s5 =	simm.s32 $0xFFFFFFFF;
	p2 =	slt.u32 s8, $0xFFFFF086  }
0x1c: {  	p1 =	slt.u32 s9, $0xF7A;
	s5 =	simm.s32 @!p2 $0x0  }
0x1d: {  	s5 =	simm.s32 @p1 $0x1;
	p0 =	seq.s32 s7, s2  }
0x1e: {  	s7 =	smul.u32 @!p0 $0xF7A, s2;
	p2 =	seq.s32 @!p0 s5, $0x0  }
0x1f: {  	s9 =	smul.u32 $0xF7A, s1;
	s8 =	simm.s32 @!p0 $0x1BF5;
	p2 =	por !p2, p0  }
0x20: {  	[sflag:s8] =	ssyncset.s32 @!p0 $0xFFFFF086;
	s6 =	sadd.s32 @!p0 s3, s7;
	s7 =	simm.s32 @!p0 $0x108  }
0x21: {  	s3 =	sadd.s32 s3, s9;
	s6 =	sadd.s32 @!p0 $0x88, s6;
	s7 =	simm.s32 @p2 $0x1082  }
0x22: {  	[simem:s7], [sflag:s8] =	dma.local @!p0 [hbm:s6], $0xF7A  }
0x23: {  	s9 =	sor.u32 $0xD0000000, s2;
	s6 =	simm.s32 $0x108;
	_ =	swait.ge @!p0 [sflag:s8], $0x0  }
0x24: {  	s3 =	sadd.s32 $0x88, s3;
	s6 =	simm.s32 @!p1 $0x1082;
	[sflag:s4] =	ssyncset.s32 $0xFFFFF086  }
0x25: {  	[simem:s6], [sflag:s4] =	dma.local [hbm:s3], $0xF7A  }
0x26: {  	[smem:$0x3F9B] =	sst s1;
	(tag) =	ssettag s2;
	_ =	strace s9  }
0x27: {  	s1 =	sld [smem:$0x3FAB]  }
0x28: {  	s2 =	sld [smem:$0x3FAC]  }
0x29: {  	s4 =	sld [smem:$0x3FAE]  }
0x2a: {  	p0 =	seq.s32 s5, $0x0;
	s5 =	sld [smem:$0x3FAF]  }
0x2b: {  	s6 =	sld [smem:$0x3FB0]  }
0x2c: {  	s7 =	sld [smem:$0x3FB1]  }
0x2d: {  	s3 =	simm.s32 $0x108;
	s8 =	sld [smem:$0x3FB2]  }
0x2e: {  	s3 =	simm.s32 @!p0 $0x1082;
	s9 =	sld [smem:$0x3FB3]  }
0x2f: {  	lr =	sadd.s32 s0, s3;
	s0 =	sld [smem:$0x3FAA]  }
0x30: {  	s3 =	sld [smem:$0x3FAD]  }
0x31: {  	[smem:$0x3FB6] =	sst s10  }
0x32: {  	s10 =	sld [smem:$0x3FB4];
	_ =	sdelay $0x3  }
0x33: {  	p0 =	seq.s32 s10, $0x1;
	s10 =	sld [smem:$0x3FB6];
	_ =	sdelay $0x3  }
0x34: {  	[smem:$0x3FB6] =	sst s10  }
0x35: {  	s10 =	sld [smem:$0x3FB5];
	_ =	sdelay $0x3  }
0x36: {  	p1 =	seq.s32 s10, $0x1;
	s10 =	sld [smem:$0x3FB6];
	_ =	sdelay $0x3  }
0x37: {  	[smem:$0x3FB6] =	sst s10  }
0x38: {  	s10 =	sld [smem:$0x3FB7]  }
0x39: {  	_ = 	snop;
	(pc) =	sbr.ind lr, $3  }
0x3a: {  	_ = 	snop  }
0x3b: {  	_ = 	snop  }
0x3c: {  	p2 =	seq.s32 s10, $0x1;
	s10 =	sld [smem:$0x3FB6]  }
0x3d: {  	_ =	shalt  }
0x3e: {  	_ =	shalt  }
0x3f: {  	_ =	shalt  }
0x40: {  	_ =	shalt  }
0x41: {  	_ =	shalt  }
0x42: {  	_ =	shalt  }
0x43: {  	_ =	shalt  }
0x44: {  	_ =	shalt  }
0x45: {  	_ =	shalt  }
0x46: {  	_ =	shalt  }
0x47: {  	_ =	shalt  }
0x48: {  	_ =	shalt  }
0x49: {  	_ =	shalt  }
0x4a: {  	_ =	shalt  }
0x4b: {  	_ =	shalt  }
0x4c: {  	_ =	shalt  }
0x4d: {  	_ =	shalt  }
0x4e: {  	_ =	shalt  }
0x4f: {  	_ =	shalt  }
0x50: {  	_ =	shalt  }
0x51: {  	_ =	shalt  }
0x52: {  	_ =	shalt  }
0x53: {  	_ =	shalt  }
0x54: {  	_ =	shalt  }
0x55: {  	_ =	shalt  }
0x56: {  	_ =	shalt  }
0x57: {  	_ =	shalt  }
0x58: {  	_ =	shalt  }
0x59: {  	_ =	shalt  }
0x5a: {  	_ =	shalt  }
0x5b: {  	_ =	shalt  }
0x5c: {  	_ =	shalt  }
0x5d: {  	_ =	shalt  }
0x5e: {  	_ =	shalt  }
0x5f: {  	_ =	shalt  }
0x60: {  	_ =	shalt  }
0x61: {  	_ =	shalt  }
0x62: {  	_ =	shalt  }
0x63: {  	_ =	shalt  }
0x64: {  	_ =	shalt  }
0x65: {  	_ =	shalt  }
0x66: {  	_ =	shalt  }
0x67: {  	_ =	shalt  }
0x68: {  	_ =	shalt  }
0x69: {  	_ =	shalt  }
0x6a: {  	_ =	shalt  }
0x6b: {  	_ =	shalt  }
0x6c: {  	_ =	shalt  }
0x6d: {  	_ =	shalt  }
0x6e: {  	_ =	shalt  }
0x6f: {  	_ =	shalt  }
0x70: {  	_ =	shalt  }
0x71: {  	_ =	shalt  }
0x72: {  	_ =	shalt  }
0x73: {  	_ =	shalt  }
0x74: {  	_ =	shalt  }
0x75: {  	_ =	shalt  }
0x76: {  	_ =	shalt  }
0x77: {  	_ =	shalt  }
0x78: {  	_ =	shalt  }
0x79: {  	_ =	shalt  }
0x7a: {  	_ =	shalt  }
0x7b: {  	_ =	shalt  }
0x7c: {  	_ =	shalt  }
0x7d: {  	_ =	shalt  }
0x7e: {  	_ =	shalt  }
0x7f: {  	_ =	shalt  }
0x80: {  	_ =	shalt  }
0x81: {  	_ =	shalt  }
0x82: {  	_ =	shalt  }
0x83: {  	_ =	shalt  }
0x84: {  	_ =	shalt  }
0x85: {  	_ =	shalt  }
0x86: {  	_ =	shalt  }
0x87: {  	_ =	shalt  }
.Lfunc_end0:
.L_simem_size_0:
called_computation_lowered:
.L_overlay_start_0:
0x88: {  	s2 =	sld [smem:$0x3FD9]  }
0x89: {  	s3 =	sld [smem:$0x3FFE];
	_ =	sdelay $0x1  }
0x8a: {  	s1 =	srdreg.scid  }
0x8b: {  	s0 =	sand.u32 $0x1, s1  }
0x8c: {  	s17 =	sshll.u32 s0, $0xA;
	s2 =	sadd.s32 s3, s2  }
0x8d: {  	s2 =	sadd.s32 s2, s17  }
0x8e: {  	[smem:$0x3FC2] =	sst s2  }
0x8f: {  	_ = 	snop  }
0x90: {  	s2 =	sld [smem:$0x3FD0];
	(tm) =	ssettm $0x1  }
0x91: {  	s18 =	sld [smem:$0x3FFB];
	_ =	sdelay $0x3  }
0x92: {  	_ =	strace s18  }
0x93: {  	s3 =	sld [smem:$0x3FFC];
	_ =	sdelay $0x3  }
0x94: {  	_ =	strace s3  }
0x95: {  	s3 =	sld [smem:$0x3FFD];
	_ =	sdelay $0x3  }
0x96: {  	_ =	strace s3  }
0x97: {  	_ =	strace $0x8FFFFFFF  }
0x98: {  	s19 =	sld [smem:$0x3FDB];
	_ =	sdelay $0x1  }
0x99: {  	s4 =	simm.s32 $_scs_section_size  }
0x9a: {  	s5 =	simm.s32 $_size__tile_overlayer_lowered;
	s6 =	simm.s32 $_tile_overlayer_lowered  }
0x9b: {  	s22 =	simm.s32 $0x1BFF;
	s21 =	sshll.u32 s6, $0x1;
	s3 =	sadd.s32 s4, s19  }
0x9c: {  	s7 =	simm.s32 $0x0;
	s20 =	sshll.u32 s5, $0x1;
	s5 =	sadd.s32 s21, s3  }
0x9d: {  	[timem:s7], [sflag:s22] =	dma.local [hbm:s5], s20  }
0x9e: {  	_ =	swait.ge [sflag:s22], s20  }
0x9f: {  	s4 =	ssub.s32 $0x0, s20;
	[sflag:s22] =	ssyncset.done $0x0  }
0xa0: {  	[sflag:s22] =	ssyncadd.s32 s4;
	_ =	sdelay $0x1  }
0xa1: {  	s23 =	simm.s32 $0x1B8B  }
0xa2: {  	_ =	swait.ge [sflag:s23], $0x1  }
0xa3: {  	[sflag:s23] =	ssyncset.done $0x0  }
0xa4: {  	s25 =	simm.s32 $0x1B8E;
	s24 =	sld [smem:$0x3FFE];
	[sflag:s23] =	ssyncadd.s32 $0xFFFFFFFF  }
0xa5: {  	s26 =	simm.s32 $execute0_lowered;
	[smem:$0x3FD2] =	sst s25  }
0xa6: {  	s5 =	sshll.u32 s26, $0x1;
	_ =	strace $0x80000046;
	[dreg:$0x1] =	wrdreg $0xFFFFFFFF  }
0xa7: {  	s28 =	simm.s32 $_size_execute0_lowered;
	s3 =	sadd.s32 s3, s5;
	[dreg:$0x0] =	wrdreg $0x0  }
0xa8: {  	s5 =	sshll.u32 s28, $0x1;
	[dreg:$0x2] =	wrdreg s3  }
0xa9: {  	[dreg:$0x3] =	wrdreg s5  }
0xaa: {  	[dreg:$0x4] =	wrdreg $0xC0  }
0xab: {  	_ =	task [dreg:s7], $0x5FFFF  }
0xac: {  	[dreg:$0x1] =	wrdreg $0xFFFFFFFF  }
0xad: {  	[dreg:$0x0] =	wrdreg $0x60  }
0xae: {  	[dreg:$0x2] =	wrdreg s24  }
0xaf: {  	[dreg:$0x3] =	wrdreg s2  }
0xb0: {  	[dreg:$0x4] =	wrdreg $0x0  }
0xb1: {  	[dreg:$0x5] =	wrdreg $0x9  }
0xb2: {  	_ =	task.clear_ibuf [dreg:s7], $0x6FFFF;
	_ =	strace $0x90000046  }
0xb3: {  	s29 =	simm.s32 $0x9;
	_ =	strace $0x80000048  }
0xb4: {  	_ =	swait.ge [sflag:s29], $0x1  }
0xb5: {  	[sflag:s29] =	ssyncadd.s32 $0xFFFFFFFF  }
0xb6: {  	_ =	strace $0x90000048  }
0xb7: {  	_ =	sfence  }
0xb8: {  	s30 =	sld [smem:$0x0];
	_ =	sdelay $0x2  }
0xb9: {  	s31 =	sshll.u32 s1, $0xD;
	s1 =	sshrl.u32 s1, $0x2  }
0xba: {  	s3 =	sand.u32 $0x4000, s31;
	s1 =	sadd.s32 s1, s30  }
0xbb: {  	s0 =	sor.u32 s3, s0;
	s1 =	sshll.u32 s1, $0x11  }
0xbc: {  	s0 =	sor.u32 s1, s0  }
0xbd: {  	s0 =	sadd.s32 $0x8F2B, s0  }
0xbe: {  	[sflag:s0] =	ssyncadd.remote.s32 $0x1  }
0xbf: {  	_ =	sfence.sel $0xFFFF  }
0xc0: {  	[dreg:$0x0] =	wrdreg $0xFFFFFFFF;
	(pc) =	sbr.abs _section_cstart, $3  }
0xc1: {  	[dreg:$0x1] =	wrdreg $0xFFFFFFFF  }
0xc2: {  	_ =	task.clear_ibuf [dreg:s7], $0x2FFFF;
	_ =	strace $0x9FFFFFFF  }
0xc3: {  	(tm) =	ssettm $0x7FFFFFFF  }
tec
execute0_lowered:
.L_overlay_start_1:
0x0: {  	(tag) =	ssettag $0x1  }
0x1: {  	s5 =	rddreg [dreg:$0x0]  }
0x2: {  	s8 =	rddreg [dreg:$0x1]  }
0x3: {  	s2 =	rddreg [dreg:$0x2]  }
0x4: {  	s0 =	rddreg [dreg:$0x3]  }
0x5: {  	s1 =	stileid.u32;
	s4 =	srdreg.scid;
	s3 =	simm.s32 $0x0  }
0x6: {  	s14 =	simm.s32 $0x13C00;
	s15 =	simm.s32 $0x80;
	s6 =	smul.u32 $0x13C00, s1  }
0x7: {  	s16 =	simm.s32 $0x0;
	s7 =	sand.u32 $0x1, s4;
	s23 =	smul.u32 $0x4F000, s1  }
0x8: {  	[smem:$0x7FF] =	sst s3;
	s4 =	sadd.s32 $0x6800, s5;
	s13 =	smul.u32 $0x9E0, s1  }
0x9: {  	s29 =	sshll.u32 s1, $0x6;
	s9 =	smul.u32 $0x13C000, s7;
	_ =	strace $0x80000047  }
0xa: {  	s11 =	ssub.s32 $0x2, s7;
	s30 =	smul.u32 $0x4F0, s7;
	s10 =	sshrl.u32 s6, $0x3  }
0xb: {  	s24 =	sshrl.u32 s11, $0x1;
	s25 =	sshrl.u32 s23, $0x2;
	s31 =	sadd.s32 s13, s8  }
0xc: {  	s13 =	simm.s32 $0x1;
	s6 =	sadd.s32 s6, s9;
	s10 =	sadd.s32 s10, s5  }
0xd: {  	s26 =	ssub.s32 s11, s24;
	s28 =	sadd.s32 s25, s2;
	s9 =	sadd.s32 s30, s31  }
0xe: {  	s11 =	simm.s32 $0x2;
	s6 =	sshrl.u32 s6, $0x3;
	s8 =	smax.u32 s26, $0x1  }
0xf: {  	s12 =	sadd.s32 s6, s5;
	s5 =	sadd.s32 $0x7000, s10;
	s6 =	sor.u32 $0x1C02, s29  }
0x10: {  	s10 =	sshrl.u32 s28, $0x3;
	s7 =	sadd.s32 $0x2E800, s12;
	s12 =	simm.s32 $0x13C80  }
.LBB2_1:
0x11: {  	[spmem:s10], [sflag:s6] =	dma.local [hbm:s5], $0x2780  }
0x12: {  	_ =	swait.ge [sflag:s11], $0x2780  }
0x13: {  	[sflag:s11] =	ssyncset.done $0x0  }
0x14: {  	[sflag:s11] =	ssyncadd.s32 $0xFFFFD880  }
0x15: {  	[tilespmem:s12], [sflag:$0x1] =	stream.linear.gather [hbm4b:s4+s3], $0x4000, $0x38;
	[tilespmem:$0x17C80] =	vst v63  }
0x16: {  	_ =	swait.ge [sflag:s13], $0x4000  }
0x17: {  	[sflag:s13] =	ssyncset.done $0x0  }
0x18: {  	[sflag:s13] =	ssyncadd.s32 $0xFFFFC000  }
0x19: {  	s17 =	sadd.s32 $0x0, s9;
	[bflag:$0x0] =	sbarrier.arrive $0xFFFF  }
0x1a: {  	[tilespmem:s14], [sflag:$0x2] =	stream.linear.gather [hbm4b:s17+s3], $0x80, $0x38;
	[tilespmem:$0x17C80] =	vst v63  }
0x1b: {  	_ =	swait.ge [sflag:s11], $0x80  }
0x1c: {  	[sflag:s11] =	ssyncset.done $0x0  }
0x1d: {  	[sflag:s11] =	ssyncadd.s32 $0xFFFFFF80  }
0x1e: {  	[spmem:s2] =	stream.indirect.scatter.add.f32 [tilespmem:s12], [sflag:$0x2], $0x80, s14, s15, $0xb8;
	[tilespmem:$0x17C80] =	vst v63  }
0x1f: {  	_ =	swait.ge [sflag:s11], $0x4000  }
0x20: {  	s18 =	simm.s32 $0x20;
	s17 =	simm.s32 $0x10;
	[sflag:s11] =	ssyncset.done $0x0  }
.LBB2_2:
0x21: {  	s19 =	sadd.s32 s17, s9  }
0x22: {  	[sflag:s11] =	ssyncadd.s32 $0xFFFFC000;
	s17 =	smov.u32 s18;
	s20 =	sadd.s32 $0x10, s18  }
0x23: {  	[tilespmem:s14], [sflag:$0x2] =	stream.linear.gather [hbm4b:s19+s3], $0x80, $0x38;
	[tilespmem:$0x17C80] =	vst v63  }
0x24: {  	p0 =	sne.s32 s18, $0x4E0;
	_ =	swait.ge [sflag:s11], $0x80  }
.Ltmp0:
0x25: {  	[sflag:s11] =	ssyncset.done $0x0;
	(pc) =	sbr.rel @p0 .LBB2_2-.Ltmp0, $4  }
0x26: {  	[sflag:s11] =	ssyncadd.s32 $0xFFFFFF80  }
0x27: {  	[spmem:s2] =	stream.indirect.scatter.add.f32 [tilespmem:s12], [sflag:$0x2], $0x80, s14, s15, $0xb8;
	[tilespmem:$0x17C80] =	vst v63  }
0x28: {  	_ =	swait.ge [sflag:s11], $0x4000  }
0x29: {  	s18 =	smov.u32 s20;
	[sflag:s11] =	ssyncset.done $0x0  }
0x2a: {  	s17 =	sadd.s32 s17, s9;
	[sflag:s11] =	ssyncadd.s32 $0xFFFFC000  }
0x2b: {  	[tilespmem:s14], [sflag:$0x2] =	stream.linear.gather [hbm4b:s17+s3], $0x80, $0x38;
	[tilespmem:$0x17C80] =	vst v63  }
0x2c: {  	_ =	swait.ge [sflag:s11], $0x80  }
0x2d: {  	[sflag:s11] =	ssyncset.done $0x0  }
0x2e: {  	[sflag:s11] =	ssyncadd.s32 $0xFFFFFF80  }
0x2f: {  	[spmem:s2] =	stream.indirect.scatter.add.f32 [tilespmem:s12], [sflag:$0x2], $0x80, s14, s15, $0xb8;
	[tilespmem:$0x17C80] =	vst v63  }
0x30: {  	_ =	swait.ge [sflag:s11], $0x4000  }
0x31: {  	s16 =	sadd.s32 $0x1, s16;
	[sflag:s11] =	ssyncset.done $0x0  }
0x32: {  	p0 =	sne.s32 s16, s8;
	[sflag:s11] =	ssyncadd.s32 $0xFFFFC000  }
.Ltmp1:
0x33: {  	[bflag:$0x0] =	sbarrier.arrive $0xFFFF;
	(pc) =	sbr.rel @p0 .LBB2_1-.Ltmp1, $4  }
0x34: {  	[hbm:s7], [sflag:s6] =	dma.local [spmem:s10], $0x2780  }
0x35: {  	_ =	swait.ge [sflag:s11], $0x2780  }
0x36: {  	[sflag:s11] =	ssyncset.done $0x0  }
0x37: {  	[sflag:s11] =	ssyncadd.s32 $0xFFFFD880  }
0x38: {  	_ =	sfence.sel $0x180000  }
0x39: {  	[bflag:$0x0] =	sbarrier.arrive $0xFFFF  }
0x3a: {  	p0 =	sne.s32 s1, $0x0;
	_ =	strace $0x90000047  }
0x3b: {  	s0 =	sadd.s32 @!p0 $0x100000, s0;
	[bflag:$0x2] =	sbarrier.arrive $0xFFFF  }
0x3c: {  	[sflag:s0] =	ssyncadd.tile.s32 @!p0 $0x1;
	_ =	shalt  }
.Lfunc_end2:
_tile_overlayer_lowered:
.L_overlay_start_2:
0x3d: {  	(tag) =	ssettag $0x2  }
0x3e: {  	s0 =	rddreg [dreg:$0x0];
	s2 =	stileid.u32  }
0x3f: {  	s1 =	rddreg [dreg:$0x1];
	p0 =	sne.s32 s2, $0x0  }
0x40: {  	s3 =	rddreg [dreg:$0x2];
	[bflag:$0x3] =	sbarrier.arrive $0xFFFF;
	s2 =	simm.s32 @!p0 $0x1C02  }
0x41: {  	[timem:s3], [sflag:s2] =	dma.local @!p0 [hbm:s0], s1  }
0x42: {  	s0 =	simm.s32 @!p0 $0x2  }
0x43: {  	_ =	swait.ge @!p0 [sflag:s0], s1  }
0x44: {  	s1 =	ssub.s32 @!p0 $0x0, s1;
	[sflag:s0] =	ssyncset.done @!p0 $0x0  }
0x45: {  	[sflag:s0] =	ssyncadd.s32 @!p0 s1  }
0x46: {  	[bflag:$0x3] =	sbarrier.arrive $0xFFFF  }
0x47: {  	_ =	shalt  }

// kernel: kernel.28.cloned.1.call-start
scs
__scs_entry_jumppad:
0x0: {  	(pc) =	sbr.rel $0x88, $3  }
0x1: {  	(tag) =	ssettag $0x0;
	lr =	simm.s32 $0x1  }
0x2: {  	[smem:$0x3F9B] =	sst lr;
	_ =	strace $0xD0000000  }
0x3: {  	_ = 	snop  }
0x4: {  	_ = 	snop  }
0x5: {  	_ = 	snop  }
0x6: {  	_ = 	snop  }
0x7: {  	_ = 	snop  }
__scs_overlays_trampoline_lowered:
0x8: {  	[smem:$0x3FAA] =	sst s0  }
0x9: {  	[smem:$0x3FAB] =	sst s1  }
0xa: {  	[smem:$0x3FAC] =	sst s2  }
0xb: {  	[smem:$0x3FAD] =	sst s3  }
0xc: {  	[smem:$0x3FAE] =	sst s4  }
0xd: {  	[smem:$0x3FAF] =	sst s5  }
0xe: {  	[smem:$0x3FB0] =	sst s6  }
0xf: {  	[smem:$0x3FB1] =	sst s7  }
0x10: {  	[smem:$0x3FB2] =	sst s8  }
0x11: {  	[smem:$0x3FB3] =	sst s9;
	s0 =	simm.s32 @!p0 $0x0  }
0x12: {  	s1 =	sld [smem:$0x3F99];
	s0 =	simm.s32 @p0 $0x1  }
0x13: {  	[smem:$0x3FB4] =	sst s0;
	s0 =	simm.s32 @!p1 $0x0  }
0x14: {  	s2 =	sld [smem:$0x3F98];
	s0 =	simm.s32 @p1 $0x1  }
0x15: {  	[smem:$0x3FB5] =	sst s0;
	s0 =	simm.s32 @!p2 $0x0  }
0x16: {  	s3 =	sld [smem:$0x3FDB];
	s0 =	simm.s32 @p2 $0x1  }
0x17: {  	s4 =	simm.s32 $0x1BF5;
	[smem:$0x3FB7] =	sst s0  }
0x18: {  	s0 =	sld [smem:$0x3F9A];
	_ =	swait.ge [sflag:s4], $0x0  }
0x19: {  	s7 =	sld [smem:$0x3F9B]  }
0x1a: {  	s8 =	sadd.s32 $0xFFFFE003, lr  }
0x1b: {  	s9 =	sadd.s32 $0xFFFFFEF7, lr;
	s5 =	simm.s32 $0xFFFFFFFF;
	p2 =	slt.u32 s8, $0xFFFFF086  }
0x1c: {  	p1 =	slt.u32 s9, $0xF7A;
	s5 =	simm.s32 @!p2 $0x0  }
0x1d: {  	s5 =	simm.s32 @p1 $0x1;
	p0 =	seq.s32 s7, s2  }
0x1e: {  	s7 =	smul.u32 @!p0 $0xF7A, s2;
	p2 =	seq.s32 @!p0 s5, $0x0  }
0x1f: {  	s9 =	smul.u32 $0xF7A, s1;
	s8 =	simm.s32 @!p0 $0x1BF5;
	p2 =	por !p2, p0  }
0x20: {  	[sflag:s8] =	ssyncset.s32 @!p0 $0xFFFFF086;
	s6 =	sadd.s32 @!p0 s3, s7;
	s7 =	simm.s32 @!p0 $0x108  }
0x21: {  	s3 =	sadd.s32 s3, s9;
	s6 =	sadd.s32 @!p0 $0x88, s6;
	s7 =	simm.s32 @p2 $0x1082  }
0x22: {  	[simem:s7], [sflag:s8] =	dma.local @!p0 [hbm:s6], $0xF7A  }
0x23: {  	s9 =	sor.u32 $0xD0000000, s2;
	s6 =	simm.s32 $0x108;
	_ =	swait.ge @!p0 [sflag:s8], $0x0  }
0x24: {  	s3 =	sadd.s32 $0x88, s3;
	s6 =	simm.s32 @!p1 $0x1082;
	[sflag:s4] =	ssyncset.s32 $0xFFFFF086  }
0x25: {  	[simem:s6], [sflag:s4] =	dma.local [hbm:s3], $0xF7A  }
0x26: {  	[smem:$0x3F9B] =	sst s1;
	(tag) =	ssettag s2;
	_ =	strace s9  }
0x27: {  	s1 =	sld [smem:$0x3FAB]  }
0x28: {  	s2 =	sld [smem:$0x3FAC]  }
0x29: {  	s4 =	sld [smem:$0x3FAE]  }
0x2a: {  	p0 =	seq.s32 s5, $0x0;
	s5 =	sld [smem:$0x3FAF]  }
0x2b: {  	s6 =	sld [smem:$0x3FB0]  }
0x2c: {  	s7 =	sld [smem:$0x3FB1]  }
0x2d: {  	s3 =	simm.s32 $0x108;
	s8 =	sld [smem:$0x3FB2]  }
0x2e: {  	s3 =	simm.s32 @!p0 $0x1082;
	s9 =	sld [smem:$0x3FB3]  }
0x2f: {  	lr =	sadd.s32 s0, s3;
	s0 =	sld [smem:$0x3FAA]  }
0x30: {  	s3 =	sld [smem:$0x3FAD]  }
0x31: {  	[smem:$0x3FB6] =	sst s10  }
0x32: {  	s10 =	sld [smem:$0x3FB4];
	_ =	sdelay $0x3  }
0x33: {  	p0 =	seq.s32 s10, $0x1;
	s10 =	sld [smem:$0x3FB6];
	_ =	sdelay $0x3  }
0x34: {  	[smem:$0x3FB6] =	sst s10  }
0x35: {  	s10 =	sld [smem:$0x3FB5];
	_ =	sdelay $0x3  }
0x36: {  	p1 =	seq.s32 s10, $0x1;
	s10 =	sld [smem:$0x3FB6];
	_ =	sdelay $0x3  }
0x37: {  	[smem:$0x3FB6] =	sst s10  }
0x38: {  	s10 =	sld [smem:$0x3FB7]  }
0x39: {  	_ = 	snop;
	(pc) =	sbr.ind lr, $3  }
0x3a: {  	_ = 	snop  }
0x3b: {  	_ = 	snop  }
0x3c: {  	p2 =	seq.s32 s10, $0x1;
	s10 =	sld [smem:$0x3FB6]  }
0x3d: {  	_ =	shalt  }
0x3e: {  	_ =	shalt  }
0x3f: {  	_ =	shalt  }
0x40: {  	_ =	shalt  }
0x41: {  	_ =	shalt  }
0x42: {  	_ =	shalt  }
0x43: {  	_ =	shalt  }
0x44: {  	_ =	shalt  }
0x45: {  	_ =	shalt  }
0x46: {  	_ =	shalt  }
0x47: {  	_ =	shalt  }
0x48: {  	_ =	shalt  }
0x49: {  	_ =	shalt  }
0x4a: {  	_ =	shalt  }
0x4b: {  	_ =	shalt  }
0x4c: {  	_ =	shalt  }
0x4d: {  	_ =	shalt  }
0x4e: {  	_ =	shalt  }
0x4f: {  	_ =	shalt  }
0x50: {  	_ =	shalt  }
0x51: {  	_ =	shalt  }
0x52: {  	_ =	shalt  }
0x53: {  	_ =	shalt  }
0x54: {  	_ =	shalt  }
0x55: {  	_ =	shalt  }
0x56: {  	_ =	shalt  }
0x57: {  	_ =	shalt  }
0x58: {  	_ =	shalt  }
0x59: {  	_ =	shalt  }
0x5a: {  	_ =	shalt  }
0x5b: {  	_ =	shalt  }
0x5c: {  	_ =	shalt  }
0x5d: {  	_ =	shalt  }
0x5e: {  	_ =	shalt  }
0x5f: {  	_ =	shalt  }
0x60: {  	_ =	shalt  }
0x61: {  	_ =	shalt  }
0x62: {  	_ =	shalt  }
0x63: {  	_ =	shalt  }
0x64: {  	_ =	shalt  }
0x65: {  	_ =	shalt  }
0x66: {  	_ =	shalt  }
0x67: {  	_ =	shalt  }
0x68: {  	_ =	shalt  }
0x69: {  	_ =	shalt  }
0x6a: {  	_ =	shalt  }
0x6b: {  	_ =	shalt  }
0x6c: {  	_ =	shalt  }
0x6d: {  	_ =	shalt  }
0x6e: {  	_ =	shalt  }
0x6f: {  	_ =	shalt  }
0x70: {  	_ =	shalt  }
0x71: {  	_ =	shalt  }
0x72: {  	_ =	shalt  }
0x73: {  	_ =	shalt  }
0x74: {  	_ =	shalt  }
0x75: {  	_ =	shalt  }
0x76: {  	_ =	shalt  }
0x77: {  	_ =	shalt  }
0x78: {  	_ =	shalt  }
0x79: {  	_ =	shalt  }
0x7a: {  	_ =	shalt  }
0x7b: {  	_ =	shalt  }
0x7c: {  	_ =	shalt  }
0x7d: {  	_ =	shalt  }
0x7e: {  	_ =	shalt  }
0x7f: {  	_ =	shalt  }
0x80: {  	_ =	shalt  }
0x81: {  	_ =	shalt  }
0x82: {  	_ =	shalt  }
0x83: {  	_ =	shalt  }
0x84: {  	_ =	shalt  }
0x85: {  	_ =	shalt  }
0x86: {  	_ =	shalt  }
0x87: {  	_ =	shalt  }
.Lfunc_end0:
.L_simem_size_0:
called_computation.1_lowered:
.L_overlay_start_0:
0x88: {  	s2 =	sld [smem:$0x3FD9]  }
0x89: {  	s3 =	sld [smem:$0x3FFE];
	_ =	sdelay $0x1  }
0x8a: {  	s1 =	srdreg.scid  }
0x8b: {  	s0 =	sand.u32 $0x1, s1  }
0x8c: {  	s17 =	sshll.u32 s0, $0xA;
	s2 =	sadd.s32 s3, s2  }
0x8d: {  	s2 =	sadd.s32 s2, s17  }
0x8e: {  	[smem:$0x3FC2] =	sst s2  }
0x8f: {  	_ = 	snop  }
0x90: {  	s2 =	sld [smem:$0x3FD0];
	(tm) =	ssettm $0x1  }
0x91: {  	s18 =	sld [smem:$0x3FFB];
	_ =	sdelay $0x3  }
0x92: {  	_ =	strace s18  }
0x93: {  	s3 =	sld [smem:$0x3FFC];
	_ =	sdelay $0x3  }
0x94: {  	_ =	strace s3  }
0x95: {  	s3 =	sld [smem:$0x3FFD];
	_ =	sdelay $0x3  }
0x96: {  	_ =	strace s3  }
0x97: {  	_ =	strace $0x8FFFFFFF  }
0x98: {  	s19 =	sld [smem:$0x3FDB];
	_ =	sdelay $0x1  }
0x99: {  	s4 =	simm.s32 $_scs_section_size  }
0x9a: {  	s5 =	simm.s32 $_size__tile_overlayer_lowered;
	s6 =	simm.s32 $_tile_overlayer_lowered  }
0x9b: {  	s22 =	simm.s32 $0x1BFF;
	s21 =	sshll.u32 s6, $0x1;
	s3 =	sadd.s32 s4, s19  }
0x9c: {  	s7 =	simm.s32 $0x0;
	s20 =	sshll.u32 s5, $0x1;
	s5 =	sadd.s32 s21, s3  }
0x9d: {  	[timem:s7], [sflag:s22] =	dma.local [hbm:s5], s20  }
0x9e: {  	_ =	swait.ge [sflag:s22], s20  }
0x9f: {  	s4 =	ssub.s32 $0x0, s20;
	[sflag:s22] =	ssyncset.done $0x0  }
0xa0: {  	[sflag:s22] =	ssyncadd.s32 s4;
	_ =	sdelay $0x1  }
0xa1: {  	s23 =	simm.s32 $0x1B8B  }
0xa2: {  	_ =	swait.ge [sflag:s23], $0x1  }
0xa3: {  	[sflag:s23] =	ssyncset.done $0x0  }
0xa4: {  	s25 =	simm.s32 $0x1B8E;
	s24 =	sld [smem:$0x3FFE];
	[sflag:s23] =	ssyncadd.s32 $0xFFFFFFFF  }
0xa5: {  	s26 =	simm.s32 $execute0_lowered;
	[smem:$0x3FD2] =	sst s25  }
0xa6: {  	s5 =	sshll.u32 s26, $0x1;
	_ =	strace $0x80000049;
	[dreg:$0x1] =	wrdreg $0xFFFFFFFF  }
0xa7: {  	s28 =	simm.s32 $_size_execute0_lowered;
	s3 =	sadd.s32 s3, s5;
	[dreg:$0x0] =	wrdreg $0x0  }
0xa8: {  	s5 =	sshll.u32 s28, $0x1;
	[dreg:$0x2] =	wrdreg s3  }
0xa9: {  	[dreg:$0x3] =	wrdreg s5  }
0xaa: {  	[dreg:$0x4] =	wrdreg $0xC0  }
0xab: {  	_ =	task [dreg:s7], $0x5FFFF  }
0xac: {  	[dreg:$0x1] =	wrdreg $0xFFFFFFFF  }
0xad: {  	[dreg:$0x0] =	wrdreg $0x60  }
0xae: {  	[dreg:$0x2] =	wrdreg s24  }
0xaf: {  	[dreg:$0x3] =	wrdreg s2  }
0xb0: {  	[dreg:$0x4] =	wrdreg $0x0  }
0xb1: {  	[dreg:$0x5] =	wrdreg $0x9  }
0xb2: {  	_ =	task.clear_ibuf [dreg:s7], $0x6FFFF;
	_ =	strace $0x90000049  }
0xb3: {  	s29 =	simm.s32 $0x9;
	_ =	strace $0x8000004B  }
0xb4: {  	_ =	swait.ge [sflag:s29], $0x1  }
0xb5: {  	[sflag:s29] =	ssyncadd.s32 $0xFFFFFFFF  }
0xb6: {  	_ =	strace $0x9000004B  }
0xb7: {  	_ =	sfence  }
0xb8: {  	s30 =	sld [smem:$0x0];
	_ =	sdelay $0x2  }
0xb9: {  	s31 =	sshll.u32 s1, $0xD;
	s1 =	sshrl.u32 s1, $0x2  }
0xba: {  	s3 =	sand.u32 $0x4000, s31;
	s1 =	sadd.s32 s1, s30  }
0xbb: {  	s0 =	sor.u32 s3, s0;
	s1 =	sshll.u32 s1, $0x11  }
0xbc: {  	s0 =	sor.u32 s1, s0  }
0xbd: {  	s0 =	sadd.s32 $0x8F2B, s0  }
0xbe: {  	[sflag:s0] =	ssyncadd.remote.s32 $0x1  }
0xbf: {  	_ =	sfence.sel $0xFFFF  }
0xc0: {  	[dreg:$0x0] =	wrdreg $0xFFFFFFFF;
	(pc) =	sbr.abs _section_cstart, $3  }
0xc1: {  	[dreg:$0x1] =	wrdreg $0xFFFFFFFF  }
0xc2: {  	_ =	task.clear_ibuf [dreg:s7], $0x2FFFF;
	_ =	strace $0x9FFFFFFF  }
0xc3: {  	(tm) =	ssettm $0x7FFFFFFF  }
tec
execute0_lowered:
.L_overlay_start_1:
0x0: {  	(tag) =	ssettag $0x1  }
0x1: {  	s5 =	rddreg [dreg:$0x0]  }
0x2: {  	s8 =	rddreg [dreg:$0x1]  }
0x3: {  	s2 =	rddreg [dreg:$0x2]  }
0x4: {  	s0 =	rddreg [dreg:$0x3];
	s1 =	stileid.u32  }
0x5: {  	s3 =	simm.s32 $0x0;
	s4 =	srdreg.scid;
	s16 =	simm.s32 $0x13D00  }
0x6: {  	s17 =	simm.s32 $0x1;
	s18 =	simm.s32 $0x0;
	s9 =	smul.u32 $0x9E0, s1  }
0x7: {  	[smem:$0x7FF] =	sst s3;
	s6 =	smul.u32 $0x13C00, s1;
	s7 =	sand.u32 $0x1, s4  }
0x8: {  	s4 =	sadd.s32 $0x2E800, s5;
	s13 =	smul.u32 $0x4F000, s1;
	s29 =	sshll.u32 s1, $0x6  }
0x9: {  	_ =	strace $0x8000004A;
	s10 =	smul.u32 $0x13C000, s7;
	s28 =	ssub.s32 $0x2, s7  }
0xa: {  	s30 =	smul.u32 $0x4F0, s7;
	s11 =	sadd.s32 s9, s5;
	s12 =	sshrl.u32 s6, $0x3  }
0xb: {  	s14 =	sshrl.u32 s28, $0x1;
	s13 =	sshrl.u32 s13, $0x2;
	s9 =	sadd.s32 s9, s8  }
0xc: {  	s12 =	sadd.s32 s12, s5;
	s6 =	sadd.s32 s6, s10;
	s10 =	ssub.s32 s28, s14  }
0xd: {  	s13 =	sadd.s32 s13, s2;
	s9 =	sadd.s32 s30, s9;
	s31 =	sadd.s32 s30, s11  }
0xe: {  	s14 =	simm.s32 $0x13C80;
	s6 =	sshrl.u32 s6, $0x3;
	s8 =	smax.u32 s10, $0x1  }
0xf: {  	s10 =	sadd.s32 $0x7D800, s31;
	s11 =	sshrl.u32 s13, $0x3;
	s13 =	simm.s32 $0x13C00  }
0x10: {  	s15 =	sadd.s32 s6, s5;
	s5 =	sadd.s32 $0x7000, s12;
	s6 =	sor.u32 $0x1C02, s29  }
0x11: {  	s12 =	simm.s32 $0x2;
	s7 =	sadd.s32 $0x87600, s15;
	s15 =	simm.s32 $0x80  }
.LBB2_1:
0x12: {  	[spmem:s11], [sflag:s6] =	dma.local [hbm:s5], $0x2780  }
0x13: {  	_ =	swait.ge [sflag:s12], $0x2780  }
0x14: {  	[sflag:s12] =	ssyncset.done $0x0  }
0x15: {  	[sflag:s12] =	ssyncadd.s32 $0xFFFFD880  }
0x16: {  	s19 =	sadd.s32 $0x0, s10;
	[bflag:$0x0] =	sbarrier.arrive $0xFFFF  }
0x17: {  	[tilespmem:s13], [sflag:$0x2] =	stream.linear.gather [hbm4b:s19+s3], $0x80, $0x38;
	[tilespmem:$0x17D00] =	vst v63  }
0x18: {  	_ =	swait.ge [sflag:s12], $0x80  }
0x19: {  	[sflag:s12] =	ssyncset.done $0x0  }
0x1a: {  	s31 =	sadd.s32 $0x0, s9;
	[sflag:s12] =	ssyncadd.s32 $0xFFFFFF80  }
0x1b: {  	[tilespmem:s14], [sflag:$0x2] =	stream.linear.gather [hbm4b:s31+s3], $0x80, $0x38;
	[tilespmem:$0x17D00] =	vst v63  }
0x1c: {  	_ =	swait.ge [sflag:s12], $0x80  }
0x1d: {  	[sflag:s12] =	ssyncset.done $0x0  }
0x1e: {  	[sflag:s12] =	ssyncadd.s32 $0xFFFFFF80  }
0x1f: {  	[tilespmem:s16], [sflag:$0x1] =	stream.indirect.gather [hbm4b:s4+s15], $0x80, s13, s15, $0xb8;
	[tilespmem:$0x17D00] =	vst v63  }
0x20: {  	_ =	swait.ge [sflag:s17], $0x4000  }
0x21: {  	[sflag:s17] =	ssyncset.done $0x0  }
0x22: {  	[sflag:s17] =	ssyncadd.s32 $0xFFFFC000  }
0x23: {  	[spmem:s2] =	stream.indirect.scatter.add.f32 [tilespmem:s16], [sflag:$0x2], $0x80, s14, s15, $0xb8;
	[tilespmem:$0x17D00] =	vst v63  }
0x24: {  	_ =	swait.ge [sflag:s12], $0x4000  }
0x25: {  	s20 =	simm.s32 $0x20;
	s19 =	simm.s32 $0x10;
	[sflag:s12] =	ssyncset.done $0x0  }
.LBB2_2:
0x26: {  	s21 =	sadd.s32 s19, s10  }
0x27: {  	[sflag:s12] =	ssyncadd.s32 $0xFFFFC000;
	s22 =	smov.u32 s20;
	s23 =	sadd.s32 $0x10, s20  }
0x28: {  	[tilespmem:s13], [sflag:$0x2] =	stream.linear.gather [hbm4b:s21+s3], $0x80, $0x38;
	[tilespmem:$0x17D00] =	vst v63  }
0x29: {  	p0 =	sne.s32 s20, $0x4E0;
	_ =	swait.ge [sflag:s12], $0x80  }
0x2a: {  	[sflag:s12] =	ssyncset.done $0x0  }
0x2b: {  	s20 =	sadd.s32 s19, s9;
	s19 =	smov.u32 s22;
	[sflag:s12] =	ssyncadd.s32 $0xFFFFFF80  }
0x2c: {  	[tilespmem:s14], [sflag:$0x2] =	stream.linear.gather [hbm4b:s20+s3], $0x80, $0x38;
	[tilespmem:$0x17D00] =	vst v63  }
0x2d: {  	_ =	swait.ge [sflag:s12], $0x80  }
0x2e: {  	[sflag:s12] =	ssyncset.done $0x0  }
0x2f: {  	[sflag:s12] =	ssyncadd.s32 $0xFFFFFF80  }
0x30: {  	[tilespmem:s16], [sflag:$0x1] =	stream.indirect.gather [hbm4b:s4+s15], $0x80, s13, s15, $0xb8;
	[tilespmem:$0x17D00] =	vst v63  }
0x31: {  	_ =	swait.ge [sflag:s17], $0x4000  }
.Ltmp0:
0x32: {  	[sflag:s17] =	ssyncset.done $0x0;
	(pc) =	sbr.rel @p0 .LBB2_2-.Ltmp0, $4  }
0x33: {  	[sflag:s17] =	ssyncadd.s32 $0xFFFFC000  }
0x34: {  	[spmem:s2] =	stream.indirect.scatter.add.f32 [tilespmem:s16], [sflag:$0x2], $0x80, s14, s15, $0xb8;
	[tilespmem:$0x17D00] =	vst v63  }
0x35: {  	_ =	swait.ge [sflag:s12], $0x4000  }
0x36: {  	s20 =	smov.u32 s23;
	[sflag:s12] =	ssyncset.done $0x0  }
0x37: {  	s20 =	sadd.s32 s19, s10;
	[sflag:s12] =	ssyncadd.s32 $0xFFFFC000  }
0x38: {  	[tilespmem:s13], [sflag:$0x2] =	stream.linear.gather [hbm4b:s20+s3], $0x80, $0x38;
	[tilespmem:$0x17D00] =	vst v63  }
0x39: {  	_ =	swait.ge [sflag:s12], $0x80  }
0x3a: {  	[sflag:s12] =	ssyncset.done $0x0  }
0x3b: {  	s31 =	sadd.s32 s19, s9;
	[sflag:s12] =	ssyncadd.s32 $0xFFFFFF80  }
0x3c: {  	[tilespmem:s14], [sflag:$0x2] =	stream.linear.gather [hbm4b:s31+s3], $0x80, $0x38;
	[tilespmem:$0x17D00] =	vst v63  }
0x3d: {  	_ =	swait.ge [sflag:s12], $0x80  }
0x3e: {  	[sflag:s12] =	ssyncset.done $0x0  }
0x3f: {  	[sflag:s12] =	ssyncadd.s32 $0xFFFFFF80  }
0x40: {  	[tilespmem:s16], [sflag:$0x1] =	stream.indirect.gather [hbm4b:s4+s15], $0x80, s13, s15, $0xb8;
	[tilespmem:$0x17D00] =	vst v63  }
0x41: {  	_ =	swait.ge [sflag:s17], $0x4000  }
0x42: {  	[sflag:s17] =	ssyncset.done $0x0  }
0x43: {  	[sflag:s17] =	ssyncadd.s32 $0xFFFFC000  }
0x44: {  	[spmem:s2] =	stream.indirect.scatter.add.f32 [tilespmem:s16], [sflag:$0x2], $0x80, s14, s15, $0xb8;
	[tilespmem:$0x17D00] =	vst v63  }
0x45: {  	_ =	swait.ge [sflag:s12], $0x4000  }
0x46: {  	s18 =	sadd.s32 $0x1, s18;
	[sflag:s12] =	ssyncset.done $0x0  }
0x47: {  	p0 =	sne.s32 s18, s8;
	[sflag:s12] =	ssyncadd.s32 $0xFFFFC000  }
.Ltmp1:
0x48: {  	[bflag:$0x0] =	sbarrier.arrive $0xFFFF;
	(pc) =	sbr.rel @p0 .LBB2_1-.Ltmp1, $4  }
0x49: {  	[hbm:s7], [sflag:s6] =	dma.local [spmem:s11], $0x2780  }
0x4a: {  	_ =	swait.ge [sflag:s12], $0x2780  }
0x4b: {  	[sflag:s12] =	ssyncset.done $0x0  }
0x4c: {  	[sflag:s12] =	ssyncadd.s32 $0xFFFFD880  }
0x4d: {  	_ =	sfence.sel $0x180000  }
0x4e: {  	[bflag:$0x0] =	sbarrier.arrive $0xFFFF  }
0x4f: {  	p0 =	sne.s32 s1, $0x0;
	_ =	strace $0x9000004A  }
0x50: {  	s0 =	sadd.s32 @!p0 $0x100000, s0;
	[bflag:$0x2] =	sbarrier.arrive $0xFFFF  }
0x51: {  	[sflag:s0] =	ssyncadd.tile.s32 @!p0 $0x1;
	_ =	shalt  }
.Lfunc_end2:
_tile_overlayer_lowered:
.L_overlay_start_2:
0x52: {  	(tag) =	ssettag $0x2  }
0x53: {  	s0 =	rddreg [dreg:$0x0];
	s2 =	stileid.u32  }
0x54: {  	s1 =	rddreg [dreg:$0x1];
	p0 =	sne.s32 s2, $0x0  }
0x55: {  	s3 =	rddreg [dreg:$0x2];
	[bflag:$0x3] =	sbarrier.arrive $0xFFFF;
	s2 =	simm.s32 @!p0 $0x1C02  }
0x56: {  	[timem:s3], [sflag:s2] =	dma.local @!p0 [hbm:s0], s1  }
0x57: {  	s0 =	simm.s32 @!p0 $0x2  }
0x58: {  	_ =	swait.ge @!p0 [sflag:s0], s1  }
0x59: {  	s1 =	ssub.s32 @!p0 $0x0, s1;
	[sflag:s0] =	ssyncset.done @!p0 $0x0  }
0x5a: {  	[sflag:s0] =	ssyncadd.s32 @!p0 s1  }
0x5b: {  	[bflag:$0x3] =	sbarrier.arrive $0xFFFF  }
0x5c: {  	_ =	shalt  }

// kernel: kernel.31.cloned.1.call-start
scs
__scs_entry_jumppad:
0x0: {  	(pc) =	sbr.rel $0x88, $3  }
0x1: {  	(tag) =	ssettag $0x0;
	lr =	simm.s32 $0x1  }
0x2: {  	[smem:$0x3F9B] =	sst lr;
	_ =	strace $0xD0000000  }
0x3: {  	_ = 	snop  }
0x4: {  	_ = 	snop  }
0x5: {  	_ = 	snop  }
0x6: {  	_ = 	snop  }
0x7: {  	_ = 	snop  }
__scs_overlays_trampoline_lowered:
0x8: {  	[smem:$0x3FAA] =	sst s0  }
0x9: {  	[smem:$0x3FAB] =	sst s1  }
0xa: {  	[smem:$0x3FAC] =	sst s2  }
0xb: {  	[smem:$0x3FAD] =	sst s3  }
0xc: {  	[smem:$0x3FAE] =	sst s4  }
0xd: {  	[smem:$0x3FAF] =	sst s5  }
0xe: {  	[smem:$0x3FB0] =	sst s6  }
0xf: {  	[smem:$0x3FB1] =	sst s7  }
0x10: {  	[smem:$0x3FB2] =	sst s8  }
0x11: {  	[smem:$0x3FB3] =	sst s9;
	s0 =	simm.s32 @!p0 $0x0  }
0x12: {  	s1 =	sld [smem:$0x3F99];
	s0 =	simm.s32 @p0 $0x1  }
0x13: {  	[smem:$0x3FB4] =	sst s0;
	s0 =	simm.s32 @!p1 $0x0  }
0x14: {  	s2 =	sld [smem:$0x3F98];
	s0 =	simm.s32 @p1 $0x1  }
0x15: {  	[smem:$0x3FB5] =	sst s0;
	s0 =	simm.s32 @!p2 $0x0  }
0x16: {  	s3 =	sld [smem:$0x3FDB];
	s0 =	simm.s32 @p2 $0x1  }
0x17: {  	s4 =	simm.s32 $0x1BF5;
	[smem:$0x3FB7] =	sst s0  }
0x18: {  	s0 =	sld [smem:$0x3F9A];
	_ =	swait.ge [sflag:s4], $0x0  }
0x19: {  	s7 =	sld [smem:$0x3F9B]  }
0x1a: {  	s8 =	sadd.s32 $0xFFFFE003, lr  }
0x1b: {  	s9 =	sadd.s32 $0xFFFFFEF7, lr;
	s5 =	simm.s32 $0xFFFFFFFF;
	p2 =	slt.u32 s8, $0xFFFFF086  }
0x1c: {  	p1 =	slt.u32 s9, $0xF7A;
	s5 =	simm.s32 @!p2 $0x0  }
0x1d: {  	s5 =	simm.s32 @p1 $0x1;
	p0 =	seq.s32 s7, s2  }
0x1e: {  	s7 =	smul.u32 @!p0 $0xF7A, s2;
	p2 =	seq.s32 @!p0 s5, $0x0  }
0x1f: {  	s9 =	smul.u32 $0xF7A, s1;
	s8 =	simm.s32 @!p0 $0x1BF5;
	p2 =	por !p2, p0  }
0x20: {  	[sflag:s8] =	ssyncset.s32 @!p0 $0xFFFFF086;
	s6 =	sadd.s32 @!p0 s3, s7;
	s7 =	simm.s32 @!p0 $0x108  }
0x21: {  	s3 =	sadd.s32 s3, s9;
	s6 =	sadd.s32 @!p0 $0x88, s6;
	s7 =	simm.s32 @p2 $0x1082  }
0x22: {  	[simem:s7], [sflag:s8] =	dma.local @!p0 [hbm:s6], $0xF7A  }
0x23: {  	s9 =	sor.u32 $0xD0000000, s2;
	s6 =	simm.s32 $0x108;
	_ =	swait.ge @!p0 [sflag:s8], $0x0  }
0x24: {  	s3 =	sadd.s32 $0x88, s3;
	s6 =	simm.s32 @!p1 $0x1082;
	[sflag:s4] =	ssyncset.s32 $0xFFFFF086  }
0x25: {  	[simem:s6], [sflag:s4] =	dma.local [hbm:s3], $0xF7A  }
0x26: {  	[smem:$0x3F9B] =	sst s1;
	(tag) =	ssettag s2;
	_ =	strace s9  }
0x27: {  	s1 =	sld [smem:$0x3FAB]  }
0x28: {  	s2 =	sld [smem:$0x3FAC]  }
0x29: {  	s4 =	sld [smem:$0x3FAE]  }
0x2a: {  	p0 =	seq.s32 s5, $0x0;
	s5 =	sld [smem:$0x3FAF]  }
0x2b: {  	s6 =	sld [smem:$0x3FB0]  }
0x2c: {  	s7 =	sld [smem:$0x3FB1]  }
0x2d: {  	s3 =	simm.s32 $0x108;
	s8 =	sld [smem:$0x3FB2]  }
0x2e: {  	s3 =	simm.s32 @!p0 $0x1082;
	s9 =	sld [smem:$0x3FB3]  }
0x2f: {  	lr =	sadd.s32 s0, s3;
	s0 =	sld [smem:$0x3FAA]  }
0x30: {  	s3 =	sld [smem:$0x3FAD]  }
0x31: {  	[smem:$0x3FB6] =	sst s10  }
0x32: {  	s10 =	sld [smem:$0x3FB4];
	_ =	sdelay $0x3  }
0x33: {  	p0 =	seq.s32 s10, $0x1;
	s10 =	sld [smem:$0x3FB6];
	_ =	sdelay $0x3  }
0x34: {  	[smem:$0x3FB6] =	sst s10  }
0x35: {  	s10 =	sld [smem:$0x3FB5];
	_ =	sdelay $0x3  }
0x36: {  	p1 =	seq.s32 s10, $0x1;
	s10 =	sld [smem:$0x3FB6];
	_ =	sdelay $0x3  }
0x37: {  	[smem:$0x3FB6] =	sst s10  }
0x38: {  	s10 =	sld [smem:$0x3FB7]  }
0x39: {  	_ = 	snop;
	(pc) =	sbr.ind lr, $3  }
0x3a: {  	_ = 	snop  }
0x3b: {  	_ = 	snop  }
0x3c: {  	p2 =	seq.s32 s10, $0x1;
	s10 =	sld [smem:$0x3FB6]  }
0x3d: {  	_ =	shalt  }
0x3e: {  	_ =	shalt  }
0x3f: {  	_ =	shalt  }
0x40: {  	_ =	shalt  }
0x41: {  	_ =	shalt  }
0x42: {  	_ =	shalt  }
0x43: {  	_ =	shalt  }
0x44: {  	_ =	shalt  }
0x45: {  	_ =	shalt  }
0x46: {  	_ =	shalt  }
0x47: {  	_ =	shalt  }
0x48: {  	_ =	shalt  }
0x49: {  	_ =	shalt  }
0x4a: {  	_ =	shalt  }
0x4b: {  	_ =	shalt  }
0x4c: {  	_ =	shalt  }
0x4d: {  	_ =	shalt  }
0x4e: {  	_ =	shalt  }
0x4f: {  	_ =	shalt  }
0x50: {  	_ =	shalt  }
0x51: {  	_ =	shalt  }
0x52: {  	_ =	shalt  }
0x53: {  	_ =	shalt  }
0x54: {  	_ =	shalt  }
0x55: {  	_ =	shalt  }
0x56: {  	_ =	shalt  }
0x57: {  	_ =	shalt  }
0x58: {  	_ =	shalt  }
0x59: {  	_ =	shalt  }
0x5a: {  	_ =	shalt  }
0x5b: {  	_ =	shalt  }
0x5c: {  	_ =	shalt  }
0x5d: {  	_ =	shalt  }
0x5e: {  	_ =	shalt  }
0x5f: {  	_ =	shalt  }
0x60: {  	_ =	shalt  }
0x61: {  	_ =	shalt  }
0x62: {  	_ =	shalt  }
0x63: {  	_ =	shalt  }
0x64: {  	_ =	shalt  }
0x65: {  	_ =	shalt  }
0x66: {  	_ =	shalt  }
0x67: {  	_ =	shalt  }
0x68: {  	_ =	shalt  }
0x69: {  	_ =	shalt  }
0x6a: {  	_ =	shalt  }
0x6b: {  	_ =	shalt  }
0x6c: {  	_ =	shalt  }
0x6d: {  	_ =	shalt  }
0x6e: {  	_ =	shalt  }
0x6f: {  	_ =	shalt  }
0x70: {  	_ =	shalt  }
0x71: {  	_ =	shalt  }
0x72: {  	_ =	shalt  }
0x73: {  	_ =	shalt  }
0x74: {  	_ =	shalt  }
0x75: {  	_ =	shalt  }
0x76: {  	_ =	shalt  }
0x77: {  	_ =	shalt  }
0x78: {  	_ =	shalt  }
0x79: {  	_ =	shalt  }
0x7a: {  	_ =	shalt  }
0x7b: {  	_ =	shalt  }
0x7c: {  	_ =	shalt  }
0x7d: {  	_ =	shalt  }
0x7e: {  	_ =	shalt  }
0x7f: {  	_ =	shalt  }
0x80: {  	_ =	shalt  }
0x81: {  	_ =	shalt  }
0x82: {  	_ =	shalt  }
0x83: {  	_ =	shalt  }
0x84: {  	_ =	shalt  }
0x85: {  	_ =	shalt  }
0x86: {  	_ =	shalt  }
0x87: {  	_ =	shalt  }
.Lfunc_end0:
.L_simem_size_0:
called_computation.2_lowered:
.L_overlay_start_0:
0x88: {  	s2 =	sld [smem:$0x3FD9]  }
0x89: {  	s3 =	sld [smem:$0x3FFE];
	_ =	sdelay $0x1  }
0x8a: {  	s1 =	srdreg.scid  }
0x8b: {  	s0 =	sand.u32 $0x1, s1  }
0x8c: {  	s17 =	sshll.u32 s0, $0xA;
	s2 =	sadd.s32 s3, s2  }
0x8d: {  	s2 =	sadd.s32 s2, s17  }
0x8e: {  	[smem:$0x3FC2] =	sst s2  }
0x8f: {  	_ = 	snop  }
0x90: {  	s2 =	sld [smem:$0x3FD0];
	(tm) =	ssettm $0x1  }
0x91: {  	s18 =	sld [smem:$0x3FFB];
	_ =	sdelay $0x3  }
0x92: {  	_ =	strace s18  }
0x93: {  	s3 =	sld [smem:$0x3FFC];
	_ =	sdelay $0x3  }
0x94: {  	_ =	strace s3  }
0x95: {  	s3 =	sld [smem:$0x3FFD];
	_ =	sdelay $0x3  }
0x96: {  	_ =	strace s3  }
0x97: {  	_ =	strace $0x8FFFFFFF  }
0x98: {  	s19 =	sld [smem:$0x3FDB];
	_ =	sdelay $0x1  }
0x99: {  	s4 =	simm.s32 $_scs_section_size  }
0x9a: {  	s5 =	simm.s32 $_size__tile_overlayer_lowered;
	s6 =	simm.s32 $_tile_overlayer_lowered  }
0x9b: {  	s22 =	simm.s32 $0x1BFF;
	s21 =	sshll.u32 s6, $0x1;
	s3 =	sadd.s32 s4, s19  }
0x9c: {  	s7 =	simm.s32 $0x0;
	s20 =	sshll.u32 s5, $0x1;
	s5 =	sadd.s32 s21, s3  }
0x9d: {  	[timem:s7], [sflag:s22] =	dma.local [hbm:s5], s20  }
0x9e: {  	_ =	swait.ge [sflag:s22], s20  }
0x9f: {  	s4 =	ssub.s32 $0x0, s20;
	[sflag:s22] =	ssyncset.done $0x0  }
0xa0: {  	[sflag:s22] =	ssyncadd.s32 s4;
	_ =	sdelay $0x1  }
0xa1: {  	s23 =	simm.s32 $0x1B8B  }
0xa2: {  	_ =	swait.ge [sflag:s23], $0x1  }
0xa3: {  	[sflag:s23] =	ssyncset.done $0x0  }
0xa4: {  	s25 =	simm.s32 $0x1B8E;
	s24 =	sld [smem:$0x3FFE];
	[sflag:s23] =	ssyncadd.s32 $0xFFFFFFFF  }
0xa5: {  	s26 =	simm.s32 $execute0_lowered;
	[smem:$0x3FD2] =	sst s25  }
0xa6: {  	s5 =	sshll.u32 s26, $0x1;
	_ =	strace $0x8000004C;
	[dreg:$0x1] =	wrdreg $0xFFFFFFFF  }
0xa7: {  	s28 =	simm.s32 $_size_execute0_lowered;
	s3 =	sadd.s32 s3, s5;
	[dreg:$0x0] =	wrdreg $0x0  }
0xa8: {  	s5 =	sshll.u32 s28, $0x1;
	[dreg:$0x2] =	wrdreg s3  }
0xa9: {  	[dreg:$0x3] =	wrdreg s5  }
0xaa: {  	[dreg:$0x4] =	wrdreg $0xC0  }
0xab: {  	_ =	task [dreg:s7], $0x5FFFF  }
0xac: {  	[dreg:$0x1] =	wrdreg $0xFFFFFFFF  }
0xad: {  	[dreg:$0x0] =	wrdreg $0x60  }
0xae: {  	[dreg:$0x2] =	wrdreg s24  }
0xaf: {  	[dreg:$0x3] =	wrdreg s2  }
0xb0: {  	[dreg:$0x4] =	wrdreg $0x0  }
0xb1: {  	[dreg:$0x5] =	wrdreg $0x9  }
0xb2: {  	_ =	task.clear_ibuf [dreg:s7], $0x6FFFF;
	_ =	strace $0x9000004C  }
0xb3: {  	s29 =	simm.s32 $0x9;
	_ =	strace $0x8000004E  }
0xb4: {  	_ =	swait.ge [sflag:s29], $0x1  }
0xb5: {  	[sflag:s29] =	ssyncadd.s32 $0xFFFFFFFF  }
0xb6: {  	_ =	strace $0x9000004E  }
0xb7: {  	_ =	sfence  }
0xb8: {  	s30 =	sld [smem:$0x0];
	_ =	sdelay $0x2  }
0xb9: {  	s31 =	sshll.u32 s1, $0xD;
	s1 =	sshrl.u32 s1, $0x2  }
0xba: {  	s3 =	sand.u32 $0x4000, s31;
	s1 =	sadd.s32 s1, s30  }
0xbb: {  	s0 =	sor.u32 s3, s0;
	s1 =	sshll.u32 s1, $0x11  }
0xbc: {  	s0 =	sor.u32 s1, s0  }
0xbd: {  	s0 =	sadd.s32 $0x8F2B, s0  }
0xbe: {  	[sflag:s0] =	ssyncadd.remote.s32 $0x1  }
0xbf: {  	_ =	sfence.sel $0xFFFF  }
0xc0: {  	[dreg:$0x0] =	wrdreg $0xFFFFFFFF;
	(pc) =	sbr.abs _section_cstart, $3  }
0xc1: {  	[dreg:$0x1] =	wrdreg $0xFFFFFFFF  }
0xc2: {  	_ =	task.clear_ibuf [dreg:s7], $0x2FFFF;
	_ =	strace $0x9FFFFFFF  }
0xc3: {  	(tm) =	ssettm $0x7FFFFFFF  }
tec
execute0_lowered:
.L_overlay_start_1:
0x0: {  	(tag) =	ssettag $0x1  }
0x1: {  	s5 =	rddreg [dreg:$0x0]  }
0x2: {  	s8 =	rddreg [dreg:$0x1]  }
0x3: {  	s2 =	rddreg [dreg:$0x2]  }
0x4: {  	s0 =	rddreg [dreg:$0x3];
	s1 =	stileid.u32  }
0x5: {  	s3 =	simm.s32 $0x0;
	s4 =	srdreg.scid;
	s16 =	simm.s32 $0x13D00  }
0x6: {  	s17 =	simm.s32 $0x1;
	s18 =	simm.s32 $0x0;
	s9 =	smul.u32 $0x9E0, s1  }
0x7: {  	[smem:$0x7FF] =	sst s3;
	s6 =	smul.u32 $0x13C00, s1;
	s7 =	sand.u32 $0x1, s4  }
0x8: {  	s4 =	sadd.s32 $0x2E800, s5;
	s13 =	smul.u32 $0x4F000, s1;
	s29 =	sshll.u32 s1, $0x6  }
0x9: {  	_ =	strace $0x8000004D;
	s10 =	smul.u32 $0x13C000, s7;
	s28 =	ssub.s32 $0x2, s7  }
0xa: {  	s30 =	smul.u32 $0x4F0, s7;
	s11 =	sadd.s32 s9, s5;
	s12 =	sshrl.u32 s6, $0x3  }
0xb: {  	s14 =	sshrl.u32 s28, $0x1;
	s13 =	sshrl.u32 s13, $0x2;
	s9 =	sadd.s32 s9, s8  }
0xc: {  	s12 =	sadd.s32 s12, s5;
	s6 =	sadd.s32 s6, s10;
	s10 =	ssub.s32 s28, s14  }
0xd: {  	s13 =	sadd.s32 s13, s2;
	s9 =	sadd.s32 s30, s9;
	s31 =	sadd.s32 s30, s11  }
0xe: {  	s14 =	simm.s32 $0x13C80;
	s6 =	sshrl.u32 s6, $0x3;
	s8 =	smax.u32 s10, $0x1  }
0xf: {  	s10 =	sadd.s32 $0x7D800, s31;
	s11 =	sshrl.u32 s13, $0x3;
	s13 =	simm.s32 $0x13C00  }
0x10: {  	s15 =	sadd.s32 s6, s5;
	s5 =	sadd.s32 $0x7000, s12;
	s6 =	sor.u32 $0x1C02, s29  }
0x11: {  	s12 =	simm.s32 $0x2;
	s7 =	sadd.s32 $0x87600, s15;
	s15 =	simm.s32 $0x80  }
.LBB2_1:
0x12: {  	[spmem:s11], [sflag:s6] =	dma.local [hbm:s5], $0x2780  }
0x13: {  	_ =	swait.ge [sflag:s12], $0x2780  }
0x14: {  	[sflag:s12] =	ssyncset.done $0x0  }
0x15: {  	[sflag:s12] =	ssyncadd.s32 $0xFFFFD880  }
0x16: {  	s19 =	sadd.s32 $0x0, s10;
	[bflag:$0x0] =	sbarrier.arrive $0xFFFF  }
0x17: {  	[tilespmem:s13], [sflag:$0x2] =	stream.linear.gather [hbm4b:s19+s3], $0x80, $0x38;
	[tilespmem:$0x17D00] =	vst v63  }
0x18: {  	_ =	swait.ge [sflag:s12], $0x80  }
0x19: {  	[sflag:s12] =	ssyncset.done $0x0  }
0x1a: {  	s31 =	sadd.s32 $0x0, s9;
	[sflag:s12] =	ssyncadd.s32 $0xFFFFFF80  }
0x1b: {  	[tilespmem:s14], [sflag:$0x2] =	stream.linear.gather [hbm4b:s31+s3], $0x80, $0x38;
	[tilespmem:$0x17D00] =	vst v63  }
0x1c: {  	_ =	swait.ge [sflag:s12], $0x80  }
0x1d: {  	[sflag:s12] =	ssyncset.done $0x0  }
0x1e: {  	[sflag:s12] =	ssyncadd.s32 $0xFFFFFF80  }
0x1f: {  	[tilespmem:s16], [sflag:$0x1] =	stream.indirect.gather [hbm4b:s4+s15], $0x80, s13, s15, $0xb8;
	[tilespmem:$0x17D00] =	vst v63  }
0x20: {  	_ =	swait.ge [sflag:s17], $0x4000  }
0x21: {  	[sflag:s17] =	ssyncset.done $0x0  }
0x22: {  	[sflag:s17] =	ssyncadd.s32 $0xFFFFC000  }
0x23: {  	[spmem:s2] =	stream.indirect.scatter.add.f32 [tilespmem:s16], [sflag:$0x2], $0x80, s14, s15, $0xb8;
	[tilespmem:$0x17D00] =	vst v63  }
0x24: {  	_ =	swait.ge [sflag:s12], $0x4000  }
0x25: {  	s20 =	simm.s32 $0x20;
	s19 =	simm.s32 $0x10;
	[sflag:s12] =	ssyncset.done $0x0  }
.LBB2_2:
0x26: {  	s21 =	sadd.s32 s19, s10  }
0x27: {  	[sflag:s12] =	ssyncadd.s32 $0xFFFFC000;
	s22 =	smov.u32 s20;
	s23 =	sadd.s32 $0x10, s20  }
0x28: {  	[tilespmem:s13], [sflag:$0x2] =	stream.linear.gather [hbm4b:s21+s3], $0x80, $0x38;
	[tilespmem:$0x17D00] =	vst v63  }
0x29: {  	p0 =	sne.s32 s20, $0x4E0;
	_ =	swait.ge [sflag:s12], $0x80  }
0x2a: {  	[sflag:s12] =	ssyncset.done $0x0  }
0x2b: {  	s20 =	sadd.s32 s19, s9;
	s19 =	smov.u32 s22;
	[sflag:s12] =	ssyncadd.s32 $0xFFFFFF80  }
0x2c: {  	[tilespmem:s14], [sflag:$0x2] =	stream.linear.gather [hbm4b:s20+s3], $0x80, $0x38;
	[tilespmem:$0x17D00] =	vst v63  }
0x2d: {  	_ =	swait.ge [sflag:s12], $0x80  }
0x2e: {  	[sflag:s12] =	ssyncset.done $0x0  }
0x2f: {  	[sflag:s12] =	ssyncadd.s32 $0xFFFFFF80  }
0x30: {  	[tilespmem:s16], [sflag:$0x1] =	stream.indirect.gather [hbm4b:s4+s15], $0x80, s13, s15, $0xb8;
	[tilespmem:$0x17D00] =	vst v63  }
0x31: {  	_ =	swait.ge [sflag:s17], $0x4000  }
.Ltmp0:
0x32: {  	[sflag:s17] =	ssyncset.done $0x0;
	(pc) =	sbr.rel @p0 .LBB2_2-.Ltmp0, $4  }
0x33: {  	[sflag:s17] =	ssyncadd.s32 $0xFFFFC000  }
0x34: {  	[spmem:s2] =	stream.indirect.scatter.add.f32 [tilespmem:s16], [sflag:$0x2], $0x80, s14, s15, $0xb8;
	[tilespmem:$0x17D00] =	vst v63  }
0x35: {  	_ =	swait.ge [sflag:s12], $0x4000  }
0x36: {  	s20 =	smov.u32 s23;
	[sflag:s12] =	ssyncset.done $0x0  }
0x37: {  	s20 =	sadd.s32 s19, s10;
	[sflag:s12] =	ssyncadd.s32 $0xFFFFC000  }
0x38: {  	[tilespmem:s13], [sflag:$0x2] =	stream.linear.gather [hbm4b:s20+s3], $0x80, $0x38;
	[tilespmem:$0x17D00] =	vst v63  }
0x39: {  	_ =	swait.ge [sflag:s12], $0x80  }
0x3a: {  	[sflag:s12] =	ssyncset.done $0x0  }
0x3b: {  	s31 =	sadd.s32 s19, s9;
	[sflag:s12] =	ssyncadd.s32 $0xFFFFFF80  }
0x3c: {  	[tilespmem:s14], [sflag:$0x2] =	stream.linear.gather [hbm4b:s31+s3], $0x80, $0x38;
	[tilespmem:$0x17D00] =	vst v63  }
0x3d: {  	_ =	swait.ge [sflag:s12], $0x80  }
0x3e: {  	[sflag:s12] =	ssyncset.done $0x0  }
0x3f: {  	[sflag:s12] =	ssyncadd.s32 $0xFFFFFF80  }
0x40: {  	[tilespmem:s16], [sflag:$0x1] =	stream.indirect.gather [hbm4b:s4+s15], $0x80, s13, s15, $0xb8;
	[tilespmem:$0x17D00] =	vst v63  }
0x41: {  	_ =	swait.ge [sflag:s17], $0x4000  }
0x42: {  	[sflag:s17] =	ssyncset.done $0x0  }
0x43: {  	[sflag:s17] =	ssyncadd.s32 $0xFFFFC000  }
0x44: {  	[spmem:s2] =	stream.indirect.scatter.add.f32 [tilespmem:s16], [sflag:$0x2], $0x80, s14, s15, $0xb8;
	[tilespmem:$0x17D00] =	vst v63  }
0x45: {  	_ =	swait.ge [sflag:s12], $0x4000  }
0x46: {  	s18 =	sadd.s32 $0x1, s18;
	[sflag:s12] =	ssyncset.done $0x0  }
0x47: {  	p0 =	sne.s32 s18, s8;
	[sflag:s12] =	ssyncadd.s32 $0xFFFFC000  }
.Ltmp1:
0x48: {  	[bflag:$0x0] =	sbarrier.arrive $0xFFFF;
	(pc) =	sbr.rel @p0 .LBB2_1-.Ltmp1, $4  }
0x49: {  	[hbm:s7], [sflag:s6] =	dma.local [spmem:s11], $0x2780  }
0x4a: {  	_ =	swait.ge [sflag:s12], $0x2780  }
0x4b: {  	[sflag:s12] =	ssyncset.done $0x0  }
0x4c: {  	[sflag:s12] =	ssyncadd.s32 $0xFFFFD880  }
0x4d: {  	_ =	sfence.sel $0x180000  }
0x4e: {  	[bflag:$0x0] =	sbarrier.arrive $0xFFFF  }
0x4f: {  	p0 =	sne.s32 s1, $0x0;
	_ =	strace $0x9000004D  }
0x50: {  	s0 =	sadd.s32 @!p0 $0x100000, s0;
	[bflag:$0x2] =	sbarrier.arrive $0xFFFF  }
0x51: {  	[sflag:s0] =	ssyncadd.tile.s32 @!p0 $0x1;
	_ =	shalt  }
.Lfunc_end2:
_tile_overlayer_lowered:
.L_overlay_start_2:
0x52: {  	(tag) =	ssettag $0x2  }
0x53: {  	s0 =	rddreg [dreg:$0x0];
	s2 =	stileid.u32  }
0x54: {  	s1 =	rddreg [dreg:$0x1];
	p0 =	sne.s32 s2, $0x0  }
0x55: {  	s3 =	rddreg [dreg:$0x2];
	[bflag:$0x3] =	sbarrier.arrive $0xFFFF;
	s2 =	simm.s32 @!p0 $0x1C02  }
0x56: {  	[timem:s3], [sflag:s2] =	dma.local @!p0 [hbm:s0], s1  }
0x57: {  	s0 =	simm.s32 @!p0 $0x2  }
0x58: {  	_ =	swait.ge @!p0 [sflag:s0], s1  }
0x59: {  	s1 =	ssub.s32 @!p0 $0x0, s1;
	[sflag:s0] =	ssyncset.done @!p0 $0x0  }
0x5a: {  	[sflag:s0] =	ssyncadd.s32 @!p0 s1  }
0x5b: {  	[bflag:$0x3] =	sbarrier.arrive $0xFFFF  }
0x5c: {  	_ =	shalt  }

// kernel: kernel.34.cloned.1.call-start
scs
__scs_entry_jumppad:
0x0: {  	(pc) =	sbr.rel $0x88, $3  }
0x1: {  	(tag) =	ssettag $0x0;
	lr =	simm.s32 $0x1  }
0x2: {  	[smem:$0x3F9B] =	sst lr;
	_ =	strace $0xD0000000  }
0x3: {  	_ = 	snop  }
0x4: {  	_ = 	snop  }
0x5: {  	_ = 	snop  }
0x6: {  	_ = 	snop  }
0x7: {  	_ = 	snop  }
__scs_overlays_trampoline_lowered:
0x8: {  	[smem:$0x3FAA] =	sst s0  }
0x9: {  	[smem:$0x3FAB] =	sst s1  }
0xa: {  	[smem:$0x3FAC] =	sst s2  }
0xb: {  	[smem:$0x3FAD] =	sst s3  }
0xc: {  	[smem:$0x3FAE] =	sst s4  }
0xd: {  	[smem:$0x3FAF] =	sst s5  }
0xe: {  	[smem:$0x3FB0] =	sst s6  }
0xf: {  	[smem:$0x3FB1] =	sst s7  }
0x10: {  	[smem:$0x3FB2] =	sst s8  }
0x11: {  	[smem:$0x3FB3] =	sst s9;
	s0 =	simm.s32 @!p0 $0x0  }
0x12: {  	s1 =	sld [smem:$0x3F99];
	s0 =	simm.s32 @p0 $0x1  }
0x13: {  	[smem:$0x3FB4] =	sst s0;
	s0 =	simm.s32 @!p1 $0x0  }
0x14: {  	s2 =	sld [smem:$0x3F98];
	s0 =	simm.s32 @p1 $0x1  }
0x15: {  	[smem:$0x3FB5] =	sst s0;
	s0 =	simm.s32 @!p2 $0x0  }
0x16: {  	s3 =	sld [smem:$0x3FDB];
	s0 =	simm.s32 @p2 $0x1  }
0x17: {  	s4 =	simm.s32 $0x1BF5;
	[smem:$0x3FB7] =	sst s0  }
0x18: {  	s0 =	sld [smem:$0x3F9A];
	_ =	swait.ge [sflag:s4], $0x0  }
0x19: {  	s7 =	sld [smem:$0x3F9B]  }
0x1a: {  	s8 =	sadd.s32 $0xFFFFE003, lr  }
0x1b: {  	s9 =	sadd.s32 $0xFFFFFEF7, lr;
	s5 =	simm.s32 $0xFFFFFFFF;
	p2 =	slt.u32 s8, $0xFFFFF086  }
0x1c: {  	p1 =	slt.u32 s9, $0xF7A;
	s5 =	simm.s32 @!p2 $0x0  }
0x1d: {  	s5 =	simm.s32 @p1 $0x1;
	p0 =	seq.s32 s7, s2  }
0x1e: {  	s7 =	smul.u32 @!p0 $0xF7A, s2;
	p2 =	seq.s32 @!p0 s5, $0x0  }
0x1f: {  	s9 =	smul.u32 $0xF7A, s1;
	s8 =	simm.s32 @!p0 $0x1BF5;
	p2 =	por !p2, p0  }
0x20: {  	[sflag:s8] =	ssyncset.s32 @!p0 $0xFFFFF086;
	s6 =	sadd.s32 @!p0 s3, s7;
	s7 =	simm.s32 @!p0 $0x108  }
0x21: {  	s3 =	sadd.s32 s3, s9;
	s6 =	sadd.s32 @!p0 $0x88, s6;
	s7 =	simm.s32 @p2 $0x1082  }
0x22: {  	[simem:s7], [sflag:s8] =	dma.local @!p0 [hbm:s6], $0xF7A  }
0x23: {  	s9 =	sor.u32 $0xD0000000, s2;
	s6 =	simm.s32 $0x108;
	_ =	swait.ge @!p0 [sflag:s8], $0x0  }
0x24: {  	s3 =	sadd.s32 $0x88, s3;
	s6 =	simm.s32 @!p1 $0x1082;
	[sflag:s4] =	ssyncset.s32 $0xFFFFF086  }
0x25: {  	[simem:s6], [sflag:s4] =	dma.local [hbm:s3], $0xF7A  }
0x26: {  	[smem:$0x3F9B] =	sst s1;
	(tag) =	ssettag s2;
	_ =	strace s9  }
0x27: {  	s1 =	sld [smem:$0x3FAB]  }
0x28: {  	s2 =	sld [smem:$0x3FAC]  }
0x29: {  	s4 =	sld [smem:$0x3FAE]  }
0x2a: {  	p0 =	seq.s32 s5, $0x0;
	s5 =	sld [smem:$0x3FAF]  }
0x2b: {  	s6 =	sld [smem:$0x3FB0]  }
0x2c: {  	s7 =	sld [smem:$0x3FB1]  }
0x2d: {  	s3 =	simm.s32 $0x108;
	s8 =	sld [smem:$0x3FB2]  }
0x2e: {  	s3 =	simm.s32 @!p0 $0x1082;
	s9 =	sld [smem:$0x3FB3]  }
0x2f: {  	lr =	sadd.s32 s0, s3;
	s0 =	sld [smem:$0x3FAA]  }
0x30: {  	s3 =	sld [smem:$0x3FAD]  }
0x31: {  	[smem:$0x3FB6] =	sst s10  }
0x32: {  	s10 =	sld [smem:$0x3FB4];
	_ =	sdelay $0x3  }
0x33: {  	p0 =	seq.s32 s10, $0x1;
	s10 =	sld [smem:$0x3FB6];
	_ =	sdelay $0x3  }
0x34: {  	[smem:$0x3FB6] =	sst s10  }
0x35: {  	s10 =	sld [smem:$0x3FB5];
	_ =	sdelay $0x3  }
0x36: {  	p1 =	seq.s32 s10, $0x1;
	s10 =	sld [smem:$0x3FB6];
	_ =	sdelay $0x3  }
0x37: {  	[smem:$0x3FB6] =	sst s10  }
0x38: {  	s10 =	sld [smem:$0x3FB7]  }
0x39: {  	_ = 	snop;
	(pc) =	sbr.ind lr, $3  }
0x3a: {  	_ = 	snop  }
0x3b: {  	_ = 	snop  }
0x3c: {  	p2 =	seq.s32 s10, $0x1;
	s10 =	sld [smem:$0x3FB6]  }
0x3d: {  	_ =	shalt  }
0x3e: {  	_ =	shalt  }
0x3f: {  	_ =	shalt  }
0x40: {  	_ =	shalt  }
0x41: {  	_ =	shalt  }
0x42: {  	_ =	shalt  }
0x43: {  	_ =	shalt  }
0x44: {  	_ =	shalt  }
0x45: {  	_ =	shalt  }
0x46: {  	_ =	shalt  }
0x47: {  	_ =	shalt  }
0x48: {  	_ =	shalt  }
0x49: {  	_ =	shalt  }
0x4a: {  	_ =	shalt  }
0x4b: {  	_ =	shalt  }
0x4c: {  	_ =	shalt  }
0x4d: {  	_ =	shalt  }
0x4e: {  	_ =	shalt  }
0x4f: {  	_ =	shalt  }
0x50: {  	_ =	shalt  }
0x51: {  	_ =	shalt  }
0x52: {  	_ =	shalt  }
0x53: {  	_ =	shalt  }
0x54: {  	_ =	shalt  }
0x55: {  	_ =	shalt  }
0x56: {  	_ =	shalt  }
0x57: {  	_ =	shalt  }
0x58: {  	_ =	shalt  }
0x59: {  	_ =	shalt  }
0x5a: {  	_ =	shalt  }
0x5b: {  	_ =	shalt  }
0x5c: {  	_ =	shalt  }
0x5d: {  	_ =	shalt  }
0x5e: {  	_ =	shalt  }
0x5f: {  	_ =	shalt  }
0x60: {  	_ =	shalt  }
0x61: {  	_ =	shalt  }
0x62: {  	_ =	shalt  }
0x63: {  	_ =	shalt  }
0x64: {  	_ =	shalt  }
0x65: {  	_ =	shalt  }
0x66: {  	_ =	shalt  }
0x67: {  	_ =	shalt  }
0x68: {  	_ =	shalt  }
0x69: {  	_ =	shalt  }
0x6a: {  	_ =	shalt  }
0x6b: {  	_ =	shalt  }
0x6c: {  	_ =	shalt  }
0x6d: {  	_ =	shalt  }
0x6e: {  	_ =	shalt  }
0x6f: {  	_ =	shalt  }
0x70: {  	_ =	shalt  }
0x71: {  	_ =	shalt  }
0x72: {  	_ =	shalt  }
0x73: {  	_ =	shalt  }
0x74: {  	_ =	shalt  }
0x75: {  	_ =	shalt  }
0x76: {  	_ =	shalt  }
0x77: {  	_ =	shalt  }
0x78: {  	_ =	shalt  }
0x79: {  	_ =	shalt  }
0x7a: {  	_ =	shalt  }
0x7b: {  	_ =	shalt  }
0x7c: {  	_ =	shalt  }
0x7d: {  	_ =	shalt  }
0x7e: {  	_ =	shalt  }
0x7f: {  	_ =	shalt  }
0x80: {  	_ =	shalt  }
0x81: {  	_ =	shalt  }
0x82: {  	_ =	shalt  }
0x83: {  	_ =	shalt  }
0x84: {  	_ =	shalt  }
0x85: {  	_ =	shalt  }
0x86: {  	_ =	shalt  }
0x87: {  	_ =	shalt  }
.Lfunc_end0:
.L_simem_size_0:
called_computation.3_lowered:
.L_overlay_start_0:
0x88: {  	s2 =	sld [smem:$0x3FD9]  }
0x89: {  	s3 =	sld [smem:$0x3FFE];
	_ =	sdelay $0x1  }
0x8a: {  	s1 =	srdreg.scid  }
0x8b: {  	s0 =	sand.u32 $0x1, s1  }
0x8c: {  	s17 =	sshll.u32 s0, $0xA;
	s2 =	sadd.s32 s3, s2  }
0x8d: {  	s2 =	sadd.s32 s2, s17  }
0x8e: {  	[smem:$0x3FC2] =	sst s2  }
0x8f: {  	_ = 	snop  }
0x90: {  	s2 =	sld [smem:$0x3FD0];
	(tm) =	ssettm $0x1  }
0x91: {  	s18 =	sld [smem:$0x3FFB];
	_ =	sdelay $0x3  }
0x92: {  	_ =	strace s18  }
0x93: {  	s3 =	sld [smem:$0x3FFC];
	_ =	sdelay $0x3  }
0x94: {  	_ =	strace s3  }
0x95: {  	s3 =	sld [smem:$0x3FFD];
	_ =	sdelay $0x3  }
0x96: {  	_ =	strace s3  }
0x97: {  	_ =	strace $0x8FFFFFFF  }
0x98: {  	s19 =	sld [smem:$0x3FDB];
	_ =	sdelay $0x1  }
0x99: {  	s4 =	simm.s32 $_scs_section_size  }
0x9a: {  	s5 =	simm.s32 $_size__tile_overlayer_lowered;
	s6 =	simm.s32 $_tile_overlayer_lowered  }
0x9b: {  	s22 =	simm.s32 $0x1BFF;
	s21 =	sshll.u32 s6, $0x1;
	s3 =	sadd.s32 s4, s19  }
0x9c: {  	s7 =	simm.s32 $0x0;
	s20 =	sshll.u32 s5, $0x1;
	s5 =	sadd.s32 s21, s3  }
0x9d: {  	[timem:s7], [sflag:s22] =	dma.local [hbm:s5], s20  }
0x9e: {  	_ =	swait.ge [sflag:s22], s20  }
0x9f: {  	s4 =	ssub.s32 $0x0, s20;
	[sflag:s22] =	ssyncset.done $0x0  }
0xa0: {  	[sflag:s22] =	ssyncadd.s32 s4;
	_ =	sdelay $0x1  }
0xa1: {  	s23 =	simm.s32 $0x1B8B  }
0xa2: {  	_ =	swait.ge [sflag:s23], $0x1  }
0xa3: {  	[sflag:s23] =	ssyncset.done $0x0  }
0xa4: {  	s25 =	simm.s32 $0x1B8E;
	s24 =	sld [smem:$0x3FFE];
	[sflag:s23] =	ssyncadd.s32 $0xFFFFFFFF  }
0xa5: {  	s26 =	simm.s32 $execute0_lowered;
	[smem:$0x3FD2] =	sst s25  }
0xa6: {  	s5 =	sshll.u32 s26, $0x1;
	_ =	strace $0x8000004F;
	[dreg:$0x1] =	wrdreg $0xFFFFFFFF  }
0xa7: {  	s28 =	simm.s32 $_size_execute0_lowered;
	s3 =	sadd.s32 s3, s5;
	[dreg:$0x0] =	wrdreg $0x0  }
0xa8: {  	s5 =	sshll.u32 s28, $0x1;
	[dreg:$0x2] =	wrdreg s3  }
0xa9: {  	[dreg:$0x3] =	wrdreg s5  }
0xaa: {  	[dreg:$0x4] =	wrdreg $0xC0  }
0xab: {  	_ =	task [dreg:s7], $0x5FFFF  }
0xac: {  	[dreg:$0x1] =	wrdreg $0xFFFFFFFF  }
0xad: {  	[dreg:$0x0] =	wrdreg $0x60  }
0xae: {  	[dreg:$0x2] =	wrdreg s24  }
0xaf: {  	[dreg:$0x3] =	wrdreg s2  }
0xb0: {  	[dreg:$0x4] =	wrdreg $0x0  }
0xb1: {  	[dreg:$0x5] =	wrdreg $0x9  }
0xb2: {  	_ =	task.clear_ibuf [dreg:s7], $0x6FFFF;
	_ =	strace $0x9000004F  }
0xb3: {  	s29 =	simm.s32 $0x9;
	_ =	strace $0x80000051  }
0xb4: {  	_ =	swait.ge [sflag:s29], $0x1  }
0xb5: {  	[sflag:s29] =	ssyncadd.s32 $0xFFFFFFFF  }
0xb6: {  	_ =	strace $0x90000051  }
0xb7: {  	_ =	sfence  }
0xb8: {  	s30 =	sld [smem:$0x0];
	_ =	sdelay $0x2  }
0xb9: {  	s31 =	sshll.u32 s1, $0xD;
	s1 =	sshrl.u32 s1, $0x2  }
0xba: {  	s3 =	sand.u32 $0x4000, s31;
	s1 =	sadd.s32 s1, s30  }
0xbb: {  	s0 =	sor.u32 s3, s0;
	s1 =	sshll.u32 s1, $0x11  }
0xbc: {  	s0 =	sor.u32 s1, s0  }
0xbd: {  	s0 =	sadd.s32 $0x8F2B, s0  }
0xbe: {  	[sflag:s0] =	ssyncadd.remote.s32 $0x1  }
0xbf: {  	_ =	sfence.sel $0xFFFF  }
0xc0: {  	[dreg:$0x0] =	wrdreg $0xFFFFFFFF;
	(pc) =	sbr.abs _section_cstart, $3  }
0xc1: {  	[dreg:$0x1] =	wrdreg $0xFFFFFFFF  }
0xc2: {  	_ =	task.clear_ibuf [dreg:s7], $0x2FFFF;
	_ =	strace $0x9FFFFFFF  }
0xc3: {  	(tm) =	ssettm $0x7FFFFFFF  }
tec
execute0_lowered:
.L_overlay_start_1:
0x0: {  	(tag) =	ssettag $0x1  }
0x1: {  	s5 =	rddreg [dreg:$0x0]  }
0x2: {  	s8 =	rddreg [dreg:$0x1]  }
0x3: {  	s2 =	rddreg [dreg:$0x2]  }
0x4: {  	s0 =	rddreg [dreg:$0x3];
	s1 =	stileid.u32  }
0x5: {  	s3 =	simm.s32 $0x0;
	s4 =	srdreg.scid;
	s16 =	simm.s32 $0x13D00  }
0x6: {  	s17 =	simm.s32 $0x1;
	s18 =	simm.s32 $0x0;
	s9 =	smul.u32 $0x9E0, s1  }
0x7: {  	[smem:$0x7FF] =	sst s3;
	s6 =	smul.u32 $0x13C00, s1;
	s7 =	sand.u32 $0x1, s4  }
0x8: {  	s4 =	sadd.s32 $0x2E800, s5;
	s13 =	smul.u32 $0x4F000, s1;
	s29 =	sshll.u32 s1, $0x6  }
0x9: {  	_ =	strace $0x80000050;
	s10 =	smul.u32 $0x13C000, s7;
	s28 =	ssub.s32 $0x2, s7  }
0xa: {  	s30 =	smul.u32 $0x4F0, s7;
	s11 =	sadd.s32 s9, s5;
	s12 =	sshrl.u32 s6, $0x3  }
0xb: {  	s14 =	sshrl.u32 s28, $0x1;
	s13 =	sshrl.u32 s13, $0x2;
	s9 =	sadd.s32 s9, s8  }
0xc: {  	s12 =	sadd.s32 s12, s5;
	s6 =	sadd.s32 s6, s10;
	s10 =	ssub.s32 s28, s14  }
0xd: {  	s13 =	sadd.s32 s13, s2;
	s9 =	sadd.s32 s30, s9;
	s31 =	sadd.s32 s30, s11  }
0xe: {  	s14 =	simm.s32 $0x13C80;
	s6 =	sshrl.u32 s6, $0x3;
	s8 =	smax.u32 s10, $0x1  }
0xf: {  	s10 =	sadd.s32 $0x7D800, s31;
	s11 =	sshrl.u32 s13, $0x3;
	s13 =	simm.s32 $0x13C00  }
0x10: {  	s15 =	sadd.s32 s6, s5;
	s5 =	sadd.s32 $0x7000, s12;
	s6 =	sor.u32 $0x1C02, s29  }
0x11: {  	s12 =	simm.s32 $0x2;
	s7 =	sadd.s32 $0x87600, s15;
	s15 =	simm.s32 $0x80  }
.LBB2_1:
0x12: {  	[spmem:s11], [sflag:s6] =	dma.local [hbm:s5], $0x2780  }
0x13: {  	_ =	swait.ge [sflag:s12], $0x2780  }
0x14: {  	[sflag:s12] =	ssyncset.done $0x0  }
0x15: {  	[sflag:s12] =	ssyncadd.s32 $0xFFFFD880  }
0x16: {  	s19 =	sadd.s32 $0x0, s10;
	[bflag:$0x0] =	sbarrier.arrive $0xFFFF  }
0x17: {  	[tilespmem:s13], [sflag:$0x2] =	stream.linear.gather [hbm4b:s19+s3], $0x80, $0x38;
	[tilespmem:$0x17D00] =	vst v63  }
0x18: {  	_ =	swait.ge [sflag:s12], $0x80  }
0x19: {  	[sflag:s12] =	ssyncset.done $0x0  }
0x1a: {  	s31 =	sadd.s32 $0x0, s9;
	[sflag:s12] =	ssyncadd.s32 $0xFFFFFF80  }
0x1b: {  	[tilespmem:s14], [sflag:$0x2] =	stream.linear.gather [hbm4b:s31+s3], $0x80, $0x38;
	[tilespmem:$0x17D00] =	vst v63  }
0x1c: {  	_ =	swait.ge [sflag:s12], $0x80  }
0x1d: {  	[sflag:s12] =	ssyncset.done $0x0  }
0x1e: {  	[sflag:s12] =	ssyncadd.s32 $0xFFFFFF80  }
0x1f: {  	[tilespmem:s16], [sflag:$0x1] =	stream.indirect.gather [hbm4b:s4+s15], $0x80, s13, s15, $0xb8;
	[tilespmem:$0x17D00] =	vst v63  }
0x20: {  	_ =	swait.ge [sflag:s17], $0x4000  }
0x21: {  	[sflag:s17] =	ssyncset.done $0x0  }
0x22: {  	[sflag:s17] =	ssyncadd.s32 $0xFFFFC000  }
0x23: {  	[spmem:s2] =	stream.indirect.scatter.add.f32 [tilespmem:s16], [sflag:$0x2], $0x80, s14, s15, $0xb8;
	[tilespmem:$0x17D00] =	vst v63  }
0x24: {  	_ =	swait.ge [sflag:s12], $0x4000  }
0x25: {  	s20 =	simm.s32 $0x20;
	s19 =	simm.s32 $0x10;
	[sflag:s12] =	ssyncset.done $0x0  }
.LBB2_2:
0x26: {  	s21 =	sadd.s32 s19, s10  }
0x27: {  	[sflag:s12] =	ssyncadd.s32 $0xFFFFC000;
	s22 =	smov.u32 s20;
	s23 =	sadd.s32 $0x10, s20  }
0x28: {  	[tilespmem:s13], [sflag:$0x2] =	stream.linear.gather [hbm4b:s21+s3], $0x80, $0x38;
	[tilespmem:$0x17D00] =	vst v63  }
0x29: {  	p0 =	sne.s32 s20, $0x4E0;
	_ =	swait.ge [sflag:s12], $0x80  }
0x2a: {  	[sflag:s12] =	ssyncset.done $0x0  }
0x2b: {  	s20 =	sadd.s32 s19, s9;
	s19 =	smov.u32 s22;
	[sflag:s12] =	ssyncadd.s32 $0xFFFFFF80  }
0x2c: {  	[tilespmem:s14], [sflag:$0x2] =	stream.linear.gather [hbm4b:s20+s3], $0x80, $0x38;
	[tilespmem:$0x17D00] =	vst v63  }
0x2d: {  	_ =	swait.ge [sflag:s12], $0x80  }
0x2e: {  	[sflag:s12] =	ssyncset.done $0x0  }
0x2f: {  	[sflag:s12] =	ssyncadd.s32 $0xFFFFFF80  }
0x30: {  	[tilespmem:s16], [sflag:$0x1] =	stream.indirect.gather [hbm4b:s4+s15], $0x80, s13, s15, $0xb8;
	[tilespmem:$0x17D00] =	vst v63  }
0x31: {  	_ =	swait.ge [sflag:s17], $0x4000  }
.Ltmp0:
0x32: {  	[sflag:s17] =	ssyncset.done $0x0;
	(pc) =	sbr.rel @p0 .LBB2_2-.Ltmp0, $4  }
0x33: {  	[sflag:s17] =	ssyncadd.s32 $0xFFFFC000  }
0x34: {  	[spmem:s2] =	stream.indirect.scatter.add.f32 [tilespmem:s16], [sflag:$0x2], $0x80, s14, s15, $0xb8;
	[tilespmem:$0x17D00] =	vst v63  }
0x35: {  	_ =	swait.ge [sflag:s12], $0x4000  }
0x36: {  	s20 =	smov.u32 s23;
	[sflag:s12] =	ssyncset.done $0x0  }
0x37: {  	s20 =	sadd.s32 s19, s10;
	[sflag:s12] =	ssyncadd.s32 $0xFFFFC000  }
0x38: {  	[tilespmem:s13], [sflag:$0x2] =	stream.linear.gather [hbm4b:s20+s3], $0x80, $0x38;
	[tilespmem:$0x17D00] =	vst v63  }
0x39: {  	_ =	swait.ge [sflag:s12], $0x80  }
0x3a: {  	[sflag:s12] =	ssyncset.done $0x0  }
0x3b: {  	s31 =	sadd.s32 s19, s9;
	[sflag:s12] =	ssyncadd.s32 $0xFFFFFF80  }
0x3c: {  	[tilespmem:s14], [sflag:$0x2] =	stream.linear.gather [hbm4b:s31+s3], $0x80, $0x38;
	[tilespmem:$0x17D00] =	vst v63  }
0x3d: {  	_ =	swait.ge [sflag:s12], $0x80  }
0x3e: {  	[sflag:s12] =	ssyncset.done $0x0  }
0x3f: {  	[sflag:s12] =	ssyncadd.s32 $0xFFFFFF80  }
0x40: {  	[tilespmem:s16], [sflag:$0x1] =	stream.indirect.gather [hbm4b:s4+s15], $0x80, s13, s15, $0xb8;
	[tilespmem:$0x17D00] =	vst v63  }
0x41: {  	_ =	swait.ge [sflag:s17], $0x4000  }
0x42: {  	[sflag:s17] =	ssyncset.done $0x0  }
0x43: {  	[sflag:s17] =	ssyncadd.s32 $0xFFFFC000  }
0x44: {  	[spmem:s2] =	stream.indirect.scatter.add.f32 [tilespmem:s16], [sflag:$0x2], $0x80, s14, s15, $0xb8;
	[tilespmem:$0x17D00] =	vst v63  }
0x45: {  	_ =	swait.ge [sflag:s12], $0x4000  }
0x46: {  	s18 =	sadd.s32 $0x1, s18;
	[sflag:s12] =	ssyncset.done $0x0  }
0x47: {  	p0 =	sne.s32 s18, s8;
	[sflag:s12] =	ssyncadd.s32 $0xFFFFC000  }
.Ltmp1:
0x48: {  	[bflag:$0x0] =	sbarrier.arrive $0xFFFF;
	(pc) =	sbr.rel @p0 .LBB2_1-.Ltmp1, $4  }
0x49: {  	[hbm:s7], [sflag:s6] =	dma.local [spmem:s11], $0x2780  }
0x4a: {  	_ =	swait.ge [sflag:s12], $0x2780  }
0x4b: {  	[sflag:s12] =	ssyncset.done $0x0  }
0x4c: {  	[sflag:s12] =	ssyncadd.s32 $0xFFFFD880  }
0x4d: {  	_ =	sfence.sel $0x180000  }
0x4e: {  	[bflag:$0x0] =	sbarrier.arrive $0xFFFF  }
0x4f: {  	p0 =	sne.s32 s1, $0x0;
	_ =	strace $0x90000050  }
0x50: {  	s0 =	sadd.s32 @!p0 $0x100000, s0;
	[bflag:$0x2] =	sbarrier.arrive $0xFFFF  }
0x51: {  	[sflag:s0] =	ssyncadd.tile.s32 @!p0 $0x1;
	_ =	shalt  }
.Lfunc_end2:
_tile_overlayer_lowered:
.L_overlay_start_2:
0x52: {  	(tag) =	ssettag $0x2  }
0x53: {  	s0 =	rddreg [dreg:$0x0];
	s2 =	stileid.u32  }
0x54: {  	s1 =	rddreg [dreg:$0x1];
	p0 =	sne.s32 s2, $0x0  }
0x55: {  	s3 =	rddreg [dreg:$0x2];
	[bflag:$0x3] =	sbarrier.arrive $0xFFFF;
	s2 =	simm.s32 @!p0 $0x1C02  }
0x56: {  	[timem:s3], [sflag:s2] =	dma.local @!p0 [hbm:s0], s1  }
0x57: {  	s0 =	simm.s32 @!p0 $0x2  }
0x58: {  	_ =	swait.ge @!p0 [sflag:s0], s1  }
0x59: {  	s1 =	ssub.s32 @!p0 $0x0, s1;
	[sflag:s0] =	ssyncset.done @!p0 $0x0  }
0x5a: {  	[sflag:s0] =	ssyncadd.s32 @!p0 s1  }
0x5b: {  	[bflag:$0x3] =	sbarrier.arrive $0xFFFF  }
0x5c: {  	_ =	shalt  }

// kernel: kernel.37.cloned.1.call-start
scs
__scs_entry_jumppad:
0x0: {  	(pc) =	sbr.rel $0x88, $3  }
0x1: {  	(tag) =	ssettag $0x0;
	lr =	simm.s32 $0x1  }
0x2: {  	[smem:$0x3F9B] =	sst lr;
	_ =	strace $0xD0000000  }
0x3: {  	_ = 	snop  }
0x4: {  	_ = 	snop  }
0x5: {  	_ = 	snop  }
0x6: {  	_ = 	snop  }
0x7: {  	_ = 	snop  }
__scs_overlays_trampoline_lowered:
0x8: {  	[smem:$0x3FAA] =	sst s0  }
0x9: {  	[smem:$0x3FAB] =	sst s1  }
0xa: {  	[smem:$0x3FAC] =	sst s2  }
0xb: {  	[smem:$0x3FAD] =	sst s3  }
0xc: {  	[smem:$0x3FAE] =	sst s4  }
0xd: {  	[smem:$0x3FAF] =	sst s5  }
0xe: {  	[smem:$0x3FB0] =	sst s6  }
0xf: {  	[smem:$0x3FB1] =	sst s7  }
0x10: {  	[smem:$0x3FB2] =	sst s8  }
0x11: {  	[smem:$0x3FB3] =	sst s9;
	s0 =	simm.s32 @!p0 $0x0  }
0x12: {  	s1 =	sld [smem:$0x3F99];
	s0 =	simm.s32 @p0 $0x1  }
0x13: {  	[smem:$0x3FB4] =	sst s0;
	s0 =	simm.s32 @!p1 $0x0  }
0x14: {  	s2 =	sld [smem:$0x3F98];
	s0 =	simm.s32 @p1 $0x1  }
0x15: {  	[smem:$0x3FB5] =	sst s0;
	s0 =	simm.s32 @!p2 $0x0  }
0x16: {  	s3 =	sld [smem:$0x3FDB];
	s0 =	simm.s32 @p2 $0x1  }
0x17: {  	s4 =	simm.s32 $0x1BF5;
	[smem:$0x3FB7] =	sst s0  }
0x18: {  	s0 =	sld [smem:$0x3F9A];
	_ =	swait.ge [sflag:s4], $0x0  }
0x19: {  	s7 =	sld [smem:$0x3F9B]  }
0x1a: {  	s8 =	sadd.s32 $0xFFFFE003, lr  }
0x1b: {  	s9 =	sadd.s32 $0xFFFFFEF7, lr;
	s5 =	simm.s32 $0xFFFFFFFF;
	p2 =	slt.u32 s8, $0xFFFFF086  }
0x1c: {  	p1 =	slt.u32 s9, $0xF7A;
	s5 =	simm.s32 @!p2 $0x0  }
0x1d: {  	s5 =	simm.s32 @p1 $0x1;
	p0 =	seq.s32 s7, s2  }
0x1e: {  	s7 =	smul.u32 @!p0 $0xF7A, s2;
	p2 =	seq.s32 @!p0 s5, $0x0  }
0x1f: {  	s9 =	smul.u32 $0xF7A, s1;
	s8 =	simm.s32 @!p0 $0x1BF5;
	p2 =	por !p2, p0  }
0x20: {  	[sflag:s8] =	ssyncset.s32 @!p0 $0xFFFFF086;
	s6 =	sadd.s32 @!p0 s3, s7;
	s7 =	simm.s32 @!p0 $0x108  }
0x21: {  	s3 =	sadd.s32 s3, s9;
	s6 =	sadd.s32 @!p0 $0x88, s6;
	s7 =	simm.s32 @p2 $0x1082  }
0x22: {  	[simem:s7], [sflag:s8] =	dma.local @!p0 [hbm:s6], $0xF7A  }
0x23: {  	s9 =	sor.u32 $0xD0000000, s2;
	s6 =	simm.s32 $0x108;
	_ =	swait.ge @!p0 [sflag:s8], $0x0  }
0x24: {  	s3 =	sadd.s32 $0x88, s3;
	s6 =	simm.s32 @!p1 $0x1082;
	[sflag:s4] =	ssyncset.s32 $0xFFFFF086  }
0x25: {  	[simem:s6], [sflag:s4] =	dma.local [hbm:s3], $0xF7A  }
0x26: {  	[smem:$0x3F9B] =	sst s1;
	(tag) =	ssettag s2;
	_ =	strace s9  }
0x27: {  	s1 =	sld [smem:$0x3FAB]  }
0x28: {  	s2 =	sld [smem:$0x3FAC]  }
0x29: {  	s4 =	sld [smem:$0x3FAE]  }
0x2a: {  	p0 =	seq.s32 s5, $0x0;
	s5 =	sld [smem:$0x3FAF]  }
0x2b: {  	s6 =	sld [smem:$0x3FB0]  }
0x2c: {  	s7 =	sld [smem:$0x3FB1]  }
0x2d: {  	s3 =	simm.s32 $0x108;
	s8 =	sld [smem:$0x3FB2]  }
0x2e: {  	s3 =	simm.s32 @!p0 $0x1082;
	s9 =	sld [smem:$0x3FB3]  }
0x2f: {  	lr =	sadd.s32 s0, s3;
	s0 =	sld [smem:$0x3FAA]  }
0x30: {  	s3 =	sld [smem:$0x3FAD]  }
0x31: {  	[smem:$0x3FB6] =	sst s10  }
0x32: {  	s10 =	sld [smem:$0x3FB4];
	_ =	sdelay $0x3  }
0x33: {  	p0 =	seq.s32 s10, $0x1;
	s10 =	sld [smem:$0x3FB6];
	_ =	sdelay $0x3  }
0x34: {  	[smem:$0x3FB6] =	sst s10  }
0x35: {  	s10 =	sld [smem:$0x3FB5];
	_ =	sdelay $0x3  }
0x36: {  	p1 =	seq.s32 s10, $0x1;
	s10 =	sld [smem:$0x3FB6];
	_ =	sdelay $0x3  }
0x37: {  	[smem:$0x3FB6] =	sst s10  }
0x38: {  	s10 =	sld [smem:$0x3FB7]  }
0x39: {  	_ = 	snop;
	(pc) =	sbr.ind lr, $3  }
0x3a: {  	_ = 	snop  }
0x3b: {  	_ = 	snop  }
0x3c: {  	p2 =	seq.s32 s10, $0x1;
	s10 =	sld [smem:$0x3FB6]  }
0x3d: {  	_ =	shalt  }
0x3e: {  	_ =	shalt  }
0x3f: {  	_ =	shalt  }
0x40: {  	_ =	shalt  }
0x41: {  	_ =	shalt  }
0x42: {  	_ =	shalt  }
0x43: {  	_ =	shalt  }
0x44: {  	_ =	shalt  }
0x45: {  	_ =	shalt  }
0x46: {  	_ =	shalt  }
0x47: {  	_ =	shalt  }
0x48: {  	_ =	shalt  }
0x49: {  	_ =	shalt  }
0x4a: {  	_ =	shalt  }
0x4b: {  	_ =	shalt  }
0x4c: {  	_ =	shalt  }
0x4d: {  	_ =	shalt  }
0x4e: {  	_ =	shalt  }
0x4f: {  	_ =	shalt  }
0x50: {  	_ =	shalt  }
0x51: {  	_ =	shalt  }
0x52: {  	_ =	shalt  }
0x53: {  	_ =	shalt  }
0x54: {  	_ =	shalt  }
0x55: {  	_ =	shalt  }
0x56: {  	_ =	shalt  }
0x57: {  	_ =	shalt  }
0x58: {  	_ =	shalt  }
0x59: {  	_ =	shalt  }
0x5a: {  	_ =	shalt  }
0x5b: {  	_ =	shalt  }
0x5c: {  	_ =	shalt  }
0x5d: {  	_ =	shalt  }
0x5e: {  	_ =	shalt  }
0x5f: {  	_ =	shalt  }
0x60: {  	_ =	shalt  }
0x61: {  	_ =	shalt  }
0x62: {  	_ =	shalt  }
0x63: {  	_ =	shalt  }
0x64: {  	_ =	shalt  }
0x65: {  	_ =	shalt  }
0x66: {  	_ =	shalt  }
0x67: {  	_ =	shalt  }
0x68: {  	_ =	shalt  }
0x69: {  	_ =	shalt  }
0x6a: {  	_ =	shalt  }
0x6b: {  	_ =	shalt  }
0x6c: {  	_ =	shalt  }
0x6d: {  	_ =	shalt  }
0x6e: {  	_ =	shalt  }
0x6f: {  	_ =	shalt  }
0x70: {  	_ =	shalt  }
0x71: {  	_ =	shalt  }
0x72: {  	_ =	shalt  }
0x73: {  	_ =	shalt  }
0x74: {  	_ =	shalt  }
0x75: {  	_ =	shalt  }
0x76: {  	_ =	shalt  }
0x77: {  	_ =	shalt  }
0x78: {  	_ =	shalt  }
0x79: {  	_ =	shalt  }
0x7a: {  	_ =	shalt  }
0x7b: {  	_ =	shalt  }
0x7c: {  	_ =	shalt  }
0x7d: {  	_ =	shalt  }
0x7e: {  	_ =	shalt  }
0x7f: {  	_ =	shalt  }
0x80: {  	_ =	shalt  }
0x81: {  	_ =	shalt  }
0x82: {  	_ =	shalt  }
0x83: {  	_ =	shalt  }
0x84: {  	_ =	shalt  }
0x85: {  	_ =	shalt  }
0x86: {  	_ =	shalt  }
0x87: {  	_ =	shalt  }
.Lfunc_end0:
.L_simem_size_0:
called_computation.4_lowered:
.L_overlay_start_0:
0x88: {  	s2 =	sld [smem:$0x3FD9]  }
0x89: {  	s3 =	sld [smem:$0x3FFE];
	_ =	sdelay $0x1  }
0x8a: {  	s1 =	srdreg.scid  }
0x8b: {  	s0 =	sand.u32 $0x1, s1  }
0x8c: {  	s17 =	sshll.u32 s0, $0xA;
	s2 =	sadd.s32 s3, s2  }
0x8d: {  	s2 =	sadd.s32 s2, s17  }
0x8e: {  	[smem:$0x3FC2] =	sst s2  }
0x8f: {  	_ = 	snop  }
0x90: {  	s2 =	sld [smem:$0x3FD0];
	(tm) =	ssettm $0x1  }
0x91: {  	s18 =	sld [smem:$0x3FFB];
	_ =	sdelay $0x3  }
0x92: {  	_ =	strace s18  }
0x93: {  	s3 =	sld [smem:$0x3FFC];
	_ =	sdelay $0x3  }
0x94: {  	_ =	strace s3  }
0x95: {  	s3 =	sld [smem:$0x3FFD];
	_ =	sdelay $0x3  }
0x96: {  	_ =	strace s3  }
0x97: {  	_ =	strace $0x8FFFFFFF  }
0x98: {  	s19 =	sld [smem:$0x3FDB];
	_ =	sdelay $0x1  }
0x99: {  	s4 =	simm.s32 $_scs_section_size  }
0x9a: {  	s5 =	simm.s32 $_size__tile_overlayer_lowered;
	s6 =	simm.s32 $_tile_overlayer_lowered  }
0x9b: {  	s22 =	simm.s32 $0x1BFF;
	s21 =	sshll.u32 s6, $0x1;
	s3 =	sadd.s32 s4, s19  }
0x9c: {  	s7 =	simm.s32 $0x0;
	s20 =	sshll.u32 s5, $0x1;
	s5 =	sadd.s32 s21, s3  }
0x9d: {  	[timem:s7], [sflag:s22] =	dma.local [hbm:s5], s20  }
0x9e: {  	_ =	swait.ge [sflag:s22], s20  }
0x9f: {  	s4 =	ssub.s32 $0x0, s20;
	[sflag:s22] =	ssyncset.done $0x0  }
0xa0: {  	[sflag:s22] =	ssyncadd.s32 s4;
	_ =	sdelay $0x1  }
0xa1: {  	s23 =	simm.s32 $0x1B8B  }
0xa2: {  	_ =	swait.ge [sflag:s23], $0x1  }
0xa3: {  	[sflag:s23] =	ssyncset.done $0x0  }
0xa4: {  	s25 =	simm.s32 $0x1B8E;
	s24 =	sld [smem:$0x3FFE];
	[sflag:s23] =	ssyncadd.s32 $0xFFFFFFFF  }
0xa5: {  	s26 =	simm.s32 $execute0_lowered;
	[smem:$0x3FD2] =	sst s25  }
0xa6: {  	s5 =	sshll.u32 s26, $0x1;
	_ =	strace $0x80000052;
	[dreg:$0x1] =	wrdreg $0xFFFFFFFF  }
0xa7: {  	s28 =	simm.s32 $_size_execute0_lowered;
	s3 =	sadd.s32 s3, s5;
	[dreg:$0x0] =	wrdreg $0x0  }
0xa8: {  	s5 =	sshll.u32 s28, $0x1;
	[dreg:$0x2] =	wrdreg s3  }
0xa9: {  	[dreg:$0x3] =	wrdreg s5  }
0xaa: {  	[dreg:$0x4] =	wrdreg $0xC0  }
0xab: {  	_ =	task [dreg:s7], $0x5FFFF  }
0xac: {  	[dreg:$0x1] =	wrdreg $0xFFFFFFFF  }
0xad: {  	[dreg:$0x0] =	wrdreg $0x60  }
0xae: {  	[dreg:$0x2] =	wrdreg s24  }
0xaf: {  	[dreg:$0x3] =	wrdreg s2  }
0xb0: {  	[dreg:$0x4] =	wrdreg $0x0  }
0xb1: {  	[dreg:$0x5] =	wrdreg $0x9  }
0xb2: {  	_ =	task.clear_ibuf [dreg:s7], $0x6FFFF;
	_ =	strace $0x90000052  }
0xb3: {  	s29 =	simm.s32 $0x9;
	_ =	strace $0x80000054  }
0xb4: {  	_ =	swait.ge [sflag:s29], $0x1  }
0xb5: {  	[sflag:s29] =	ssyncadd.s32 $0xFFFFFFFF  }
0xb6: {  	_ =	strace $0x90000054  }
0xb7: {  	_ =	sfence  }
0xb8: {  	s30 =	sld [smem:$0x0];
	_ =	sdelay $0x2  }
0xb9: {  	s31 =	sshll.u32 s1, $0xD;
	s1 =	sshrl.u32 s1, $0x2  }
0xba: {  	s3 =	sand.u32 $0x4000, s31;
	s1 =	sadd.s32 s1, s30  }
0xbb: {  	s0 =	sor.u32 s3, s0;
	s1 =	sshll.u32 s1, $0x11  }
0xbc: {  	s0 =	sor.u32 s1, s0  }
0xbd: {  	s0 =	sadd.s32 $0x8F2B, s0  }
0xbe: {  	[sflag:s0] =	ssyncadd.remote.s32 $0x1  }
0xbf: {  	_ =	sfence.sel $0xFFFF  }
0xc0: {  	[dreg:$0x0] =	wrdreg $0xFFFFFFFF;
	(pc) =	sbr.abs _section_cstart, $3  }
0xc1: {  	[dreg:$0x1] =	wrdreg $0xFFFFFFFF  }
0xc2: {  	_ =	task.clear_ibuf [dreg:s7], $0x2FFFF;
	_ =	strace $0x9FFFFFFF  }
0xc3: {  	(tm) =	ssettm $0x7FFFFFFF  }
tec
execute0_lowered:
.L_overlay_start_1:
0x0: {  	(tag) =	ssettag $0x1  }
0x1: {  	s5 =	rddreg [dreg:$0x0]  }
0x2: {  	s8 =	rddreg [dreg:$0x1]  }
0x3: {  	s2 =	rddreg [dreg:$0x2]  }
0x4: {  	s0 =	rddreg [dreg:$0x3];
	s1 =	stileid.u32  }
0x5: {  	s3 =	simm.s32 $0x0;
	s4 =	srdreg.scid;
	s16 =	simm.s32 $0x13D00  }
0x6: {  	s17 =	simm.s32 $0x1;
	s18 =	simm.s32 $0x0;
	s9 =	smul.u32 $0x9E0, s1  }
0x7: {  	[smem:$0x7FF] =	sst s3;
	s6 =	smul.u32 $0x13C00, s1;
	s7 =	sand.u32 $0x1, s4  }
0x8: {  	s4 =	sadd.s32 $0x2E800, s5;
	s13 =	smul.u32 $0x4F000, s1;
	s29 =	sshll.u32 s1, $0x6  }
0x9: {  	_ =	strace $0x80000053;
	s10 =	smul.u32 $0x13C000, s7;
	s28 =	ssub.s32 $0x2, s7  }
0xa: {  	s30 =	smul.u32 $0x4F0, s7;
	s11 =	sadd.s32 s9, s5;
	s12 =	sshrl.u32 s6, $0x3  }
0xb: {  	s14 =	sshrl.u32 s28, $0x1;
	s13 =	sshrl.u32 s13, $0x2;
	s9 =	sadd.s32 s9, s8  }
0xc: {  	s12 =	sadd.s32 s12, s5;
	s6 =	sadd.s32 s6, s10;
	s10 =	ssub.s32 s28, s14  }
0xd: {  	s13 =	sadd.s32 s13, s2;
	s9 =	sadd.s32 s30, s9;
	s31 =	sadd.s32 s30, s11  }
0xe: {  	s14 =	simm.s32 $0x13C80;
	s6 =	sshrl.u32 s6, $0x3;
	s8 =	smax.u32 s10, $0x1  }
0xf: {  	s10 =	sadd.s32 $0x7D800, s31;
	s11 =	sshrl.u32 s13, $0x3;
	s13 =	simm.s32 $0x13C00  }
0x10: {  	s15 =	sadd.s32 s6, s5;
	s5 =	sadd.s32 $0x7000, s12;
	s6 =	sor.u32 $0x1C02, s29  }
0x11: {  	s12 =	simm.s32 $0x2;
	s7 =	sadd.s32 $0x87600, s15;
	s15 =	simm.s32 $0x80  }
.LBB2_1:
0x12: {  	[spmem:s11], [sflag:s6] =	dma.local [hbm:s5], $0x2780  }
0x13: {  	_ =	swait.ge [sflag:s12], $0x2780  }
0x14: {  	[sflag:s12] =	ssyncset.done $0x0  }
0x15: {  	[sflag:s12] =	ssyncadd.s32 $0xFFFFD880  }
0x16: {  	s19 =	sadd.s32 $0x0, s10;
	[bflag:$0x0] =	sbarrier.arrive $0xFFFF  }
0x17: {  	[tilespmem:s13], [sflag:$0x2] =	stream.linear.gather [hbm4b:s19+s3], $0x80, $0x38;
	[tilespmem:$0x17D00] =	vst v63  }
0x18: {  	_ =	swait.ge [sflag:s12], $0x80  }
0x19: {  	[sflag:s12] =	ssyncset.done $0x0  }
0x1a: {  	s31 =	sadd.s32 $0x0, s9;
	[sflag:s12] =	ssyncadd.s32 $0xFFFFFF80  }
0x1b: {  	[tilespmem:s14], [sflag:$0x2] =	stream.linear.gather [hbm4b:s31+s3], $0x80, $0x38;
	[tilespmem:$0x17D00] =	vst v63  }
0x1c: {  	_ =	swait.ge [sflag:s12], $0x80  }
0x1d: {  	[sflag:s12] =	ssyncset.done $0x0  }
0x1e: {  	[sflag:s12] =	ssyncadd.s32 $0xFFFFFF80  }
0x1f: {  	[tilespmem:s16], [sflag:$0x1] =	stream.indirect.gather [hbm4b:s4+s15], $0x80, s13, s15, $0xb8;
	[tilespmem:$0x17D00] =	vst v63  }
0x20: {  	_ =	swait.ge [sflag:s17], $0x4000  }
0x21: {  	[sflag:s17] =	ssyncset.done $0x0  }
0x22: {  	[sflag:s17] =	ssyncadd.s32 $0xFFFFC000  }
0x23: {  	[spmem:s2] =	stream.indirect.scatter.add.f32 [tilespmem:s16], [sflag:$0x2], $0x80, s14, s15, $0xb8;
	[tilespmem:$0x17D00] =	vst v63  }
0x24: {  	_ =	swait.ge [sflag:s12], $0x4000  }
0x25: {  	s20 =	simm.s32 $0x20;
	s19 =	simm.s32 $0x10;
	[sflag:s12] =	ssyncset.done $0x0  }
.LBB2_2:
0x26: {  	s21 =	sadd.s32 s19, s10  }
0x27: {  	[sflag:s12] =	ssyncadd.s32 $0xFFFFC000;
	s22 =	smov.u32 s20;
	s23 =	sadd.s32 $0x10, s20  }
0x28: {  	[tilespmem:s13], [sflag:$0x2] =	stream.linear.gather [hbm4b:s21+s3], $0x80, $0x38;
	[tilespmem:$0x17D00] =	vst v63  }
0x29: {  	p0 =	sne.s32 s20, $0x4E0;
	_ =	swait.ge [sflag:s12], $0x80  }
0x2a: {  	[sflag:s12] =	ssyncset.done $0x0  }
0x2b: {  	s20 =	sadd.s32 s19, s9;
	s19 =	smov.u32 s22;
	[sflag:s12] =	ssyncadd.s32 $0xFFFFFF80  }
0x2c: {  	[tilespmem:s14], [sflag:$0x2] =	stream.linear.gather [hbm4b:s20+s3], $0x80, $0x38;
	[tilespmem:$0x17D00] =	vst v63  }
0x2d: {  	_ =	swait.ge [sflag:s12], $0x80  }
0x2e: {  	[sflag:s12] =	ssyncset.done $0x0  }
0x2f: {  	[sflag:s12] =	ssyncadd.s32 $0xFFFFFF80  }
0x30: {  	[tilespmem:s16], [sflag:$0x1] =	stream.indirect.gather [hbm4b:s4+s15], $0x80, s13, s15, $0xb8;
	[tilespmem:$0x17D00] =	vst v63  }
0x31: {  	_ =	swait.ge [sflag:s17], $0x4000  }
.Ltmp0:
0x32: {  	[sflag:s17] =	ssyncset.done $0x0;
	(pc) =	sbr.rel @p0 .LBB2_2-.Ltmp0, $4  }
0x33: {  	[sflag:s17] =	ssyncadd.s32 $0xFFFFC000  }
0x34: {  	[spmem:s2] =	stream.indirect.scatter.add.f32 [tilespmem:s16], [sflag:$0x2], $0x80, s14, s15, $0xb8;
	[tilespmem:$0x17D00] =	vst v63  }
0x35: {  	_ =	swait.ge [sflag:s12], $0x4000  }
0x36: {  	s20 =	smov.u32 s23;
	[sflag:s12] =	ssyncset.done $0x0  }
0x37: {  	s20 =	sadd.s32 s19, s10;
	[sflag:s12] =	ssyncadd.s32 $0xFFFFC000  }
0x38: {  	[tilespmem:s13], [sflag:$0x2] =	stream.linear.gather [hbm4b:s20+s3], $0x80, $0x38;
	[tilespmem:$0x17D00] =	vst v63  }
0x39: {  	_ =	swait.ge [sflag:s12], $0x80  }
0x3a: {  	[sflag:s12] =	ssyncset.done $0x0  }
0x3b: {  	s31 =	sadd.s32 s19, s9;
	[sflag:s12] =	ssyncadd.s32 $0xFFFFFF80  }
0x3c: {  	[tilespmem:s14], [sflag:$0x2] =	stream.linear.gather [hbm4b:s31+s3], $0x80, $0x38;
	[tilespmem:$0x17D00] =	vst v63  }
0x3d: {  	_ =	swait.ge [sflag:s12], $0x80  }
0x3e: {  	[sflag:s12] =	ssyncset.done $0x0  }
0x3f: {  	[sflag:s12] =	ssyncadd.s32 $0xFFFFFF80  }
0x40: {  	[tilespmem:s16], [sflag:$0x1] =	stream.indirect.gather [hbm4b:s4+s15], $0x80, s13, s15, $0xb8;
	[tilespmem:$0x17D00] =	vst v63  }
0x41: {  	_ =	swait.ge [sflag:s17], $0x4000  }
0x42: {  	[sflag:s17] =	ssyncset.done $0x0  }
0x43: {  	[sflag:s17] =	ssyncadd.s32 $0xFFFFC000  }
0x44: {  	[spmem:s2] =	stream.indirect.scatter.add.f32 [tilespmem:s16], [sflag:$0x2], $0x80, s14, s15, $0xb8;
	[tilespmem:$0x17D00] =	vst v63  }
0x45: {  	_ =	swait.ge [sflag:s12], $0x4000  }
0x46: {  	s18 =	sadd.s32 $0x1, s18;
	[sflag:s12] =	ssyncset.done $0x0  }
0x47: {  	p0 =	sne.s32 s18, s8;
	[sflag:s12] =	ssyncadd.s32 $0xFFFFC000  }
.Ltmp1:
0x48: {  	[bflag:$0x0] =	sbarrier.arrive $0xFFFF;
	(pc) =	sbr.rel @p0 .LBB2_1-.Ltmp1, $4  }
0x49: {  	[hbm:s7], [sflag:s6] =	dma.local [spmem:s11], $0x2780  }
0x4a: {  	_ =	swait.ge [sflag:s12], $0x2780  }
0x4b: {  	[sflag:s12] =	ssyncset.done $0x0  }
0x4c: {  	[sflag:s12] =	ssyncadd.s32 $0xFFFFD880  }
0x4d: {  	_ =	sfence.sel $0x180000  }
0x4e: {  	[bflag:$0x0] =	sbarrier.arrive $0xFFFF  }
0x4f: {  	p0 =	sne.s32 s1, $0x0;
	_ =	strace $0x90000053  }
0x50: {  	s0 =	sadd.s32 @!p0 $0x100000, s0;
	[bflag:$0x2] =	sbarrier.arrive $0xFFFF  }
0x51: {  	[sflag:s0] =	ssyncadd.tile.s32 @!p0 $0x1;
	_ =	shalt  }
.Lfunc_end2:
_tile_overlayer_lowered:
.L_overlay_start_2:
0x52: {  	(tag) =	ssettag $0x2  }
0x53: {  	s0 =	rddreg [dreg:$0x0];
	s2 =	stileid.u32  }
0x54: {  	s1 =	rddreg [dreg:$0x1];
	p0 =	sne.s32 s2, $0x0  }
0x55: {  	s3 =	rddreg [dreg:$0x2];
	[bflag:$0x3] =	sbarrier.arrive $0xFFFF;
	s2 =	simm.s32 @!p0 $0x1C02  }
0x56: {  	[timem:s3], [sflag:s2] =	dma.local @!p0 [hbm:s0], s1  }
0x57: {  	s0 =	simm.s32 @!p0 $0x2  }
0x58: {  	_ =	swait.ge @!p0 [sflag:s0], s1  }
0x59: {  	s1 =	ssub.s32 @!p0 $0x0, s1;
	[sflag:s0] =	ssyncset.done @!p0 $0x0  }
0x5a: {  	[sflag:s0] =	ssyncadd.s32 @!p0 s1  }
0x5b: {  	[bflag:$0x3] =	sbarrier.arrive $0xFFFF  }
0x5c: {  	_ =	shalt  }

// kernel: kernel.40.cloned.1.call-start
scs
__scs_entry_jumppad:
0x0: {  	(pc) =	sbr.rel $0x88, $3  }
0x1: {  	(tag) =	ssettag $0x0;
	lr =	simm.s32 $0x1  }
0x2: {  	[smem:$0x3F9B] =	sst lr;
	_ =	strace $0xD0000000  }
0x3: {  	_ = 	snop  }
0x4: {  	_ = 	snop  }
0x5: {  	_ = 	snop  }
0x6: {  	_ = 	snop  }
0x7: {  	_ = 	snop  }
__scs_overlays_trampoline_lowered:
0x8: {  	[smem:$0x3FAA] =	sst s0  }
0x9: {  	[smem:$0x3FAB] =	sst s1  }
0xa: {  	[smem:$0x3FAC] =	sst s2  }
0xb: {  	[smem:$0x3FAD] =	sst s3  }
0xc: {  	[smem:$0x3FAE] =	sst s4  }
0xd: {  	[smem:$0x3FAF] =	sst s5  }
0xe: {  	[smem:$0x3FB0] =	sst s6  }
0xf: {  	[smem:$0x3FB1] =	sst s7  }
0x10: {  	[smem:$0x3FB2] =	sst s8  }
0x11: {  	[smem:$0x3FB3] =	sst s9;
	s0 =	simm.s32 @!p0 $0x0  }
0x12: {  	s1 =	sld [smem:$0x3F99];
	s0 =	simm.s32 @p0 $0x1  }
0x13: {  	[smem:$0x3FB4] =	sst s0;
	s0 =	simm.s32 @!p1 $0x0  }
0x14: {  	s2 =	sld [smem:$0x3F98];
	s0 =	simm.s32 @p1 $0x1  }
0x15: {  	[smem:$0x3FB5] =	sst s0;
	s0 =	simm.s32 @!p2 $0x0  }
0x16: {  	s3 =	sld [smem:$0x3FDB];
	s0 =	simm.s32 @p2 $0x1  }
0x17: {  	s4 =	simm.s32 $0x1BF5;
	[smem:$0x3FB7] =	sst s0  }
0x18: {  	s0 =	sld [smem:$0x3F9A];
	_ =	swait.ge [sflag:s4], $0x0  }
0x19: {  	s7 =	sld [smem:$0x3F9B]  }
0x1a: {  	s8 =	sadd.s32 $0xFFFFE003, lr  }
0x1b: {  	s9 =	sadd.s32 $0xFFFFFEF7, lr;
	s5 =	simm.s32 $0xFFFFFFFF;
	p2 =	slt.u32 s8, $0xFFFFF086  }
0x1c: {  	p1 =	slt.u32 s9, $0xF7A;
	s5 =	simm.s32 @!p2 $0x0  }
0x1d: {  	s5 =	simm.s32 @p1 $0x1;
	p0 =	seq.s32 s7, s2  }
0x1e: {  	s7 =	smul.u32 @!p0 $0xF7A, s2;
	p2 =	seq.s32 @!p0 s5, $0x0  }
0x1f: {  	s9 =	smul.u32 $0xF7A, s1;
	s8 =	simm.s32 @!p0 $0x1BF5;
	p2 =	por !p2, p0  }
0x20: {  	[sflag:s8] =	ssyncset.s32 @!p0 $0xFFFFF086;
	s6 =	sadd.s32 @!p0 s3, s7;
	s7 =	simm.s32 @!p0 $0x108  }
0x21: {  	s3 =	sadd.s32 s3, s9;
	s6 =	sadd.s32 @!p0 $0x88, s6;
	s7 =	simm.s32 @p2 $0x1082  }
0x22: {  	[simem:s7], [sflag:s8] =	dma.local @!p0 [hbm:s6], $0xF7A  }
0x23: {  	s9 =	sor.u32 $0xD0000000, s2;
	s6 =	simm.s32 $0x108;
	_ =	swait.ge @!p0 [sflag:s8], $0x0  }
0x24: {  	s3 =	sadd.s32 $0x88, s3;
	s6 =	simm.s32 @!p1 $0x1082;
	[sflag:s4] =	ssyncset.s32 $0xFFFFF086  }
0x25: {  	[simem:s6], [sflag:s4] =	dma.local [hbm:s3], $0xF7A  }
0x26: {  	[smem:$0x3F9B] =	sst s1;
	(tag) =	ssettag s2;
	_ =	strace s9  }
0x27: {  	s1 =	sld [smem:$0x3FAB]  }
0x28: {  	s2 =	sld [smem:$0x3FAC]  }
0x29: {  	s4 =	sld [smem:$0x3FAE]  }
0x2a: {  	p0 =	seq.s32 s5, $0x0;
	s5 =	sld [smem:$0x3FAF]  }
0x2b: {  	s6 =	sld [smem:$0x3FB0]  }
0x2c: {  	s7 =	sld [smem:$0x3FB1]  }
0x2d: {  	s3 =	simm.s32 $0x108;
	s8 =	sld [smem:$0x3FB2]  }
0x2e: {  	s3 =	simm.s32 @!p0 $0x1082;
	s9 =	sld [smem:$0x3FB3]  }
0x2f: {  	lr =	sadd.s32 s0, s3;
	s0 =	sld [smem:$0x3FAA]  }
0x30: {  	s3 =	sld [smem:$0x3FAD]  }
0x31: {  	[smem:$0x3FB6] =	sst s10  }
0x32: {  	s10 =	sld [smem:$0x3FB4];
	_ =	sdelay $0x3  }
0x33: {  	p0 =	seq.s32 s10, $0x1;
	s10 =	sld [smem:$0x3FB6];
	_ =	sdelay $0x3  }
0x34: {  	[smem:$0x3FB6] =	sst s10  }
0x35: {  	s10 =	sld [smem:$0x3FB5];
	_ =	sdelay $0x3  }
0x36: {  	p1 =	seq.s32 s10, $0x1;
	s10 =	sld [smem:$0x3FB6];
	_ =	sdelay $0x3  }
0x37: {  	[smem:$0x3FB6] =	sst s10  }
0x38: {  	s10 =	sld [smem:$0x3FB7]  }
0x39: {  	_ = 	snop;
	(pc) =	sbr.ind lr, $3  }
0x3a: {  	_ = 	snop  }
0x3b: {  	_ = 	snop  }
0x3c: {  	p2 =	seq.s32 s10, $0x1;
	s10 =	sld [smem:$0x3FB6]  }
0x3d: {  	_ =	shalt  }
0x3e: {  	_ =	shalt  }
0x3f: {  	_ =	shalt  }
0x40: {  	_ =	shalt  }
0x41: {  	_ =	shalt  }
0x42: {  	_ =	shalt  }
0x43: {  	_ =	shalt  }
0x44: {  	_ =	shalt  }
0x45: {  	_ =	shalt  }
0x46: {  	_ =	shalt  }
0x47: {  	_ =	shalt  }
0x48: {  	_ =	shalt  }
0x49: {  	_ =	shalt  }
0x4a: {  	_ =	shalt  }
0x4b: {  	_ =	shalt  }
0x4c: {  	_ =	shalt  }
0x4d: {  	_ =	shalt  }
0x4e: {  	_ =	shalt  }
0x4f: {  	_ =	shalt  }
0x50: {  	_ =	shalt  }
0x51: {  	_ =	shalt  }
0x52: {  	_ =	shalt  }
0x53: {  	_ =	shalt  }
0x54: {  	_ =	shalt  }
0x55: {  	_ =	shalt  }
0x56: {  	_ =	shalt  }
0x57: {  	_ =	shalt  }
0x58: {  	_ =	shalt  }
0x59: {  	_ =	shalt  }
0x5a: {  	_ =	shalt  }
0x5b: {  	_ =	shalt  }
0x5c: {  	_ =	shalt  }
0x5d: {  	_ =	shalt  }
0x5e: {  	_ =	shalt  }
0x5f: {  	_ =	shalt  }
0x60: {  	_ =	shalt  }
0x61: {  	_ =	shalt  }
0x62: {  	_ =	shalt  }
0x63: {  	_ =	shalt  }
0x64: {  	_ =	shalt  }
0x65: {  	_ =	shalt  }
0x66: {  	_ =	shalt  }
0x67: {  	_ =	shalt  }
0x68: {  	_ =	shalt  }
0x69: {  	_ =	shalt  }
0x6a: {  	_ =	shalt  }
0x6b: {  	_ =	shalt  }
0x6c: {  	_ =	shalt  }
0x6d: {  	_ =	shalt  }
0x6e: {  	_ =	shalt  }
0x6f: {  	_ =	shalt  }
0x70: {  	_ =	shalt  }
0x71: {  	_ =	shalt  }
0x72: {  	_ =	shalt  }
0x73: {  	_ =	shalt  }
0x74: {  	_ =	shalt  }
0x75: {  	_ =	shalt  }
0x76: {  	_ =	shalt  }
0x77: {  	_ =	shalt  }
0x78: {  	_ =	shalt  }
0x79: {  	_ =	shalt  }
0x7a: {  	_ =	shalt  }
0x7b: {  	_ =	shalt  }
0x7c: {  	_ =	shalt  }
0x7d: {  	_ =	shalt  }
0x7e: {  	_ =	shalt  }
0x7f: {  	_ =	shalt  }
0x80: {  	_ =	shalt  }
0x81: {  	_ =	shalt  }
0x82: {  	_ =	shalt  }
0x83: {  	_ =	shalt  }
0x84: {  	_ =	shalt  }
0x85: {  	_ =	shalt  }
0x86: {  	_ =	shalt  }
0x87: {  	_ =	shalt  }
.Lfunc_end0:
.L_simem_size_0:
called_computation.5_lowered:
.L_overlay_start_0:
0x88: {  	s2 =	sld [smem:$0x3FD9]  }
0x89: {  	s3 =	sld [smem:$0x3FFE];
	_ =	sdelay $0x1  }
0x8a: {  	s1 =	srdreg.scid  }
0x8b: {  	s0 =	sand.u32 $0x1, s1  }
0x8c: {  	s17 =	sshll.u32 s0, $0xA;
	s2 =	sadd.s32 s3, s2  }
0x8d: {  	s2 =	sadd.s32 s2, s17  }
0x8e: {  	[smem:$0x3FC2] =	sst s2  }
0x8f: {  	_ = 	snop  }
0x90: {  	s2 =	sld [smem:$0x3FD0];
	(tm) =	ssettm $0x1  }
0x91: {  	s18 =	sld [smem:$0x3FFB];
	_ =	sdelay $0x3  }
0x92: {  	_ =	strace s18  }
0x93: {  	s3 =	sld [smem:$0x3FFC];
	_ =	sdelay $0x3  }
0x94: {  	_ =	strace s3  }
0x95: {  	s3 =	sld [smem:$0x3FFD];
	_ =	sdelay $0x3  }
0x96: {  	_ =	strace s3  }
0x97: {  	_ =	strace $0x8FFFFFFF  }
0x98: {  	s19 =	sld [smem:$0x3FDB];
	_ =	sdelay $0x1  }
0x99: {  	s4 =	simm.s32 $_scs_section_size  }
0x9a: {  	s5 =	simm.s32 $_size__tile_overlayer_lowered;
	s6 =	simm.s32 $_tile_overlayer_lowered  }
0x9b: {  	s22 =	simm.s32 $0x1BFF;
	s21 =	sshll.u32 s6, $0x1;
	s3 =	sadd.s32 s4, s19  }
0x9c: {  	s7 =	simm.s32 $0x0;
	s20 =	sshll.u32 s5, $0x1;
	s5 =	sadd.s32 s21, s3  }
0x9d: {  	[timem:s7], [sflag:s22] =	dma.local [hbm:s5], s20  }
0x9e: {  	_ =	swait.ge [sflag:s22], s20  }
0x9f: {  	s4 =	ssub.s32 $0x0, s20;
	[sflag:s22] =	ssyncset.done $0x0  }
0xa0: {  	[sflag:s22] =	ssyncadd.s32 s4;
	_ =	sdelay $0x1  }
0xa1: {  	s23 =	simm.s32 $0x1B8B  }
0xa2: {  	_ =	swait.ge [sflag:s23], $0x1  }
0xa3: {  	[sflag:s23] =	ssyncset.done $0x0  }
0xa4: {  	s25 =	simm.s32 $0x1B8E;
	s24 =	sld [smem:$0x3FFE];
	[sflag:s23] =	ssyncadd.s32 $0xFFFFFFFF  }
0xa5: {  	s26 =	simm.s32 $execute0_lowered;
	[smem:$0x3FD2] =	sst s25  }
0xa6: {  	s5 =	sshll.u32 s26, $0x1;
	_ =	strace $0x80000055;
	[dreg:$0x1] =	wrdreg $0xFFFFFFFF  }
0xa7: {  	s28 =	simm.s32 $_size_execute0_lowered;
	s3 =	sadd.s32 s3, s5;
	[dreg:$0x0] =	wrdreg $0x0  }
0xa8: {  	s5 =	sshll.u32 s28, $0x1;
	[dreg:$0x2] =	wrdreg s3  }
0xa9: {  	[dreg:$0x3] =	wrdreg s5  }
0xaa: {  	[dreg:$0x4] =	wrdreg $0xC0  }
0xab: {  	_ =	task [dreg:s7], $0x5FFFF  }
0xac: {  	[dreg:$0x1] =	wrdreg $0xFFFFFFFF  }
0xad: {  	[dreg:$0x0] =	wrdreg $0x60  }
0xae: {  	[dreg:$0x2] =	wrdreg s24  }
0xaf: {  	[dreg:$0x3] =	wrdreg s2  }
0xb0: {  	[dreg:$0x4] =	wrdreg $0x0  }
0xb1: {  	[dreg:$0x5] =	wrdreg $0x9  }
0xb2: {  	_ =	task.clear_ibuf [dreg:s7], $0x6FFFF;
	_ =	strace $0x90000055  }
0xb3: {  	s29 =	simm.s32 $0x9;
	_ =	strace $0x80000057  }
0xb4: {  	_ =	swait.ge [sflag:s29], $0x1  }
0xb5: {  	[sflag:s29] =	ssyncadd.s32 $0xFFFFFFFF  }
0xb6: {  	_ =	strace $0x90000057  }
0xb7: {  	_ =	sfence  }
0xb8: {  	s30 =	sld [smem:$0x0];
	_ =	sdelay $0x2  }
0xb9: {  	s31 =	sshll.u32 s1, $0xD;
	s1 =	sshrl.u32 s1, $0x2  }
0xba: {  	s3 =	sand.u32 $0x4000, s31;
	s1 =	sadd.s32 s1, s30  }
0xbb: {  	s0 =	sor.u32 s3, s0;
	s1 =	sshll.u32 s1, $0x11  }
0xbc: {  	s0 =	sor.u32 s1, s0  }
0xbd: {  	s0 =	sadd.s32 $0x8F2B, s0  }
0xbe: {  	[sflag:s0] =	ssyncadd.remote.s32 $0x1  }
0xbf: {  	_ =	sfence.sel $0xFFFF  }
0xc0: {  	[dreg:$0x0] =	wrdreg $0xFFFFFFFF;
	(pc) =	sbr.abs _section_cstart, $3  }
0xc1: {  	[dreg:$0x1] =	wrdreg $0xFFFFFFFF  }
0xc2: {  	_ =	task.clear_ibuf [dreg:s7], $0x2FFFF;
	_ =	strace $0x9FFFFFFF  }
0xc3: {  	(tm) =	ssettm $0x7FFFFFFF  }
tec
execute0_lowered:
.L_overlay_start_1:
0x0: {  	(tag) =	ssettag $0x1  }
0x1: {  	s5 =	rddreg [dreg:$0x0]  }
0x2: {  	s8 =	rddreg [dreg:$0x1]  }
0x3: {  	s2 =	rddreg [dreg:$0x2]  }
0x4: {  	s0 =	rddreg [dreg:$0x3];
	s1 =	stileid.u32  }
0x5: {  	s3 =	simm.s32 $0x0;
	s4 =	srdreg.scid;
	s16 =	simm.s32 $0x13D00  }
0x6: {  	s17 =	simm.s32 $0x1;
	s18 =	simm.s32 $0x0;
	s9 =	smul.u32 $0x9E0, s1  }
0x7: {  	[smem:$0x7FF] =	sst s3;
	s6 =	smul.u32 $0x13C00, s1;
	s7 =	sand.u32 $0x1, s4  }
0x8: {  	s4 =	sadd.s32 $0x2E800, s5;
	s13 =	smul.u32 $0x4F000, s1;
	s29 =	sshll.u32 s1, $0x6  }
0x9: {  	_ =	strace $0x80000056;
	s10 =	smul.u32 $0x13C000, s7;
	s28 =	ssub.s32 $0x2, s7  }
0xa: {  	s30 =	smul.u32 $0x4F0, s7;
	s11 =	sadd.s32 s9, s5;
	s12 =	sshrl.u32 s6, $0x3  }
0xb: {  	s14 =	sshrl.u32 s28, $0x1;
	s13 =	sshrl.u32 s13, $0x2;
	s9 =	sadd.s32 s9, s8  }
0xc: {  	s12 =	sadd.s32 s12, s5;
	s6 =	sadd.s32 s6, s10;
	s10 =	ssub.s32 s28, s14  }
0xd: {  	s13 =	sadd.s32 s13, s2;
	s9 =	sadd.s32 s30, s9;
	s31 =	sadd.s32 s30, s11  }
0xe: {  	s14 =	simm.s32 $0x13C80;
	s6 =	sshrl.u32 s6, $0x3;
	s8 =	smax.u32 s10, $0x1  }
0xf: {  	s10 =	sadd.s32 $0x7D800, s31;
	s11 =	sshrl.u32 s13, $0x3;
	s13 =	simm.s32 $0x13C00  }
0x10: {  	s15 =	sadd.s32 s6, s5;
	s5 =	sadd.s32 $0x7000, s12;
	s6 =	sor.u32 $0x1C02, s29  }
0x11: {  	s12 =	simm.s32 $0x2;
	s7 =	sadd.s32 $0x87600, s15;
	s15 =	simm.s32 $0x80  }
.LBB2_1:
0x12: {  	[spmem:s11], [sflag:s6] =	dma.local [hbm:s5], $0x2780  }
0x13: {  	_ =	swait.ge [sflag:s12], $0x2780  }
0x14: {  	[sflag:s12] =	ssyncset.done $0x0  }
0x15: {  	[sflag:s12] =	ssyncadd.s32 $0xFFFFD880  }
0x16: {  	s19 =	sadd.s32 $0x0, s10;
	[bflag:$0x0] =	sbarrier.arrive $0xFFFF  }
0x17: {  	[tilespmem:s13], [sflag:$0x2] =	stream.linear.gather [hbm4b:s19+s3], $0x80, $0x38;
	[tilespmem:$0x17D00] =	vst v63  }
0x18: {  	_ =	swait.ge [sflag:s12], $0x80  }
0x19: {  	[sflag:s12] =	ssyncset.done $0x0  }
0x1a: {  	s31 =	sadd.s32 $0x0, s9;
	[sflag:s12] =	ssyncadd.s32 $0xFFFFFF80  }
0x1b: {  	[tilespmem:s14], [sflag:$0x2] =	stream.linear.gather [hbm4b:s31+s3], $0x80, $0x38;
	[tilespmem:$0x17D00] =	vst v63  }
0x1c: {  	_ =	swait.ge [sflag:s12], $0x80  }
0x1d: {  	[sflag:s12] =	ssyncset.done $0x0  }
0x1e: {  	[sflag:s12] =	ssyncadd.s32 $0xFFFFFF80  }
0x1f: {  	[tilespmem:s16], [sflag:$0x1] =	stream.indirect.gather [hbm4b:s4+s15], $0x80, s13, s15, $0xb8;
	[tilespmem:$0x17D00] =	vst v63  }
0x20: {  	_ =	swait.ge [sflag:s17], $0x4000  }
0x21: {  	[sflag:s17] =	ssyncset.done $0x0  }
0x22: {  	[sflag:s17] =	ssyncadd.s32 $0xFFFFC000  }
0x23: {  	[spmem:s2] =	stream.indirect.scatter.add.f32 [tilespmem:s16], [sflag:$0x2], $0x80, s14, s15, $0xb8;
	[tilespmem:$0x17D00] =	vst v63  }
0x24: {  	_ =	swait.ge [sflag:s12], $0x4000  }
0x25: {  	s20 =	simm.s32 $0x20;
	s19 =	simm.s32 $0x10;
	[sflag:s12] =	ssyncset.done $0x0  }
.LBB2_2:
0x26: {  	s21 =	sadd.s32 s19, s10  }
0x27: {  	[sflag:s12] =	ssyncadd.s32 $0xFFFFC000;
	s22 =	smov.u32 s20;
	s23 =	sadd.s32 $0x10, s20  }
0x28: {  	[tilespmem:s13], [sflag:$0x2] =	stream.linear.gather [hbm4b:s21+s3], $0x80, $0x38;
	[tilespmem:$0x17D00] =	vst v63  }
0x29: {  	p0 =	sne.s32 s20, $0x4E0;
	_ =	swait.ge [sflag:s12], $0x80  }
0x2a: {  	[sflag:s12] =	ssyncset.done $0x0  }
0x2b: {  	s20 =	sadd.s32 s19, s9;
	s19 =	smov.u32 s22;
	[sflag:s12] =	ssyncadd.s32 $0xFFFFFF80  }
0x2c: {  	[tilespmem:s14], [sflag:$0x2] =	stream.linear.gather [hbm4b:s20+s3], $0x80, $0x38;
	[tilespmem:$0x17D00] =	vst v63  }
0x2d: {  	_ =	swait.ge [sflag:s12], $0x80  }
0x2e: {  	[sflag:s12] =	ssyncset.done $0x0  }
0x2f: {  	[sflag:s12] =	ssyncadd.s32 $0xFFFFFF80  }
0x30: {  	[tilespmem:s16], [sflag:$0x1] =	stream.indirect.gather [hbm4b:s4+s15], $0x80, s13, s15, $0xb8;
	[tilespmem:$0x17D00] =	vst v63  }
0x31: {  	_ =	swait.ge [sflag:s17], $0x4000  }
.Ltmp0:
0x32: {  	[sflag:s17] =	ssyncset.done $0x0;
	(pc) =	sbr.rel @p0 .LBB2_2-.Ltmp0, $4  }
0x33: {  	[sflag:s17] =	ssyncadd.s32 $0xFFFFC000  }
0x34: {  	[spmem:s2] =	stream.indirect.scatter.add.f32 [tilespmem:s16], [sflag:$0x2], $0x80, s14, s15, $0xb8;
	[tilespmem:$0x17D00] =	vst v63  }
0x35: {  	_ =	swait.ge [sflag:s12], $0x4000  }
0x36: {  	s20 =	smov.u32 s23;
	[sflag:s12] =	ssyncset.done $0x0  }
0x37: {  	s20 =	sadd.s32 s19, s10;
	[sflag:s12] =	ssyncadd.s32 $0xFFFFC000  }
0x38: {  	[tilespmem:s13], [sflag:$0x2] =	stream.linear.gather [hbm4b:s20+s3], $0x80, $0x38;
	[tilespmem:$0x17D00] =	vst v63  }
0x39: {  	_ =	swait.ge [sflag:s12], $0x80  }
0x3a: {  	[sflag:s12] =	ssyncset.done $0x0  }
0x3b: {  	s31 =	sadd.s32 s19, s9;
	[sflag:s12] =	ssyncadd.s32 $0xFFFFFF80  }
0x3c: {  	[tilespmem:s14], [sflag:$0x2] =	stream.linear.gather [hbm4b:s31+s3], $0x80, $0x38;
	[tilespmem:$0x17D00] =	vst v63  }
0x3d: {  	_ =	swait.ge [sflag:s12], $0x80  }
0x3e: {  	[sflag:s12] =	ssyncset.done $0x0  }
0x3f: {  	[sflag:s12] =	ssyncadd.s32 $0xFFFFFF80  }
0x40: {  	[tilespmem:s16], [sflag:$0x1] =	stream.indirect.gather [hbm4b:s4+s15], $0x80, s13, s15, $0xb8;
	[tilespmem:$0x17D00] =	vst v63  }
0x41: {  	_ =	swait.ge [sflag:s17], $0x4000  }
0x42: {  	[sflag:s17] =	ssyncset.done $0x0  }
0x43: {  	[sflag:s17] =	ssyncadd.s32 $0xFFFFC000  }
0x44: {  	[spmem:s2] =	stream.indirect.scatter.add.f32 [tilespmem:s16], [sflag:$0x2], $0x80, s14, s15, $0xb8;
	[tilespmem:$0x17D00] =	vst v63  }
0x45: {  	_ =	swait.ge [sflag:s12], $0x4000  }
0x46: {  	s18 =	sadd.s32 $0x1, s18;
	[sflag:s12] =	ssyncset.done $0x0  }
0x47: {  	p0 =	sne.s32 s18, s8;
	[sflag:s12] =	ssyncadd.s32 $0xFFFFC000  }
.Ltmp1:
0x48: {  	[bflag:$0x0] =	sbarrier.arrive $0xFFFF;
	(pc) =	sbr.rel @p0 .LBB2_1-.Ltmp1, $4  }
0x49: {  	[hbm:s7], [sflag:s6] =	dma.local [spmem:s11], $0x2780  }
0x4a: {  	_ =	swait.ge [sflag:s12], $0x2780  }
0x4b: {  	[sflag:s12] =	ssyncset.done $0x0  }
0x4c: {  	[sflag:s12] =	ssyncadd.s32 $0xFFFFD880  }
0x4d: {  	_ =	sfence.sel $0x180000  }
0x4e: {  	[bflag:$0x0] =	sbarrier.arrive $0xFFFF  }
0x4f: {  	p0 =	sne.s32 s1, $0x0;
	_ =	strace $0x90000056  }
0x50: {  	s0 =	sadd.s32 @!p0 $0x100000, s0;
	[bflag:$0x2] =	sbarrier.arrive $0xFFFF  }
0x51: {  	[sflag:s0] =	ssyncadd.tile.s32 @!p0 $0x1;
	_ =	shalt  }
.Lfunc_end2:
_tile_overlayer_lowered:
.L_overlay_start_2:
0x52: {  	(tag) =	ssettag $0x2  }
0x53: {  	s0 =	rddreg [dreg:$0x0];
	s2 =	stileid.u32  }
0x54: {  	s1 =	rddreg [dreg:$0x1];
	p0 =	sne.s32 s2, $0x0  }
0x55: {  	s3 =	rddreg [dreg:$0x2];
	[bflag:$0x3] =	sbarrier.arrive $0xFFFF;
	s2 =	simm.s32 @!p0 $0x1C02  }
0x56: {  	[timem:s3], [sflag:s2] =	dma.local @!p0 [hbm:s0], s1  }
0x57: {  	s0 =	simm.s32 @!p0 $0x2  }
0x58: {  	_ =	swait.ge @!p0 [sflag:s0], s1  }
0x59: {  	s1 =	ssub.s32 @!p0 $0x0, s1;
	[sflag:s0] =	ssyncset.done @!p0 $0x0  }
0x5a: {  	[sflag:s0] =	ssyncadd.s32 @!p0 s1  }
0x5b: {  	[bflag:$0x3] =	sbarrier.arrive $0xFFFF  }
0x5c: {  	_ =	shalt  }

// kernel: kernel.43.cloned.1.call-start
scs
__scs_entry_jumppad:
0x0: {  	(pc) =	sbr.rel $0x88, $3  }
0x1: {  	(tag) =	ssettag $0x0;
	lr =	simm.s32 $0x1  }
0x2: {  	[smem:$0x3F9B] =	sst lr;
	_ =	strace $0xD0000000  }
0x3: {  	_ = 	snop  }
0x4: {  	_ = 	snop  }
0x5: {  	_ = 	snop  }
0x6: {  	_ = 	snop  }
0x7: {  	_ = 	snop  }
__scs_overlays_trampoline_lowered:
0x8: {  	[smem:$0x3FAA] =	sst s0  }
0x9: {  	[smem:$0x3FAB] =	sst s1  }
0xa: {  	[smem:$0x3FAC] =	sst s2  }
0xb: {  	[smem:$0x3FAD] =	sst s3  }
0xc: {  	[smem:$0x3FAE] =	sst s4  }
0xd: {  	[smem:$0x3FAF] =	sst s5  }
0xe: {  	[smem:$0x3FB0] =	sst s6  }
0xf: {  	[smem:$0x3FB1] =	sst s7  }
0x10: {  	[smem:$0x3FB2] =	sst s8  }
0x11: {  	[smem:$0x3FB3] =	sst s9;
	s0 =	simm.s32 @!p0 $0x0  }
0x12: {  	s1 =	sld [smem:$0x3F99];
	s0 =	simm.s32 @p0 $0x1  }
0x13: {  	[smem:$0x3FB4] =	sst s0;
	s0 =	simm.s32 @!p1 $0x0  }
0x14: {  	s2 =	sld [smem:$0x3F98];
	s0 =	simm.s32 @p1 $0x1  }
0x15: {  	[smem:$0x3FB5] =	sst s0;
	s0 =	simm.s32 @!p2 $0x0  }
0x16: {  	s3 =	sld [smem:$0x3FDB];
	s0 =	simm.s32 @p2 $0x1  }
0x17: {  	s4 =	simm.s32 $0x1BF5;
	[smem:$0x3FB7] =	sst s0  }
0x18: {  	s0 =	sld [smem:$0x3F9A];
	_ =	swait.ge [sflag:s4], $0x0  }
0x19: {  	s7 =	sld [smem:$0x3F9B]  }
0x1a: {  	s8 =	sadd.s32 $0xFFFFE003, lr  }
0x1b: {  	s9 =	sadd.s32 $0xFFFFFEF7, lr;
	s5 =	simm.s32 $0xFFFFFFFF;
	p2 =	slt.u32 s8, $0xFFFFF086  }
0x1c: {  	p1 =	slt.u32 s9, $0xF7A;
	s5 =	simm.s32 @!p2 $0x0  }
0x1d: {  	s5 =	simm.s32 @p1 $0x1;
	p0 =	seq.s32 s7, s2  }
0x1e: {  	s7 =	smul.u32 @!p0 $0xF7A, s2;
	p2 =	seq.s32 @!p0 s5, $0x0  }
0x1f: {  	s9 =	smul.u32 $0xF7A, s1;
	s8 =	simm.s32 @!p0 $0x1BF5;
	p2 =	por !p2, p0  }
0x20: {  	[sflag:s8] =	ssyncset.s32 @!p0 $0xFFFFF086;
	s6 =	sadd.s32 @!p0 s3, s7;
	s7 =	simm.s32 @!p0 $0x108  }
0x21: {  	s3 =	sadd.s32 s3, s9;
	s6 =	sadd.s32 @!p0 $0x88, s6;
	s7 =	simm.s32 @p2 $0x1082  }
0x22: {  	[simem:s7], [sflag:s8] =	dma.local @!p0 [hbm:s6], $0xF7A  }
0x23: {  	s9 =	sor.u32 $0xD0000000, s2;
	s6 =	simm.s32 $0x108;
	_ =	swait.ge @!p0 [sflag:s8], $0x0  }
0x24: {  	s3 =	sadd.s32 $0x88, s3;
	s6 =	simm.s32 @!p1 $0x1082;
	[sflag:s4] =	ssyncset.s32 $0xFFFFF086  }
0x25: {  	[simem:s6], [sflag:s4] =	dma.local [hbm:s3], $0xF7A  }
0x26: {  	[smem:$0x3F9B] =	sst s1;
	(tag) =	ssettag s2;
	_ =	strace s9  }
0x27: {  	s1 =	sld [smem:$0x3FAB]  }
0x28: {  	s2 =	sld [smem:$0x3FAC]  }
0x29: {  	s4 =	sld [smem:$0x3FAE]  }
0x2a: {  	p0 =	seq.s32 s5, $0x0;
	s5 =	sld [smem:$0x3FAF]  }
0x2b: {  	s6 =	sld [smem:$0x3FB0]  }
0x2c: {  	s7 =	sld [smem:$0x3FB1]  }
0x2d: {  	s3 =	simm.s32 $0x108;
	s8 =	sld [smem:$0x3FB2]  }
0x2e: {  	s3 =	simm.s32 @!p0 $0x1082;
	s9 =	sld [smem:$0x3FB3]  }
0x2f: {  	lr =	sadd.s32 s0, s3;
	s0 =	sld [smem:$0x3FAA]  }
0x30: {  	s3 =	sld [smem:$0x3FAD]  }
0x31: {  	[smem:$0x3FB6] =	sst s10  }
0x32: {  	s10 =	sld [smem:$0x3FB4];
	_ =	sdelay $0x3  }
0x33: {  	p0 =	seq.s32 s10, $0x1;
	s10 =	sld [smem:$0x3FB6];
	_ =	sdelay $0x3  }
0x34: {  	[smem:$0x3FB6] =	sst s10  }
0x35: {  	s10 =	sld [smem:$0x3FB5];
	_ =	sdelay $0x3  }
0x36: {  	p1 =	seq.s32 s10, $0x1;
	s10 =	sld [smem:$0x3FB6];
	_ =	sdelay $0x3  }
0x37: {  	[smem:$0x3FB6] =	sst s10  }
0x38: {  	s10 =	sld [smem:$0x3FB7]  }
0x39: {  	_ = 	snop;
	(pc) =	sbr.ind lr, $3  }
0x3a: {  	_ = 	snop  }
0x3b: {  	_ = 	snop  }
0x3c: {  	p2 =	seq.s32 s10, $0x1;
	s10 =	sld [smem:$0x3FB6]  }
0x3d: {  	_ =	shalt  }
0x3e: {  	_ =	shalt  }
0x3f: {  	_ =	shalt  }
0x40: {  	_ =	shalt  }
0x41: {  	_ =	shalt  }
0x42: {  	_ =	shalt  }
0x43: {  	_ =	shalt  }
0x44: {  	_ =	shalt  }
0x45: {  	_ =	shalt  }
0x46: {  	_ =	shalt  }
0x47: {  	_ =	shalt  }
0x48: {  	_ =	shalt  }
0x49: {  	_ =	shalt  }
0x4a: {  	_ =	shalt  }
0x4b: {  	_ =	shalt  }
0x4c: {  	_ =	shalt  }
0x4d: {  	_ =	shalt  }
0x4e: {  	_ =	shalt  }
0x4f: {  	_ =	shalt  }
0x50: {  	_ =	shalt  }
0x51: {  	_ =	shalt  }
0x52: {  	_ =	shalt  }
0x53: {  	_ =	shalt  }
0x54: {  	_ =	shalt  }
0x55: {  	_ =	shalt  }
0x56: {  	_ =	shalt  }
0x57: {  	_ =	shalt  }
0x58: {  	_ =	shalt  }
0x59: {  	_ =	shalt  }
0x5a: {  	_ =	shalt  }
0x5b: {  	_ =	shalt  }
0x5c: {  	_ =	shalt  }
0x5d: {  	_ =	shalt  }
0x5e: {  	_ =	shalt  }
0x5f: {  	_ =	shalt  }
0x60: {  	_ =	shalt  }
0x61: {  	_ =	shalt  }
0x62: {  	_ =	shalt  }
0x63: {  	_ =	shalt  }
0x64: {  	_ =	shalt  }
0x65: {  	_ =	shalt  }
0x66: {  	_ =	shalt  }
0x67: {  	_ =	shalt  }
0x68: {  	_ =	shalt  }
0x69: {  	_ =	shalt  }
0x6a: {  	_ =	shalt  }
0x6b: {  	_ =	shalt  }
0x6c: {  	_ =	shalt  }
0x6d: {  	_ =	shalt  }
0x6e: {  	_ =	shalt  }
0x6f: {  	_ =	shalt  }
0x70: {  	_ =	shalt  }
0x71: {  	_ =	shalt  }
0x72: {  	_ =	shalt  }
0x73: {  	_ =	shalt  }
0x74: {  	_ =	shalt  }
0x75: {  	_ =	shalt  }
0x76: {  	_ =	shalt  }
0x77: {  	_ =	shalt  }
0x78: {  	_ =	shalt  }
0x79: {  	_ =	shalt  }
0x7a: {  	_ =	shalt  }
0x7b: {  	_ =	shalt  }
0x7c: {  	_ =	shalt  }
0x7d: {  	_ =	shalt  }
0x7e: {  	_ =	shalt  }
0x7f: {  	_ =	shalt  }
0x80: {  	_ =	shalt  }
0x81: {  	_ =	shalt  }
0x82: {  	_ =	shalt  }
0x83: {  	_ =	shalt  }
0x84: {  	_ =	shalt  }
0x85: {  	_ =	shalt  }
0x86: {  	_ =	shalt  }
0x87: {  	_ =	shalt  }
.Lfunc_end0:
.L_simem_size_0:
called_computation.6_lowered:
.L_overlay_start_0:
0x88: {  	s2 =	sld [smem:$0x3FD9]  }
0x89: {  	s3 =	sld [smem:$0x3FFE];
	_ =	sdelay $0x1  }
0x8a: {  	s1 =	srdreg.scid  }
0x8b: {  	s0 =	sand.u32 $0x1, s1  }
0x8c: {  	s17 =	sshll.u32 s0, $0xA;
	s2 =	sadd.s32 s3, s2  }
0x8d: {  	s2 =	sadd.s32 s2, s17  }
0x8e: {  	[smem:$0x3FC2] =	sst s2  }
0x8f: {  	_ = 	snop  }
0x90: {  	s2 =	sld [smem:$0x3FD0];
	(tm) =	ssettm $0x1  }
0x91: {  	s18 =	sld [smem:$0x3FFB];
	_ =	sdelay $0x3  }
0x92: {  	_ =	strace s18  }
0x93: {  	s3 =	sld [smem:$0x3FFC];
	_ =	sdelay $0x3  }
0x94: {  	_ =	strace s3  }
0x95: {  	s3 =	sld [smem:$0x3FFD];
	_ =	sdelay $0x3  }
0x96: {  	_ =	strace s3  }
0x97: {  	_ =	strace $0x8FFFFFFF  }
0x98: {  	s19 =	sld [smem:$0x3FDB];
	_ =	sdelay $0x1  }
0x99: {  	s4 =	simm.s32 $_scs_section_size  }
0x9a: {  	s5 =	simm.s32 $_size__tile_overlayer_lowered;
	s6 =	simm.s32 $_tile_overlayer_lowered  }
0x9b: {  	s22 =	simm.s32 $0x1BFF;
	s21 =	sshll.u32 s6, $0x1;
	s3 =	sadd.s32 s4, s19  }
0x9c: {  	s7 =	simm.s32 $0x0;
	s20 =	sshll.u32 s5, $0x1;
	s5 =	sadd.s32 s21, s3  }
0x9d: {  	[timem:s7], [sflag:s22] =	dma.local [hbm:s5], s20  }
0x9e: {  	_ =	swait.ge [sflag:s22], s20  }
0x9f: {  	s4 =	ssub.s32 $0x0, s20;
	[sflag:s22] =	ssyncset.done $0x0  }
0xa0: {  	[sflag:s22] =	ssyncadd.s32 s4;
	_ =	sdelay $0x1  }
0xa1: {  	s23 =	simm.s32 $0x1B8B  }
0xa2: {  	_ =	swait.ge [sflag:s23], $0x1  }
0xa3: {  	[sflag:s23] =	ssyncset.done $0x0  }
0xa4: {  	s25 =	simm.s32 $0x1B8E;
	s24 =	sld [smem:$0x3FFE];
	[sflag:s23] =	ssyncadd.s32 $0xFFFFFFFF  }
0xa5: {  	s26 =	simm.s32 $execute0_lowered;
	[smem:$0x3FD2] =	sst s25  }
0xa6: {  	s5 =	sshll.u32 s26, $0x1;
	_ =	strace $0x80000058;
	[dreg:$0x1] =	wrdreg $0xFFFFFFFF  }
0xa7: {  	s28 =	simm.s32 $_size_execute0_lowered;
	s3 =	sadd.s32 s3, s5;
	[dreg:$0x0] =	wrdreg $0x0  }
0xa8: {  	s5 =	sshll.u32 s28, $0x1;
	[dreg:$0x2] =	wrdreg s3  }
0xa9: {  	[dreg:$0x3] =	wrdreg s5  }
0xaa: {  	[dreg:$0x4] =	wrdreg $0xC0  }
0xab: {  	_ =	task [dreg:s7], $0x5FFFF  }
0xac: {  	[dreg:$0x1] =	wrdreg $0xFFFFFFFF  }
0xad: {  	[dreg:$0x0] =	wrdreg $0x60  }
0xae: {  	[dreg:$0x2] =	wrdreg s24  }
0xaf: {  	[dreg:$0x3] =	wrdreg s2  }
0xb0: {  	[dreg:$0x4] =	wrdreg $0x0  }
0xb1: {  	[dreg:$0x5] =	wrdreg $0x9  }
0xb2: {  	_ =	task.clear_ibuf [dreg:s7], $0x6FFFF;
	_ =	strace $0x90000058  }
0xb3: {  	s29 =	simm.s32 $0x9;
	_ =	strace $0x8000005A  }
0xb4: {  	_ =	swait.ge [sflag:s29], $0x1  }
0xb5: {  	[sflag:s29] =	ssyncadd.s32 $0xFFFFFFFF  }
0xb6: {  	_ =	strace $0x9000005A  }
0xb7: {  	_ =	sfence  }
0xb8: {  	s30 =	sld [smem:$0x0];
	_ =	sdelay $0x2  }
0xb9: {  	s31 =	sshll.u32 s1, $0xD;
	s1 =	sshrl.u32 s1, $0x2  }
0xba: {  	s3 =	sand.u32 $0x4000, s31;
	s1 =	sadd.s32 s1, s30  }
0xbb: {  	s0 =	sor.u32 s3, s0;
	s1 =	sshll.u32 s1, $0x11  }
0xbc: {  	s0 =	sor.u32 s1, s0  }
0xbd: {  	s0 =	sadd.s32 $0x8F2B, s0  }
0xbe: {  	[sflag:s0] =	ssyncadd.remote.s32 $0x1  }
0xbf: {  	_ =	sfence.sel $0xFFFF  }
0xc0: {  	[dreg:$0x0] =	wrdreg $0xFFFFFFFF;
	(pc) =	sbr.abs _section_cstart, $3  }
0xc1: {  	[dreg:$0x1] =	wrdreg $0xFFFFFFFF  }
0xc2: {  	_ =	task.clear_ibuf [dreg:s7], $0x2FFFF;
	_ =	strace $0x9FFFFFFF  }
0xc3: {  	(tm) =	ssettm $0x7FFFFFFF  }
tec
execute0_lowered:
.L_overlay_start_1:
0x0: {  	(tag) =	ssettag $0x1  }
0x1: {  	s5 =	rddreg [dreg:$0x0]  }
0x2: {  	s8 =	rddreg [dreg:$0x1]  }
0x3: {  	s2 =	rddreg [dreg:$0x2]  }
0x4: {  	s0 =	rddreg [dreg:$0x3];
	s1 =	stileid.u32  }
0x5: {  	s3 =	simm.s32 $0x0;
	s4 =	srdreg.scid;
	s16 =	simm.s32 $0x13D00  }
0x6: {  	s17 =	simm.s32 $0x1;
	s18 =	simm.s32 $0x0;
	s9 =	smul.u32 $0x9E0, s1  }
0x7: {  	[smem:$0x7FF] =	sst s3;
	s6 =	smul.u32 $0x13C00, s1;
	s7 =	sand.u32 $0x1, s4  }
0x8: {  	s4 =	sadd.s32 $0x2E800, s5;
	s13 =	smul.u32 $0x4F000, s1;
	s29 =	sshll.u32 s1, $0x6  }
0x9: {  	_ =	strace $0x80000059;
	s10 =	smul.u32 $0x13C000, s7;
	s28 =	ssub.s32 $0x2, s7  }
0xa: {  	s30 =	smul.u32 $0x4F0, s7;
	s11 =	sadd.s32 s9, s5;
	s12 =	sshrl.u32 s6, $0x3  }
0xb: {  	s14 =	sshrl.u32 s28, $0x1;
	s13 =	sshrl.u32 s13, $0x2;
	s9 =	sadd.s32 s9, s8  }
0xc: {  	s12 =	sadd.s32 s12, s5;
	s6 =	sadd.s32 s6, s10;
	s10 =	ssub.s32 s28, s14  }
0xd: {  	s13 =	sadd.s32 s13, s2;
	s9 =	sadd.s32 s30, s9;
	s31 =	sadd.s32 s30, s11  }
0xe: {  	s14 =	simm.s32 $0x13C80;
	s6 =	sshrl.u32 s6, $0x3;
	s8 =	smax.u32 s10, $0x1  }
0xf: {  	s10 =	sadd.s32 $0x7D800, s31;
	s11 =	sshrl.u32 s13, $0x3;
	s13 =	simm.s32 $0x13C00  }
0x10: {  	s15 =	sadd.s32 s6, s5;
	s5 =	sadd.s32 $0x7000, s12;
	s6 =	sor.u32 $0x1C02, s29  }
0x11: {  	s12 =	simm.s32 $0x2;
	s7 =	sadd.s32 $0x87600, s15;
	s15 =	simm.s32 $0x80  }
.LBB2_1:
0x12: {  	[spmem:s11], [sflag:s6] =	dma.local [hbm:s5], $0x2780  }
0x13: {  	_ =	swait.ge [sflag:s12], $0x2780  }
0x14: {  	[sflag:s12] =	ssyncset.done $0x0  }
0x15: {  	[sflag:s12] =	ssyncadd.s32 $0xFFFFD880  }
0x16: {  	s19 =	sadd.s32 $0x0, s10;
	[bflag:$0x0] =	sbarrier.arrive $0xFFFF  }
0x17: {  	[tilespmem:s13], [sflag:$0x2] =	stream.linear.gather [hbm4b:s19+s3], $0x80, $0x38;
	[tilespmem:$0x17D00] =	vst v63  }
0x18: {  	_ =	swait.ge [sflag:s12], $0x80  }
0x19: {  	[sflag:s12] =	ssyncset.done $0x0  }
0x1a: {  	s31 =	sadd.s32 $0x0, s9;
	[sflag:s12] =	ssyncadd.s32 $0xFFFFFF80  }
0x1b: {  	[tilespmem:s14], [sflag:$0x2] =	stream.linear.gather [hbm4b:s31+s3], $0x80, $0x38;
	[tilespmem:$0x17D00] =	vst v63  }
0x1c: {  	_ =	swait.ge [sflag:s12], $0x80  }
0x1d: {  	[sflag:s12] =	ssyncset.done $0x0  }
0x1e: {  	[sflag:s12] =	ssyncadd.s32 $0xFFFFFF80  }
0x1f: {  	[tilespmem:s16], [sflag:$0x1] =	stream.indirect.gather [hbm4b:s4+s15], $0x80, s13, s15, $0xb8;
	[tilespmem:$0x17D00] =	vst v63  }
0x20: {  	_ =	swait.ge [sflag:s17], $0x4000  }
0x21: {  	[sflag:s17] =	ssyncset.done $0x0  }
0x22: {  	[sflag:s17] =	ssyncadd.s32 $0xFFFFC000  }
0x23: {  	[spmem:s2] =	stream.indirect.scatter.add.f32 [tilespmem:s16], [sflag:$0x2], $0x80, s14, s15, $0xb8;
	[tilespmem:$0x17D00] =	vst v63  }
0x24: {  	_ =	swait.ge [sflag:s12], $0x4000  }
0x25: {  	s20 =	simm.s32 $0x20;
	s19 =	simm.s32 $0x10;
	[sflag:s12] =	ssyncset.done $0x0  }
.LBB2_2:
0x26: {  	s21 =	sadd.s32 s19, s10  }
0x27: {  	[sflag:s12] =	ssyncadd.s32 $0xFFFFC000;
	s22 =	smov.u32 s20;
	s23 =	sadd.s32 $0x10, s20  }
0x28: {  	[tilespmem:s13], [sflag:$0x2] =	stream.linear.gather [hbm4b:s21+s3], $0x80, $0x38;
	[tilespmem:$0x17D00] =	vst v63  }
0x29: {  	p0 =	sne.s32 s20, $0x4E0;
	_ =	swait.ge [sflag:s12], $0x80  }
0x2a: {  	[sflag:s12] =	ssyncset.done $0x0  }
0x2b: {  	s20 =	sadd.s32 s19, s9;
	s19 =	smov.u32 s22;
	[sflag:s12] =	ssyncadd.s32 $0xFFFFFF80  }
0x2c: {  	[tilespmem:s14], [sflag:$0x2] =	stream.linear.gather [hbm4b:s20+s3], $0x80, $0x38;
	[tilespmem:$0x17D00] =	vst v63  }
0x2d: {  	_ =	swait.ge [sflag:s12], $0x80  }
0x2e: {  	[sflag:s12] =	ssyncset.done $0x0  }
0x2f: {  	[sflag:s12] =	ssyncadd.s32 $0xFFFFFF80  }
0x30: {  	[tilespmem:s16], [sflag:$0x1] =	stream.indirect.gather [hbm4b:s4+s15], $0x80, s13, s15, $0xb8;
	[tilespmem:$0x17D00] =	vst v63  }
0x31: {  	_ =	swait.ge [sflag:s17], $0x4000  }
.Ltmp0:
0x32: {  	[sflag:s17] =	ssyncset.done $0x0;
	(pc) =	sbr.rel @p0 .LBB2_2-.Ltmp0, $4  }
0x33: {  	[sflag:s17] =	ssyncadd.s32 $0xFFFFC000  }
0x34: {  	[spmem:s2] =	stream.indirect.scatter.add.f32 [tilespmem:s16], [sflag:$0x2], $0x80, s14, s15, $0xb8;
	[tilespmem:$0x17D00] =	vst v63  }
0x35: {  	_ =	swait.ge [sflag:s12], $0x4000  }
0x36: {  	s20 =	smov.u32 s23;
	[sflag:s12] =	ssyncset.done $0x0  }
0x37: {  	s20 =	sadd.s32 s19, s10;
	[sflag:s12] =	ssyncadd.s32 $0xFFFFC000  }
0x38: {  	[tilespmem:s13], [sflag:$0x2] =	stream.linear.gather [hbm4b:s20+s3], $0x80, $0x38;
	[tilespmem:$0x17D00] =	vst v63  }
0x39: {  	_ =	swait.ge [sflag:s12], $0x80  }
0x3a: {  	[sflag:s12] =	ssyncset.done $0x0  }
0x3b: {  	s31 =	sadd.s32 s19, s9;
	[sflag:s12] =	ssyncadd.s32 $0xFFFFFF80  }
0x3c: {  	[tilespmem:s14], [sflag:$0x2] =	stream.linear.gather [hbm4b:s31+s3], $0x80, $0x38;
	[tilespmem:$0x17D00] =	vst v63  }
0x3d: {  	_ =	swait.ge [sflag:s12], $0x80  }
0x3e: {  	[sflag:s12] =	ssyncset.done $0x0  }
0x3f: {  	[sflag:s12] =	ssyncadd.s32 $0xFFFFFF80  }
0x40: {  	[tilespmem:s16], [sflag:$0x1] =	stream.indirect.gather [hbm4b:s4+s15], $0x80, s13, s15, $0xb8;
	[tilespmem:$0x17D00] =	vst v63  }
0x41: {  	_ =	swait.ge [sflag:s17], $0x4000  }
0x42: {  	[sflag:s17] =	ssyncset.done $0x0  }
0x43: {  	[sflag:s17] =	ssyncadd.s32 $0xFFFFC000  }
0x44: {  	[spmem:s2] =	stream.indirect.scatter.add.f32 [tilespmem:s16], [sflag:$0x2], $0x80, s14, s15, $0xb8;
	[tilespmem:$0x17D00] =	vst v63  }
0x45: {  	_ =	swait.ge [sflag:s12], $0x4000  }
0x46: {  	s18 =	sadd.s32 $0x1, s18;
	[sflag:s12] =	ssyncset.done $0x0  }
0x47: {  	p0 =	sne.s32 s18, s8;
	[sflag:s12] =	ssyncadd.s32 $0xFFFFC000  }
.Ltmp1:
0x48: {  	[bflag:$0x0] =	sbarrier.arrive $0xFFFF;
	(pc) =	sbr.rel @p0 .LBB2_1-.Ltmp1, $4  }
0x49: {  	[hbm:s7], [sflag:s6] =	dma.local [spmem:s11], $0x2780  }
0x4a: {  	_ =	swait.ge [sflag:s12], $0x2780  }
0x4b: {  	[sflag:s12] =	ssyncset.done $0x0  }
0x4c: {  	[sflag:s12] =	ssyncadd.s32 $0xFFFFD880  }
0x4d: {  	_ =	sfence.sel $0x180000  }
0x4e: {  	[bflag:$0x0] =	sbarrier.arrive $0xFFFF  }
0x4f: {  	p0 =	sne.s32 s1, $0x0;
	_ =	strace $0x90000059  }
0x50: {  	s0 =	sadd.s32 @!p0 $0x100000, s0;
	[bflag:$0x2] =	sbarrier.arrive $0xFFFF  }
0x51: {  	[sflag:s0] =	ssyncadd.tile.s32 @!p0 $0x1;
	_ =	shalt  }
.Lfunc_end2:
_tile_overlayer_lowered:
.L_overlay_start_2:
0x52: {  	(tag) =	ssettag $0x2  }
0x53: {  	s0 =	rddreg [dreg:$0x0];
	s2 =	stileid.u32  }
0x54: {  	s1 =	rddreg [dreg:$0x1];
	p0 =	sne.s32 s2, $0x0  }
0x55: {  	s3 =	rddreg [dreg:$0x2];
	[bflag:$0x3] =	sbarrier.arrive $0xFFFF;
	s2 =	simm.s32 @!p0 $0x1C02  }
0x56: {  	[timem:s3], [sflag:s2] =	dma.local @!p0 [hbm:s0], s1  }
0x57: {  	s0 =	simm.s32 @!p0 $0x2  }
0x58: {  	_ =	swait.ge @!p0 [sflag:s0], s1  }
0x59: {  	s1 =	ssub.s32 @!p0 $0x0, s1;
	[sflag:s0] =	ssyncset.done @!p0 $0x0  }
0x5a: {  	[sflag:s0] =	ssyncadd.s32 @!p0 s1  }
0x5b: {  	[bflag:$0x3] =	sbarrier.arrive $0xFFFF  }
0x5c: {  	_ =	shalt  }

// kernel: kernel.46.cloned.1.call-start
scs
__scs_entry_jumppad:
0x0: {  	(pc) =	sbr.rel $0x88, $3  }
0x1: {  	(tag) =	ssettag $0x0;
	lr =	simm.s32 $0x1  }
0x2: {  	[smem:$0x3F9B] =	sst lr;
	_ =	strace $0xD0000000  }
0x3: {  	_ = 	snop  }
0x4: {  	_ = 	snop  }
0x5: {  	_ = 	snop  }
0x6: {  	_ = 	snop  }
0x7: {  	_ = 	snop  }
__scs_overlays_trampoline_lowered:
0x8: {  	[smem:$0x3FAA] =	sst s0  }
0x9: {  	[smem:$0x3FAB] =	sst s1  }
0xa: {  	[smem:$0x3FAC] =	sst s2  }
0xb: {  	[smem:$0x3FAD] =	sst s3  }
0xc: {  	[smem:$0x3FAE] =	sst s4  }
0xd: {  	[smem:$0x3FAF] =	sst s5  }
0xe: {  	[smem:$0x3FB0] =	sst s6  }
0xf: {  	[smem:$0x3FB1] =	sst s7  }
0x10: {  	[smem:$0x3FB2] =	sst s8  }
0x11: {  	[smem:$0x3FB3] =	sst s9;
	s0 =	simm.s32 @!p0 $0x0  }
0x12: {  	s1 =	sld [smem:$0x3F99];
	s0 =	simm.s32 @p0 $0x1  }
0x13: {  	[smem:$0x3FB4] =	sst s0;
	s0 =	simm.s32 @!p1 $0x0  }
0x14: {  	s2 =	sld [smem:$0x3F98];
	s0 =	simm.s32 @p1 $0x1  }
0x15: {  	[smem:$0x3FB5] =	sst s0;
	s0 =	simm.s32 @!p2 $0x0  }
0x16: {  	s3 =	sld [smem:$0x3FDB];
	s0 =	simm.s32 @p2 $0x1  }
0x17: {  	s4 =	simm.s32 $0x1BF5;
	[smem:$0x3FB7] =	sst s0  }
0x18: {  	s0 =	sld [smem:$0x3F9A];
	_ =	swait.ge [sflag:s4], $0x0  }
0x19: {  	s7 =	sld [smem:$0x3F9B]  }
0x1a: {  	s8 =	sadd.s32 $0xFFFFE003, lr  }
0x1b: {  	s9 =	sadd.s32 $0xFFFFFEF7, lr;
	s5 =	simm.s32 $0xFFFFFFFF;
	p2 =	slt.u32 s8, $0xFFFFF086  }
0x1c: {  	p1 =	slt.u32 s9, $0xF7A;
	s5 =	simm.s32 @!p2 $0x0  }
0x1d: {  	s5 =	simm.s32 @p1 $0x1;
	p0 =	seq.s32 s7, s2  }
0x1e: {  	s7 =	smul.u32 @!p0 $0xF7A, s2;
	p2 =	seq.s32 @!p0 s5, $0x0  }
0x1f: {  	s9 =	smul.u32 $0xF7A, s1;
	s8 =	simm.s32 @!p0 $0x1BF5;
	p2 =	por !p2, p0  }
0x20: {  	[sflag:s8] =	ssyncset.s32 @!p0 $0xFFFFF086;
	s6 =	sadd.s32 @!p0 s3, s7;
	s7 =	simm.s32 @!p0 $0x108  }
0x21: {  	s3 =	sadd.s32 s3, s9;
	s6 =	sadd.s32 @!p0 $0x88, s6;
	s7 =	simm.s32 @p2 $0x1082  }
0x22: {  	[simem:s7], [sflag:s8] =	dma.local @!p0 [hbm:s6], $0xF7A  }
0x23: {  	s9 =	sor.u32 $0xD0000000, s2;
	s6 =	simm.s32 $0x108;
	_ =	swait.ge @!p0 [sflag:s8], $0x0  }
0x24: {  	s3 =	sadd.s32 $0x88, s3;
	s6 =	simm.s32 @!p1 $0x1082;
	[sflag:s4] =	ssyncset.s32 $0xFFFFF086  }
0x25: {  	[simem:s6], [sflag:s4] =	dma.local [hbm:s3], $0xF7A  }
0x26: {  	[smem:$0x3F9B] =	sst s1;
	(tag) =	ssettag s2;
	_ =	strace s9  }
0x27: {  	s1 =	sld [smem:$0x3FAB]  }
0x28: {  	s2 =	sld [smem:$0x3FAC]  }
0x29: {  	s4 =	sld [smem:$0x3FAE]  }
0x2a: {  	p0 =	seq.s32 s5, $0x0;
	s5 =	sld [smem:$0x3FAF]  }
0x2b: {  	s6 =	sld [smem:$0x3FB0]  }
0x2c: {  	s7 =	sld [smem:$0x3FB1]  }
0x2d: {  	s3 =	simm.s32 $0x108;
	s8 =	sld [smem:$0x3FB2]  }
0x2e: {  	s3 =	simm.s32 @!p0 $0x1082;
	s9 =	sld [smem:$0x3FB3]  }
0x2f: {  	lr =	sadd.s32 s0, s3;
	s0 =	sld [smem:$0x3FAA]  }
0x30: {  	s3 =	sld [smem:$0x3FAD]  }
0x31: {  	[smem:$0x3FB6] =	sst s10  }
0x32: {  	s10 =	sld [smem:$0x3FB4];
	_ =	sdelay $0x3  }
0x33: {  	p0 =	seq.s32 s10, $0x1;
	s10 =	sld [smem:$0x3FB6];
	_ =	sdelay $0x3  }
0x34: {  	[smem:$0x3FB6] =	sst s10  }
0x35: {  	s10 =	sld [smem:$0x3FB5];
	_ =	sdelay $0x3  }
0x36: {  	p1 =	seq.s32 s10, $0x1;
	s10 =	sld [smem:$0x3FB6];
	_ =	sdelay $0x3  }
0x37: {  	[smem:$0x3FB6] =	sst s10  }
0x38: {  	s10 =	sld [smem:$0x3FB7]  }
0x39: {  	_ = 	snop;
	(pc) =	sbr.ind lr, $3  }
0x3a: {  	_ = 	snop  }
0x3b: {  	_ = 	snop  }
0x3c: {  	p2 =	seq.s32 s10, $0x1;
	s10 =	sld [smem:$0x3FB6]  }
0x3d: {  	_ =	shalt  }
0x3e: {  	_ =	shalt  }
0x3f: {  	_ =	shalt  }
0x40: {  	_ =	shalt  }
0x41: {  	_ =	shalt  }
0x42: {  	_ =	shalt  }
0x43: {  	_ =	shalt  }
0x44: {  	_ =	shalt  }
0x45: {  	_ =	shalt  }
0x46: {  	_ =	shalt  }
0x47: {  	_ =	shalt  }
0x48: {  	_ =	shalt  }
0x49: {  	_ =	shalt  }
0x4a: {  	_ =	shalt  }
0x4b: {  	_ =	shalt  }
0x4c: {  	_ =	shalt  }
0x4d: {  	_ =	shalt  }
0x4e: {  	_ =	shalt  }
0x4f: {  	_ =	shalt  }
0x50: {  	_ =	shalt  }
0x51: {  	_ =	shalt  }
0x52: {  	_ =	shalt  }
0x53: {  	_ =	shalt  }
0x54: {  	_ =	shalt  }
0x55: {  	_ =	shalt  }
0x56: {  	_ =	shalt  }
0x57: {  	_ =	shalt  }
0x58: {  	_ =	shalt  }
0x59: {  	_ =	shalt  }
0x5a: {  	_ =	shalt  }
0x5b: {  	_ =	shalt  }
0x5c: {  	_ =	shalt  }
0x5d: {  	_ =	shalt  }
0x5e: {  	_ =	shalt  }
0x5f: {  	_ =	shalt  }
0x60: {  	_ =	shalt  }
0x61: {  	_ =	shalt  }
0x62: {  	_ =	shalt  }
0x63: {  	_ =	shalt  }
0x64: {  	_ =	shalt  }
0x65: {  	_ =	shalt  }
0x66: {  	_ =	shalt  }
0x67: {  	_ =	shalt  }
0x68: {  	_ =	shalt  }
0x69: {  	_ =	shalt  }
0x6a: {  	_ =	shalt  }
0x6b: {  	_ =	shalt  }
0x6c: {  	_ =	shalt  }
0x6d: {  	_ =	shalt  }
0x6e: {  	_ =	shalt  }
0x6f: {  	_ =	shalt  }
0x70: {  	_ =	shalt  }
0x71: {  	_ =	shalt  }
0x72: {  	_ =	shalt  }
0x73: {  	_ =	shalt  }
0x74: {  	_ =	shalt  }
0x75: {  	_ =	shalt  }
0x76: {  	_ =	shalt  }
0x77: {  	_ =	shalt  }
0x78: {  	_ =	shalt  }
0x79: {  	_ =	shalt  }
0x7a: {  	_ =	shalt  }
0x7b: {  	_ =	shalt  }
0x7c: {  	_ =	shalt  }
0x7d: {  	_ =	shalt  }
0x7e: {  	_ =	shalt  }
0x7f: {  	_ =	shalt  }
0x80: {  	_ =	shalt  }
0x81: {  	_ =	shalt  }
0x82: {  	_ =	shalt  }
0x83: {  	_ =	shalt  }
0x84: {  	_ =	shalt  }
0x85: {  	_ =	shalt  }
0x86: {  	_ =	shalt  }
0x87: {  	_ =	shalt  }
.Lfunc_end0:
.L_simem_size_0:
called_computation.7_lowered:
.L_overlay_start_0:
0x88: {  	s2 =	sld [smem:$0x3FD9]  }
0x89: {  	s3 =	sld [smem:$0x3FFE];
	_ =	sdelay $0x1  }
0x8a: {  	s1 =	srdreg.scid  }
0x8b: {  	s0 =	sand.u32 $0x1, s1  }
0x8c: {  	s17 =	sshll.u32 s0, $0xA;
	s2 =	sadd.s32 s3, s2  }
0x8d: {  	s2 =	sadd.s32 s2, s17  }
0x8e: {  	[smem:$0x3FC2] =	sst s2  }
0x8f: {  	_ = 	snop  }
0x90: {  	s2 =	sld [smem:$0x3FD0];
	(tm) =	ssettm $0x1  }
0x91: {  	s18 =	sld [smem:$0x3FFB];
	_ =	sdelay $0x3  }
0x92: {  	_ =	strace s18  }
0x93: {  	s3 =	sld [smem:$0x3FFC];
	_ =	sdelay $0x3  }
0x94: {  	_ =	strace s3  }
0x95: {  	s3 =	sld [smem:$0x3FFD];
	_ =	sdelay $0x3  }
0x96: {  	_ =	strace s3  }
0x97: {  	_ =	strace $0x8FFFFFFF  }
0x98: {  	s19 =	sld [smem:$0x3FDB];
	_ =	sdelay $0x1  }
0x99: {  	s4 =	simm.s32 $_scs_section_size  }
0x9a: {  	s5 =	simm.s32 $_size__tile_overlayer_lowered;
	s6 =	simm.s32 $_tile_overlayer_lowered  }
0x9b: {  	s22 =	simm.s32 $0x1BFF;
	s21 =	sshll.u32 s6, $0x1;
	s3 =	sadd.s32 s4, s19  }
0x9c: {  	s7 =	simm.s32 $0x0;
	s20 =	sshll.u32 s5, $0x1;
	s5 =	sadd.s32 s21, s3  }
0x9d: {  	[timem:s7], [sflag:s22] =	dma.local [hbm:s5], s20  }
0x9e: {  	_ =	swait.ge [sflag:s22], s20  }
0x9f: {  	s4 =	ssub.s32 $0x0, s20;
	[sflag:s22] =	ssyncset.done $0x0  }
0xa0: {  	[sflag:s22] =	ssyncadd.s32 s4;
	_ =	sdelay $0x1  }
0xa1: {  	s23 =	simm.s32 $0x1B8B  }
0xa2: {  	_ =	swait.ge [sflag:s23], $0x1  }
0xa3: {  	[sflag:s23] =	ssyncset.done $0x0  }
0xa4: {  	s25 =	simm.s32 $0x1B8E;
	s24 =	sld [smem:$0x3FFE];
	[sflag:s23] =	ssyncadd.s32 $0xFFFFFFFF  }
0xa5: {  	s26 =	simm.s32 $execute0_lowered;
	[smem:$0x3FD2] =	sst s25  }
0xa6: {  	s5 =	sshll.u32 s26, $0x1;
	_ =	strace $0x8000005B;
	[dreg:$0x1] =	wrdreg $0xFFFFFFFF  }
0xa7: {  	s28 =	simm.s32 $_size_execute0_lowered;
	s3 =	sadd.s32 s3, s5;
	[dreg:$0x0] =	wrdreg $0x0  }
0xa8: {  	s5 =	sshll.u32 s28, $0x1;
	[dreg:$0x2] =	wrdreg s3  }
0xa9: {  	[dreg:$0x3] =	wrdreg s5  }
0xaa: {  	[dreg:$0x4] =	wrdreg $0xC0  }
0xab: {  	_ =	task [dreg:s7], $0x5FFFF  }
0xac: {  	[dreg:$0x1] =	wrdreg $0xFFFFFFFF  }
0xad: {  	[dreg:$0x0] =	wrdreg $0x60  }
0xae: {  	[dreg:$0x2] =	wrdreg s24  }
0xaf: {  	[dreg:$0x3] =	wrdreg s2  }
0xb0: {  	[dreg:$0x4] =	wrdreg $0x0  }
0xb1: {  	[dreg:$0x5] =	wrdreg $0x9  }
0xb2: {  	_ =	task.clear_ibuf [dreg:s7], $0x6FFFF;
	_ =	strace $0x9000005B  }
0xb3: {  	s29 =	simm.s32 $0x9;
	_ =	strace $0x8000005D  }
0xb4: {  	_ =	swait.ge [sflag:s29], $0x1  }
0xb5: {  	[sflag:s29] =	ssyncadd.s32 $0xFFFFFFFF  }
0xb6: {  	_ =	strace $0x9000005D  }
0xb7: {  	_ =	sfence  }
0xb8: {  	s30 =	sld [smem:$0x0];
	_ =	sdelay $0x2  }
0xb9: {  	s31 =	sshll.u32 s1, $0xD;
	s1 =	sshrl.u32 s1, $0x2  }
0xba: {  	s3 =	sand.u32 $0x4000, s31;
	s1 =	sadd.s32 s1, s30  }
0xbb: {  	s0 =	sor.u32 s3, s0;
	s1 =	sshll.u32 s1, $0x11  }
0xbc: {  	s0 =	sor.u32 s1, s0  }
0xbd: {  	s0 =	sadd.s32 $0x8F2B, s0  }
0xbe: {  	[sflag:s0] =	ssyncadd.remote.s32 $0x1  }
0xbf: {  	_ =	sfence.sel $0xFFFF  }
0xc0: {  	[dreg:$0x0] =	wrdreg $0xFFFFFFFF;
	(pc) =	sbr.abs _section_cstart, $3  }
0xc1: {  	[dreg:$0x1] =	wrdreg $0xFFFFFFFF  }
0xc2: {  	_ =	task.clear_ibuf [dreg:s7], $0x2FFFF;
	_ =	strace $0x9FFFFFFF  }
0xc3: {  	(tm) =	ssettm $0x7FFFFFFF  }
tec
execute0_lowered:
.L_overlay_start_1:
0x0: {  	(tag) =	ssettag $0x1  }
0x1: {  	s5 =	rddreg [dreg:$0x0]  }
0x2: {  	s8 =	rddreg [dreg:$0x1]  }
0x3: {  	s2 =	rddreg [dreg:$0x2]  }
0x4: {  	s0 =	rddreg [dreg:$0x3];
	s1 =	stileid.u32  }
0x5: {  	s3 =	simm.s32 $0x0;
	s4 =	srdreg.scid;
	s16 =	simm.s32 $0x13D00  }
0x6: {  	s17 =	simm.s32 $0x1;
	s18 =	simm.s32 $0x0;
	s9 =	smul.u32 $0x9E0, s1  }
0x7: {  	[smem:$0x7FF] =	sst s3;
	s6 =	smul.u32 $0x13C00, s1;
	s7 =	sand.u32 $0x1, s4  }
0x8: {  	s4 =	sadd.s32 $0x2E800, s5;
	s13 =	smul.u32 $0x4F000, s1;
	s29 =	sshll.u32 s1, $0x6  }
0x9: {  	_ =	strace $0x8000005C;
	s10 =	smul.u32 $0x13C000, s7;
	s28 =	ssub.s32 $0x2, s7  }
0xa: {  	s30 =	smul.u32 $0x4F0, s7;
	s11 =	sadd.s32 s9, s5;
	s12 =	sshrl.u32 s6, $0x3  }
0xb: {  	s14 =	sshrl.u32 s28, $0x1;
	s13 =	sshrl.u32 s13, $0x2;
	s9 =	sadd.s32 s9, s8  }
0xc: {  	s12 =	sadd.s32 s12, s5;
	s6 =	sadd.s32 s6, s10;
	s10 =	ssub.s32 s28, s14  }
0xd: {  	s13 =	sadd.s32 s13, s2;
	s9 =	sadd.s32 s30, s9;
	s31 =	sadd.s32 s30, s11  }
0xe: {  	s14 =	simm.s32 $0x13C80;
	s6 =	sshrl.u32 s6, $0x3;
	s8 =	smax.u32 s10, $0x1  }
0xf: {  	s10 =	sadd.s32 $0x7D800, s31;
	s11 =	sshrl.u32 s13, $0x3;
	s13 =	simm.s32 $0x13C00  }
0x10: {  	s15 =	sadd.s32 s6, s5;
	s5 =	sadd.s32 $0x7000, s12;
	s6 =	sor.u32 $0x1C02, s29  }
0x11: {  	s12 =	simm.s32 $0x2;
	s7 =	sadd.s32 $0x87600, s15;
	s15 =	simm.s32 $0x80  }
.LBB2_1:
0x12: {  	[spmem:s11], [sflag:s6] =	dma.local [hbm:s5], $0x2780  }
0x13: {  	_ =	swait.ge [sflag:s12], $0x2780  }
0x14: {  	[sflag:s12] =	ssyncset.done $0x0  }
0x15: {  	[sflag:s12] =	ssyncadd.s32 $0xFFFFD880  }
0x16: {  	s19 =	sadd.s32 $0x0, s10;
	[bflag:$0x0] =	sbarrier.arrive $0xFFFF  }
0x17: {  	[tilespmem:s13], [sflag:$0x2] =	stream.linear.gather [hbm4b:s19+s3], $0x80, $0x38;
	[tilespmem:$0x17D00] =	vst v63  }
0x18: {  	_ =	swait.ge [sflag:s12], $0x80  }
0x19: {  	[sflag:s12] =	ssyncset.done $0x0  }
0x1a: {  	s31 =	sadd.s32 $0x0, s9;
	[sflag:s12] =	ssyncadd.s32 $0xFFFFFF80  }
0x1b: {  	[tilespmem:s14], [sflag:$0x2] =	stream.linear.gather [hbm4b:s31+s3], $0x80, $0x38;
	[tilespmem:$0x17D00] =	vst v63  }
0x1c: {  	_ =	swait.ge [sflag:s12], $0x80  }
0x1d: {  	[sflag:s12] =	ssyncset.done $0x0  }
0x1e: {  	[sflag:s12] =	ssyncadd.s32 $0xFFFFFF80  }
0x1f: {  	[tilespmem:s16], [sflag:$0x1] =	stream.indirect.gather [hbm4b:s4+s15], $0x80, s13, s15, $0xb8;
	[tilespmem:$0x17D00] =	vst v63  }
0x20: {  	_ =	swait.ge [sflag:s17], $0x4000  }
0x21: {  	[sflag:s17] =	ssyncset.done $0x0  }
0x22: {  	[sflag:s17] =	ssyncadd.s32 $0xFFFFC000  }
0x23: {  	[spmem:s2] =	stream.indirect.scatter.add.f32 [tilespmem:s16], [sflag:$0x2], $0x80, s14, s15, $0xb8;
	[tilespmem:$0x17D00] =	vst v63  }
0x24: {  	_ =	swait.ge [sflag:s12], $0x4000  }
0x25: {  	s20 =	simm.s32 $0x20;
	s19 =	simm.s32 $0x10;
	[sflag:s12] =	ssyncset.done $0x0  }
.LBB2_2:
0x26: {  	s21 =	sadd.s32 s19, s10  }
0x27: {  	[sflag:s12] =	ssyncadd.s32 $0xFFFFC000;
	s22 =	smov.u32 s20;
	s23 =	sadd.s32 $0x10, s20  }
0x28: {  	[tilespmem:s13], [sflag:$0x2] =	stream.linear.gather [hbm4b:s21+s3], $0x80, $0x38;
	[tilespmem:$0x17D00] =	vst v63  }
0x29: {  	p0 =	sne.s32 s20, $0x4E0;
	_ =	swait.ge [sflag:s12], $0x80  }
0x2a: {  	[sflag:s12] =	ssyncset.done $0x0  }
0x2b: {  	s20 =	sadd.s32 s19, s9;
	s19 =	smov.u32 s22;
	[sflag:s12] =	ssyncadd.s32 $0xFFFFFF80  }
0x2c: {  	[tilespmem:s14], [sflag:$0x2] =	stream.linear.gather [hbm4b:s20+s3], $0x80, $0x38;
	[tilespmem:$0x17D00] =	vst v63  }
0x2d: {  	_ =	swait.ge [sflag:s12], $0x80  }
0x2e: {  	[sflag:s12] =	ssyncset.done $0x0  }
0x2f: {  	[sflag:s12] =	ssyncadd.s32 $0xFFFFFF80  }
0x30: {  	[tilespmem:s16], [sflag:$0x1] =	stream.indirect.gather [hbm4b:s4+s15], $0x80, s13, s15, $0xb8;
	[tilespmem:$0x17D00] =	vst v63  }
0x31: {  	_ =	swait.ge [sflag:s17], $0x4000  }
.Ltmp0:
0x32: {  	[sflag:s17] =	ssyncset.done $0x0;
	(pc) =	sbr.rel @p0 .LBB2_2-.Ltmp0, $4  }
0x33: {  	[sflag:s17] =	ssyncadd.s32 $0xFFFFC000  }
0x34: {  	[spmem:s2] =	stream.indirect.scatter.add.f32 [tilespmem:s16], [sflag:$0x2], $0x80, s14, s15, $0xb8;
	[tilespmem:$0x17D00] =	vst v63  }
0x35: {  	_ =	swait.ge [sflag:s12], $0x4000  }
0x36: {  	s20 =	smov.u32 s23;
	[sflag:s12] =	ssyncset.done $0x0  }
0x37: {  	s20 =	sadd.s32 s19, s10;
	[sflag:s12] =	ssyncadd.s32 $0xFFFFC000  }
0x38: {  	[tilespmem:s13], [sflag:$0x2] =	stream.linear.gather [hbm4b:s20+s3], $0x80, $0x38;
	[tilespmem:$0x17D00] =	vst v63  }
0x39: {  	_ =	swait.ge [sflag:s12], $0x80  }
0x3a: {  	[sflag:s12] =	ssyncset.done $0x0  }
0x3b: {  	s31 =	sadd.s32 s19, s9;
	[sflag:s12] =	ssyncadd.s32 $0xFFFFFF80  }
0x3c: {  	[tilespmem:s14], [sflag:$0x2] =	stream.linear.gather [hbm4b:s31+s3], $0x80, $0x38;
	[tilespmem:$0x17D00] =	vst v63  }
0x3d: {  	_ =	swait.ge [sflag:s12], $0x80  }
0x3e: {  	[sflag:s12] =	ssyncset.done $0x0  }
0x3f: {  	[sflag:s12] =	ssyncadd.s32 $0xFFFFFF80  }
0x40: {  	[tilespmem:s16], [sflag:$0x1] =	stream.indirect.gather [hbm4b:s4+s15], $0x80, s13, s15, $0xb8;
	[tilespmem:$0x17D00] =	vst v63  }
0x41: {  	_ =	swait.ge [sflag:s17], $0x4000  }
0x42: {  	[sflag:s17] =	ssyncset.done $0x0  }
0x43: {  	[sflag:s17] =	ssyncadd.s32 $0xFFFFC000  }
0x44: {  	[spmem:s2] =	stream.indirect.scatter.add.f32 [tilespmem:s16], [sflag:$0x2], $0x80, s14, s15, $0xb8;
	[tilespmem:$0x17D00] =	vst v63  }
0x45: {  	_ =	swait.ge [sflag:s12], $0x4000  }
0x46: {  	s18 =	sadd.s32 $0x1, s18;
	[sflag:s12] =	ssyncset.done $0x0  }
0x47: {  	p0 =	sne.s32 s18, s8;
	[sflag:s12] =	ssyncadd.s32 $0xFFFFC000  }
.Ltmp1:
0x48: {  	[bflag:$0x0] =	sbarrier.arrive $0xFFFF;
	(pc) =	sbr.rel @p0 .LBB2_1-.Ltmp1, $4  }
0x49: {  	[hbm:s7], [sflag:s6] =	dma.local [spmem:s11], $0x2780  }
0x4a: {  	_ =	swait.ge [sflag:s12], $0x2780  }
0x4b: {  	[sflag:s12] =	ssyncset.done $0x0  }
0x4c: {  	[sflag:s12] =	ssyncadd.s32 $0xFFFFD880  }
0x4d: {  	_ =	sfence.sel $0x180000  }
0x4e: {  	[bflag:$0x0] =	sbarrier.arrive $0xFFFF  }
0x4f: {  	p0 =	sne.s32 s1, $0x0;
	_ =	strace $0x9000005C  }
0x50: {  	s0 =	sadd.s32 @!p0 $0x100000, s0;
	[bflag:$0x2] =	sbarrier.arrive $0xFFFF  }
0x51: {  	[sflag:s0] =	ssyncadd.tile.s32 @!p0 $0x1;
	_ =	shalt  }
.Lfunc_end2:
_tile_overlayer_lowered:
.L_overlay_start_2:
0x52: {  	(tag) =	ssettag $0x2  }
0x53: {  	s0 =	rddreg [dreg:$0x0];
	s2 =	stileid.u32  }
0x54: {  	s1 =	rddreg [dreg:$0x1];
	p0 =	sne.s32 s2, $0x0  }
0x55: {  	s3 =	rddreg [dreg:$0x2];
	[bflag:$0x3] =	sbarrier.arrive $0xFFFF;
	s2 =	simm.s32 @!p0 $0x1C02  }
0x56: {  	[timem:s3], [sflag:s2] =	dma.local @!p0 [hbm:s0], s1  }
0x57: {  	s0 =	simm.s32 @!p0 $0x2  }
0x58: {  	_ =	swait.ge @!p0 [sflag:s0], s1  }
0x59: {  	s1 =	ssub.s32 @!p0 $0x0, s1;
	[sflag:s0] =	ssyncset.done @!p0 $0x0  }
0x5a: {  	[sflag:s0] =	ssyncadd.s32 @!p0 s1  }
0x5b: {  	[bflag:$0x3] =	sbarrier.arrive $0xFFFF  }
0x5c: {  	_ =	shalt  }

// kernel: kernel.49.cloned.1.call-start
scs
__scs_entry_jumppad:
0x0: {  	(pc) =	sbr.rel $0x88, $3  }
0x1: {  	(tag) =	ssettag $0x0;
	lr =	simm.s32 $0x1  }
0x2: {  	[smem:$0x3F9B] =	sst lr;
	_ =	strace $0xD0000000  }
0x3: {  	_ = 	snop  }
0x4: {  	_ = 	snop  }
0x5: {  	_ = 	snop  }
0x6: {  	_ = 	snop  }
0x7: {  	_ = 	snop  }
__scs_overlays_trampoline_lowered:
0x8: {  	[smem:$0x3FAA] =	sst s0  }
0x9: {  	[smem:$0x3FAB] =	sst s1  }
0xa: {  	[smem:$0x3FAC] =	sst s2  }
0xb: {  	[smem:$0x3FAD] =	sst s3  }
0xc: {  	[smem:$0x3FAE] =	sst s4  }
0xd: {  	[smem:$0x3FAF] =	sst s5  }
0xe: {  	[smem:$0x3FB0] =	sst s6  }
0xf: {  	[smem:$0x3FB1] =	sst s7  }
0x10: {  	[smem:$0x3FB2] =	sst s8  }
0x11: {  	[smem:$0x3FB3] =	sst s9;
	s0 =	simm.s32 @!p0 $0x0  }
0x12: {  	s1 =	sld [smem:$0x3F99];
	s0 =	simm.s32 @p0 $0x1  }
0x13: {  	[smem:$0x3FB4] =	sst s0;
	s0 =	simm.s32 @!p1 $0x0  }
0x14: {  	s2 =	sld [smem:$0x3F98];
	s0 =	simm.s32 @p1 $0x1  }
0x15: {  	[smem:$0x3FB5] =	sst s0;
	s0 =	simm.s32 @!p2 $0x0  }
0x16: {  	s3 =	sld [smem:$0x3FDB];
	s0 =	simm.s32 @p2 $0x1  }
0x17: {  	s4 =	simm.s32 $0x1BF5;
	[smem:$0x3FB7] =	sst s0  }
0x18: {  	s0 =	sld [smem:$0x3F9A];
	_ =	swait.ge [sflag:s4], $0x0  }
0x19: {  	s7 =	sld [smem:$0x3F9B]  }
0x1a: {  	s8 =	sadd.s32 $0xFFFFE003, lr  }
0x1b: {  	s9 =	sadd.s32 $0xFFFFFEF7, lr;
	s5 =	simm.s32 $0xFFFFFFFF;
	p2 =	slt.u32 s8, $0xFFFFF086  }
0x1c: {  	p1 =	slt.u32 s9, $0xF7A;
	s5 =	simm.s32 @!p2 $0x0  }
0x1d: {  	s5 =	simm.s32 @p1 $0x1;
	p0 =	seq.s32 s7, s2  }
0x1e: {  	s7 =	smul.u32 @!p0 $0xF7A, s2;
	p2 =	seq.s32 @!p0 s5, $0x0  }
0x1f: {  	s9 =	smul.u32 $0xF7A, s1;
	s8 =	simm.s32 @!p0 $0x1BF5;
	p2 =	por !p2, p0  }
0x20: {  	[sflag:s8] =	ssyncset.s32 @!p0 $0xFFFFF086;
	s6 =	sadd.s32 @!p0 s3, s7;
	s7 =	simm.s32 @!p0 $0x108  }
0x21: {  	s3 =	sadd.s32 s3, s9;
	s6 =	sadd.s32 @!p0 $0x88, s6;
	s7 =	simm.s32 @p2 $0x1082  }
0x22: {  	[simem:s7], [sflag:s8] =	dma.local @!p0 [hbm:s6], $0xF7A  }
0x23: {  	s9 =	sor.u32 $0xD0000000, s2;
	s6 =	simm.s32 $0x108;
	_ =	swait.ge @!p0 [sflag:s8], $0x0  }
0x24: {  	s3 =	sadd.s32 $0x88, s3;
	s6 =	simm.s32 @!p1 $0x1082;
	[sflag:s4] =	ssyncset.s32 $0xFFFFF086  }
0x25: {  	[simem:s6], [sflag:s4] =	dma.local [hbm:s3], $0xF7A  }
0x26: {  	[smem:$0x3F9B] =	sst s1;
	(tag) =	ssettag s2;
	_ =	strace s9  }
0x27: {  	s1 =	sld [smem:$0x3FAB]  }
0x28: {  	s2 =	sld [smem:$0x3FAC]  }
0x29: {  	s4 =	sld [smem:$0x3FAE]  }
0x2a: {  	p0 =	seq.s32 s5, $0x0;
	s5 =	sld [smem:$0x3FAF]  }
0x2b: {  	s6 =	sld [smem:$0x3FB0]  }
0x2c: {  	s7 =	sld [smem:$0x3FB1]  }
0x2d: {  	s3 =	simm.s32 $0x108;
	s8 =	sld [smem:$0x3FB2]  }
0x2e: {  	s3 =	simm.s32 @!p0 $0x1082;
	s9 =	sld [smem:$0x3FB3]  }
0x2f: {  	lr =	sadd.s32 s0, s3;
	s0 =	sld [smem:$0x3FAA]  }
0x30: {  	s3 =	sld [smem:$0x3FAD]  }
0x31: {  	[smem:$0x3FB6] =	sst s10  }
0x32: {  	s10 =	sld [smem:$0x3FB4];
	_ =	sdelay $0x3  }
0x33: {  	p0 =	seq.s32 s10, $0x1;
	s10 =	sld [smem:$0x3FB6];
	_ =	sdelay $0x3  }
0x34: {  	[smem:$0x3FB6] =	sst s10  }
0x35: {  	s10 =	sld [smem:$0x3FB5];
	_ =	sdelay $0x3  }
0x36: {  	p1 =	seq.s32 s10, $0x1;
	s10 =	sld [smem:$0x3FB6];
	_ =	sdelay $0x3  }
0x37: {  	[smem:$0x3FB6] =	sst s10  }
0x38: {  	s10 =	sld [smem:$0x3FB7]  }
0x39: {  	_ = 	snop;
	(pc) =	sbr.ind lr, $3  }
0x3a: {  	_ = 	snop  }
0x3b: {  	_ = 	snop  }
0x3c: {  	p2 =	seq.s32 s10, $0x1;
	s10 =	sld [smem:$0x3FB6]  }
0x3d: {  	_ =	shalt  }
0x3e: {  	_ =	shalt  }
0x3f: {  	_ =	shalt  }
0x40: {  	_ =	shalt  }
0x41: {  	_ =	shalt  }
0x42: {  	_ =	shalt  }
0x43: {  	_ =	shalt  }
0x44: {  	_ =	shalt  }
0x45: {  	_ =	shalt  }
0x46: {  	_ =	shalt  }
0x47: {  	_ =	shalt  }
0x48: {  	_ =	shalt  }
0x49: {  	_ =	shalt  }
0x4a: {  	_ =	shalt  }
0x4b: {  	_ =	shalt  }
0x4c: {  	_ =	shalt  }
0x4d: {  	_ =	shalt  }
0x4e: {  	_ =	shalt  }
0x4f: {  	_ =	shalt  }
0x50: {  	_ =	shalt  }
0x51: {  	_ =	shalt  }
0x52: {  	_ =	shalt  }
0x53: {  	_ =	shalt  }
0x54: {  	_ =	shalt  }
0x55: {  	_ =	shalt  }
0x56: {  	_ =	shalt  }
0x57: {  	_ =	shalt  }
0x58: {  	_ =	shalt  }
0x59: {  	_ =	shalt  }
0x5a: {  	_ =	shalt  }
0x5b: {  	_ =	shalt  }
0x5c: {  	_ =	shalt  }
0x5d: {  	_ =	shalt  }
0x5e: {  	_ =	shalt  }
0x5f: {  	_ =	shalt  }
0x60: {  	_ =	shalt  }
0x61: {  	_ =	shalt  }
0x62: {  	_ =	shalt  }
0x63: {  	_ =	shalt  }
0x64: {  	_ =	shalt  }
0x65: {  	_ =	shalt  }
0x66: {  	_ =	shalt  }
0x67: {  	_ =	shalt  }
0x68: {  	_ =	shalt  }
0x69: {  	_ =	shalt  }
0x6a: {  	_ =	shalt  }
0x6b: {  	_ =	shalt  }
0x6c: {  	_ =	shalt  }
0x6d: {  	_ =	shalt  }
0x6e: {  	_ =	shalt  }
0x6f: {  	_ =	shalt  }
0x70: {  	_ =	shalt  }
0x71: {  	_ =	shalt  }
0x72: {  	_ =	shalt  }
0x73: {  	_ =	shalt  }
0x74: {  	_ =	shalt  }
0x75: {  	_ =	shalt  }
0x76: {  	_ =	shalt  }
0x77: {  	_ =	shalt  }
0x78: {  	_ =	shalt  }
0x79: {  	_ =	shalt  }
0x7a: {  	_ =	shalt  }
0x7b: {  	_ =	shalt  }
0x7c: {  	_ =	shalt  }
0x7d: {  	_ =	shalt  }
0x7e: {  	_ =	shalt  }
0x7f: {  	_ =	shalt  }
0x80: {  	_ =	shalt  }
0x81: {  	_ =	shalt  }
0x82: {  	_ =	shalt  }
0x83: {  	_ =	shalt  }
0x84: {  	_ =	shalt  }
0x85: {  	_ =	shalt  }
0x86: {  	_ =	shalt  }
0x87: {  	_ =	shalt  }
.Lfunc_end0:
.L_simem_size_0:
called_computation.8_lowered:
.L_overlay_start_0:
0x88: {  	s2 =	sld [smem:$0x3FD9]  }
0x89: {  	s3 =	sld [smem:$0x3FFE];
	_ =	sdelay $0x1  }
0x8a: {  	s1 =	srdreg.scid  }
0x8b: {  	s0 =	sand.u32 $0x1, s1  }
0x8c: {  	s17 =	sshll.u32 s0, $0xA;
	s2 =	sadd.s32 s3, s2  }
0x8d: {  	s2 =	sadd.s32 s2, s17  }
0x8e: {  	[smem:$0x3FC2] =	sst s2  }
0x8f: {  	_ = 	snop  }
0x90: {  	s2 =	sld [smem:$0x3FD0];
	(tm) =	ssettm $0x1  }
0x91: {  	s18 =	sld [smem:$0x3FFB];
	_ =	sdelay $0x3  }
0x92: {  	_ =	strace s18  }
0x93: {  	s3 =	sld [smem:$0x3FFC];
	_ =	sdelay $0x3  }
0x94: {  	_ =	strace s3  }
0x95: {  	s3 =	sld [smem:$0x3FFD];
	_ =	sdelay $0x3  }
0x96: {  	_ =	strace s3  }
0x97: {  	_ =	strace $0x8FFFFFFF  }
0x98: {  	s19 =	sld [smem:$0x3FDB];
	_ =	sdelay $0x1  }
0x99: {  	s4 =	simm.s32 $_scs_section_size  }
0x9a: {  	s5 =	simm.s32 $_size__tile_overlayer_lowered;
	s6 =	simm.s32 $_tile_overlayer_lowered  }
0x9b: {  	s22 =	simm.s32 $0x1BFF;
	s21 =	sshll.u32 s6, $0x1;
	s3 =	sadd.s32 s4, s19  }
0x9c: {  	s7 =	simm.s32 $0x0;
	s20 =	sshll.u32 s5, $0x1;
	s5 =	sadd.s32 s21, s3  }
0x9d: {  	[timem:s7], [sflag:s22] =	dma.local [hbm:s5], s20  }
0x9e: {  	_ =	swait.ge [sflag:s22], s20  }
0x9f: {  	s4 =	ssub.s32 $0x0, s20;
	[sflag:s22] =	ssyncset.done $0x0  }
0xa0: {  	[sflag:s22] =	ssyncadd.s32 s4;
	_ =	sdelay $0x1  }
0xa1: {  	s23 =	simm.s32 $0x1B8B  }
0xa2: {  	_ =	swait.ge [sflag:s23], $0x1  }
0xa3: {  	[sflag:s23] =	ssyncset.done $0x0  }
0xa4: {  	s25 =	simm.s32 $0x1B8E;
	s24 =	sld [smem:$0x3FFE];
	[sflag:s23] =	ssyncadd.s32 $0xFFFFFFFF  }
0xa5: {  	s26 =	simm.s32 $execute0_lowered;
	[smem:$0x3FD2] =	sst s25  }
0xa6: {  	s5 =	sshll.u32 s26, $0x1;
	_ =	strace $0x8000005E;
	[dreg:$0x1] =	wrdreg $0xFFFFFFFF  }
0xa7: {  	s28 =	simm.s32 $_size_execute0_lowered;
	s3 =	sadd.s32 s3, s5;
	[dreg:$0x0] =	wrdreg $0x0  }
0xa8: {  	s5 =	sshll.u32 s28, $0x1;
	[dreg:$0x2] =	wrdreg s3  }
0xa9: {  	[dreg:$0x3] =	wrdreg s5  }
0xaa: {  	[dreg:$0x4] =	wrdreg $0xC0  }
0xab: {  	_ =	task [dreg:s7], $0x5FFFF  }
0xac: {  	[dreg:$0x1] =	wrdreg $0xFFFFFFFF  }
0xad: {  	[dreg:$0x0] =	wrdreg $0x60  }
0xae: {  	[dreg:$0x2] =	wrdreg s24  }
0xaf: {  	[dreg:$0x3] =	wrdreg s2  }
0xb0: {  	[dreg:$0x4] =	wrdreg $0x0  }
0xb1: {  	[dreg:$0x5] =	wrdreg $0x9  }
0xb2: {  	_ =	task.clear_ibuf [dreg:s7], $0x6FFFF;
	_ =	strace $0x9000005E  }
0xb3: {  	s29 =	simm.s32 $0x9;
	_ =	strace $0x80000060  }
0xb4: {  	_ =	swait.ge [sflag:s29], $0x1  }
0xb5: {  	[sflag:s29] =	ssyncadd.s32 $0xFFFFFFFF  }
0xb6: {  	_ =	strace $0x90000060  }
0xb7: {  	_ =	sfence  }
0xb8: {  	s30 =	sld [smem:$0x0];
	_ =	sdelay $0x2  }
0xb9: {  	s31 =	sshll.u32 s1, $0xD;
	s1 =	sshrl.u32 s1, $0x2  }
0xba: {  	s3 =	sand.u32 $0x4000, s31;
	s1 =	sadd.s32 s1, s30  }
0xbb: {  	s0 =	sor.u32 s3, s0;
	s1 =	sshll.u32 s1, $0x11  }
0xbc: {  	s0 =	sor.u32 s1, s0  }
0xbd: {  	s0 =	sadd.s32 $0x8F2B, s0  }
0xbe: {  	[sflag:s0] =	ssyncadd.remote.s32 $0x1  }
0xbf: {  	_ =	sfence.sel $0xFFFF  }
0xc0: {  	[dreg:$0x0] =	wrdreg $0xFFFFFFFF;
	(pc) =	sbr.abs _section_cstart, $3  }
0xc1: {  	[dreg:$0x1] =	wrdreg $0xFFFFFFFF  }
0xc2: {  	_ =	task.clear_ibuf [dreg:s7], $0x2FFFF;
	_ =	strace $0x9FFFFFFF  }
0xc3: {  	(tm) =	ssettm $0x7FFFFFFF  }
tec
execute0_lowered:
.L_overlay_start_1:
0x0: {  	(tag) =	ssettag $0x1  }
0x1: {  	s5 =	rddreg [dreg:$0x0]  }
0x2: {  	s8 =	rddreg [dreg:$0x1]  }
0x3: {  	s2 =	rddreg [dreg:$0x2]  }
0x4: {  	s0 =	rddreg [dreg:$0x3];
	s1 =	stileid.u32  }
0x5: {  	s3 =	simm.s32 $0x0;
	s4 =	srdreg.scid;
	s16 =	simm.s32 $0x13D00  }
0x6: {  	s17 =	simm.s32 $0x1;
	s18 =	simm.s32 $0x0;
	s9 =	smul.u32 $0x9E0, s1  }
0x7: {  	[smem:$0x7FF] =	sst s3;
	s6 =	smul.u32 $0x13C00, s1;
	s7 =	sand.u32 $0x1, s4  }
0x8: {  	s4 =	sadd.s32 $0x2E800, s5;
	s13 =	smul.u32 $0x4F000, s1;
	s29 =	sshll.u32 s1, $0x6  }
0x9: {  	_ =	strace $0x8000005F;
	s10 =	smul.u32 $0x13C000, s7;
	s28 =	ssub.s32 $0x2, s7  }
0xa: {  	s30 =	smul.u32 $0x4F0, s7;
	s11 =	sadd.s32 s9, s5;
	s12 =	sshrl.u32 s6, $0x3  }
0xb: {  	s14 =	sshrl.u32 s28, $0x1;
	s13 =	sshrl.u32 s13, $0x2;
	s9 =	sadd.s32 s9, s8  }
0xc: {  	s12 =	sadd.s32 s12, s5;
	s6 =	sadd.s32 s6, s10;
	s10 =	ssub.s32 s28, s14  }
0xd: {  	s13 =	sadd.s32 s13, s2;
	s9 =	sadd.s32 s30, s9;
	s31 =	sadd.s32 s30, s11  }
0xe: {  	s14 =	simm.s32 $0x13C80;
	s6 =	sshrl.u32 s6, $0x3;
	s8 =	smax.u32 s10, $0x1  }
0xf: {  	s10 =	sadd.s32 $0x7D800, s31;
	s11 =	sshrl.u32 s13, $0x3;
	s13 =	simm.s32 $0x13C00  }
0x10: {  	s15 =	sadd.s32 s6, s5;
	s5 =	sadd.s32 $0x7000, s12;
	s6 =	sor.u32 $0x1C02, s29  }
0x11: {  	s12 =	simm.s32 $0x2;
	s7 =	sadd.s32 $0x87600, s15;
	s15 =	simm.s32 $0x80  }
.LBB2_1:
0x12: {  	[spmem:s11], [sflag:s6] =	dma.local [hbm:s5], $0x2780  }
0x13: {  	_ =	swait.ge [sflag:s12], $0x2780  }
0x14: {  	[sflag:s12] =	ssyncset.done $0x0  }
0x15: {  	[sflag:s12] =	ssyncadd.s32 $0xFFFFD880  }
0x16: {  	s19 =	sadd.s32 $0x0, s10;
	[bflag:$0x0] =	sbarrier.arrive $0xFFFF  }
0x17: {  	[tilespmem:s13], [sflag:$0x2] =	stream.linear.gather [hbm4b:s19+s3], $0x80, $0x38;
	[tilespmem:$0x17D00] =	vst v63  }
0x18: {  	_ =	swait.ge [sflag:s12], $0x80  }
0x19: {  	[sflag:s12] =	ssyncset.done $0x0  }
0x1a: {  	s31 =	sadd.s32 $0x0, s9;
	[sflag:s12] =	ssyncadd.s32 $0xFFFFFF80  }
0x1b: {  	[tilespmem:s14], [sflag:$0x2] =	stream.linear.gather [hbm4b:s31+s3], $0x80, $0x38;
	[tilespmem:$0x17D00] =	vst v63  }
0x1c: {  	_ =	swait.ge [sflag:s12], $0x80  }
0x1d: {  	[sflag:s12] =	ssyncset.done $0x0  }
0x1e: {  	[sflag:s12] =	ssyncadd.s32 $0xFFFFFF80  }
0x1f: {  	[tilespmem:s16], [sflag:$0x1] =	stream.indirect.gather [hbm4b:s4+s15], $0x80, s13, s15, $0xb8;
	[tilespmem:$0x17D00] =	vst v63  }
0x20: {  	_ =	swait.ge [sflag:s17], $0x4000  }
0x21: {  	[sflag:s17] =	ssyncset.done $0x0  }
0x22: {  	[sflag:s17] =	ssyncadd.s32 $0xFFFFC000  }
0x23: {  	[spmem:s2] =	stream.indirect.scatter.add.f32 [tilespmem:s16], [sflag:$0x2], $0x80, s14, s15, $0xb8;
	[tilespmem:$0x17D00] =	vst v63  }
0x24: {  	_ =	swait.ge [sflag:s12], $0x4000  }
0x25: {  	s20 =	simm.s32 $0x20;
	s19 =	simm.s32 $0x10;
	[sflag:s12] =	ssyncset.done $0x0  }
.LBB2_2:
0x26: {  	s21 =	sadd.s32 s19, s10  }
0x27: {  	[sflag:s12] =	ssyncadd.s32 $0xFFFFC000;
	s22 =	smov.u32 s20;
	s23 =	sadd.s32 $0x10, s20  }
0x28: {  	[tilespmem:s13], [sflag:$0x2] =	stream.linear.gather [hbm4b:s21+s3], $0x80, $0x38;
	[tilespmem:$0x17D00] =	vst v63  }
0x29: {  	p0 =	sne.s32 s20, $0x4E0;
	_ =	swait.ge [sflag:s12], $0x80  }
0x2a: {  	[sflag:s12] =	ssyncset.done $0x0  }
0x2b: {  	s20 =	sadd.s32 s19, s9;
	s19 =	smov.u32 s22;
	[sflag:s12] =	ssyncadd.s32 $0xFFFFFF80  }
0x2c: {  	[tilespmem:s14], [sflag:$0x2] =	stream.linear.gather [hbm4b:s20+s3], $0x80, $0x38;
	[tilespmem:$0x17D00] =	vst v63  }
0x2d: {  	_ =	swait.ge [sflag:s12], $0x80  }
0x2e: {  	[sflag:s12] =	ssyncset.done $0x0  }
0x2f: {  	[sflag:s12] =	ssyncadd.s32 $0xFFFFFF80  }
0x30: {  	[tilespmem:s16], [sflag:$0x1] =	stream.indirect.gather [hbm4b:s4+s15], $0x80, s13, s15, $0xb8;
	[tilespmem:$0x17D00] =	vst v63  }
0x31: {  	_ =	swait.ge [sflag:s17], $0x4000  }
.Ltmp0:
0x32: {  	[sflag:s17] =	ssyncset.done $0x0;
	(pc) =	sbr.rel @p0 .LBB2_2-.Ltmp0, $4  }
0x33: {  	[sflag:s17] =	ssyncadd.s32 $0xFFFFC000  }
0x34: {  	[spmem:s2] =	stream.indirect.scatter.add.f32 [tilespmem:s16], [sflag:$0x2], $0x80, s14, s15, $0xb8;
	[tilespmem:$0x17D00] =	vst v63  }
0x35: {  	_ =	swait.ge [sflag:s12], $0x4000  }
0x36: {  	s20 =	smov.u32 s23;
	[sflag:s12] =	ssyncset.done $0x0  }
0x37: {  	s20 =	sadd.s32 s19, s10;
	[sflag:s12] =	ssyncadd.s32 $0xFFFFC000  }
0x38: {  	[tilespmem:s13], [sflag:$0x2] =	stream.linear.gather [hbm4b:s20+s3], $0x80, $0x38;
	[tilespmem:$0x17D00] =	vst v63  }
0x39: {  	_ =	swait.ge [sflag:s12], $0x80  }
0x3a: {  	[sflag:s12] =	ssyncset.done $0x0  }
0x3b: {  	s31 =	sadd.s32 s19, s9;
	[sflag:s12] =	ssyncadd.s32 $0xFFFFFF80  }
0x3c: {  	[tilespmem:s14], [sflag:$0x2] =	stream.linear.gather [hbm4b:s31+s3], $0x80, $0x38;
	[tilespmem:$0x17D00] =	vst v63  }
0x3d: {  	_ =	swait.ge [sflag:s12], $0x80  }
0x3e: {  	[sflag:s12] =	ssyncset.done $0x0  }
0x3f: {  	[sflag:s12] =	ssyncadd.s32 $0xFFFFFF80  }
0x40: {  	[tilespmem:s16], [sflag:$0x1] =	stream.indirect.gather [hbm4b:s4+s15], $0x80, s13, s15, $0xb8;
	[tilespmem:$0x17D00] =	vst v63  }
0x41: {  	_ =	swait.ge [sflag:s17], $0x4000  }
0x42: {  	[sflag:s17] =	ssyncset.done $0x0  }
0x43: {  	[sflag:s17] =	ssyncadd.s32 $0xFFFFC000  }
0x44: {  	[spmem:s2] =	stream.indirect.scatter.add.f32 [tilespmem:s16], [sflag:$0x2], $0x80, s14, s15, $0xb8;
	[tilespmem:$0x17D00] =	vst v63  }
0x45: {  	_ =	swait.ge [sflag:s12], $0x4000  }
0x46: {  	s18 =	sadd.s32 $0x1, s18;
	[sflag:s12] =	ssyncset.done $0x0  }
0x47: {  	p0 =	sne.s32 s18, s8;
	[sflag:s12] =	ssyncadd.s32 $0xFFFFC000  }
.Ltmp1:
0x48: {  	[bflag:$0x0] =	sbarrier.arrive $0xFFFF;
	(pc) =	sbr.rel @p0 .LBB2_1-.Ltmp1, $4  }
0x49: {  	[hbm:s7], [sflag:s6] =	dma.local [spmem:s11], $0x2780  }
0x4a: {  	_ =	swait.ge [sflag:s12], $0x2780  }
0x4b: {  	[sflag:s12] =	ssyncset.done $0x0  }
0x4c: {  	[sflag:s12] =	ssyncadd.s32 $0xFFFFD880  }
0x4d: {  	_ =	sfence.sel $0x180000  }
0x4e: {  	[bflag:$0x0] =	sbarrier.arrive $0xFFFF  }
0x4f: {  	p0 =	sne.s32 s1, $0x0;
	_ =	strace $0x9000005F  }
0x50: {  	s0 =	sadd.s32 @!p0 $0x100000, s0;
	[bflag:$0x2] =	sbarrier.arrive $0xFFFF  }
0x51: {  	[sflag:s0] =	ssyncadd.tile.s32 @!p0 $0x1;
	_ =	shalt  }
.Lfunc_end2:
_tile_overlayer_lowered:
.L_overlay_start_2:
0x52: {  	(tag) =	ssettag $0x2  }
0x53: {  	s0 =	rddreg [dreg:$0x0];
	s2 =	stileid.u32  }
0x54: {  	s1 =	rddreg [dreg:$0x1];
	p0 =	sne.s32 s2, $0x0  }
0x55: {  	s3 =	rddreg [dreg:$0x2];
	[bflag:$0x3] =	sbarrier.arrive $0xFFFF;
	s2 =	simm.s32 @!p0 $0x1C02  }
0x56: {  	[timem:s3], [sflag:s2] =	dma.local @!p0 [hbm:s0], s1  }
0x57: {  	s0 =	simm.s32 @!p0 $0x2  }
0x58: {  	_ =	swait.ge @!p0 [sflag:s0], s1  }
0x59: {  	s1 =	ssub.s32 @!p0 $0x0, s1;
	[sflag:s0] =	ssyncset.done @!p0 $0x0  }
0x5a: {  	[sflag:s0] =	ssyncadd.s32 @!p0 s1  }
0x5b: {  	[bflag:$0x3] =	sbarrier.arrive $0xFFFF  }
0x5c: {  	_ =	shalt  }

// kernel: kernel.52.cloned.1.call-start
scs
__scs_entry_jumppad:
0x0: {  	(pc) =	sbr.rel $0x88, $3  }
0x1: {  	(tag) =	ssettag $0x0;
	lr =	simm.s32 $0x1  }
0x2: {  	[smem:$0x3F9B] =	sst lr;
	_ =	strace $0xD0000000  }
0x3: {  	_ = 	snop  }
0x4: {  	_ = 	snop  }
0x5: {  	_ = 	snop  }
0x6: {  	_ = 	snop  }
0x7: {  	_ = 	snop  }
__scs_overlays_trampoline_lowered:
0x8: {  	[smem:$0x3FAA] =	sst s0  }
0x9: {  	[smem:$0x3FAB] =	sst s1  }
0xa: {  	[smem:$0x3FAC] =	sst s2  }
0xb: {  	[smem:$0x3FAD] =	sst s3  }
0xc: {  	[smem:$0x3FAE] =	sst s4  }
0xd: {  	[smem:$0x3FAF] =	sst s5  }
0xe: {  	[smem:$0x3FB0] =	sst s6  }
0xf: {  	[smem:$0x3FB1] =	sst s7  }
0x10: {  	[smem:$0x3FB2] =	sst s8  }
0x11: {  	[smem:$0x3FB3] =	sst s9;
	s0 =	simm.s32 @!p0 $0x0  }
0x12: {  	s1 =	sld [smem:$0x3F99];
	s0 =	simm.s32 @p0 $0x1  }
0x13: {  	[smem:$0x3FB4] =	sst s0;
	s0 =	simm.s32 @!p1 $0x0  }
0x14: {  	s2 =	sld [smem:$0x3F98];
	s0 =	simm.s32 @p1 $0x1  }
0x15: {  	[smem:$0x3FB5] =	sst s0;
	s0 =	simm.s32 @!p2 $0x0  }
0x16: {  	s3 =	sld [smem:$0x3FDB];
	s0 =	simm.s32 @p2 $0x1  }
0x17: {  	s4 =	simm.s32 $0x1BF5;
	[smem:$0x3FB7] =	sst s0  }
0x18: {  	s0 =	sld [smem:$0x3F9A];
	_ =	swait.ge [sflag:s4], $0x0  }
0x19: {  	s7 =	sld [smem:$0x3F9B]  }
0x1a: {  	s8 =	sadd.s32 $0xFFFFE003, lr  }
0x1b: {  	s9 =	sadd.s32 $0xFFFFFEF7, lr;
	s5 =	simm.s32 $0xFFFFFFFF;
	p2 =	slt.u32 s8, $0xFFFFF086  }
0x1c: {  	p1 =	slt.u32 s9, $0xF7A;
	s5 =	simm.s32 @!p2 $0x0  }
0x1d: {  	s5 =	simm.s32 @p1 $0x1;
	p0 =	seq.s32 s7, s2  }
0x1e: {  	s7 =	smul.u32 @!p0 $0xF7A, s2;
	p2 =	seq.s32 @!p0 s5, $0x0  }
0x1f: {  	s9 =	smul.u32 $0xF7A, s1;
	s8 =	simm.s32 @!p0 $0x1BF5;
	p2 =	por !p2, p0  }
0x20: {  	[sflag:s8] =	ssyncset.s32 @!p0 $0xFFFFF086;
	s6 =	sadd.s32 @!p0 s3, s7;
	s7 =	simm.s32 @!p0 $0x108  }
0x21: {  	s3 =	sadd.s32 s3, s9;
	s6 =	sadd.s32 @!p0 $0x88, s6;
	s7 =	simm.s32 @p2 $0x1082  }
0x22: {  	[simem:s7], [sflag:s8] =	dma.local @!p0 [hbm:s6], $0xF7A  }
0x23: {  	s9 =	sor.u32 $0xD0000000, s2;
	s6 =	simm.s32 $0x108;
	_ =	swait.ge @!p0 [sflag:s8], $0x0  }
0x24: {  	s3 =	sadd.s32 $0x88, s3;
	s6 =	simm.s32 @!p1 $0x1082;
	[sflag:s4] =	ssyncset.s32 $0xFFFFF086  }
0x25: {  	[simem:s6], [sflag:s4] =	dma.local [hbm:s3], $0xF7A  }
0x26: {  	[smem:$0x3F9B] =	sst s1;
	(tag) =	ssettag s2;
	_ =	strace s9  }
0x27: {  	s1 =	sld [smem:$0x3FAB]  }
0x28: {  	s2 =	sld [smem:$0x3FAC]  }
0x29: {  	s4 =	sld [smem:$0x3FAE]  }
0x2a: {  	p0 =	seq.s32 s5, $0x0;
	s5 =	sld [smem:$0x3FAF]  }
0x2b: {  	s6 =	sld [smem:$0x3FB0]  }
0x2c: {  	s7 =	sld [smem:$0x3FB1]  }
0x2d: {  	s3 =	simm.s32 $0x108;
	s8 =	sld [smem:$0x3FB2]  }
0x2e: {  	s3 =	simm.s32 @!p0 $0x1082;
	s9 =	sld [smem:$0x3FB3]  }
0x2f: {  	lr =	sadd.s32 s0, s3;
	s0 =	sld [smem:$0x3FAA]  }
0x30: {  	s3 =	sld [smem:$0x3FAD]  }
0x31: {  	[smem:$0x3FB6] =	sst s10  }
0x32: {  	s10 =	sld [smem:$0x3FB4];
	_ =	sdelay $0x3  }
0x33: {  	p0 =	seq.s32 s10, $0x1;
	s10 =	sld [smem:$0x3FB6];
	_ =	sdelay $0x3  }
0x34: {  	[smem:$0x3FB6] =	sst s10  }
0x35: {  	s10 =	sld [smem:$0x3FB5];
	_ =	sdelay $0x3  }
0x36: {  	p1 =	seq.s32 s10, $0x1;
	s10 =	sld [smem:$0x3FB6];
	_ =	sdelay $0x3  }
0x37: {  	[smem:$0x3FB6] =	sst s10  }
0x38: {  	s10 =	sld [smem:$0x3FB7]  }
0x39: {  	_ = 	snop;
	(pc) =	sbr.ind lr, $3  }
0x3a: {  	_ = 	snop  }
0x3b: {  	_ = 	snop  }
0x3c: {  	p2 =	seq.s32 s10, $0x1;
	s10 =	sld [smem:$0x3FB6]  }
0x3d: {  	_ =	shalt  }
0x3e: {  	_ =	shalt  }
0x3f: {  	_ =	shalt  }
0x40: {  	_ =	shalt  }
0x41: {  	_ =	shalt  }
0x42: {  	_ =	shalt  }
0x43: {  	_ =	shalt  }
0x44: {  	_ =	shalt  }
0x45: {  	_ =	shalt  }
0x46: {  	_ =	shalt  }
0x47: {  	_ =	shalt  }
0x48: {  	_ =	shalt  }
0x49: {  	_ =	shalt  }
0x4a: {  	_ =	shalt  }
0x4b: {  	_ =	shalt  }
0x4c: {  	_ =	shalt  }
0x4d: {  	_ =	shalt  }
0x4e: {  	_ =	shalt  }
0x4f: {  	_ =	shalt  }
0x50: {  	_ =	shalt  }
0x51: {  	_ =	shalt  }
0x52: {  	_ =	shalt  }
0x53: {  	_ =	shalt  }
0x54: {  	_ =	shalt  }
0x55: {  	_ =	shalt  }
0x56: {  	_ =	shalt  }
0x57: {  	_ =	shalt  }
0x58: {  	_ =	shalt  }
0x59: {  	_ =	shalt  }
0x5a: {  	_ =	shalt  }
0x5b: {  	_ =	shalt  }
0x5c: {  	_ =	shalt  }
0x5d: {  	_ =	shalt  }
0x5e: {  	_ =	shalt  }
0x5f: {  	_ =	shalt  }
0x60: {  	_ =	shalt  }
0x61: {  	_ =	shalt  }
0x62: {  	_ =	shalt  }
0x63: {  	_ =	shalt  }
0x64: {  	_ =	shalt  }
0x65: {  	_ =	shalt  }
0x66: {  	_ =	shalt  }
0x67: {  	_ =	shalt  }
0x68: {  	_ =	shalt  }
0x69: {  	_ =	shalt  }
0x6a: {  	_ =	shalt  }
0x6b: {  	_ =	shalt  }
0x6c: {  	_ =	shalt  }
0x6d: {  	_ =	shalt  }
0x6e: {  	_ =	shalt  }
0x6f: {  	_ =	shalt  }
0x70: {  	_ =	shalt  }
0x71: {  	_ =	shalt  }
0x72: {  	_ =	shalt  }
0x73: {  	_ =	shalt  }
0x74: {  	_ =	shalt  }
0x75: {  	_ =	shalt  }
0x76: {  	_ =	shalt  }
0x77: {  	_ =	shalt  }
0x78: {  	_ =	shalt  }
0x79: {  	_ =	shalt  }
0x7a: {  	_ =	shalt  }
0x7b: {  	_ =	shalt  }
0x7c: {  	_ =	shalt  }
0x7d: {  	_ =	shalt  }
0x7e: {  	_ =	shalt  }
0x7f: {  	_ =	shalt  }
0x80: {  	_ =	shalt  }
0x81: {  	_ =	shalt  }
0x82: {  	_ =	shalt  }
0x83: {  	_ =	shalt  }
0x84: {  	_ =	shalt  }
0x85: {  	_ =	shalt  }
0x86: {  	_ =	shalt  }
0x87: {  	_ =	shalt  }
.Lfunc_end0:
.L_simem_size_0:
called_computation.9_lowered:
.L_overlay_start_0:
0x88: {  	s2 =	sld [smem:$0x3FD9]  }
0x89: {  	s3 =	sld [smem:$0x3FFE];
	_ =	sdelay $0x1  }
0x8a: {  	s1 =	srdreg.scid  }
0x8b: {  	s0 =	sand.u32 $0x1, s1  }
0x8c: {  	s17 =	sshll.u32 s0, $0xA;
	s2 =	sadd.s32 s3, s2  }
0x8d: {  	s2 =	sadd.s32 s2, s17  }
0x8e: {  	[smem:$0x3FC2] =	sst s2  }
0x8f: {  	_ = 	snop  }
0x90: {  	s2 =	sld [smem:$0x3FD0];
	(tm) =	ssettm $0x1  }
0x91: {  	s18 =	sld [smem:$0x3FFB];
	_ =	sdelay $0x3  }
0x92: {  	_ =	strace s18  }
0x93: {  	s3 =	sld [smem:$0x3FFC];
	_ =	sdelay $0x3  }
0x94: {  	_ =	strace s3  }
0x95: {  	s3 =	sld [smem:$0x3FFD];
	_ =	sdelay $0x3  }
0x96: {  	_ =	strace s3  }
0x97: {  	_ =	strace $0x8FFFFFFF  }
0x98: {  	s19 =	sld [smem:$0x3FDB];
	_ =	sdelay $0x1  }
0x99: {  	s4 =	simm.s32 $_scs_section_size  }
0x9a: {  	s5 =	simm.s32 $_size__tile_overlayer_lowered;
	s6 =	simm.s32 $_tile_overlayer_lowered  }
0x9b: {  	s22 =	simm.s32 $0x1BFF;
	s21 =	sshll.u32 s6, $0x1;
	s3 =	sadd.s32 s4, s19  }
0x9c: {  	s7 =	simm.s32 $0x0;
	s20 =	sshll.u32 s5, $0x1;
	s5 =	sadd.s32 s21, s3  }
0x9d: {  	[timem:s7], [sflag:s22] =	dma.local [hbm:s5], s20  }
0x9e: {  	_ =	swait.ge [sflag:s22], s20  }
0x9f: {  	s4 =	ssub.s32 $0x0, s20;
	[sflag:s22] =	ssyncset.done $0x0  }
0xa0: {  	[sflag:s22] =	ssyncadd.s32 s4;
	_ =	sdelay $0x1  }
0xa1: {  	s23 =	simm.s32 $0x1B8B  }
0xa2: {  	_ =	swait.ge [sflag:s23], $0x1  }
0xa3: {  	[sflag:s23] =	ssyncset.done $0x0  }
0xa4: {  	s25 =	simm.s32 $0x1B8E;
	s24 =	sld [smem:$0x3FFE];
	[sflag:s23] =	ssyncadd.s32 $0xFFFFFFFF  }
0xa5: {  	s26 =	simm.s32 $execute0_lowered;
	[smem:$0x3FD2] =	sst s25  }
0xa6: {  	s5 =	sshll.u32 s26, $0x1;
	_ =	strace $0x80000061;
	[dreg:$0x1] =	wrdreg $0xFFFFFFFF  }
0xa7: {  	s28 =	simm.s32 $_size_execute0_lowered;
	s3 =	sadd.s32 s3, s5;
	[dreg:$0x0] =	wrdreg $0x0  }
0xa8: {  	s5 =	sshll.u32 s28, $0x1;
	[dreg:$0x2] =	wrdreg s3  }
0xa9: {  	[dreg:$0x3] =	wrdreg s5  }
0xaa: {  	[dreg:$0x4] =	wrdreg $0xC0  }
0xab: {  	_ =	task [dreg:s7], $0x5FFFF  }
0xac: {  	[dreg:$0x1] =	wrdreg $0xFFFFFFFF  }
0xad: {  	[dreg:$0x0] =	wrdreg $0x60  }
0xae: {  	[dreg:$0x2] =	wrdreg s24  }
0xaf: {  	[dreg:$0x3] =	wrdreg s2  }
0xb0: {  	[dreg:$0x4] =	wrdreg $0x0  }
0xb1: {  	[dreg:$0x5] =	wrdreg $0x9  }
0xb2: {  	_ =	task.clear_ibuf [dreg:s7], $0x6FFFF;
	_ =	strace $0x90000061  }
0xb3: {  	s29 =	simm.s32 $0x9;
	_ =	strace $0x80000063  }
0xb4: {  	_ =	swait.ge [sflag:s29], $0x1  }
0xb5: {  	[sflag:s29] =	ssyncadd.s32 $0xFFFFFFFF  }
0xb6: {  	_ =	strace $0x90000063  }
0xb7: {  	_ =	sfence  }
0xb8: {  	s30 =	sld [smem:$0x0];
	_ =	sdelay $0x2  }
0xb9: {  	s31 =	sshll.u32 s1, $0xD;
	s1 =	sshrl.u32 s1, $0x2  }
0xba: {  	s3 =	sand.u32 $0x4000, s31;
	s1 =	sadd.s32 s1, s30  }
0xbb: {  	s0 =	sor.u32 s3, s0;
	s1 =	sshll.u32 s1, $0x11  }
0xbc: {  	s0 =	sor.u32 s1, s0  }
0xbd: {  	s0 =	sadd.s32 $0x8F2B, s0  }
0xbe: {  	[sflag:s0] =	ssyncadd.remote.s32 $0x1  }
0xbf: {  	_ =	sfence.sel $0xFFFF  }
0xc0: {  	[dreg:$0x0] =	wrdreg $0xFFFFFFFF;
	(pc) =	sbr.abs _section_cstart, $3  }
0xc1: {  	[dreg:$0x1] =	wrdreg $0xFFFFFFFF  }
0xc2: {  	_ =	task.clear_ibuf [dreg:s7], $0x2FFFF;
	_ =	strace $0x9FFFFFFF  }
0xc3: {  	(tm) =	ssettm $0x7FFFFFFF  }
tec
execute0_lowered:
.L_overlay_start_1:
0x0: {  	(tag) =	ssettag $0x1  }
0x1: {  	s5 =	rddreg [dreg:$0x0]  }
0x2: {  	s8 =	rddreg [dreg:$0x1]  }
0x3: {  	s2 =	rddreg [dreg:$0x2]  }
0x4: {  	s0 =	rddreg [dreg:$0x3];
	s1 =	stileid.u32  }
0x5: {  	s3 =	simm.s32 $0x0;
	s4 =	srdreg.scid;
	s16 =	simm.s32 $0x13D00  }
0x6: {  	s17 =	simm.s32 $0x1;
	s18 =	simm.s32 $0x0;
	s9 =	smul.u32 $0x9E0, s1  }
0x7: {  	[smem:$0x7FF] =	sst s3;
	s6 =	smul.u32 $0x13C00, s1;
	s7 =	sand.u32 $0x1, s4  }
0x8: {  	s4 =	sadd.s32 $0x2E800, s5;
	s13 =	smul.u32 $0x4F000, s1;
	s29 =	sshll.u32 s1, $0x6  }
0x9: {  	_ =	strace $0x80000062;
	s10 =	smul.u32 $0x13C000, s7;
	s28 =	ssub.s32 $0x2, s7  }
0xa: {  	s30 =	smul.u32 $0x4F0, s7;
	s11 =	sadd.s32 s9, s5;
	s12 =	sshrl.u32 s6, $0x3  }
0xb: {  	s14 =	sshrl.u32 s28, $0x1;
	s13 =	sshrl.u32 s13, $0x2;
	s9 =	sadd.s32 s9, s8  }
0xc: {  	s12 =	sadd.s32 s12, s5;
	s6 =	sadd.s32 s6, s10;
	s10 =	ssub.s32 s28, s14  }
0xd: {  	s13 =	sadd.s32 s13, s2;
	s9 =	sadd.s32 s30, s9;
	s31 =	sadd.s32 s30, s11  }
0xe: {  	s14 =	simm.s32 $0x13C80;
	s6 =	sshrl.u32 s6, $0x3;
	s8 =	smax.u32 s10, $0x1  }
0xf: {  	s10 =	sadd.s32 $0x7D800, s31;
	s11 =	sshrl.u32 s13, $0x3;
	s13 =	simm.s32 $0x13C00  }
0x10: {  	s15 =	sadd.s32 s6, s5;
	s5 =	sadd.s32 $0x7000, s12;
	s6 =	sor.u32 $0x1C02, s29  }
0x11: {  	s12 =	simm.s32 $0x2;
	s7 =	sadd.s32 $0x87600, s15;
	s15 =	simm.s32 $0x80  }
.LBB2_1:
0x12: {  	[spmem:s11], [sflag:s6] =	dma.local [hbm:s5], $0x2780  }
0x13: {  	_ =	swait.ge [sflag:s12], $0x2780  }
0x14: {  	[sflag:s12] =	ssyncset.done $0x0  }
0x15: {  	[sflag:s12] =	ssyncadd.s32 $0xFFFFD880  }
0x16: {  	s19 =	sadd.s32 $0x0, s10;
	[bflag:$0x0] =	sbarrier.arrive $0xFFFF  }
0x17: {  	[tilespmem:s13], [sflag:$0x2] =	stream.linear.gather [hbm4b:s19+s3], $0x80, $0x38;
	[tilespmem:$0x17D00] =	vst v63  }
0x18: {  	_ =	swait.ge [sflag:s12], $0x80  }
0x19: {  	[sflag:s12] =	ssyncset.done $0x0  }
0x1a: {  	s31 =	sadd.s32 $0x0, s9;
	[sflag:s12] =	ssyncadd.s32 $0xFFFFFF80  }
0x1b: {  	[tilespmem:s14], [sflag:$0x2] =	stream.linear.gather [hbm4b:s31+s3], $0x80, $0x38;
	[tilespmem:$0x17D00] =	vst v63  }
0x1c: {  	_ =	swait.ge [sflag:s12], $0x80  }
0x1d: {  	[sflag:s12] =	ssyncset.done $0x0  }
0x1e: {  	[sflag:s12] =	ssyncadd.s32 $0xFFFFFF80  }
0x1f: {  	[tilespmem:s16], [sflag:$0x1] =	stream.indirect.gather [hbm4b:s4+s15], $0x80, s13, s15, $0xb8;
	[tilespmem:$0x17D00] =	vst v63  }
0x20: {  	_ =	swait.ge [sflag:s17], $0x4000  }
0x21: {  	[sflag:s17] =	ssyncset.done $0x0  }
0x22: {  	[sflag:s17] =	ssyncadd.s32 $0xFFFFC000  }
0x23: {  	[spmem:s2] =	stream.indirect.scatter.add.f32 [tilespmem:s16], [sflag:$0x2], $0x80, s14, s15, $0xb8;
	[tilespmem:$0x17D00] =	vst v63  }
0x24: {  	_ =	swait.ge [sflag:s12], $0x4000  }
0x25: {  	s20 =	simm.s32 $0x20;
	s19 =	simm.s32 $0x10;
	[sflag:s12] =	ssyncset.done $0x0  }
.LBB2_2:
0x26: {  	s21 =	sadd.s32 s19, s10  }
0x27: {  	[sflag:s12] =	ssyncadd.s32 $0xFFFFC000;
	s22 =	smov.u32 s20;
	s23 =	sadd.s32 $0x10, s20  }
0x28: {  	[tilespmem:s13], [sflag:$0x2] =	stream.linear.gather [hbm4b:s21+s3], $0x80, $0x38;
	[tilespmem:$0x17D00] =	vst v63  }
0x29: {  	p0 =	sne.s32 s20, $0x4E0;
	_ =	swait.ge [sflag:s12], $0x80  }
0x2a: {  	[sflag:s12] =	ssyncset.done $0x0  }
0x2b: {  	s20 =	sadd.s32 s19, s9;
	s19 =	smov.u32 s22;
	[sflag:s12] =	ssyncadd.s32 $0xFFFFFF80  }
0x2c: {  	[tilespmem:s14], [sflag:$0x2] =	stream.linear.gather [hbm4b:s20+s3], $0x80, $0x38;
	[tilespmem:$0x17D00] =	vst v63  }
0x2d: {  	_ =	swait.ge [sflag:s12], $0x80  }
0x2e: {  	[sflag:s12] =	ssyncset.done $0x0  }
0x2f: {  	[sflag:s12] =	ssyncadd.s32 $0xFFFFFF80  }
0x30: {  	[tilespmem:s16], [sflag:$0x1] =	stream.indirect.gather [hbm4b:s4+s15], $0x80, s13, s15, $0xb8;
	[tilespmem:$0x17D00] =	vst v63  }
0x31: {  	_ =	swait.ge [sflag:s17], $0x4000  }
.Ltmp0:
0x32: {  	[sflag:s17] =	ssyncset.done $0x0;
	(pc) =	sbr.rel @p0 .LBB2_2-.Ltmp0, $4  }
0x33: {  	[sflag:s17] =	ssyncadd.s32 $0xFFFFC000  }
0x34: {  	[spmem:s2] =	stream.indirect.scatter.add.f32 [tilespmem:s16], [sflag:$0x2], $0x80, s14, s15, $0xb8;
	[tilespmem:$0x17D00] =	vst v63  }
0x35: {  	_ =	swait.ge [sflag:s12], $0x4000  }
0x36: {  	s20 =	smov.u32 s23;
	[sflag:s12] =	ssyncset.done $0x0  }
0x37: {  	s20 =	sadd.s32 s19, s10;
	[sflag:s12] =	ssyncadd.s32 $0xFFFFC000  }
0x38: {  	[tilespmem:s13], [sflag:$0x2] =	stream.linear.gather [hbm4b:s20+s3], $0x80, $0x38;
	[tilespmem:$0x17D00] =	vst v63  }
0x39: {  	_ =	swait.ge [sflag:s12], $0x80  }
0x3a: {  	[sflag:s12] =	ssyncset.done $0x0  }
0x3b: {  	s31 =	sadd.s32 s19, s9;
	[sflag:s12] =	ssyncadd.s32 $0xFFFFFF80  }
0x3c: {  	[tilespmem:s14], [sflag:$0x2] =	stream.linear.gather [hbm4b:s31+s3], $0x80, $0x38;
	[tilespmem:$0x17D00] =	vst v63  }
0x3d: {  	_ =	swait.ge [sflag:s12], $0x80  }
0x3e: {  	[sflag:s12] =	ssyncset.done $0x0  }
0x3f: {  	[sflag:s12] =	ssyncadd.s32 $0xFFFFFF80  }
0x40: {  	[tilespmem:s16], [sflag:$0x1] =	stream.indirect.gather [hbm4b:s4+s15], $0x80, s13, s15, $0xb8;
	[tilespmem:$0x17D00] =	vst v63  }
0x41: {  	_ =	swait.ge [sflag:s17], $0x4000  }
0x42: {  	[sflag:s17] =	ssyncset.done $0x0  }
0x43: {  	[sflag:s17] =	ssyncadd.s32 $0xFFFFC000  }
0x44: {  	[spmem:s2] =	stream.indirect.scatter.add.f32 [tilespmem:s16], [sflag:$0x2], $0x80, s14, s15, $0xb8;
	[tilespmem:$0x17D00] =	vst v63  }
0x45: {  	_ =	swait.ge [sflag:s12], $0x4000  }
0x46: {  	s18 =	sadd.s32 $0x1, s18;
	[sflag:s12] =	ssyncset.done $0x0  }
0x47: {  	p0 =	sne.s32 s18, s8;
	[sflag:s12] =	ssyncadd.s32 $0xFFFFC000  }
.Ltmp1:
0x48: {  	[bflag:$0x0] =	sbarrier.arrive $0xFFFF;
	(pc) =	sbr.rel @p0 .LBB2_1-.Ltmp1, $4  }
0x49: {  	[hbm:s7], [sflag:s6] =	dma.local [spmem:s11], $0x2780  }
0x4a: {  	_ =	swait.ge [sflag:s12], $0x2780  }
0x4b: {  	[sflag:s12] =	ssyncset.done $0x0  }
0x4c: {  	[sflag:s12] =	ssyncadd.s32 $0xFFFFD880  }
0x4d: {  	_ =	sfence.sel $0x180000  }
0x4e: {  	[bflag:$0x0] =	sbarrier.arrive $0xFFFF  }
0x4f: {  	p0 =	sne.s32 s1, $0x0;
	_ =	strace $0x90000062  }
0x50: {  	s0 =	sadd.s32 @!p0 $0x100000, s0;
	[bflag:$0x2] =	sbarrier.arrive $0xFFFF  }
0x51: {  	[sflag:s0] =	ssyncadd.tile.s32 @!p0 $0x1;
	_ =	shalt  }
.Lfunc_end2:
_tile_overlayer_lowered:
.L_overlay_start_2:
0x52: {  	(tag) =	ssettag $0x2  }
0x53: {  	s0 =	rddreg [dreg:$0x0];
	s2 =	stileid.u32  }
0x54: {  	s1 =	rddreg [dreg:$0x1];
	p0 =	sne.s32 s2, $0x0  }
0x55: {  	s3 =	rddreg [dreg:$0x2];
	[bflag:$0x3] =	sbarrier.arrive $0xFFFF;
	s2 =	simm.s32 @!p0 $0x1C02  }
0x56: {  	[timem:s3], [sflag:s2] =	dma.local @!p0 [hbm:s0], s1  }
0x57: {  	s0 =	simm.s32 @!p0 $0x2  }
0x58: {  	_ =	swait.ge @!p0 [sflag:s0], s1  }
0x59: {  	s1 =	ssub.s32 @!p0 $0x0, s1;
	[sflag:s0] =	ssyncset.done @!p0 $0x0  }
0x5a: {  	[sflag:s0] =	ssyncadd.s32 @!p0 s1  }
0x5b: {  	[bflag:$0x3] =	sbarrier.arrive $0xFFFF  }
0x5c: {  	_ =	shalt  }

// kernel: kernel.55.cloned.1.call-start
scs
__scs_entry_jumppad:
0x0: {  	(pc) =	sbr.rel $0x88, $3  }
0x1: {  	(tag) =	ssettag $0x0;
	lr =	simm.s32 $0x1  }
0x2: {  	[smem:$0x3F9B] =	sst lr;
	_ =	strace $0xD0000000  }
0x3: {  	_ = 	snop  }
0x4: {  	_ = 	snop  }
0x5: {  	_ = 	snop  }
0x6: {  	_ = 	snop  }
0x7: {  	_ = 	snop  }
__scs_overlays_trampoline_lowered:
0x8: {  	[smem:$0x3FAA] =	sst s0  }
0x9: {  	[smem:$0x3FAB] =	sst s1  }
0xa: {  	[smem:$0x3FAC] =	sst s2  }
0xb: {  	[smem:$0x3FAD] =	sst s3  }
0xc: {  	[smem:$0x3FAE] =	sst s4  }
0xd: {  	[smem:$0x3FAF] =	sst s5  }
0xe: {  	[smem:$0x3FB0] =	sst s6  }
0xf: {  	[smem:$0x3FB1] =	sst s7  }
0x10: {  	[smem:$0x3FB2] =	sst s8  }
0x11: {  	[smem:$0x3FB3] =	sst s9;
	s0 =	simm.s32 @!p0 $0x0  }
0x12: {  	s1 =	sld [smem:$0x3F99];
	s0 =	simm.s32 @p0 $0x1  }
0x13: {  	[smem:$0x3FB4] =	sst s0;
	s0 =	simm.s32 @!p1 $0x0  }
0x14: {  	s2 =	sld [smem:$0x3F98];
	s0 =	simm.s32 @p1 $0x1  }
0x15: {  	[smem:$0x3FB5] =	sst s0;
	s0 =	simm.s32 @!p2 $0x0  }
0x16: {  	s3 =	sld [smem:$0x3FDB];
	s0 =	simm.s32 @p2 $0x1  }
0x17: {  	s4 =	simm.s32 $0x1BF5;
	[smem:$0x3FB7] =	sst s0  }
0x18: {  	s0 =	sld [smem:$0x3F9A];
	_ =	swait.ge [sflag:s4], $0x0  }
0x19: {  	s7 =	sld [smem:$0x3F9B]  }
0x1a: {  	s8 =	sadd.s32 $0xFFFFE003, lr  }
0x1b: {  	s9 =	sadd.s32 $0xFFFFFEF7, lr;
	s5 =	simm.s32 $0xFFFFFFFF;
	p2 =	slt.u32 s8, $0xFFFFF086  }
0x1c: {  	p1 =	slt.u32 s9, $0xF7A;
	s5 =	simm.s32 @!p2 $0x0  }
0x1d: {  	s5 =	simm.s32 @p1 $0x1;
	p0 =	seq.s32 s7, s2  }
0x1e: {  	s7 =	smul.u32 @!p0 $0xF7A, s2;
	p2 =	seq.s32 @!p0 s5, $0x0  }
0x1f: {  	s9 =	smul.u32 $0xF7A, s1;
	s8 =	simm.s32 @!p0 $0x1BF5;
	p2 =	por !p2, p0  }
0x20: {  	[sflag:s8] =	ssyncset.s32 @!p0 $0xFFFFF086;
	s6 =	sadd.s32 @!p0 s3, s7;
	s7 =	simm.s32 @!p0 $0x108  }
0x21: {  	s3 =	sadd.s32 s3, s9;
	s6 =	sadd.s32 @!p0 $0x88, s6;
	s7 =	simm.s32 @p2 $0x1082  }
0x22: {  	[simem:s7], [sflag:s8] =	dma.local @!p0 [hbm:s6], $0xF7A  }
0x23: {  	s9 =	sor.u32 $0xD0000000, s2;
	s6 =	simm.s32 $0x108;
	_ =	swait.ge @!p0 [sflag:s8], $0x0  }
0x24: {  	s3 =	sadd.s32 $0x88, s3;
	s6 =	simm.s32 @!p1 $0x1082;
	[sflag:s4] =	ssyncset.s32 $0xFFFFF086  }
0x25: {  	[simem:s6], [sflag:s4] =	dma.local [hbm:s3], $0xF7A  }
0x26: {  	[smem:$0x3F9B] =	sst s1;
	(tag) =	ssettag s2;
	_ =	strace s9  }
0x27: {  	s1 =	sld [smem:$0x3FAB]  }
0x28: {  	s2 =	sld [smem:$0x3FAC]  }
0x29: {  	s4 =	sld [smem:$0x3FAE]  }
0x2a: {  	p0 =	seq.s32 s5, $0x0;
	s5 =	sld [smem:$0x3FAF]  }
0x2b: {  	s6 =	sld [smem:$0x3FB0]  }
0x2c: {  	s7 =	sld [smem:$0x3FB1]  }
0x2d: {  	s3 =	simm.s32 $0x108;
	s8 =	sld [smem:$0x3FB2]  }
0x2e: {  	s3 =	simm.s32 @!p0 $0x1082;
	s9 =	sld [smem:$0x3FB3]  }
0x2f: {  	lr =	sadd.s32 s0, s3;
	s0 =	sld [smem:$0x3FAA]  }
0x30: {  	s3 =	sld [smem:$0x3FAD]  }
0x31: {  	[smem:$0x3FB6] =	sst s10  }
0x32: {  	s10 =	sld [smem:$0x3FB4];
	_ =	sdelay $0x3  }
0x33: {  	p0 =	seq.s32 s10, $0x1;
	s10 =	sld [smem:$0x3FB6];
	_ =	sdelay $0x3  }
0x34: {  	[smem:$0x3FB6] =	sst s10  }
0x35: {  	s10 =	sld [smem:$0x3FB5];
	_ =	sdelay $0x3  }
0x36: {  	p1 =	seq.s32 s10, $0x1;
	s10 =	sld [smem:$0x3FB6];
	_ =	sdelay $0x3  }
0x37: {  	[smem:$0x3FB6] =	sst s10  }
0x38: {  	s10 =	sld [smem:$0x3FB7]  }
0x39: {  	_ = 	snop;
	(pc) =	sbr.ind lr, $3  }
0x3a: {  	_ = 	snop  }
0x3b: {  	_ = 	snop  }
0x3c: {  	p2 =	seq.s32 s10, $0x1;
	s10 =	sld [smem:$0x3FB6]  }
0x3d: {  	_ =	shalt  }
0x3e: {  	_ =	shalt  }
0x3f: {  	_ =	shalt  }
0x40: {  	_ =	shalt  }
0x41: {  	_ =	shalt  }
0x42: {  	_ =	shalt  }
0x43: {  	_ =	shalt  }
0x44: {  	_ =	shalt  }
0x45: {  	_ =	shalt  }
0x46: {  	_ =	shalt  }
0x47: {  	_ =	shalt  }
0x48: {  	_ =	shalt  }
0x49: {  	_ =	shalt  }
0x4a: {  	_ =	shalt  }
0x4b: {  	_ =	shalt  }
0x4c: {  	_ =	shalt  }
0x4d: {  	_ =	shalt  }
0x4e: {  	_ =	shalt  }
0x4f: {  	_ =	shalt  }
0x50: {  	_ =	shalt  }
0x51: {  	_ =	shalt  }
0x52: {  	_ =	shalt  }
0x53: {  	_ =	shalt  }
0x54: {  	_ =	shalt  }
0x55: {  	_ =	shalt  }
0x56: {  	_ =	shalt  }
0x57: {  	_ =	shalt  }
0x58: {  	_ =	shalt  }
0x59: {  	_ =	shalt  }
0x5a: {  	_ =	shalt  }
0x5b: {  	_ =	shalt  }
0x5c: {  	_ =	shalt  }
0x5d: {  	_ =	shalt  }
0x5e: {  	_ =	shalt  }
0x5f: {  	_ =	shalt  }
0x60: {  	_ =	shalt  }
0x61: {  	_ =	shalt  }
0x62: {  	_ =	shalt  }
0x63: {  	_ =	shalt  }
0x64: {  	_ =	shalt  }
0x65: {  	_ =	shalt  }
0x66: {  	_ =	shalt  }
0x67: {  	_ =	shalt  }
0x68: {  	_ =	shalt  }
0x69: {  	_ =	shalt  }
0x6a: {  	_ =	shalt  }
0x6b: {  	_ =	shalt  }
0x6c: {  	_ =	shalt  }
0x6d: {  	_ =	shalt  }
0x6e: {  	_ =	shalt  }
0x6f: {  	_ =	shalt  }
0x70: {  	_ =	shalt  }
0x71: {  	_ =	shalt  }
0x72: {  	_ =	shalt  }
0x73: {  	_ =	shalt  }
0x74: {  	_ =	shalt  }
0x75: {  	_ =	shalt  }
0x76: {  	_ =	shalt  }
0x77: {  	_ =	shalt  }
0x78: {  	_ =	shalt  }
0x79: {  	_ =	shalt  }
0x7a: {  	_ =	shalt  }
0x7b: {  	_ =	shalt  }
0x7c: {  	_ =	shalt  }
0x7d: {  	_ =	shalt  }
0x7e: {  	_ =	shalt  }
0x7f: {  	_ =	shalt  }
0x80: {  	_ =	shalt  }
0x81: {  	_ =	shalt  }
0x82: {  	_ =	shalt  }
0x83: {  	_ =	shalt  }
0x84: {  	_ =	shalt  }
0x85: {  	_ =	shalt  }
0x86: {  	_ =	shalt  }
0x87: {  	_ =	shalt  }
.Lfunc_end0:
.L_simem_size_0:
called_computation.10_lowered:
.L_overlay_start_0:
0x88: {  	s2 =	sld [smem:$0x3FD9]  }
0x89: {  	s3 =	sld [smem:$0x3FFE];
	_ =	sdelay $0x1  }
0x8a: {  	s1 =	srdreg.scid  }
0x8b: {  	s0 =	sand.u32 $0x1, s1  }
0x8c: {  	s17 =	sshll.u32 s0, $0xA;
	s2 =	sadd.s32 s3, s2  }
0x8d: {  	s2 =	sadd.s32 s2, s17  }
0x8e: {  	[smem:$0x3FC2] =	sst s2  }
0x8f: {  	_ = 	snop  }
0x90: {  	s2 =	sld [smem:$0x3FD0];
	(tm) =	ssettm $0x1  }
0x91: {  	s18 =	sld [smem:$0x3FFB];
	_ =	sdelay $0x3  }
0x92: {  	_ =	strace s18  }
0x93: {  	s3 =	sld [smem:$0x3FFC];
	_ =	sdelay $0x3  }
0x94: {  	_ =	strace s3  }
0x95: {  	s3 =	sld [smem:$0x3FFD];
	_ =	sdelay $0x3  }
0x96: {  	_ =	strace s3  }
0x97: {  	_ =	strace $0x8FFFFFFF  }
0x98: {  	s19 =	sld [smem:$0x3FDB];
	_ =	sdelay $0x1  }
0x99: {  	s4 =	simm.s32 $_scs_section_size  }
0x9a: {  	s5 =	simm.s32 $_size__tile_overlayer_lowered;
	s6 =	simm.s32 $_tile_overlayer_lowered  }
0x9b: {  	s22 =	simm.s32 $0x1BFF;
	s21 =	sshll.u32 s6, $0x1;
	s3 =	sadd.s32 s4, s19  }
0x9c: {  	s7 =	simm.s32 $0x0;
	s20 =	sshll.u32 s5, $0x1;
	s5 =	sadd.s32 s21, s3  }
0x9d: {  	[timem:s7], [sflag:s22] =	dma.local [hbm:s5], s20  }
0x9e: {  	_ =	swait.ge [sflag:s22], s20  }
0x9f: {  	s4 =	ssub.s32 $0x0, s20;
	[sflag:s22] =	ssyncset.done $0x0  }
0xa0: {  	[sflag:s22] =	ssyncadd.s32 s4;
	_ =	sdelay $0x1  }
0xa1: {  	s23 =	simm.s32 $0x1B8B  }
0xa2: {  	_ =	swait.ge [sflag:s23], $0x1  }
0xa3: {  	[sflag:s23] =	ssyncset.done $0x0  }
0xa4: {  	s25 =	simm.s32 $0x1B8E;
	s24 =	sld [smem:$0x3FFE];
	[sflag:s23] =	ssyncadd.s32 $0xFFFFFFFF  }
0xa5: {  	s26 =	simm.s32 $execute0_lowered;
	[smem:$0x3FD2] =	sst s25  }
0xa6: {  	s5 =	sshll.u32 s26, $0x1;
	_ =	strace $0x80000064;
	[dreg:$0x1] =	wrdreg $0xFFFFFFFF  }
0xa7: {  	s28 =	simm.s32 $_size_execute0_lowered;
	s3 =	sadd.s32 s3, s5;
	[dreg:$0x0] =	wrdreg $0x0  }
0xa8: {  	s5 =	sshll.u32 s28, $0x1;
	[dreg:$0x2] =	wrdreg s3  }
0xa9: {  	[dreg:$0x3] =	wrdreg s5  }
0xaa: {  	[dreg:$0x4] =	wrdreg $0xC0  }
0xab: {  	_ =	task [dreg:s7], $0x5FFFF  }
0xac: {  	[dreg:$0x1] =	wrdreg $0xFFFFFFFF  }
0xad: {  	[dreg:$0x0] =	wrdreg $0x60  }
0xae: {  	[dreg:$0x2] =	wrdreg s24  }
0xaf: {  	[dreg:$0x3] =	wrdreg s2  }
0xb0: {  	[dreg:$0x4] =	wrdreg $0x0  }
0xb1: {  	[dreg:$0x5] =	wrdreg $0x9  }
0xb2: {  	_ =	task.clear_ibuf [dreg:s7], $0x6FFFF;
	_ =	strace $0x90000064  }
0xb3: {  	s29 =	simm.s32 $0x9;
	_ =	strace $0x80000066  }
0xb4: {  	_ =	swait.ge [sflag:s29], $0x1  }
0xb5: {  	[sflag:s29] =	ssyncadd.s32 $0xFFFFFFFF  }
0xb6: {  	_ =	strace $0x90000066  }
0xb7: {  	_ =	sfence  }
0xb8: {  	s30 =	sld [smem:$0x0];
	_ =	sdelay $0x2  }
0xb9: {  	s31 =	sshll.u32 s1, $0xD;
	s1 =	sshrl.u32 s1, $0x2  }
0xba: {  	s3 =	sand.u32 $0x4000, s31;
	s1 =	sadd.s32 s1, s30  }
0xbb: {  	s0 =	sor.u32 s3, s0;
	s1 =	sshll.u32 s1, $0x11  }
0xbc: {  	s0 =	sor.u32 s1, s0  }
0xbd: {  	s0 =	sadd.s32 $0x8F2B, s0  }
0xbe: {  	[sflag:s0] =	ssyncadd.remote.s32 $0x1  }
0xbf: {  	_ =	sfence.sel $0xFFFF  }
0xc0: {  	[dreg:$0x0] =	wrdreg $0xFFFFFFFF;
	(pc) =	sbr.abs _section_cstart, $3  }
0xc1: {  	[dreg:$0x1] =	wrdreg $0xFFFFFFFF  }
0xc2: {  	_ =	task.clear_ibuf [dreg:s7], $0x2FFFF;
	_ =	strace $0x9FFFFFFF  }
0xc3: {  	(tm) =	ssettm $0x7FFFFFFF  }
tec
execute0_lowered:
.L_overlay_start_1:
0x0: {  	(tag) =	ssettag $0x1  }
0x1: {  	s5 =	rddreg [dreg:$0x0]  }
0x2: {  	s8 =	rddreg [dreg:$0x1]  }
0x3: {  	s2 =	rddreg [dreg:$0x2]  }
0x4: {  	s0 =	rddreg [dreg:$0x3];
	s1 =	stileid.u32  }
0x5: {  	s3 =	simm.s32 $0x0;
	s4 =	srdreg.scid;
	s16 =	simm.s32 $0x13D00  }
0x6: {  	s17 =	simm.s32 $0x1;
	s18 =	simm.s32 $0x0;
	s9 =	smul.u32 $0x9E0, s1  }
0x7: {  	[smem:$0x7FF] =	sst s3;
	s6 =	smul.u32 $0x13C00, s1;
	s7 =	sand.u32 $0x1, s4  }
0x8: {  	s4 =	sadd.s32 $0x2E800, s5;
	s13 =	smul.u32 $0x4F000, s1;
	s29 =	sshll.u32 s1, $0x6  }
0x9: {  	_ =	strace $0x80000065;
	s10 =	smul.u32 $0x13C000, s7;
	s28 =	ssub.s32 $0x2, s7  }
0xa: {  	s30 =	smul.u32 $0x4F0, s7;
	s11 =	sadd.s32 s9, s5;
	s12 =	sshrl.u32 s6, $0x3  }
0xb: {  	s14 =	sshrl.u32 s28, $0x1;
	s13 =	sshrl.u32 s13, $0x2;
	s9 =	sadd.s32 s9, s8  }
0xc: {  	s12 =	sadd.s32 s12, s5;
	s6 =	sadd.s32 s6, s10;
	s10 =	ssub.s32 s28, s14  }
0xd: {  	s13 =	sadd.s32 s13, s2;
	s9 =	sadd.s32 s30, s9;
	s31 =	sadd.s32 s30, s11  }
0xe: {  	s14 =	simm.s32 $0x13C80;
	s6 =	sshrl.u32 s6, $0x3;
	s8 =	smax.u32 s10, $0x1  }
0xf: {  	s10 =	sadd.s32 $0x7D800, s31;
	s11 =	sshrl.u32 s13, $0x3;
	s13 =	simm.s32 $0x13C00  }
0x10: {  	s15 =	sadd.s32 s6, s5;
	s5 =	sadd.s32 $0x7000, s12;
	s6 =	sor.u32 $0x1C02, s29  }
0x11: {  	s12 =	simm.s32 $0x2;
	s7 =	sadd.s32 $0x87600, s15;
	s15 =	simm.s32 $0x80  }
.LBB2_1:
0x12: {  	[spmem:s11], [sflag:s6] =	dma.local [hbm:s5], $0x2780  }
0x13: {  	_ =	swait.ge [sflag:s12], $0x2780  }
0x14: {  	[sflag:s12] =	ssyncset.done $0x0  }
0x15: {  	[sflag:s12] =	ssyncadd.s32 $0xFFFFD880  }
0x16: {  	s19 =	sadd.s32 $0x0, s10;
	[bflag:$0x0] =	sbarrier.arrive $0xFFFF  }
0x17: {  	[tilespmem:s13], [sflag:$0x2] =	stream.linear.gather [hbm4b:s19+s3], $0x80, $0x38;
	[tilespmem:$0x17D00] =	vst v63  }
0x18: {  	_ =	swait.ge [sflag:s12], $0x80  }
0x19: {  	[sflag:s12] =	ssyncset.done $0x0  }
0x1a: {  	s31 =	sadd.s32 $0x0, s9;
	[sflag:s12] =	ssyncadd.s32 $0xFFFFFF80  }
0x1b: {  	[tilespmem:s14], [sflag:$0x2] =	stream.linear.gather [hbm4b:s31+s3], $0x80, $0x38;
	[tilespmem:$0x17D00] =	vst v63  }
0x1c: {  	_ =	swait.ge [sflag:s12], $0x80  }
0x1d: {  	[sflag:s12] =	ssyncset.done $0x0  }
0x1e: {  	[sflag:s12] =	ssyncadd.s32 $0xFFFFFF80  }
0x1f: {  	[tilespmem:s16], [sflag:$0x1] =	stream.indirect.gather [hbm4b:s4+s15], $0x80, s13, s15, $0xb8;
	[tilespmem:$0x17D00] =	vst v63  }
0x20: {  	_ =	swait.ge [sflag:s17], $0x4000  }
0x21: {  	[sflag:s17] =	ssyncset.done $0x0  }
0x22: {  	[sflag:s17] =	ssyncadd.s32 $0xFFFFC000  }
0x23: {  	[spmem:s2] =	stream.indirect.scatter.add.f32 [tilespmem:s16], [sflag:$0x2], $0x80, s14, s15, $0xb8;
	[tilespmem:$0x17D00] =	vst v63  }
0x24: {  	_ =	swait.ge [sflag:s12], $0x4000  }
0x25: {  	s20 =	simm.s32 $0x20;
	s19 =	simm.s32 $0x10;
	[sflag:s12] =	ssyncset.done $0x0  }
.LBB2_2:
0x26: {  	s21 =	sadd.s32 s19, s10  }
0x27: {  	[sflag:s12] =	ssyncadd.s32 $0xFFFFC000;
	s22 =	smov.u32 s20;
	s23 =	sadd.s32 $0x10, s20  }
0x28: {  	[tilespmem:s13], [sflag:$0x2] =	stream.linear.gather [hbm4b:s21+s3], $0x80, $0x38;
	[tilespmem:$0x17D00] =	vst v63  }
0x29: {  	p0 =	sne.s32 s20, $0x4E0;
	_ =	swait.ge [sflag:s12], $0x80  }
0x2a: {  	[sflag:s12] =	ssyncset.done $0x0  }
0x2b: {  	s20 =	sadd.s32 s19, s9;
	s19 =	smov.u32 s22;
	[sflag:s12] =	ssyncadd.s32 $0xFFFFFF80  }
0x2c: {  	[tilespmem:s14], [sflag:$0x2] =	stream.linear.gather [hbm4b:s20+s3], $0x80, $0x38;
	[tilespmem:$0x17D00] =	vst v63  }
0x2d: {  	_ =	swait.ge [sflag:s12], $0x80  }
0x2e: {  	[sflag:s12] =	ssyncset.done $0x0  }
0x2f: {  	[sflag:s12] =	ssyncadd.s32 $0xFFFFFF80  }
0x30: {  	[tilespmem:s16], [sflag:$0x1] =	stream.indirect.gather [hbm4b:s4+s15], $0x80, s13, s15, $0xb8;
	[tilespmem:$0x17D00] =	vst v63  }
0x31: {  	_ =	swait.ge [sflag:s17], $0x4000  }
.Ltmp0:
0x32: {  	[sflag:s17] =	ssyncset.done $0x0;
	(pc) =	sbr.rel @p0 .LBB2_2-.Ltmp0, $4  }
0x33: {  	[sflag:s17] =	ssyncadd.s32 $0xFFFFC000  }
0x34: {  	[spmem:s2] =	stream.indirect.scatter.add.f32 [tilespmem:s16], [sflag:$0x2], $0x80, s14, s15, $0xb8;
	[tilespmem:$0x17D00] =	vst v63  }
0x35: {  	_ =	swait.ge [sflag:s12], $0x4000  }
0x36: {  	s20 =	smov.u32 s23;
	[sflag:s12] =	ssyncset.done $0x0  }
0x37: {  	s20 =	sadd.s32 s19, s10;
	[sflag:s12] =	ssyncadd.s32 $0xFFFFC000  }
0x38: {  	[tilespmem:s13], [sflag:$0x2] =	stream.linear.gather [hbm4b:s20+s3], $0x80, $0x38;
	[tilespmem:$0x17D00] =	vst v63  }
0x39: {  	_ =	swait.ge [sflag:s12], $0x80  }
0x3a: {  	[sflag:s12] =	ssyncset.done $0x0  }
0x3b: {  	s31 =	sadd.s32 s19, s9;
	[sflag:s12] =	ssyncadd.s32 $0xFFFFFF80  }
0x3c: {  	[tilespmem:s14], [sflag:$0x2] =	stream.linear.gather [hbm4b:s31+s3], $0x80, $0x38;
	[tilespmem:$0x17D00] =	vst v63  }
0x3d: {  	_ =	swait.ge [sflag:s12], $0x80  }
0x3e: {  	[sflag:s12] =	ssyncset.done $0x0  }
0x3f: {  	[sflag:s12] =	ssyncadd.s32 $0xFFFFFF80  }
0x40: {  	[tilespmem:s16], [sflag:$0x1] =	stream.indirect.gather [hbm4b:s4+s15], $0x80, s13, s15, $0xb8;
	[tilespmem:$0x17D00] =	vst v63  }
0x41: {  	_ =	swait.ge [sflag:s17], $0x4000  }
0x42: {  	[sflag:s17] =	ssyncset.done $0x0  }
0x43: {  	[sflag:s17] =	ssyncadd.s32 $0xFFFFC000  }
0x44: {  	[spmem:s2] =	stream.indirect.scatter.add.f32 [tilespmem:s16], [sflag:$0x2], $0x80, s14, s15, $0xb8;
	[tilespmem:$0x17D00] =	vst v63  }
0x45: {  	_ =	swait.ge [sflag:s12], $0x4000  }
0x46: {  	s18 =	sadd.s32 $0x1, s18;
	[sflag:s12] =	ssyncset.done $0x0  }
0x47: {  	p0 =	sne.s32 s18, s8;
	[sflag:s12] =	ssyncadd.s32 $0xFFFFC000  }
.Ltmp1:
0x48: {  	[bflag:$0x0] =	sbarrier.arrive $0xFFFF;
	(pc) =	sbr.rel @p0 .LBB2_1-.Ltmp1, $4  }
0x49: {  	[hbm:s7], [sflag:s6] =	dma.local [spmem:s11], $0x2780  }
0x4a: {  	_ =	swait.ge [sflag:s12], $0x2780  }
0x4b: {  	[sflag:s12] =	ssyncset.done $0x0  }
0x4c: {  	[sflag:s12] =	ssyncadd.s32 $0xFFFFD880  }
0x4d: {  	_ =	sfence.sel $0x180000  }
0x4e: {  	[bflag:$0x0] =	sbarrier.arrive $0xFFFF  }
0x4f: {  	p0 =	sne.s32 s1, $0x0;
	_ =	strace $0x90000065  }
0x50: {  	s0 =	sadd.s32 @!p0 $0x100000, s0;
	[bflag:$0x2] =	sbarrier.arrive $0xFFFF  }
0x51: {  	[sflag:s0] =	ssyncadd.tile.s32 @!p0 $0x1;
	_ =	shalt  }
.Lfunc_end2:
_tile_overlayer_lowered:
.L_overlay_start_2:
0x52: {  	(tag) =	ssettag $0x2  }
0x53: {  	s0 =	rddreg [dreg:$0x0];
	s2 =	stileid.u32  }
0x54: {  	s1 =	rddreg [dreg:$0x1];
	p0 =	sne.s32 s2, $0x0  }
0x55: {  	s3 =	rddreg [dreg:$0x2];
	[bflag:$0x3] =	sbarrier.arrive $0xFFFF;
	s2 =	simm.s32 @!p0 $0x1C02  }
0x56: {  	[timem:s3], [sflag:s2] =	dma.local @!p0 [hbm:s0], s1  }
0x57: {  	s0 =	simm.s32 @!p0 $0x2  }
0x58: {  	_ =	swait.ge @!p0 [sflag:s0], s1  }
0x59: {  	s1 =	ssub.s32 @!p0 $0x0, s1;
	[sflag:s0] =	ssyncset.done @!p0 $0x0  }
0x5a: {  	[sflag:s0] =	ssyncadd.s32 @!p0 s1  }
0x5b: {  	[bflag:$0x3] =	sbarrier.arrive $0xFFFF  }
0x5c: {  	_ =	shalt  }

</sc_bundles>
